<compile_context>
chip_gen: v7x
topology: tpu7x:2x2x1
jax: 0.10.2.dev20260603
libtpu: 0.0.44.dev20260713+nightly
codegen_flags: <defaults>
</compile_context>

<pallas_src>
import jax
import jax.numpy as jnp
from jax import lax
from jax.experimental import pallas as pl
from jax.experimental.pallas import tpu as pltpu
from jax.experimental.pallas import tpu_sc as plsc

VOCAB_SIZE = 100000
EMBED_DIM = 128
HASH_SIZE = 32768
HALF_DIM = EMBED_DIM // 2
BATCH = 4096
SEQ = 200

MULT = VOCAB_SIZE % HASH_SIZE
MASK = HASH_SIZE - 1

NUM_WORKERS = 32
TOKENS = BATCH * SEQ
TOK_PER_W = TOKENS // NUM_WORKERS
SUB = 3200
NUM_SUB = TOK_PER_W // SUB
GROUPS = SUB // 16
TOK_PER_GATHER = 128
NUM_GATHERS = SUB // TOK_PER_GATHER
GRP_PER_GAT = GROUPS // NUM_GATHERS
NBUF = 4


def _sc_body(ids_hbm, uni_hbm, big_hbm, out_hbm,
             ids_v, uni_idx_v, big_idx_v, uni_rows_v, big_rows_v,
             sem_g, sem_w, sem_i):
    i32 = jnp.int32
    wid = lax.axis_index("s") * 2 + lax.axis_index("c")
    chunk_base = wid * TOK_PER_W
    lane = lax.iota(jnp.int32, 16)

    def fire_ids(t, p):
        return pltpu.make_async_copy(
            ids_hbm.at[pl.ds(chunk_base + t * i32(SUB), SUB)],
            ids_v.at[p].at[pl.ds(16, SUB)], sem_i.at[p])

    def grp(g, p):
        ids_p = ids_v.at[p]
        cur = ids_p[pl.ds(16 + g * 16, 16)]
        prv = ids_p[pl.ds(15 + g * 16, 16)]
        pos = g * i32(16) + lane
        seq_start = lax.rem(pos, i32(SEQ)) == i32(0)
        prv = jnp.where(seq_start, i32(0), prv)
        big = (prv * i32(MULT) + cur) & i32(MASK)
        j = lax.div(g, i32(GRP_PER_GAT))
        o = lax.rem(g, i32(GRP_PER_GAT)) * i32(16)
        uni_idx_v.at[p].at[j][pl.ds(o, 16)] = cur
        big_idx_v.at[p].at[j][pl.ds(o, 16)] = big

    def g_copies(j, p):
        s = lax.rem(j, i32(NBUF))
        return (pltpu.make_async_copy(uni_hbm.at[uni_idx_v.at[p].at[j]],
                                      uni_rows_v.at[s], sem_g.at[s]),
                pltpu.make_async_copy(big_hbm.at[big_idx_v.at[p].at[j]],
                                      big_rows_v.at[s], sem_g.at[s]))

    def w_copies(j, tok_base):
        s = lax.rem(j, i32(NBUF))
        gb = tok_base + j * i32(TOK_PER_GATHER)
        dst = out_hbm.at[pl.ds(gb, TOK_PER_GATHER)]
        return (pltpu.make_async_copy(uni_rows_v.at[s],
                                      dst.at[:, pl.ds(0, HALF_DIM)],
                                      sem_w.at[s]),
                pltpu.make_async_copy(big_rows_v.at[s],
                                      dst.at[:, pl.ds(HALF_DIM, HALF_DIM)],
                                      sem_w.at[s]))

    fire_ids(i32(0), i32(0)).start()
    fire_ids(i32(0), i32(0)).wait()

    def grp0(g, _):
        grp(g, i32(0))
        return i32(0)

    lax.fori_loop(i32(0), i32(GROUPS), grp0, i32(0))

    def sub_block(t, _):
        p = lax.rem(t, i32(2))
        q = i32(1) - p
        tok_base = chunk_base + t * i32(SUB)
        more = t + i32(1) < i32(NUM_SUB)

        pl.when(more)(lambda: fire_ids(t + i32(1), q).start())

        def prime(j, _):
            for c in g_copies(j, p):
                c.start()
            return i32(0)

        lax.fori_loop(i32(0), i32(NBUF - 1), prime, i32(0))

        def gat(j, _):
            for c in g_copies(j, p):
                c.wait()

            def _wait_prev_w():
                for c in w_copies(j - i32(1), tok_base):
                    c.wait()

            pl.when(j > i32(0))(_wait_prev_w)

            def _fire_next_g():
                for c in g_copies(j + i32(NBUF - 1), p):
                    c.start()

            pl.when(j + i32(NBUF - 1) < i32(NUM_GATHERS))(_fire_next_g)

            for c in w_copies(j, tok_base):
                c.start()

            def _compute_next():
                pl.when(j == i32(0))(lambda: fire_ids(t + i32(1), q).wait())
                for k in range(GRP_PER_GAT):
                    grp(j * i32(GRP_PER_GAT) + i32(k), q)

            pl.when(more)(_compute_next)
            return i32(0)

        lax.fori_loop(i32(0), i32(NUM_GATHERS), gat, i32(0))
        for c in w_copies(i32(NUM_GATHERS - 1), tok_base):
            c.wait()
        return i32(0)

    lax.fori_loop(i32(0), i32(NUM_SUB), sub_block, i32(0))


@jax.jit
def _sc_call(ids_flat, unigram, bigram_table):
    mesh = plsc.VectorSubcoreMesh(core_axis_name="c", subcore_axis_name="s")
    return pl.kernel(
        _sc_body,
        out_type=jax.ShapeDtypeStruct((TOKENS, EMBED_DIM), jnp.float32),
        mesh=mesh,
        scratch_types=[
            pltpu.VMEM((2, 16 + SUB), jnp.int32),
            pltpu.VMEM((2, NUM_GATHERS, TOK_PER_GATHER), jnp.int32),
            pltpu.VMEM((2, NUM_GATHERS, TOK_PER_GATHER), jnp.int32),
            pltpu.VMEM((NBUF, TOK_PER_GATHER, HALF_DIM), jnp.float32),
            pltpu.VMEM((NBUF, TOK_PER_GATHER, HALF_DIM), jnp.float32),
            pltpu.SemaphoreType.DMA((NBUF,)),
            pltpu.SemaphoreType.DMA((NBUF,)),
            pltpu.SemaphoreType.DMA((2,)),
        ],
        compiler_params=pltpu.CompilerParams(use_tc_tiling_on_sc=False),
    )(ids_flat, unigram, bigram_table)


def kernel(ids, unigram, bigram_table):
    ids_flat = ids.reshape(-1).astype(jnp.int32)
    out = _sc_call(ids_flat, unigram, bigram_table)
    return out.reshape(BATCH, SEQ, EMBED_DIM)

# --- scband reference (transcript-rebuilt; emitter-appended) ---
"""Pipeline reference for scband-bigram-hash-embedding-10874857193958 (READ-ONLY COPY).

The authoritative reference and input builder live on the scoring server;
editing this copy changes nothing except your own understanding.
"""

import jax
jax.config.update("jax_enable_x64", True)
import jax.numpy as jnp
import numpy as np

VOCAB_SIZE = 100000
EMBED_DIM = 128
HASH_SIZE = 32768
HALF_DIM = EMBED_DIM // 2
BATCH = 4096
SEQ = 200


def setup_inputs(seed: int = 0) -> dict:
    key = jax.random.key(seed)
    k_ids, k_uni, k_bi = jax.random.split(key, 3)
    ids = jax.random.randint(k_ids, (BATCH, SEQ), 0, VOCAB_SIZE, dtype=jnp.int64)
    unigram = (jax.random.normal(k_uni, (VOCAB_SIZE, HALF_DIM), dtype=jnp.float32) * 0.02)
    bigram_table = (jax.random.normal(k_bi, (HASH_SIZE, HALF_DIM), dtype=jnp.float32) * 0.01)
    return {"ids": ids, "unigram": unigram, "bigram_table": bigram_table}


def reference(ids, unigram, bigram_table):
    # unigram embedding gather: (B, S, half_dim)
    uni_emb = jnp.take(unigram, ids, axis=0)
    # previous token ids, padded with 0 at the front
    prev_ids = jnp.pad(ids[:, :-1], ((0, 0), (1, 0)), constant_values=0)
    # bigram hash (int64 arithmetic, matches torch)
    bigram_ids = (prev_ids * VOCAB_SIZE + ids) % HASH_SIZE
    bi_emb = jnp.take(bigram_table, bigram_ids, axis=0)
    return jnp.concatenate([uni_emb, bi_emb], axis=-1)

if __name__ == "__main__":
    import jax
    _d = setup_inputs()
    print(jax.jit(kernel)(*tuple(_d.values())))

</pallas_src>

<mosaic_0001>
#map = affine_map<(d0, d1) -> (0)>
#map1 = affine_map<(d0, d1) -> (0, 0)>
module attributes {stable_mosaic.version = 14 : i64} {
  func.func @_sc_body(%arg0: i32, %arg1: i32, %arg2: memref<819200xi32, #tpu.memory_space<hbm>>, %arg3: memref<100000x64xf32, #tpu.memory_space<hbm>>, %arg4: memref<32768x64xf32, #tpu.memory_space<hbm>>, %arg5: memref<819200x128xf32, #tpu.memory_space<hbm>>, %arg6: memref<2x3216xi32, #tpu.memory_space<vmem>>, %arg7: memref<2x25x128xi32, #tpu.memory_space<vmem>>, %arg8: memref<2x25x128xi32, #tpu.memory_space<vmem>>, %arg9: memref<4x128x64xf32, #tpu.memory_space<vmem>>, %arg10: memref<4x128x64xf32, #tpu.memory_space<vmem>>, %arg11: memref<4x!tpu.dma_semaphore, #tpu.memory_space<semaphore_mem>>, %arg12: memref<4x!tpu.dma_semaphore, #tpu.memory_space<semaphore_mem>>, %arg13: memref<2x!tpu.dma_semaphore, #tpu.memory_space<semaphore_mem>>) attributes {dimension_semantics = [#tpu.dimension_semantics<core_parallel>, #tpu.dimension_semantics<subcore_parallel>], iteration_bounds = array<i64: 2, 16>, scalar_prefetch = 0 : i64, scratch_operands = 8 : i64, tpu.core_type = #tpu.core_type<sc_vector_subcore>, window_params = [{transform_indices = #map}, {transform_indices = #map1}, {transform_indices = #map1}, {transform_indices = #map1}]} {
    %mul3A = arith.constant 2 : i32
    %mul3A_0 = arith.muli %arg1, %mul3A : i32
    %add3A = arith.addi %mul3A_0, %arg0 : i32
    %mul3A_1 = arith.constant 25600 : i32
    %mul3A_2 = arith.muli %add3A, %mul3A_1 : i32
    %iota3A = tpu.iota {dimensions = array<i32: 0>} : vector<16xi32>
    %mul3A_3 = arith.constant 0 : i32
    %mul3A_4 = arith.constant 3200 : i32
    %mul3A_5 = arith.muli %mul3A_3, %mul3A_4 : i32
    %add3A_6 = arith.addi %mul3A_2, %mul3A_5 : i32
    %dma_start3A = arith.constant 0 : i32
    %dma_start3A_7 = arith.constant 0 : i32
    %dma_start3A_8 = arith.constant 0 : i32
    %dma_start3A_9 = tpu.memref_slice %arg6[%dma_start3A, %dma_start3A_8] : memref<2x3216xi32, #tpu.memory_space<vmem>> -> memref<1x3216xi32, #tpu.memory_space<vmem>>
    %dma_start3A_10 = tpu.memref_squeeze %dma_start3A_9 : memref<1x3216xi32, #tpu.memory_space<vmem>> -> memref<3216xi32, #tpu.memory_space<vmem>>
    %dma_start3A_11 = arith.constant 16 : i32
    %dma_start3A_12 = tpu.memref_slice %dma_start3A_10[%dma_start3A_11] : memref<3216xi32, #tpu.memory_space<vmem>> -> memref<3200xi32, #tpu.memory_space<vmem>>
    %dma_start3A_13 = tpu.memref_slice %arg2[%add3A_6] : memref<819200xi32, #tpu.memory_space<hbm>> -> memref<3200xi32, #tpu.memory_space<hbm>>
    %dma_start3A_14 = tpu.memref_slice %arg13[%dma_start3A_7] : memref<2x!tpu.dma_semaphore, #tpu.memory_space<semaphore_mem>> -> memref<1x!tpu.dma_semaphore, #tpu.memory_space<semaphore_mem>>
    %dma_start3A_15 = tpu.memref_squeeze %dma_start3A_14 : memref<1x!tpu.dma_semaphore, #tpu.memory_space<semaphore_mem>> -> memref<!tpu.dma_semaphore, #tpu.memory_space<semaphore_mem>>
    %dma_start3A_16 = arith.constant 0 : i32
    %dma_start3A_17 = tpu.memref_slice %arg6[%dma_start3A, %dma_start3A_16] : memref<2x3216xi32, #tpu.memory_space<vmem>> -> memref<1x3216xi32, #tpu.memory_space<vmem>>
    %dma_start3A_18 = tpu.memref_squeeze %dma_start3A_17 : memref<1x3216xi32, #tpu.memory_space<vmem>> -> memref<3216xi32, #tpu.memory_space<vmem>>
    %dma_start3A_19 = arith.constant 16 : i32
    %dma_start3A_20 = tpu.memref_slice %dma_start3A_18[%dma_start3A_19] : memref<3216xi32, #tpu.memory_space<vmem>> -> memref<3200xi32, #tpu.memory_space<vmem>>
    %dma_start3A_21 = tpu.memref_slice %arg2[%add3A_6] : memref<819200xi32, #tpu.memory_space<hbm>> -> memref<3200xi32, #tpu.memory_space<hbm>>
    tpu.enqueue_dma source(%dma_start3A_21 : memref<3200xi32, #tpu.memory_space<hbm>>) target(%dma_start3A_20 : memref<3200xi32, #tpu.memory_space<vmem>>) target_semaphore(%dma_start3A_15 : memref<!tpu.dma_semaphore, #tpu.memory_space<semaphore_mem>>)
    %mul3A_22 = arith.constant 0 : i32
    %mul3A_23 = arith.constant 3200 : i32
    %mul3A_24 = arith.muli %mul3A_22, %mul3A_23 : i32
    %add3A_25 = arith.addi %mul3A_2, %mul3A_24 : i32
    %dma_wait3A = arith.constant 0 : i32
    %dma_wait3A_26 = arith.constant 0 : i32
    %dma_wait3A_27 = arith.constant 0 : i32
    %dma_wait3A_28 = tpu.memref_slice %arg6[%dma_wait3A, %dma_wait3A_27] : memref<2x3216xi32, #tpu.memory_space<vmem>> -> memref<1x3216xi32, #tpu.memory_space<vmem>>
    %dma_wait3A_29 = tpu.memref_squeeze %dma_wait3A_28 : memref<1x3216xi32, #tpu.memory_space<vmem>> -> memref<3216xi32, #tpu.memory_space<vmem>>
    %dma_wait3A_30 = arith.constant 16 : i32
    %dma_wait3A_31 = tpu.memref_slice %dma_wait3A_29[%dma_wait3A_30] : memref<3216xi32, #tpu.memory_space<vmem>> -> memref<3200xi32, #tpu.memory_space<vmem>>
    %dma_wait3A_32 = tpu.memref_slice %arg2[%add3A_25] : memref<819200xi32, #tpu.memory_space<hbm>> -> memref<3200xi32, #tpu.memory_space<hbm>>
    %dma_wait3A_33 = tpu.memref_slice %arg13[%dma_wait3A_26] : memref<2x!tpu.dma_semaphore, #tpu.memory_space<semaphore_mem>> -> memref<1x!tpu.dma_semaphore, #tpu.memory_space<semaphore_mem>>
    %dma_wait3A_34 = tpu.memref_squeeze %dma_wait3A_33 : memref<1x!tpu.dma_semaphore, #tpu.memory_space<semaphore_mem>> -> memref<!tpu.dma_semaphore, #tpu.memory_space<semaphore_mem>>
    %dma_wait3A_35 = arith.constant 0 : i32
    %dma_wait3A_36 = tpu.memref_slice %arg6[%dma_wait3A, %dma_wait3A_35] : memref<2x3216xi32, #tpu.memory_space<vmem>> -> memref<1x3216xi32, #tpu.memory_space<vmem>>
    %dma_wait3A_37 = tpu.memref_squeeze %dma_wait3A_36 : memref<1x3216xi32, #tpu.memory_space<vmem>> -> memref<3216xi32, #tpu.memory_space<vmem>>
    %dma_wait3A_38 = arith.constant 16 : i32
    %dma_wait3A_39 = tpu.memref_slice %dma_wait3A_37[%dma_wait3A_38] : memref<3216xi32, #tpu.memory_space<vmem>> -> memref<3200xi32, #tpu.memory_space<vmem>>
    %dma_wait3A_40 = tpu.memref_slice %arg2[%add3A_25] : memref<819200xi32, #tpu.memory_space<hbm>> -> memref<3200xi32, #tpu.memory_space<hbm>>
    tpu.wait_dma2 semaphore(%dma_wait3A_34 : memref<!tpu.dma_semaphore, #tpu.memory_space<semaphore_mem>>) src(%dma_wait3A_40 : memref<3200xi32, #tpu.memory_space<hbm>>) dst(%dma_wait3A_39 : memref<3200xi32, #tpu.memory_space<vmem>>)
    %while3A = arith.constant 0 : i32
    %while3A_41 = arith.constant 200 : i32
    %while3A_42 = arith.constant 0 : i32
    %while3A_43 = arith.subi %while3A_41, %while3A : i32
    %while3A_44 = arith.addi %while3A, %while3A_43 : i32
    %while3A_45 = arith.constant 1 : i32
    %while3A_46 = arith.divsi %while3A_43, %while3A_45 : i32
    %while3A_47 = arith.muli %while3A_46, %while3A_45 : i32
    %while3A_48 = arith.addi %while3A, %while3A_47 : i32
    %while3A_49 = arith.constant 1 : i32
    %while3A_50 = scf.for %while3A_66 = %while3A to %while3A_48 step %while3A_49 iter_args(%while3A_67 = %while3A_42) -> (i32)  : i32 {
      %mul3A_68 = arith.constant 16 : i32
      %mul3A_69 = arith.muli %while3A_66, %mul3A_68 : i32
      %add3A_70 = arith.constant 16 : i32
      %add3A_71 = arith.addi %add3A_70, %mul3A_69 : i32
      %get3A = arith.constant 0 : i32
      %get3A_72 = arith.constant 0 : i32
      %get3A_73 = tpu.memref_slice %arg6[%get3A, %get3A_72] : memref<2x3216xi32, #tpu.memory_space<vmem>> -> memref<1x3216xi32, #tpu.memory_space<vmem>>
      %get3A_74 = tpu.memref_squeeze %get3A_73 : memref<1x3216xi32, #tpu.memory_space<vmem>> -> memref<3216xi32, #tpu.memory_space<vmem>>
      %get3A_75 = arith.index_cast %add3A_71 : i32 to index
      %get3A_76 = tpu.vector_load %get3A_74[%get3A_75] {strides = array<i32>} : memref<3216xi32, #tpu.memory_space<vmem>>, vector<16xi32>,
      %get3A_77 = vector.shape_cast %get3A_76 : vector<16xi32> to vector<16xi32>
      %mul3A_78 = arith.constant 16 : i32
      %mul3A_79 = arith.muli %while3A_66, %mul3A_78 : i32
      %add3A_80 = arith.constant 15 : i32
      %add3A_81 = arith.addi %add3A_80, %mul3A_79 : i32
      %get3A_82 = arith.constant 0 : i32
      %get3A_83 = arith.constant 0 : i32
      %get3A_84 = tpu.memref_slice %arg6[%get3A_82, %get3A_83] : memref<2x3216xi32, #tpu.memory_space<vmem>> -> memref<1x3216xi32, #tpu.memory_space<vmem>>
      %get3A_85 = tpu.memref_squeeze %get3A_84 : memref<1x3216xi32, #tpu.memory_space<vmem>> -> memref<3216xi32, #tpu.memory_space<vmem>>
      %get3A_86 = arith.index_cast %add3A_81 : i32 to index
      %get3A_87 = tpu.vector_load %get3A_85[%get3A_86] {strides = array<i32>} : memref<3216xi32, #tpu.memory_space<vmem>>, vector<16xi32>,
      %get3A_88 = vector.shape_cast %get3A_87 : vector<16xi32> to vector<16xi32>
      %mul3A_89 = arith.constant 16 : i32
      %mul3A_90 = arith.muli %while3A_66, %mul3A_89 : i32
      %add3A_91 = vector.broadcast %mul3A_90 : i32 to vector<16xi32>
      %add3A_92 = arith.addi %add3A_91, %iota3A : vector<16xi32>
      %rem3A = arith.constant 200 : i32
      %rem3A_93 = vector.broadcast %rem3A : i32 to vector<16xi32>
      %rem3A_94 = arith.remsi %add3A_92, %rem3A_93 : vector<16xi32>
      %eq3A = arith.constant 0 : i32
      %eq3A_95 = vector.broadcast %eq3A : i32 to vector<16xi32>
      %eq3A_96 = arith.cmpi eq, %rem3A_94, %eq3A_95 : vector<16xi32>
      %jit3A = arith.constant 0 : i32
      %broadcast_in_dim3A = vector.broadcast %jit3A : i32 to vector<16xi32>
      %select_n3A = arith.select %eq3A_96, %broadcast_in_dim3A, %get3A_88 : vector<16xi1>, vector<16xi32>
      %mul3A_97 = arith.constant 1696 : i32
      %mul3A_98 = vector.broadcast %mul3A_97 : i32 to vector<16xi32>
      %mul3A_99 = arith.muli %select_n3A, %mul3A_98 : vector<16xi32>
      %add3A_100 = arith.addi %mul3A_99, %get3A_77 : vector<16xi32>
      %and3A = arith.constant 32767 : i32
      %and3A_101 = vector.broadcast %and3A : i32 to vector<16xi32>
      %and3A_102 = arith.andi %add3A_100, %and3A_101 : vector<16xi32>
      %div3A = arith.constant 8 : i32
      %div3A_103 = arith.divsi %while3A_66, %div3A : i32
      %rem3A_104 = arith.constant 8 : i32
      %rem3A_105 = arith.remsi %while3A_66, %rem3A_104 : i32
      %mul3A_106 = arith.constant 16 : i32
      %mul3A_107 = arith.muli %rem3A_105, %mul3A_106 : i32
      %swap3A = arith.constant 0 : i32
      %swap3A_108 = arith.constant 0 : i32
      %swap3A_109 = arith.constant 0 : i32
      %swap3A_110 = tpu.memref_slice %arg7[%swap3A, %swap3A_108, %swap3A_109] : memref<2x25x128xi32, #tpu.memory_space<vmem>> -> memref<1x25x128xi32, #tpu.memory_space<vmem>>
      %swap3A_111 = tpu.memref_squeeze %swap3A_110 : memref<1x25x128xi32, #tpu.memory_space<vmem>> -> memref<25x128xi32, #tpu.memory_space<vmem>>
      %swap3A_112 = arith.constant 0 : i32
      %swap3A_113 = tpu.memref_slice %swap3A_111[%div3A_103, %swap3A_112] : memref<25x128xi32, #tpu.memory_space<vmem>> -> memref<1x128xi32, #tpu.memory_space<vmem>>
      %swap3A_114 = tpu.memref_squeeze %swap3A_113 : memref<1x128xi32, #tpu.memory_space<vmem>> -> memref<128xi32, #tpu.memory_space<vmem>>
      %swap3A_115 = arith.index_cast %mul3A_107 : i32 to index
      %swap3A_116 = tpu.vector_load %swap3A_114[%swap3A_115] {strides = array<i32>} : memref<128xi32, #tpu.memory_space<vmem>>, vector<16xi32>,
      %swap3A_117 = vector.shape_cast %swap3A_116 : vector<16xi32> to vector<16xi32>
      %swap3A_118 = vector.shape_cast %get3A_77 : vector<16xi32> to vector<16xi32>
      tpu.vector_store %swap3A_114[%swap3A_115], %swap3A_118 {strides = array<i32>} : memref<128xi32, #tpu.memory_space<vmem>>, vector<16xi32>,
      %swap3A_119 = arith.constant 0 : i32
      %swap3A_120 = arith.constant 0 : i32
      %swap3A_121 = arith.constant 0 : i32
      %swap3A_122 = tpu.memref_slice %arg8[%swap3A_119, %swap3A_120, %swap3A_121] : memref<2x25x128xi32, #tpu.memory_space<vmem>> -> memref<1x25x128xi32, #tpu.memory_space<vmem>>
      %swap3A_123 = tpu.memref_squeeze %swap3A_122 : memref<1x25x128xi32, #tpu.memory_space<vmem>> -> memref<25x128xi32, #tpu.memory_space<vmem>>
      %swap3A_124 = arith.constant 0 : i32
      %swap3A_125 = tpu.memref_slice %swap3A_123[%div3A_103, %swap3A_124] : memref<25x128xi32, #tpu.memory_space<vmem>> -> memref<1x128xi32, #tpu.memory_space<vmem>>
      %swap3A_126 = tpu.memref_squeeze %swap3A_125 : memref<1x128xi32, #tpu.memory_space<vmem>> -> memref<128xi32, #tpu.memory_space<vmem>>
      %swap3A_127 = arith.index_cast %mul3A_107 : i32 to index
      %swap3A_128 = tpu.vector_load %swap3A_126[%swap3A_127] {strides = array<i32>} : memref<128xi32, #tpu.memory_space<vmem>>, vector<16xi32>,
      %swap3A_129 = vector.shape_cast %swap3A_128 : vector<16xi32> to vector<16xi32>
      %swap3A_130 = vector.shape_cast %and3A_102 : vector<16xi32> to vector<16xi32>
      tpu.vector_store %swap3A_126[%swap3A_127], %swap3A_130 {strides = array<i32>} : memref<128xi32, #tpu.memory_space<vmem>>, vector<16xi32>,
      %while3A_131 = arith.constant 0 : i32
      scf.yield %while3A_131 : i32
    }
    %while3A_51 = arith.constant 1 : i32
    %while3A_52 = scf.for %while3A_66 = %while3A_48 to %while3A_44 step %while3A_51 iter_args(%while3A_67 = %while3A_50) -> (i32)  : i32 {
      %mul3A_68 = arith.constant 16 : i32
      %mul3A_69 = arith.muli %while3A_66, %mul3A_68 : i32
      %add3A_70 = arith.constant 16 : i32
      %add3A_71 = arith.addi %add3A_70, %mul3A_69 : i32
      %get3A = arith.constant 0 : i32
      %get3A_72 = arith.constant 0 : i32
      %get3A_73 = tpu.memref_slice %arg6[%get3A, %get3A_72] : memref<2x3216xi32, #tpu.memory_space<vmem>> -> memref<1x3216xi32, #tpu.memory_space<vmem>>
      %get3A_74 = tpu.memref_squeeze %get3A_73 : memref<1x3216xi32, #tpu.memory_space<vmem>> -> memref<3216xi32, #tpu.memory_space<vmem>>
      %get3A_75 = arith.index_cast %add3A_71 : i32 to index
      %get3A_76 = tpu.vector_load %get3A_74[%get3A_75] {strides = array<i32>} : memref<3216xi32, #tpu.memory_space<vmem>>, vector<16xi32>,
      %get3A_77 = vector.shape_cast %get3A_76 : vector<16xi32> to vector<16xi32>
      %mul3A_78 = arith.constant 16 : i32
      %mul3A_79 = arith.muli %while3A_66, %mul3A_78 : i32
      %add3A_80 = arith.constant 15 : i32
      %add3A_81 = arith.addi %add3A_80, %mul3A_79 : i32
      %get3A_82 = arith.constant 0 : i32
      %get3A_83 = arith.constant 0 : i32
      %get3A_84 = tpu.memref_slice %arg6[%get3A_82, %get3A_83] : memref<2x3216xi32, #tpu.memory_space<vmem>> -> memref<1x3216xi32, #tpu.memory_space<vmem>>
      %get3A_85 = tpu.memref_squeeze %get3A_84 : memref<1x3216xi32, #tpu.memory_space<vmem>> -> memref<3216xi32, #tpu.memory_space<vmem>>
      %get3A_86 = arith.index_cast %add3A_81 : i32 to index
      %get3A_87 = tpu.vector_load %get3A_85[%get3A_86] {strides = array<i32>} : memref<3216xi32, #tpu.memory_space<vmem>>, vector<16xi32>,
      %get3A_88 = vector.shape_cast %get3A_87 : vector<16xi32> to vector<16xi32>
      %mul3A_89 = arith.constant 16 : i32
      %mul3A_90 = arith.muli %while3A_66, %mul3A_89 : i32
      %add3A_91 = vector.broadcast %mul3A_90 : i32 to vector<16xi32>
      %add3A_92 = arith.addi %add3A_91, %iota3A : vector<16xi32>
      %rem3A = arith.constant 200 : i32
      %rem3A_93 = vector.broadcast %rem3A : i32 to vector<16xi32>
      %rem3A_94 = arith.remsi %add3A_92, %rem3A_93 : vector<16xi32>
      %eq3A = arith.constant 0 : i32
      %eq3A_95 = vector.broadcast %eq3A : i32 to vector<16xi32>
      %eq3A_96 = arith.cmpi eq, %rem3A_94, %eq3A_95 : vector<16xi32>
      %jit3A = arith.constant 0 : i32
      %broadcast_in_dim3A = vector.broadcast %jit3A : i32 to vector<16xi32>
      %select_n3A = arith.select %eq3A_96, %broadcast_in_dim3A, %get3A_88 : vector<16xi1>, vector<16xi32>
      %mul3A_97 = arith.constant 1696 : i32
      %mul3A_98 = vector.broadcast %mul3A_97 : i32 to vector<16xi32>
      %mul3A_99 = arith.muli %select_n3A, %mul3A_98 : vector<16xi32>
      %add3A_100 = arith.addi %mul3A_99, %get3A_77 : vector<16xi32>
      %and3A = arith.constant 32767 : i32
      %and3A_101 = vector.broadcast %and3A : i32 to vector<16xi32>
      %and3A_102 = arith.andi %add3A_100, %and3A_101 : vector<16xi32>
      %div3A = arith.constant 8 : i32
      %div3A_103 = arith.divsi %while3A_66, %div3A : i32
      %rem3A_104 = arith.constant 8 : i32
      %rem3A_105 = arith.remsi %while3A_66, %rem3A_104 : i32
      %mul3A_106 = arith.constant 16 : i32
      %mul3A_107 = arith.muli %rem3A_105, %mul3A_106 : i32
      %swap3A = arith.constant 0 : i32
      %swap3A_108 = arith.constant 0 : i32
      %swap3A_109 = arith.constant 0 : i32
      %swap3A_110 = tpu.memref_slice %arg7[%swap3A, %swap3A_108, %swap3A_109] : memref<2x25x128xi32, #tpu.memory_space<vmem>> -> memref<1x25x128xi32, #tpu.memory_space<vmem>>
      %swap3A_111 = tpu.memref_squeeze %swap3A_110 : memref<1x25x128xi32, #tpu.memory_space<vmem>> -> memref<25x128xi32, #tpu.memory_space<vmem>>
      %swap3A_112 = arith.constant 0 : i32
      %swap3A_113 = tpu.memref_slice %swap3A_111[%div3A_103, %swap3A_112] : memref<25x128xi32, #tpu.memory_space<vmem>> -> memref<1x128xi32, #tpu.memory_space<vmem>>
      %swap3A_114 = tpu.memref_squeeze %swap3A_113 : memref<1x128xi32, #tpu.memory_space<vmem>> -> memref<128xi32, #tpu.memory_space<vmem>>
      %swap3A_115 = arith.index_cast %mul3A_107 : i32 to index
      %swap3A_116 = tpu.vector_load %swap3A_114[%swap3A_115] {strides = array<i32>} : memref<128xi32, #tpu.memory_space<vmem>>, vector<16xi32>,
      %swap3A_117 = vector.shape_cast %swap3A_116 : vector<16xi32> to vector<16xi32>
      %swap3A_118 = vector.shape_cast %get3A_77 : vector<16xi32> to vector<16xi32>
      tpu.vector_store %swap3A_114[%swap3A_115], %swap3A_118 {strides = array<i32>} : memref<128xi32, #tpu.memory_space<vmem>>, vector<16xi32>,
      %swap3A_119 = arith.constant 0 : i32
      %swap3A_120 = arith.constant 0 : i32
      %swap3A_121 = arith.constant 0 : i32
      %swap3A_122 = tpu.memref_slice %arg8[%swap3A_119, %swap3A_120, %swap3A_121] : memref<2x25x128xi32, #tpu.memory_space<vmem>> -> memref<1x25x128xi32, #tpu.memory_space<vmem>>
      %swap3A_123 = tpu.memref_squeeze %swap3A_122 : memref<1x25x128xi32, #tpu.memory_space<vmem>> -> memref<25x128xi32, #tpu.memory_space<vmem>>
      %swap3A_124 = arith.constant 0 : i32
      %swap3A_125 = tpu.memref_slice %swap3A_123[%div3A_103, %swap3A_124] : memref<25x128xi32, #tpu.memory_space<vmem>> -> memref<1x128xi32, #tpu.memory_space<vmem>>
      %swap3A_126 = tpu.memref_squeeze %swap3A_125 : memref<1x128xi32, #tpu.memory_space<vmem>> -> memref<128xi32, #tpu.memory_space<vmem>>
      %swap3A_127 = arith.index_cast %mul3A_107 : i32 to index
      %swap3A_128 = tpu.vector_load %swap3A_126[%swap3A_127] {strides = array<i32>} : memref<128xi32, #tpu.memory_space<vmem>>, vector<16xi32>,
      %swap3A_129 = vector.shape_cast %swap3A_128 : vector<16xi32> to vector<16xi32>
      %swap3A_130 = vector.shape_cast %and3A_102 : vector<16xi32> to vector<16xi32>
      tpu.vector_store %swap3A_126[%swap3A_127], %swap3A_130 {strides = array<i32>} : memref<128xi32, #tpu.memory_space<vmem>>, vector<16xi32>,
      %while3A_131 = arith.constant 0 : i32
      scf.yield %while3A_131 : i32
    }
    %while3A_53 = arith.constant 0 : i32
    %while3A_54 = arith.constant 8 : i32
    %while3A_55 = arith.constant 0 : i32
    %while3A_56 = arith.subi %while3A_54, %while3A_53 : i32
    %while3A_57 = arith.addi %while3A_53, %while3A_56 : i32
    %while3A_58 = arith.constant 1 : i32
    %while3A_59 = arith.divsi %while3A_56, %while3A_58 : i32
    %while3A_60 = arith.muli %while3A_59, %while3A_58 : i32
    %while3A_61 = arith.addi %while3A_53, %while3A_60 : i32
    %while3A_62 = arith.constant 1 : i32
    %while3A_63 = scf.for %while3A_66 = %while3A_53 to %while3A_61 step %while3A_62 iter_args(%while3A_67 = %while3A_55) -> (i32)  : i32 {
      %rem3A = arith.constant 2 : i32
      %rem3A_68 = arith.remsi %while3A_66, %rem3A : i32
      %sub3A = arith.constant 1 : i32
      %sub3A_69 = arith.subi %sub3A, %rem3A_68 : i32
      %mul3A_70 = arith.constant 3200 : i32
      %mul3A_71 = arith.muli %while3A_66, %mul3A_70 : i32
      %add3A_72 = arith.addi %mul3A_2, %mul3A_71 : i32
      %add3A_73 = arith.constant 1 : i32
      %add3A_74 = arith.addi %while3A_66, %add3A_73 : i32
      %lt3A = arith.constant 8 : i32
      %lt3A_75 = arith.cmpi slt, %add3A_74, %lt3A : i32
      %convert_element_type3A = arith.extui %lt3A_75 : i1 to i32
      %cond3A = arith.constant 0 : i32
      %cond3A_76 = arith.cmpi ne, %convert_element_type3A, %cond3A : i32
      scf.if %cond3A_76 {
        %add3A_151 = arith.constant 1 : i32
        %add3A_152 = arith.addi %while3A_66, %add3A_151 : i32
        %mul3A_153 = arith.constant 3200 : i32
        %mul3A_154 = arith.muli %add3A_152, %mul3A_153 : i32
        %add3A_155 = arith.addi %mul3A_2, %mul3A_154 : i32
        %dma_start3A_156 = arith.constant 0 : i32
        %dma_start3A_157 = tpu.memref_slice %arg6[%sub3A_69, %dma_start3A_156] : memref<2x3216xi32, #tpu.memory_space<vmem>> -> memref<1x3216xi32, #tpu.memory_space<vmem>>
        %dma_start3A_158 = tpu.memref_squeeze %dma_start3A_157 : memref<1x3216xi32, #tpu.memory_space<vmem>> -> memref<3216xi32, #tpu.memory_space<vmem>>
        %dma_start3A_159 = arith.constant 16 : i32
        %dma_start3A_160 = tpu.memref_slice %dma_start3A_158[%dma_start3A_159] : memref<3216xi32, #tpu.memory_space<vmem>> -> memref<3200xi32, #tpu.memory_space<vmem>>
        %dma_start3A_161 = tpu.memref_slice %arg2[%add3A_155] : memref<819200xi32, #tpu.memory_space<hbm>> -> memref<3200xi32, #tpu.memory_space<hbm>>
        %dma_start3A_162 = tpu.memref_slice %arg13[%sub3A_69] : memref<2x!tpu.dma_semaphore, #tpu.memory_space<semaphore_mem>> -> memref<1x!tpu.dma_semaphore, #tpu.memory_space<semaphore_mem>>
        %dma_start3A_163 = tpu.memref_squeeze %dma_start3A_162 : memref<1x!tpu.dma_semaphore, #tpu.memory_space<semaphore_mem>> -> memref<!tpu.dma_semaphore, #tpu.memory_space<semaphore_mem>>
        %dma_start3A_164 = arith.constant 0 : i32
        %dma_start3A_165 = tpu.memref_slice %arg6[%sub3A_69, %dma_start3A_164] : memref<2x3216xi32, #tpu.memory_space<vmem>> -> memref<1x3216xi32, #tpu.memory_space<vmem>>
        %dma_start3A_166 = tpu.memref_squeeze %dma_start3A_165 : memref<1x3216xi32, #tpu.memory_space<vmem>> -> memref<3216xi32, #tpu.memory_space<vmem>>
        %dma_start3A_167 = arith.constant 16 : i32
        %dma_start3A_168 = tpu.memref_slice %dma_start3A_166[%dma_start3A_167] : memref<3216xi32, #tpu.memory_space<vmem>> -> memref<3200xi32, #tpu.memory_space<vmem>>
        %dma_start3A_169 = tpu.memref_slice %arg2[%add3A_155] : memref<819200xi32, #tpu.memory_space<hbm>> -> memref<3200xi32, #tpu.memory_space<hbm>>
        tpu.enqueue_dma source(%dma_start3A_169 : memref<3200xi32, #tpu.memory_space<hbm>>) target(%dma_start3A_168 : memref<3200xi32, #tpu.memory_space<vmem>>) target_semaphore(%dma_start3A_163 : memref<!tpu.dma_semaphore, #tpu.memory_space<semaphore_mem>>)
      } else {
      }
      %while3A_77 = arith.constant 0 : i32
      %while3A_78 = arith.constant 3 : i32
      %while3A_79 = arith.constant 0 : i32
      %while3A_80 = arith.subi %while3A_78, %while3A_77 : i32
      %while3A_81 = arith.addi %while3A_77, %while3A_80 : i32
      %while3A_82 = arith.constant 1 : i32
      %while3A_83 = arith.divsi %while3A_80, %while3A_82 : i32
      %while3A_84 = arith.muli %while3A_83, %while3A_82 : i32
      %while3A_85 = arith.addi %while3A_77, %while3A_84 : i32
      %while3A_86 = arith.constant 1 : i32
      %while3A_87 = scf.for %while3A_151 = %while3A_77 to %while3A_85 step %while3A_86 iter_args(%while3A_152 = %while3A_79) -> (i32)  : i32 {
        %rem3A_153 = arith.constant 4 : i32
        %rem3A_154 = arith.remsi %while3A_151, %rem3A_153 : i32
        %dma_start3A_155 = arith.constant 0 : i32
        %dma_start3A_156 = arith.constant 0 : i32
        %dma_start3A_157 = tpu.memref_slice %arg9[%rem3A_154, %dma_start3A_155, %dma_start3A_156] : memref<4x128x64xf32, #tpu.memory_space<vmem>> -> memref<1x128x64xf32, #tpu.memory_space<vmem>>
        %dma_start3A_158 = tpu.memref_squeeze %dma_start3A_157 : memref<1x128x64xf32, #tpu.memory_space<vmem>> -> memref<128x64xf32, #tpu.memory_space<vmem>>
        %dma_start3A_159 = arith.constant 0 : i32
        %dma_start3A_160 = arith.constant 0 : i32
        %dma_start3A_161 = tpu.memref_slice %arg7[%rem3A_68, %dma_start3A_159, %dma_start3A_160] : memref<2x25x128xi32, #tpu.memory_space<vmem>> -> memref<1x25x128xi32, #tpu.memory_space<vmem>>
        %dma_start3A_162 = tpu.memref_squeeze %dma_start3A_161 : memref<1x25x128xi32, #tpu.memory_space<vmem>> -> memref<25x128xi32, #tpu.memory_space<vmem>>
        %dma_start3A_163 = arith.constant 0 : i32
        %dma_start3A_164 = tpu.memref_slice %dma_start3A_162[%while3A_151, %dma_start3A_163] : memref<25x128xi32, #tpu.memory_space<vmem>> -> memref<1x128xi32, #tpu.memory_space<vmem>>
        %dma_start3A_165 = tpu.memref_squeeze %dma_start3A_164 : memref<1x128xi32, #tpu.memory_space<vmem>> -> memref<128xi32, #tpu.memory_space<vmem>>
        %dma_start3A_166 = arith.constant 0 : i32
        %dma_start3A_167 = arith.constant 0 : i32
        %dma_start3A_168 = tpu.memref_slice %arg3[%dma_start3A_166, %dma_start3A_167] : memref<100000x64xf32, #tpu.memory_space<hbm>> -> memref<100000x64xf32, #tpu.memory_space<hbm>>
        %dma_start3A_169 = tpu.memref_slice %arg11[%rem3A_154] : memref<4x!tpu.dma_semaphore, #tpu.memory_space<semaphore_mem>> -> memref<1x!tpu.dma_semaphore, #tpu.memory_space<semaphore_mem>>
        %dma_start3A_170 = tpu.memref_squeeze %dma_start3A_169 : memref<1x!tpu.dma_semaphore, #tpu.memory_space<semaphore_mem>> -> memref<!tpu.dma_semaphore, #tpu.memory_space<semaphore_mem>>
        tpu.enqueue_indirect_dma source(%dma_start3A_168 : memref<100000x64xf32, #tpu.memory_space<hbm>>) target(%dma_start3A_158 : memref<128x64xf32, #tpu.memory_space<vmem>>) offsets(%dma_start3A_165 : memref<128xi32, #tpu.memory_space<vmem>>) semaphore(%dma_start3A_170 : memref<!tpu.dma_semaphore, #tpu.memory_space<semaphore_mem>>)
        %dma_start3A_171 = arith.constant 0 : i32
        %dma_start3A_172 = arith.constant 0 : i32
        %dma_start3A_173 = tpu.memref_slice %arg10[%rem3A_154, %dma_start3A_171, %dma_start3A_172] : memref<4x128x64xf32, #tpu.memory_space<vmem>> -> memref<1x128x64xf32, #tpu.memory_space<vmem>>
        %dma_start3A_174 = tpu.memref_squeeze %dma_start3A_173 : memref<1x128x64xf32, #tpu.memory_space<vmem>> -> memref<128x64xf32, #tpu.memory_space<vmem>>
        %dma_start3A_175 = arith.constant 0 : i32
        %dma_start3A_176 = arith.constant 0 : i32
        %dma_start3A_177 = tpu.memref_slice %arg8[%rem3A_68, %dma_start3A_175, %dma_start3A_176] : memref<2x25x128xi32, #tpu.memory_space<vmem>> -> memref<1x25x128xi32, #tpu.memory_space<vmem>>
        %dma_start3A_178 = tpu.memref_squeeze %dma_start3A_177 : memref<1x25x128xi32, #tpu.memory_space<vmem>> -> memref<25x128xi32, #tpu.memory_space<vmem>>
        %dma_start3A_179 = arith.constant 0 : i32
        %dma_start3A_180 = tpu.memref_slice %dma_start3A_178[%while3A_151, %dma_start3A_179] : memref<25x128xi32, #tpu.memory_space<vmem>> -> memref<1x128xi32, #tpu.memory_space<vmem>>
        %dma_start3A_181 = tpu.memref_squeeze %dma_start3A_180 : memref<1x128xi32, #tpu.memory_space<vmem>> -> memref<128xi32, #tpu.memory_space<vmem>>
        %dma_start3A_182 = arith.constant 0 : i32
        %dma_start3A_183 = arith.constant 0 : i32
        %dma_start3A_184 = tpu.memref_slice %arg4[%dma_start3A_182, %dma_start3A_183] : memref<32768x64xf32, #tpu.memory_space<hbm>> -> memref<32768x64xf32, #tpu.memory_space<hbm>>
        %dma_start3A_185 = tpu.memref_slice %arg11[%rem3A_154] : memref<4x!tpu.dma_semaphore, #tpu.memory_space<semaphore_mem>> -> memref<1x!tpu.dma_semaphore, #tpu.memory_space<semaphore_mem>>
        %dma_start3A_186 = tpu.memref_squeeze %dma_start3A_185 : memref<1x!tpu.dma_semaphore, #tpu.memory_space<semaphore_mem>> -> memref<!tpu.dma_semaphore, #tpu.memory_space<semaphore_mem>>
        tpu.enqueue_indirect_dma source(%dma_start3A_184 : memref<32768x64xf32, #tpu.memory_space<hbm>>) target(%dma_start3A_174 : memref<128x64xf32, #tpu.memory_space<vmem>>) offsets(%dma_start3A_181 : memref<128xi32, #tpu.memory_space<vmem>>) semaphore(%dma_start3A_186 : memref<!tpu.dma_semaphore, #tpu.memory_space<semaphore_mem>>)
        %while3A_187 = arith.constant 0 : i32
        scf.yield %while3A_187 : i32
      }
      %while3A_88 = arith.constant 1 : i32
      %while3A_89 = scf.for %while3A_151 = %while3A_85 to %while3A_81 step %while3A_88 iter_args(%while3A_152 = %while3A_87) -> (i32)  : i32 {
        %rem3A_153 = arith.constant 4 : i32
        %rem3A_154 = arith.remsi %while3A_151, %rem3A_153 : i32
        %dma_start3A_155 = arith.constant 0 : i32
        %dma_start3A_156 = arith.constant 0 : i32
        %dma_start3A_157 = tpu.memref_slice %arg9[%rem3A_154, %dma_start3A_155, %dma_start3A_156] : memref<4x128x64xf32, #tpu.memory_space<vmem>> -> memref<1x128x64xf32, #tpu.memory_space<vmem>>
        %dma_start3A_158 = tpu.memref_squeeze %dma_start3A_157 : memref<1x128x64xf32, #tpu.memory_space<vmem>> -> memref<128x64xf32, #tpu.memory_space<vmem>>
        %dma_start3A_159 = arith.constant 0 : i32
        %dma_start3A_160 = arith.constant 0 : i32
        %dma_start3A_161 = tpu.memref_slice %arg7[%rem3A_68, %dma_start3A_159, %dma_start3A_160] : memref<2x25x128xi32, #tpu.memory_space<vmem>> -> memref<1x25x128xi32, #tpu.memory_space<vmem>>
        %dma_start3A_162 = tpu.memref_squeeze %dma_start3A_161 : memref<1x25x128xi32, #tpu.memory_space<vmem>> -> memref<25x128xi32, #tpu.memory_space<vmem>>
        %dma_start3A_163 = arith.constant 0 : i32
        %dma_start3A_164 = tpu.memref_slice %dma_start3A_162[%while3A_151, %dma_start3A_163] : memref<25x128xi32, #tpu.memory_space<vmem>> -> memref<1x128xi32, #tpu.memory_space<vmem>>
        %dma_start3A_165 = tpu.memref_squeeze %dma_start3A_164 : memref<1x128xi32, #tpu.memory_space<vmem>> -> memref<128xi32, #tpu.memory_space<vmem>>
        %dma_start3A_166 = arith.constant 0 : i32
        %dma_start3A_167 = arith.constant 0 : i32
        %dma_start3A_168 = tpu.memref_slice %arg3[%dma_start3A_166, %dma_start3A_167] : memref<100000x64xf32, #tpu.memory_space<hbm>> -> memref<100000x64xf32, #tpu.memory_space<hbm>>
        %dma_start3A_169 = tpu.memref_slice %arg11[%rem3A_154] : memref<4x!tpu.dma_semaphore, #tpu.memory_space<semaphore_mem>> -> memref<1x!tpu.dma_semaphore, #tpu.memory_space<semaphore_mem>>
        %dma_start3A_170 = tpu.memref_squeeze %dma_start3A_169 : memref<1x!tpu.dma_semaphore, #tpu.memory_space<semaphore_mem>> -> memref<!tpu.dma_semaphore, #tpu.memory_space<semaphore_mem>>
        tpu.enqueue_indirect_dma source(%dma_start3A_168 : memref<100000x64xf32, #tpu.memory_space<hbm>>) target(%dma_start3A_158 : memref<128x64xf32, #tpu.memory_space<vmem>>) offsets(%dma_start3A_165 : memref<128xi32, #tpu.memory_space<vmem>>) semaphore(%dma_start3A_170 : memref<!tpu.dma_semaphore, #tpu.memory_space<semaphore_mem>>)
        %dma_start3A_171 = arith.constant 0 : i32
        %dma_start3A_172 = arith.constant 0 : i32
        %dma_start3A_173 = tpu.memref_slice %arg10[%rem3A_154, %dma_start3A_171, %dma_start3A_172] : memref<4x128x64xf32, #tpu.memory_space<vmem>> -> memref<1x128x64xf32, #tpu.memory_space<vmem>>
        %dma_start3A_174 = tpu.memref_squeeze %dma_start3A_173 : memref<1x128x64xf32, #tpu.memory_space<vmem>> -> memref<128x64xf32, #tpu.memory_space<vmem>>
        %dma_start3A_175 = arith.constant 0 : i32
        %dma_start3A_176 = arith.constant 0 : i32
        %dma_start3A_177 = tpu.memref_slice %arg8[%rem3A_68, %dma_start3A_175, %dma_start3A_176] : memref<2x25x128xi32, #tpu.memory_space<vmem>> -> memref<1x25x128xi32, #tpu.memory_space<vmem>>
        %dma_start3A_178 = tpu.memref_squeeze %dma_start3A_177 : memref<1x25x128xi32, #tpu.memory_space<vmem>> -> memref<25x128xi32, #tpu.memory_space<vmem>>
        %dma_start3A_179 = arith.constant 0 : i32
        %dma_start3A_180 = tpu.memref_slice %dma_start3A_178[%while3A_151, %dma_start3A_179] : memref<25x128xi32, #tpu.memory_space<vmem>> -> memref<1x128xi32, #tpu.memory_space<vmem>>
        %dma_start3A_181 = tpu.memref_squeeze %dma_start3A_180 : memref<1x128xi32, #tpu.memory_space<vmem>> -> memref<128xi32, #tpu.memory_space<vmem>>
        %dma_start3A_182 = arith.constant 0 : i32
        %dma_start3A_183 = arith.constant 0 : i32
        %dma_start3A_184 = tpu.memref_slice %arg4[%dma_start3A_182, %dma_start3A_183] : memref<32768x64xf32, #tpu.memory_space<hbm>> -> memref<32768x64xf32, #tpu.memory_space<hbm>>
        %dma_start3A_185 = tpu.memref_slice %arg11[%rem3A_154] : memref<4x!tpu.dma_semaphore, #tpu.memory_space<semaphore_mem>> -> memref<1x!tpu.dma_semaphore, #tpu.memory_space<semaphore_mem>>
        %dma_start3A_186 = tpu.memref_squeeze %dma_start3A_185 : memref<1x!tpu.dma_semaphore, #tpu.memory_space<semaphore_mem>> -> memref<!tpu.dma_semaphore, #tpu.memory_space<semaphore_mem>>
        tpu.enqueue_indirect_dma source(%dma_start3A_184 : memref<32768x64xf32, #tpu.memory_space<hbm>>) target(%dma_start3A_174 : memref<128x64xf32, #tpu.memory_space<vmem>>) offsets(%dma_start3A_181 : memref<128xi32, #tpu.memory_space<vmem>>) semaphore(%dma_start3A_186 : memref<!tpu.dma_semaphore, #tpu.memory_space<semaphore_mem>>)
        %while3A_187 = arith.constant 0 : i32
        scf.yield %while3A_187 : i32
      }
      %while3A_90 = arith.constant 0 : i32
      %while3A_91 = arith.constant 25 : i32
      %while3A_92 = arith.constant 0 : i32
      %while3A_93 = arith.subi %while3A_91, %while3A_90 : i32
      %while3A_94 = arith.addi %while3A_90, %while3A_93 : i32
      %while3A_95 = arith.constant 1 : i32
      %while3A_96 = arith.divsi %while3A_93, %while3A_95 : i32
      %while3A_97 = arith.muli %while3A_96, %while3A_95 : i32
      %while3A_98 = arith.addi %while3A_90, %while3A_97 : i32
      %while3A_99 = arith.constant 1 : i32
      %while3A_100 = scf.for %while3A_151 = %while3A_90 to %while3A_98 step %while3A_99 iter_args(%while3A_152 = %while3A_92) -> (i32)  : i32 {
        %rem3A_153 = arith.constant 4 : i32
        %rem3A_154 = arith.remsi %while3A_151, %rem3A_153 : i32
        %dma_wait3A_155 = arith.constant 0 : i32
        %dma_wait3A_156 = arith.constant 0 : i32
        %dma_wait3A_157 = tpu.memref_slice %arg9[%rem3A_154, %dma_wait3A_155, %dma_wait3A_156] : memref<4x128x64xf32, #tpu.memory_space<vmem>> -> memref<1x128x64xf32, #tpu.memory_space<vmem>>
        %dma_wait3A_158 = tpu.memref_squeeze %dma_wait3A_157 : memref<1x128x64xf32, #tpu.memory_space<vmem>> -> memref<128x64xf32, #tpu.memory_space<vmem>>
        %dma_wait3A_159 = arith.constant 0 : i32
        %dma_wait3A_160 = arith.constant 0 : i32
        %dma_wait3A_161 = tpu.memref_slice %arg7[%rem3A_68, %dma_wait3A_159, %dma_wait3A_160] : memref<2x25x128xi32, #tpu.memory_space<vmem>> -> memref<1x25x128xi32, #tpu.memory_space<vmem>>
        %dma_wait3A_162 = tpu.memref_squeeze %dma_wait3A_161 : memref<1x25x128xi32, #tpu.memory_space<vmem>> -> memref<25x128xi32, #tpu.memory_space<vmem>>
        %dma_wait3A_163 = arith.constant 0 : i32
        %dma_wait3A_164 = tpu.memref_slice %dma_wait3A_162[%while3A_151, %dma_wait3A_163] : memref<25x128xi32, #tpu.memory_space<vmem>> -> memref<1x128xi32, #tpu.memory_space<vmem>>
        %dma_wait3A_165 = tpu.memref_squeeze %dma_wait3A_164 : memref<1x128xi32, #tpu.memory_space<vmem>> -> memref<128xi32, #tpu.memory_space<vmem>>
        %dma_wait3A_166 = arith.constant 0 : i32
        %dma_wait3A_167 = arith.constant 0 : i32
        %dma_wait3A_168 = tpu.memref_slice %arg3[%dma_wait3A_166, %dma_wait3A_167] : memref<100000x64xf32, #tpu.memory_space<hbm>> -> memref<100000x64xf32, #tpu.memory_space<hbm>>
        %dma_wait3A_169 = tpu.memref_slice %arg11[%rem3A_154] : memref<4x!tpu.dma_semaphore, #tpu.memory_space<semaphore_mem>> -> memref<1x!tpu.dma_semaphore, #tpu.memory_space<semaphore_mem>>
        %dma_wait3A_170 = tpu.memref_squeeze %dma_wait3A_169 : memref<1x!tpu.dma_semaphore, #tpu.memory_space<semaphore_mem>> -> memref<!tpu.dma_semaphore, #tpu.memory_space<semaphore_mem>>
        tpu.wait_indirect_dma semaphore(%dma_wait3A_170 : memref<!tpu.dma_semaphore, #tpu.memory_space<semaphore_mem>>) src(%dma_wait3A_168 : memref<100000x64xf32, #tpu.memory_space<hbm>>) dst(%dma_wait3A_158 : memref<128x64xf32, #tpu.memory_space<vmem>>)
        %dma_wait3A_171 = arith.constant 0 : i32
        %dma_wait3A_172 = arith.constant 0 : i32
        %dma_wait3A_173 = tpu.memref_slice %arg10[%rem3A_154, %dma_wait3A_171, %dma_wait3A_172] : memref<4x128x64xf32, #tpu.memory_space<vmem>> -> memref<1x128x64xf32, #tpu.memory_space<vmem>>
        %dma_wait3A_174 = tpu.memref_squeeze %dma_wait3A_173 : memref<1x128x64xf32, #tpu.memory_space<vmem>> -> memref<128x64xf32, #tpu.memory_space<vmem>>
        %dma_wait3A_175 = arith.constant 0 : i32
        %dma_wait3A_176 = arith.constant 0 : i32
        %dma_wait3A_177 = tpu.memref_slice %arg8[%rem3A_68, %dma_wait3A_175, %dma_wait3A_176] : memref<2x25x128xi32, #tpu.memory_space<vmem>> -> memref<1x25x128xi32, #tpu.memory_space<vmem>>
        %dma_wait3A_178 = tpu.memref_squeeze %dma_wait3A_177 : memref<1x25x128xi32, #tpu.memory_space<vmem>> -> memref<25x128xi32, #tpu.memory_space<vmem>>
        %dma_wait3A_179 = arith.constant 0 : i32
        %dma_wait3A_180 = tpu.memref_slice %dma_wait3A_178[%while3A_151, %dma_wait3A_179] : memref<25x128xi32, #tpu.memory_space<vmem>> -> memref<1x128xi32, #tpu.memory_space<vmem>>
        %dma_wait3A_181 = tpu.memref_squeeze %dma_wait3A_180 : memref<1x128xi32, #tpu.memory_space<vmem>> -> memref<128xi32, #tpu.memory_space<vmem>>
        %dma_wait3A_182 = arith.constant 0 : i32
        %dma_wait3A_183 = arith.constant 0 : i32
        %dma_wait3A_184 = tpu.memref_slice %arg4[%dma_wait3A_182, %dma_wait3A_183] : memref<32768x64xf32, #tpu.memory_space<hbm>> -> memref<32768x64xf32, #tpu.memory_space<hbm>>
        %dma_wait3A_185 = tpu.memref_slice %arg11[%rem3A_154] : memref<4x!tpu.dma_semaphore, #tpu.memory_space<semaphore_mem>> -> memref<1x!tpu.dma_semaphore, #tpu.memory_space<semaphore_mem>>
        %dma_wait3A_186 = tpu.memref_squeeze %dma_wait3A_185 : memref<1x!tpu.dma_semaphore, #tpu.memory_space<semaphore_mem>> -> memref<!tpu.dma_semaphore, #tpu.memory_space<semaphore_mem>>
        tpu.wait_indirect_dma semaphore(%dma_wait3A_186 : memref<!tpu.dma_semaphore, #tpu.memory_space<semaphore_mem>>) src(%dma_wait3A_184 : memref<32768x64xf32, #tpu.memory_space<hbm>>) dst(%dma_wait3A_174 : memref<128x64xf32, #tpu.memory_space<vmem>>)
        %gt3A = arith.constant 0 : i32
        %gt3A_187 = arith.cmpi sgt, %while3A_151, %gt3A : i32
        %convert_element_type3A_188 = arith.extui %gt3A_187 : i1 to i32
        %cond3A_189 = arith.constant 0 : i32
        %cond3A_190 = arith.cmpi ne, %convert_element_type3A_188, %cond3A_189 : i32
        scf.if %cond3A_190 {
          %sub3A_247 = arith.constant 1 : i32
          %sub3A_248 = arith.subi %while3A_151, %sub3A_247 : i32
          %rem3A_249 = arith.constant 4 : i32
          %rem3A_250 = arith.remsi %sub3A_248, %rem3A_249 : i32
          %mul3A_251 = arith.constant 128 : i32
          %mul3A_252 = arith.muli %sub3A_248, %mul3A_251 : i32
          %add3A_253 = arith.addi %add3A_72, %mul3A_252 : i32
          %dma_wait3A_254 = arith.constant 0 : i32
          %dma_wait3A_255 = arith.constant 0 : i32
          %dma_wait3A_256 = tpu.memref_slice %arg9[%rem3A_250, %dma_wait3A_254, %dma_wait3A_255] : memref<4x128x64xf32, #tpu.memory_space<vmem>> -> memref<1x128x64xf32, #tpu.memory_space<vmem>>
          %dma_wait3A_257 = tpu.memref_squeeze %dma_wait3A_256 : memref<1x128x64xf32, #tpu.memory_space<vmem>> -> memref<128x64xf32, #tpu.memory_space<vmem>>
          %dma_wait3A_258 = arith.constant 0 : i32
          %dma_wait3A_259 = tpu.memref_slice %arg5[%add3A_253, %dma_wait3A_258] : memref<819200x128xf32, #tpu.memory_space<hbm>> -> memref<128x128xf32, #tpu.memory_space<hbm>>
          %dma_wait3A_260 = arith.constant 0 : i32
          %dma_wait3A_261 = arith.constant 0 : i32
          %dma_wait3A_262 = tpu.memref_slice %dma_wait3A_259[%dma_wait3A_260, %dma_wait3A_261] : memref<128x128xf32, #tpu.memory_space<hbm>> -> memref<128x64xf32, #tpu.memory_space<hbm>>
          %dma_wait3A_263 = tpu.memref_slice %arg12[%rem3A_250] : memref<4x!tpu.dma_semaphore, #tpu.memory_space<semaphore_mem>> -> memref<1x!tpu.dma_semaphore, #tpu.memory_space<semaphore_mem>>
          %dma_wait3A_264 = tpu.memref_squeeze %dma_wait3A_263 : memref<1x!tpu.dma_semaphore, #tpu.memory_space<semaphore_mem>> -> memref<!tpu.dma_semaphore, #tpu.memory_space<semaphore_mem>>
          %dma_wait3A_265 = arith.constant 0 : i32
          %dma_wait3A_266 = tpu.memref_slice %arg5[%add3A_253, %dma_wait3A_265] : memref<819200x128xf32, #tpu.memory_space<hbm>> -> memref<128x128xf32, #tpu.memory_space<hbm>>
          %dma_wait3A_267 = arith.constant 0 : i32
          %dma_wait3A_268 = arith.constant 0 : i32
          %dma_wait3A_269 = tpu.memref_slice %dma_wait3A_266[%dma_wait3A_267, %dma_wait3A_268] : memref<128x128xf32, #tpu.memory_space<hbm>> -> memref<128x64xf32, #tpu.memory_space<hbm>>
          %dma_wait3A_270 = arith.constant 0 : i32
          %dma_wait3A_271 = arith.constant 0 : i32
          %dma_wait3A_272 = tpu.memref_slice %arg9[%rem3A_250, %dma_wait3A_270, %dma_wait3A_271] : memref<4x128x64xf32, #tpu.memory_space<vmem>> -> memref<1x128x64xf32, #tpu.memory_space<vmem>>
          %dma_wait3A_273 = tpu.memref_squeeze %dma_wait3A_272 : memref<1x128x64xf32, #tpu.memory_space<vmem>> -> memref<128x64xf32, #tpu.memory_space<vmem>>
          tpu.wait_dma2 semaphore(%dma_wait3A_264 : memref<!tpu.dma_semaphore, #tpu.memory_space<semaphore_mem>>) src(%dma_wait3A_273 : memref<128x64xf32, #tpu.memory_space<vmem>>) dst(%dma_wait3A_269 : memref<128x64xf32, #tpu.memory_space<hbm>>)
          %dma_wait3A_274 = arith.constant 0 : i32
          %dma_wait3A_275 = arith.constant 0 : i32
          %dma_wait3A_276 = tpu.memref_slice %arg10[%rem3A_250, %dma_wait3A_274, %dma_wait3A_275] : memref<4x128x64xf32, #tpu.memory_space<vmem>> -> memref<1x128x64xf32, #tpu.memory_space<vmem>>
          %dma_wait3A_277 = tpu.memref_squeeze %dma_wait3A_276 : memref<1x128x64xf32, #tpu.memory_space<vmem>> -> memref<128x64xf32, #tpu.memory_space<vmem>>
          %dma_wait3A_278 = arith.constant 0 : i32
          %dma_wait3A_279 = tpu.memref_slice %arg5[%add3A_253, %dma_wait3A_278] : memref<819200x128xf32, #tpu.memory_space<hbm>> -> memref<128x128xf32, #tpu.memory_space<hbm>>
          %dma_wait3A_280 = arith.constant 0 : i32
          %dma_wait3A_281 = arith.constant 64 : i32
          %dma_wait3A_282 = tpu.memref_slice %dma_wait3A_279[%dma_wait3A_280, %dma_wait3A_281] : memref<128x128xf32, #tpu.memory_space<hbm>> -> memref<128x64xf32, #tpu.memory_space<hbm>>
          %dma_wait3A_283 = tpu.memref_slice %arg12[%rem3A_250] : memref<4x!tpu.dma_semaphore, #tpu.memory_space<semaphore_mem>> -> memref<1x!tpu.dma_semaphore, #tpu.memory_space<semaphore_mem>>
          %dma_wait3A_284 = tpu.memref_squeeze %dma_wait3A_283 : memref<1x!tpu.dma_semaphore, #tpu.memory_space<semaphore_mem>> -> memref<!tpu.dma_semaphore, #tpu.memory_space<semaphore_mem>>
          %dma_wait3A_285 = arith.constant 0 : i32
          %dma_wait3A_286 = tpu.memref_slice %arg5[%add3A_253, %dma_wait3A_285] : memref<819200x128xf32, #tpu.memory_space<hbm>> -> memref<128x128xf32, #tpu.memory_space<hbm>>
          %dma_wait3A_287 = arith.constant 0 : i32
          %dma_wait3A_288 = arith.constant 64 : i32
          %dma_wait3A_289 = tpu.memref_slice %dma_wait3A_286[%dma_wait3A_287, %dma_wait3A_288] : memref<128x128xf32, #tpu.memory_space<hbm>> -> memref<128x64xf32, #tpu.memory_space<hbm>>
          %dma_wait3A_290 = arith.constant 0 : i32
          %dma_wait3A_291 = arith.constant 0 : i32
          %dma_wait3A_292 = tpu.memref_slice %arg10[%rem3A_250, %dma_wait3A_290, %dma_wait3A_291] : memref<4x128x64xf32, #tpu.memory_space<vmem>> -> memref<1x128x64xf32, #tpu.memory_space<vmem>>
          %dma_wait3A_293 = tpu.memref_squeeze %dma_wait3A_292 : memref<1x128x64xf32, #tpu.memory_space<vmem>> -> memref<128x64xf32, #tpu.memory_space<vmem>>
          tpu.wait_dma2 semaphore(%dma_wait3A_284 : memref<!tpu.dma_semaphore, #tpu.memory_space<semaphore_mem>>) src(%dma_wait3A_293 : memref<128x64xf32, #tpu.memory_space<vmem>>) dst(%dma_wait3A_289 : memref<128x64xf32, #tpu.memory_space<hbm>>)
        } else {
        }
        %add3A_191 = arith.constant 3 : i32
        %add3A_192 = arith.addi %while3A_151, %add3A_191 : i32
        %lt3A_193 = arith.constant 25 : i32
        %lt3A_194 = arith.cmpi slt, %add3A_192, %lt3A_193 : i32
        %convert_element_type3A_195 = arith.extui %lt3A_194 : i1 to i32
        %cond3A_196 = arith.constant 0 : i32
        %cond3A_197 = arith.cmpi ne, %convert_element_type3A_195, %cond3A_196 : i32
        scf.if %cond3A_197 {
          %add3A_247 = arith.constant 3 : i32
          %add3A_248 = arith.addi %while3A_151, %add3A_247 : i32
          %rem3A_249 = arith.constant 4 : i32
          %rem3A_250 = arith.remsi %add3A_248, %rem3A_249 : i32
          %dma_start3A_251 = arith.constant 0 : i32
          %dma_start3A_252 = arith.constant 0 : i32
          %dma_start3A_253 = tpu.memref_slice %arg9[%rem3A_250, %dma_start3A_251, %dma_start3A_252] : memref<4x128x64xf32, #tpu.memory_space<vmem>> -> memref<1x128x64xf32, #tpu.memory_space<vmem>>
          %dma_start3A_254 = tpu.memref_squeeze %dma_start3A_253 : memref<1x128x64xf32, #tpu.memory_space<vmem>> -> memref<128x64xf32, #tpu.memory_space<vmem>>
          %dma_start3A_255 = arith.constant 0 : i32
          %dma_start3A_256 = arith.constant 0 : i32
          %dma_start3A_257 = tpu.memref_slice %arg7[%rem3A_68, %dma_start3A_255, %dma_start3A_256] : memref<2x25x128xi32, #tpu.memory_space<vmem>> -> memref<1x25x128xi32, #tpu.memory_space<vmem>>
          %dma_start3A_258 = tpu.memref_squeeze %dma_start3A_257 : memref<1x25x128xi32, #tpu.memory_space<vmem>> -> memref<25x128xi32, #tpu.memory_space<vmem>>
          %dma_start3A_259 = arith.constant 0 : i32
          %dma_start3A_260 = tpu.memref_slice %dma_start3A_258[%add3A_248, %dma_start3A_259] : memref<25x128xi32, #tpu.memory_space<vmem>> -> memref<1x128xi32, #tpu.memory_space<vmem>>
          %dma_start3A_261 = tpu.memref_squeeze %dma_start3A_260 : memref<1x128xi32, #tpu.memory_space<vmem>> -> memref<128xi32, #tpu.memory_space<vmem>>
          %dma_start3A_262 = arith.constant 0 : i32
          %dma_start3A_263 = arith.constant 0 : i32
          %dma_start3A_264 = tpu.memref_slice %arg3[%dma_start3A_262, %dma_start3A_263] : memref<100000x64xf32, #tpu.memory_space<hbm>> -> memref<100000x64xf32, #tpu.memory_space<hbm>>
          %dma_start3A_265 = tpu.memref_slice %arg11[%rem3A_250] : memref<4x!tpu.dma_semaphore, #tpu.memory_space<semaphore_mem>> -> memref<1x!tpu.dma_semaphore, #tpu.memory_space<semaphore_mem>>
          %dma_start3A_266 = tpu.memref_squeeze %dma_start3A_265 : memref<1x!tpu.dma_semaphore, #tpu.memory_space<semaphore_mem>> -> memref<!tpu.dma_semaphore, #tpu.memory_space<semaphore_mem>>
          tpu.enqueue_indirect_dma source(%dma_start3A_264 : memref<100000x64xf32, #tpu.memory_space<hbm>>) target(%dma_start3A_254 : memref<128x64xf32, #tpu.memory_space<vmem>>) offsets(%dma_start3A_261 : memref<128xi32, #tpu.memory_space<vmem>>) semaphore(%dma_start3A_266 : memref<!tpu.dma_semaphore, #tpu.memory_space<semaphore_mem>>)
          %dma_start3A_267 = arith.constant 0 : i32
          %dma_start3A_268 = arith.constant 0 : i32
          %dma_start3A_269 = tpu.memref_slice %arg10[%rem3A_250, %dma_start3A_267, %dma_start3A_268] : memref<4x128x64xf32, #tpu.memory_space<vmem>> -> memref<1x128x64xf32, #tpu.memory_space<vmem>>
          %dma_start3A_270 = tpu.memref_squeeze %dma_start3A_269 : memref<1x128x64xf32, #tpu.memory_space<vmem>> -> memref<128x64xf32, #tpu.memory_space<vmem>>
          %dma_start3A_271 = arith.constant 0 : i32
          %dma_start3A_272 = arith.constant 0 : i32
          %dma_start3A_273 = tpu.memref_slice %arg8[%rem3A_68, %dma_start3A_271, %dma_start3A_272] : memref<2x25x128xi32, #tpu.memory_space<vmem>> -> memref<1x25x128xi32, #tpu.memory_space<vmem>>
          %dma_start3A_274 = tpu.memref_squeeze %dma_start3A_273 : memref<1x25x128xi32, #tpu.memory_space<vmem>> -> memref<25x128xi32, #tpu.memory_space<vmem>>
          %dma_start3A_275 = arith.constant 0 : i32
          %dma_start3A_276 = tpu.memref_slice %dma_start3A_274[%add3A_248, %dma_start3A_275] : memref<25x128xi32, #tpu.memory_space<vmem>> -> memref<1x128xi32, #tpu.memory_space<vmem>>
          %dma_start3A_277 = tpu.memref_squeeze %dma_start3A_276 : memref<1x128xi32, #tpu.memory_space<vmem>> -> memref<128xi32, #tpu.memory_space<vmem>>
          %dma_start3A_278 = arith.constant 0 : i32
          %dma_start3A_279 = arith.constant 0 : i32
          %dma_start3A_280 = tpu.memref_slice %arg4[%dma_start3A_278, %dma_start3A_279] : memref<32768x64xf32, #tpu.memory_space<hbm>> -> memref<32768x64xf32, #tpu.memory_space<hbm>>
          %dma_start3A_281 = tpu.memref_slice %arg11[%rem3A_250] : memref<4x!tpu.dma_semaphore, #tpu.memory_space<semaphore_mem>> -> memref<1x!tpu.dma_semaphore, #tpu.memory_space<semaphore_mem>>
          %dma_start3A_282 = tpu.memref_squeeze %dma_start3A_281 : memref<1x!tpu.dma_semaphore, #tpu.memory_space<semaphore_mem>> -> memref<!tpu.dma_semaphore, #tpu.memory_space<semaphore_mem>>
          tpu.enqueue_indirect_dma source(%dma_start3A_280 : memref<32768x64xf32, #tpu.memory_space<hbm>>) target(%dma_start3A_270 : memref<128x64xf32, #tpu.memory_space<vmem>>) offsets(%dma_start3A_277 : memref<128xi32, #tpu.memory_space<vmem>>) semaphore(%dma_start3A_282 : memref<!tpu.dma_semaphore, #tpu.memory_space<semaphore_mem>>)
        } else {
        }
        %rem3A_198 = arith.constant 4 : i32
        %rem3A_199 = arith.remsi %while3A_151, %rem3A_198 : i32
        %mul3A_200 = arith.constant 128 : i32
        %mul3A_201 = arith.muli %while3A_151, %mul3A_200 : i32
        %add3A_202 = arith.addi %add3A_72, %mul3A_201 : i32
        %dma_start3A_203 = arith.constant 0 : i32
        %dma_start3A_204 = arith.constant 0 : i32
        %dma_start3A_205 = tpu.memref_slice %arg9[%rem3A_199, %dma_start3A_203, %dma_start3A_204] : memref<4x128x64xf32, #tpu.memory_space<vmem>> -> memref<1x128x64xf32, #tpu.memory_space<vmem>>
        %dma_start3A_206 = tpu.memref_squeeze %dma_start3A_205 : memref<1x128x64xf32, #tpu.memory_space<vmem>> -> memref<128x64xf32, #tpu.memory_space<vmem>>
        %dma_start3A_207 = arith.constant 0 : i32
        %dma_start3A_208 = tpu.memref_slice %arg5[%add3A_202, %dma_start3A_207] : memref<819200x128xf32, #tpu.memory_space<hbm>> -> memref<128x128xf32, #tpu.memory_space<hbm>>
        %dma_start3A_209 = arith.constant 0 : i32
        %dma_start3A_210 = arith.constant 0 : i32
        %dma_start3A_211 = tpu.memref_slice %dma_start3A_208[%dma_start3A_209, %dma_start3A_210] : memref<128x128xf32, #tpu.memory_space<hbm>> -> memref<128x64xf32, #tpu.memory_space<hbm>>
        %dma_start3A_212 = tpu.memref_slice %arg12[%rem3A_199] : memref<4x!tpu.dma_semaphore, #tpu.memory_space<semaphore_mem>> -> memref<1x!tpu.dma_semaphore, #tpu.memory_space<semaphore_mem>>
        %dma_start3A_213 = tpu.memref_squeeze %dma_start3A_212 : memref<1x!tpu.dma_semaphore, #tpu.memory_space<semaphore_mem>> -> memref<!tpu.dma_semaphore, #tpu.memory_space<semaphore_mem>>
        %dma_start3A_214 = arith.constant 0 : i32
        %dma_start3A_215 = tpu.memref_slice %arg5[%add3A_202, %dma_start3A_214] : memref<819200x128xf32, #tpu.memory_space<hbm>> -> memref<128x128xf32, #tpu.memory_space<hbm>>
        %dma_start3A_216 = arith.constant 0 : i32
        %dma_start3A_217 = arith.constant 0 : i32
        %dma_start3A_218 = tpu.memref_slice %dma_start3A_215[%dma_start3A_216, %dma_start3A_217] : memref<128x128xf32, #tpu.memory_space<hbm>> -> memref<128x64xf32, #tpu.memory_space<hbm>>
        %dma_start3A_219 = arith.constant 0 : i32
        %dma_start3A_220 = arith.constant 0 : i32
        %dma_start3A_221 = tpu.memref_slice %arg9[%rem3A_199, %dma_start3A_219, %dma_start3A_220] : memref<4x128x64xf32, #tpu.memory_space<vmem>> -> memref<1x128x64xf32, #tpu.memory_space<vmem>>
        %dma_start3A_222 = tpu.memref_squeeze %dma_start3A_221 : memref<1x128x64xf32, #tpu.memory_space<vmem>> -> memref<128x64xf32, #tpu.memory_space<vmem>>
        tpu.enqueue_dma source(%dma_start3A_222 : memref<128x64xf32, #tpu.memory_space<vmem>>) target(%dma_start3A_218 : memref<128x64xf32, #tpu.memory_space<hbm>>) target_semaphore(%dma_start3A_213 : memref<!tpu.dma_semaphore, #tpu.memory_space<semaphore_mem>>)
        %dma_start3A_223 = arith.constant 0 : i32
        %dma_start3A_224 = arith.constant 0 : i32
        %dma_start3A_225 = tpu.memref_slice %arg10[%rem3A_199, %dma_start3A_223, %dma_start3A_224] : memref<4x128x64xf32, #tpu.memory_space<vmem>> -> memref<1x128x64xf32, #tpu.memory_space<vmem>>
        %dma_start3A_226 = tpu.memref_squeeze %dma_start3A_225 : memref<1x128x64xf32, #tpu.memory_space<vmem>> -> memref<128x64xf32, #tpu.memory_space<vmem>>
        %dma_start3A_227 = arith.constant 0 : i32
        %dma_start3A_228 = tpu.memref_slice %arg5[%add3A_202, %dma_start3A_227] : memref<819200x128xf32, #tpu.memory_space<hbm>> -> memref<128x128xf32, #tpu.memory_space<hbm>>
        %dma_start3A_229 = arith.constant 0 : i32
        %dma_start3A_230 = arith.constant 64 : i32
        %dma_start3A_231 = tpu.memref_slice %dma_start3A_228[%dma_start3A_229, %dma_start3A_230] : memref<128x128xf32, #tpu.memory_space<hbm>> -> memref<128x64xf32, #tpu.memory_space<hbm>>
        %dma_start3A_232 = tpu.memref_slice %arg12[%rem3A_199] : memref<4x!tpu.dma_semaphore, #tpu.memory_space<semaphore_mem>> -> memref<1x!tpu.dma_semaphore, #tpu.memory_space<semaphore_mem>>
        %dma_start3A_233 = tpu.memref_squeeze %dma_start3A_232 : memref<1x!tpu.dma_semaphore, #tpu.memory_space<semaphore_mem>> -> memref<!tpu.dma_semaphore, #tpu.memory_space<semaphore_mem>>
        %dma_start3A_234 = arith.constant 0 : i32
        %dma_start3A_235 = tpu.memref_slice %arg5[%add3A_202, %dma_start3A_234] : memref<819200x128xf32, #tpu.memory_space<hbm>> -> memref<128x128xf32, #tpu.memory_space<hbm>>
        %dma_start3A_236 = arith.constant 0 : i32
        %dma_start3A_237 = arith.constant 64 : i32
        %dma_start3A_238 = tpu.memref_slice %dma_start3A_235[%dma_start3A_236, %dma_start3A_237] : memref<128x128xf32, #tpu.memory_space<hbm>> -> memref<128x64xf32, #tpu.memory_space<hbm>>
        %dma_start3A_239 = arith.constant 0 : i32
        %dma_start3A_240 = arith.constant 0 : i32
        %dma_start3A_241 = tpu.memref_slice %arg10[%rem3A_199, %dma_start3A_239, %dma_start3A_240] : memref<4x128x64xf32, #tpu.memory_space<vmem>> -> memref<1x128x64xf32, #tpu.memory_space<vmem>>
        %dma_start3A_242 = tpu.memref_squeeze %dma_start3A_241 : memref<1x128x64xf32, #tpu.memory_space<vmem>> -> memref<128x64xf32, #tpu.memory_space<vmem>>
        tpu.enqueue_dma source(%dma_start3A_242 : memref<128x64xf32, #tpu.memory_space<vmem>>) target(%dma_start3A_238 : memref<128x64xf32, #tpu.memory_space<hbm>>) target_semaphore(%dma_start3A_233 : memref<!tpu.dma_semaphore, #tpu.memory_space<semaphore_mem>>)
        %convert_element_type3A_243 = arith.extui %lt3A_75 : i1 to i32
        %cond3A_244 = arith.constant 0 : i32
        %cond3A_245 = arith.cmpi ne, %convert_element_type3A_243, %cond3A_244 : i32
        scf.if %cond3A_245 {
          %eq3A = arith.constant 0 : i32
          %eq3A_247 = arith.cmpi eq, %while3A_151, %eq3A : i32
          %convert_element_type3A_248 = arith.extui %eq3A_247 : i1 to i32
          %cond3A_249 = arith.constant 0 : i32
          %cond3A_250 = arith.cmpi ne, %convert_element_type3A_248, %cond3A_249 : i32
          scf.if %cond3A_250 {
            %add3A_820 = arith.constant 1 : i32
            %add3A_821 = arith.addi %while3A_66, %add3A_820 : i32
            %mul3A_822 = arith.constant 3200 : i32
            %mul3A_823 = arith.muli %add3A_821, %mul3A_822 : i32
            %add3A_824 = arith.addi %mul3A_2, %mul3A_823 : i32
            %dma_wait3A_825 = arith.constant 0 : i32
            %dma_wait3A_826 = tpu.memref_slice %arg6[%sub3A_69, %dma_wait3A_825] : memref<2x3216xi32, #tpu.memory_space<vmem>> -> memref<1x3216xi32, #tpu.memory_space<vmem>>
            %dma_wait3A_827 = tpu.memref_squeeze %dma_wait3A_826 : memref<1x3216xi32, #tpu.memory_space<vmem>> -> memref<3216xi32, #tpu.memory_space<vmem>>
            %dma_wait3A_828 = arith.constant 16 : i32
            %dma_wait3A_829 = tpu.memref_slice %dma_wait3A_827[%dma_wait3A_828] : memref<3216xi32, #tpu.memory_space<vmem>> -> memref<3200xi32, #tpu.memory_space<vmem>>
            %dma_wait3A_830 = tpu.memref_slice %arg2[%add3A_824] : memref<819200xi32, #tpu.memory_space<hbm>> -> memref<3200xi32, #tpu.memory_space<hbm>>
            %dma_wait3A_831 = tpu.memref_slice %arg13[%sub3A_69] : memref<2x!tpu.dma_semaphore, #tpu.memory_space<semaphore_mem>> -> memref<1x!tpu.dma_semaphore, #tpu.memory_space<semaphore_mem>>
            %dma_wait3A_832 = tpu.memref_squeeze %dma_wait3A_831 : memref<1x!tpu.dma_semaphore, #tpu.memory_space<semaphore_mem>> -> memref<!tpu.dma_semaphore, #tpu.memory_space<semaphore_mem>>
            %dma_wait3A_833 = arith.constant 0 : i32
            %dma_wait3A_834 = tpu.memref_slice %arg6[%sub3A_69, %dma_wait3A_833] : memref<2x3216xi32, #tpu.memory_space<vmem>> -> memref<1x3216xi32, #tpu.memory_space<vmem>>
            %dma_wait3A_835 = tpu.memref_squeeze %dma_wait3A_834 : memref<1x3216xi32, #tpu.memory_space<vmem>> -> memref<3216xi32, #tpu.memory_space<vmem>>
            %dma_wait3A_836 = arith.constant 16 : i32
            %dma_wait3A_837 = tpu.memref_slice %dma_wait3A_835[%dma_wait3A_836] : memref<3216xi32, #tpu.memory_space<vmem>> -> memref<3200xi32, #tpu.memory_space<vmem>>
            %dma_wait3A_838 = tpu.memref_slice %arg2[%add3A_824] : memref<819200xi32, #tpu.memory_space<hbm>> -> memref<3200xi32, #tpu.memory_space<hbm>>
            tpu.wait_dma2 semaphore(%dma_wait3A_832 : memref<!tpu.dma_semaphore, #tpu.memory_space<semaphore_mem>>) src(%dma_wait3A_838 : memref<3200xi32, #tpu.memory_space<hbm>>) dst(%dma_wait3A_837 : memref<3200xi32, #tpu.memory_space<vmem>>)
          } else {
          }
          %mul3A_251 = arith.constant 8 : i32
          %mul3A_252 = arith.muli %while3A_151, %mul3A_251 : i32
          %add3A_253 = arith.constant 0 : i32
          %add3A_254 = arith.addi %mul3A_252, %add3A_253 : i32
          %mul3A_255 = arith.constant 16 : i32
          %mul3A_256 = arith.muli %add3A_254, %mul3A_255 : i32
          %add3A_257 = arith.constant 16 : i32
          %add3A_258 = arith.addi %add3A_257, %mul3A_256 : i32
          %get3A = arith.constant 0 : i32
          %get3A_259 = tpu.memref_slice %arg6[%sub3A_69, %get3A] : memref<2x3216xi32, #tpu.memory_space<vmem>> -> memref<1x3216xi32, #tpu.memory_space<vmem>>
          %get3A_260 = tpu.memref_squeeze %get3A_259 : memref<1x3216xi32, #tpu.memory_space<vmem>> -> memref<3216xi32, #tpu.memory_space<vmem>>
          %get3A_261 = arith.index_cast %add3A_258 : i32 to index
          %get3A_262 = tpu.vector_load %get3A_260[%get3A_261] {strides = array<i32>} : memref<3216xi32, #tpu.memory_space<vmem>>, vector<16xi32>,
          %get3A_263 = vector.shape_cast %get3A_262 : vector<16xi32> to vector<16xi32>
          %mul3A_264 = arith.constant 16 : i32
          %mul3A_265 = arith.muli %add3A_254, %mul3A_264 : i32
          %add3A_266 = arith.constant 15 : i32
          %add3A_267 = arith.addi %add3A_266, %mul3A_265 : i32
          %get3A_268 = arith.constant 0 : i32
          %get3A_269 = tpu.memref_slice %arg6[%sub3A_69, %get3A_268] : memref<2x3216xi32, #tpu.memory_space<vmem>> -> memref<1x3216xi32, #tpu.memory_space<vmem>>
          %get3A_270 = tpu.memref_squeeze %get3A_269 : memref<1x3216xi32, #tpu.memory_space<vmem>> -> memref<3216xi32, #tpu.memory_space<vmem>>
          %get3A_271 = arith.index_cast %add3A_267 : i32 to index
          %get3A_272 = tpu.vector_load %get3A_270[%get3A_271] {strides = array<i32>} : memref<3216xi32, #tpu.memory_space<vmem>>, vector<16xi32>,
          %get3A_273 = vector.shape_cast %get3A_272 : vector<16xi32> to vector<16xi32>
          %mul3A_274 = arith.constant 16 : i32
          %mul3A_275 = arith.muli %add3A_254, %mul3A_274 : i32
          %add3A_276 = vector.broadcast %mul3A_275 : i32 to vector<16xi32>
          %add3A_277 = arith.addi %add3A_276, %iota3A : vector<16xi32>
          %rem3A_278 = arith.constant 200 : i32
          %rem3A_279 = vector.broadcast %rem3A_278 : i32 to vector<16xi32>
          %rem3A_280 = arith.remsi %add3A_277, %rem3A_279 : vector<16xi32>
          %eq3A_281 = arith.constant 0 : i32
          %eq3A_282 = vector.broadcast %eq3A_281 : i32 to vector<16xi32>
          %eq3A_283 = arith.cmpi eq, %rem3A_280, %eq3A_282 : vector<16xi32>
          %jit3A = arith.constant 0 : i32
          %broadcast_in_dim3A = vector.broadcast %jit3A : i32 to vector<16xi32>
          %select_n3A = arith.select %eq3A_283, %broadcast_in_dim3A, %get3A_273 : vector<16xi1>, vector<16xi32>
          %mul3A_284 = arith.constant 1696 : i32
          %mul3A_285 = vector.broadcast %mul3A_284 : i32 to vector<16xi32>
          %mul3A_286 = arith.muli %select_n3A, %mul3A_285 : vector<16xi32>
          %add3A_287 = arith.addi %mul3A_286, %get3A_263 : vector<16xi32>
          %and3A = arith.constant 32767 : i32
          %and3A_288 = vector.broadcast %and3A : i32 to vector<16xi32>
          %and3A_289 = arith.andi %add3A_287, %and3A_288 : vector<16xi32>
          %div3A = arith.constant 8 : i32
          %div3A_290 = arith.divsi %add3A_254, %div3A : i32
          %rem3A_291 = arith.constant 8 : i32
          %rem3A_292 = arith.remsi %add3A_254, %rem3A_291 : i32
          %mul3A_293 = arith.constant 16 : i32
          %mul3A_294 = arith.muli %rem3A_292, %mul3A_293 : i32
          %swap3A = arith.constant 0 : i32
          %swap3A_295 = arith.constant 0 : i32
          %swap3A_296 = tpu.memref_slice %arg7[%sub3A_69, %swap3A, %swap3A_295] : memref<2x25x128xi32, #tpu.memory_space<vmem>> -> memref<1x25x128xi32, #tpu.memory_space<vmem>>
          %swap3A_297 = tpu.memref_squeeze %swap3A_296 : memref<1x25x128xi32, #tpu.memory_space<vmem>> -> memref<25x128xi32, #tpu.memory_space<vmem>>
          %swap3A_298 = arith.constant 0 : i32
          %swap3A_299 = tpu.memref_slice %swap3A_297[%div3A_290, %swap3A_298] : memref<25x128xi32, #tpu.memory_space<vmem>> -> memref<1x128xi32, #tpu.memory_space<vmem>>
          %swap3A_300 = tpu.memref_squeeze %swap3A_299 : memref<1x128xi32, #tpu.memory_space<vmem>> -> memref<128xi32, #tpu.memory_space<vmem>>
          %swap3A_301 = arith.index_cast %mul3A_294 : i32 to index
          %swap3A_302 = tpu.vector_load %swap3A_300[%swap3A_301] {strides = array<i32>} : memref<128xi32, #tpu.memory_space<vmem>>, vector<16xi32>,
          %swap3A_303 = vector.shape_cast %swap3A_302 : vector<16xi32> to vector<16xi32>
          %swap3A_304 = vector.shape_cast %get3A_263 : vector<16xi32> to vector<16xi32>
          tpu.vector_store %swap3A_300[%swap3A_301], %swap3A_304 {strides = array<i32>} : memref<128xi32, #tpu.memory_space<vmem>>, vector<16xi32>,
          %swap3A_305 = arith.constant 0 : i32
          %swap3A_306 = arith.constant 0 : i32
          %swap3A_307 = tpu.memref_slice %arg8[%sub3A_69, %swap3A_305, %swap3A_306] : memref<2x25x128xi32, #tpu.memory_space<vmem>> -> memref<1x25x128xi32, #tpu.memory_space<vmem>>
          %swap3A_308 = tpu.memref_squeeze %swap3A_307 : memref<1x25x128xi32, #tpu.memory_space<vmem>> -> memref<25x128xi32, #tpu.memory_space<vmem>>
          %swap3A_309 = arith.constant 0 : i32
          %swap3A_310 = tpu.memref_slice %swap3A_308[%div3A_290, %swap3A_309] : memref<25x128xi32, #tpu.memory_space<vmem>> -> memref<1x128xi32, #tpu.memory_space<vmem>>
          %swap3A_311 = tpu.memref_squeeze %swap3A_310 : memref<1x128xi32, #tpu.memory_space<vmem>> -> memref<128xi32, #tpu.memory_space<vmem>>
          %swap3A_312 = arith.index_cast %mul3A_294 : i32 to index
          %swap3A_313 = tpu.vector_load %swap3A_311[%swap3A_312] {strides = array<i32>} : memref<128xi32, #tpu.memory_space<vmem>>, vector<16xi32>,
          %swap3A_314 = vector.shape_cast %swap3A_313 : vector<16xi32> to vector<16xi32>
          %swap3A_315 = vector.shape_cast %and3A_289 : vector<16xi32> to vector<16xi32>
          tpu.vector_store %swap3A_311[%swap3A_312], %swap3A_315 {strides = array<i32>} : memref<128xi32, #tpu.memory_space<vmem>>, vector<16xi32>,
          %mul3A_316 = arith.constant 8 : i32
          %mul3A_317 = arith.muli %while3A_151, %mul3A_316 : i32
          %add3A_318 = arith.constant 1 : i32
          %add3A_319 = arith.addi %mul3A_317, %add3A_318 : i32
          %mul3A_320 = arith.constant 16 : i32
          %mul3A_321 = arith.muli %add3A_319, %mul3A_320 : i32
          %add3A_322 = arith.constant 16 : i32
          %add3A_323 = arith.addi %add3A_322, %mul3A_321 : i32
          %get3A_324 = arith.constant 0 : i32
          %get3A_325 = tpu.memref_slice %arg6[%sub3A_69, %get3A_324] : memref<2x3216xi32, #tpu.memory_space<vmem>> -> memref<1x3216xi32, #tpu.memory_space<vmem>>
          %get3A_326 = tpu.memref_squeeze %get3A_325 : memref<1x3216xi32, #tpu.memory_space<vmem>> -> memref<3216xi32, #tpu.memory_space<vmem>>
          %get3A_327 = arith.index_cast %add3A_323 : i32 to index
          %get3A_328 = tpu.vector_load %get3A_326[%get3A_327] {strides = array<i32>} : memref<3216xi32, #tpu.memory_space<vmem>>, vector<16xi32>,
          %get3A_329 = vector.shape_cast %get3A_328 : vector<16xi32> to vector<16xi32>
          %mul3A_330 = arith.constant 16 : i32
          %mul3A_331 = arith.muli %add3A_319, %mul3A_330 : i32
          %add3A_332 = arith.constant 15 : i32
          %add3A_333 = arith.addi %add3A_332, %mul3A_331 : i32
          %get3A_334 = arith.constant 0 : i32
          %get3A_335 = tpu.memref_slice %arg6[%sub3A_69, %get3A_334] : memref<2x3216xi32, #tpu.memory_space<vmem>> -> memref<1x3216xi32, #tpu.memory_space<vmem>>
          %get3A_336 = tpu.memref_squeeze %get3A_335 : memref<1x3216xi32, #tpu.memory_space<vmem>> -> memref<3216xi32, #tpu.memory_space<vmem>>
          %get3A_337 = arith.index_cast %add3A_333 : i32 to index
          %get3A_338 = tpu.vector_load %get3A_336[%get3A_337] {strides = array<i32>} : memref<3216xi32, #tpu.memory_space<vmem>>, vector<16xi32>,
          %get3A_339 = vector.shape_cast %get3A_338 : vector<16xi32> to vector<16xi32>
          %mul3A_340 = arith.constant 16 : i32
          %mul3A_341 = arith.muli %add3A_319, %mul3A_340 : i32
          %add3A_342 = vector.broadcast %mul3A_341 : i32 to vector<16xi32>
          %add3A_343 = arith.addi %add3A_342, %iota3A : vector<16xi32>
          %rem3A_344 = arith.constant 200 : i32
          %rem3A_345 = vector.broadcast %rem3A_344 : i32 to vector<16xi32>
          %rem3A_346 = arith.remsi %add3A_343, %rem3A_345 : vector<16xi32>
          %eq3A_347 = arith.constant 0 : i32
          %eq3A_348 = vector.broadcast %eq3A_347 : i32 to vector<16xi32>
          %eq3A_349 = arith.cmpi eq, %rem3A_346, %eq3A_348 : vector<16xi32>
          %jit3A_350 = arith.constant 0 : i32
          %broadcast_in_dim3A_351 = vector.broadcast %jit3A_350 : i32 to vector<16xi32>
          %select_n3A_352 = arith.select %eq3A_349, %broadcast_in_dim3A_351, %get3A_339 : vector<16xi1>, vector<16xi32>
          %mul3A_353 = arith.constant 1696 : i32
          %mul3A_354 = vector.broadcast %mul3A_353 : i32 to vector<16xi32>
          %mul3A_355 = arith.muli %select_n3A_352, %mul3A_354 : vector<16xi32>
          %add3A_356 = arith.addi %mul3A_355, %get3A_329 : vector<16xi32>
          %and3A_357 = arith.constant 32767 : i32
          %and3A_358 = vector.broadcast %and3A_357 : i32 to vector<16xi32>
          %and3A_359 = arith.andi %add3A_356, %and3A_358 : vector<16xi32>
          %div3A_360 = arith.constant 8 : i32
          %div3A_361 = arith.divsi %add3A_319, %div3A_360 : i32
          %rem3A_362 = arith.constant 8 : i32
          %rem3A_363 = arith.remsi %add3A_319, %rem3A_362 : i32
          %mul3A_364 = arith.constant 16 : i32
          %mul3A_365 = arith.muli %rem3A_363, %mul3A_364 : i32
          %swap3A_366 = arith.constant 0 : i32
          %swap3A_367 = arith.constant 0 : i32
          %swap3A_368 = tpu.memref_slice %arg7[%sub3A_69, %swap3A_366, %swap3A_367] : memref<2x25x128xi32, #tpu.memory_space<vmem>> -> memref<1x25x128xi32, #tpu.memory_space<vmem>>
          %swap3A_369 = tpu.memref_squeeze %swap3A_368 : memref<1x25x128xi32, #tpu.memory_space<vmem>> -> memref<25x128xi32, #tpu.memory_space<vmem>>
          %swap3A_370 = arith.constant 0 : i32
          %swap3A_371 = tpu.memref_slice %swap3A_369[%div3A_361, %swap3A_370] : memref<25x128xi32, #tpu.memory_space<vmem>> -> memref<1x128xi32, #tpu.memory_space<vmem>>
          %swap3A_372 = tpu.memref_squeeze %swap3A_371 : memref<1x128xi32, #tpu.memory_space<vmem>> -> memref<128xi32, #tpu.memory_space<vmem>>
          %swap3A_373 = arith.index_cast %mul3A_365 : i32 to index
          %swap3A_374 = tpu.vector_load %swap3A_372[%swap3A_373] {strides = array<i32>} : memref<128xi32, #tpu.memory_space<vmem>>, vector<16xi32>,
          %swap3A_375 = vector.shape_cast %swap3A_374 : vector<16xi32> to vector<16xi32>
          %swap3A_376 = vector.shape_cast %get3A_329 : vector<16xi32> to vector<16xi32>
          tpu.vector_store %swap3A_372[%swap3A_373], %swap3A_376 {strides = array<i32>} : memref<128xi32, #tpu.memory_space<vmem>>, vector<16xi32>,
          %swap3A_377 = arith.constant 0 : i32
          %swap3A_378 = arith.constant 0 : i32
          %swap3A_379 = tpu.memref_slice %arg8[%sub3A_69, %swap3A_377, %swap3A_378] : memref<2x25x128xi32, #tpu.memory_space<vmem>> -> memref<1x25x128xi32, #tpu.memory_space<vmem>>
          %swap3A_380 = tpu.memref_squeeze %swap3A_379 : memref<1x25x128xi32, #tpu.memory_space<vmem>> -> memref<25x128xi32, #tpu.memory_space<vmem>>
          %swap3A_381 = arith.constant 0 : i32
          %swap3A_382 = tpu.memref_slice %swap3A_380[%div3A_361, %swap3A_381] : memref<25x128xi32, #tpu.memory_space<vmem>> -> memref<1x128xi32, #tpu.memory_space<vmem>>
          %swap3A_383 = tpu.memref_squeeze %swap3A_382 : memref<1x128xi32, #tpu.memory_space<vmem>> -> memref<128xi32, #tpu.memory_space<vmem>>
          %swap3A_384 = arith.index_cast %mul3A_365 : i32 to index
          %swap3A_385 = tpu.vector_load %swap3A_383[%swap3A_384] {strides = array<i32>} : memref<128xi32, #tpu.memory_space<vmem>>, vector<16xi32>,
          %swap3A_386 = vector.shape_cast %swap3A_385 : vector<16xi32> to vector<16xi32>
          %swap3A_387 = vector.shape_cast %and3A_359 : vector<16xi32> to vector<16xi32>
          tpu.vector_store %swap3A_383[%swap3A_384], %swap3A_387 {strides = array<i32>} : memref<128xi32, #tpu.memory_space<vmem>>, vector<16xi32>,
          %mul3A_388 = arith.constant 8 : i32
          %mul3A_389 = arith.muli %while3A_151, %mul3A_388 : i32
          %add3A_390 = arith.constant 2 : i32
          %add3A_391 = arith.addi %mul3A_389, %add3A_390 : i32
          %mul3A_392 = arith.constant 16 : i32
          %mul3A_393 = arith.muli %add3A_391, %mul3A_392 : i32
          %add3A_394 = arith.constant 16 : i32
          %add3A_395 = arith.addi %add3A_394, %mul3A_393 : i32
          %get3A_396 = arith.constant 0 : i32
          %get3A_397 = tpu.memref_slice %arg6[%sub3A_69, %get3A_396] : memref<2x3216xi32, #tpu.memory_space<vmem>> -> memref<1x3216xi32, #tpu.memory_space<vmem>>
          %get3A_398 = tpu.memref_squeeze %get3A_397 : memref<1x3216xi32, #tpu.memory_space<vmem>> -> memref<3216xi32, #tpu.memory_space<vmem>>
          %get3A_399 = arith.index_cast %add3A_395 : i32 to index
          %get3A_400 = tpu.vector_load %get3A_398[%get3A_399] {strides = array<i32>} : memref<3216xi32, #tpu.memory_space<vmem>>, vector<16xi32>,
          %get3A_401 = vector.shape_cast %get3A_400 : vector<16xi32> to vector<16xi32>
          %mul3A_402 = arith.constant 16 : i32
          %mul3A_403 = arith.muli %add3A_391, %mul3A_402 : i32
          %add3A_404 = arith.constant 15 : i32
          %add3A_405 = arith.addi %add3A_404, %mul3A_403 : i32
          %get3A_406 = arith.constant 0 : i32
          %get3A_407 = tpu.memref_slice %arg6[%sub3A_69, %get3A_406] : memref<2x3216xi32, #tpu.memory_space<vmem>> -> memref<1x3216xi32, #tpu.memory_space<vmem>>
          %get3A_408 = tpu.memref_squeeze %get3A_407 : memref<1x3216xi32, #tpu.memory_space<vmem>> -> memref<3216xi32, #tpu.memory_space<vmem>>
          %get3A_409 = arith.index_cast %add3A_405 : i32 to index
          %get3A_410 = tpu.vector_load %get3A_408[%get3A_409] {strides = array<i32>} : memref<3216xi32, #tpu.memory_space<vmem>>, vector<16xi32>,
          %get3A_411 = vector.shape_cast %get3A_410 : vector<16xi32> to vector<16xi32>
          %mul3A_412 = arith.constant 16 : i32
          %mul3A_413 = arith.muli %add3A_391, %mul3A_412 : i32
          %add3A_414 = vector.broadcast %mul3A_413 : i32 to vector<16xi32>
          %add3A_415 = arith.addi %add3A_414, %iota3A : vector<16xi32>
          %rem3A_416 = arith.constant 200 : i32
          %rem3A_417 = vector.broadcast %rem3A_416 : i32 to vector<16xi32>
          %rem3A_418 = arith.remsi %add3A_415, %rem3A_417 : vector<16xi32>
          %eq3A_419 = arith.constant 0 : i32
          %eq3A_420 = vector.broadcast %eq3A_419 : i32 to vector<16xi32>
          %eq3A_421 = arith.cmpi eq, %rem3A_418, %eq3A_420 : vector<16xi32>
          %jit3A_422 = arith.constant 0 : i32
          %broadcast_in_dim3A_423 = vector.broadcast %jit3A_422 : i32 to vector<16xi32>
          %select_n3A_424 = arith.select %eq3A_421, %broadcast_in_dim3A_423, %get3A_411 : vector<16xi1>, vector<16xi32>
          %mul3A_425 = arith.constant 1696 : i32
          %mul3A_426 = vector.broadcast %mul3A_425 : i32 to vector<16xi32>
          %mul3A_427 = arith.muli %select_n3A_424, %mul3A_426 : vector<16xi32>
          %add3A_428 = arith.addi %mul3A_427, %get3A_401 : vector<16xi32>
          %and3A_429 = arith.constant 32767 : i32
          %and3A_430 = vector.broadcast %and3A_429 : i32 to vector<16xi32>
          %and3A_431 = arith.andi %add3A_428, %and3A_430 : vector<16xi32>
          %div3A_432 = arith.constant 8 : i32
          %div3A_433 = arith.divsi %add3A_391, %div3A_432 : i32
          %rem3A_434 = arith.constant 8 : i32
          %rem3A_435 = arith.remsi %add3A_391, %rem3A_434 : i32
          %mul3A_436 = arith.constant 16 : i32
          %mul3A_437 = arith.muli %rem3A_435, %mul3A_436 : i32
          %swap3A_438 = arith.constant 0 : i32
          %swap3A_439 = arith.constant 0 : i32
          %swap3A_440 = tpu.memref_slice %arg7[%sub3A_69, %swap3A_438, %swap3A_439] : memref<2x25x128xi32, #tpu.memory_space<vmem>> -> memref<1x25x128xi32, #tpu.memory_space<vmem>>
          %swap3A_441 = tpu.memref_squeeze %swap3A_440 : memref<1x25x128xi32, #tpu.memory_space<vmem>> -> memref<25x128xi32, #tpu.memory_space<vmem>>
          %swap3A_442 = arith.constant 0 : i32
          %swap3A_443 = tpu.memref_slice %swap3A_441[%div3A_433, %swap3A_442] : memref<25x128xi32, #tpu.memory_space<vmem>> -> memref<1x128xi32, #tpu.memory_space<vmem>>
          %swap3A_444 = tpu.memref_squeeze %swap3A_443 : memref<1x128xi32, #tpu.memory_space<vmem>> -> memref<128xi32, #tpu.memory_space<vmem>>
          %swap3A_445 = arith.index_cast %mul3A_437 : i32 to index
          %swap3A_446 = tpu.vector_load %swap3A_444[%swap3A_445] {strides = array<i32>} : memref<128xi32, #tpu.memory_space<vmem>>, vector<16xi32>,
          %swap3A_447 = vector.shape_cast %swap3A_446 : vector<16xi32> to vector<16xi32>
          %swap3A_448 = vector.shape_cast %get3A_401 : vector<16xi32> to vector<16xi32>
          tpu.vector_store %swap3A_444[%swap3A_445], %swap3A_448 {strides = array<i32>} : memref<128xi32, #tpu.memory_space<vmem>>, vector<16xi32>,
          %swap3A_449 = arith.constant 0 : i32
          %swap3A_450 = arith.constant 0 : i32
          %swap3A_451 = tpu.memref_slice %arg8[%sub3A_69, %swap3A_449, %swap3A_450] : memref<2x25x128xi32, #tpu.memory_space<vmem>> -> memref<1x25x128xi32, #tpu.memory_space<vmem>>
          %swap3A_452 = tpu.memref_squeeze %swap3A_451 : memref<1x25x128xi32, #tpu.memory_space<vmem>> -> memref<25x128xi32, #tpu.memory_space<vmem>>
          %swap3A_453 = arith.constant 0 : i32
          %swap3A_454 = tpu.memref_slice %swap3A_452[%div3A_433, %swap3A_453] : memref<25x128xi32, #tpu.memory_space<vmem>> -> memref<1x128xi32, #tpu.memory_space<vmem>>
          %swap3A_455 = tpu.memref_squeeze %swap3A_454 : memref<1x128xi32, #tpu.memory_space<vmem>> -> memref<128xi32, #tpu.memory_space<vmem>>
          %swap3A_456 = arith.index_cast %mul3A_437 : i32 to index
          %swap3A_457 = tpu.vector_load %swap3A_455[%swap3A_456] {strides = array<i32>} : memref<128xi32, #tpu.memory_space<vmem>>, vector<16xi32>,
          %swap3A_458 = vector.shape_cast %swap3A_457 : vector<16xi32> to vector<16xi32>
          %swap3A_459 = vector.shape_cast %and3A_431 : vector<16xi32> to vector<16xi32>
          tpu.vector_store %swap3A_455[%swap3A_456], %swap3A_459 {strides = array<i32>} : memref<128xi32, #tpu.memory_space<vmem>>, vector<16xi32>,
          %mul3A_460 = arith.constant 8 : i32
          %mul3A_461 = arith.muli %while3A_151, %mul3A_460 : i32
          %add3A_462 = arith.constant 3 : i32
          %add3A_463 = arith.addi %mul3A_461, %add3A_462 : i32
          %mul3A_464 = arith.constant 16 : i32
          %mul3A_465 = arith.muli %add3A_463, %mul3A_464 : i32
          %add3A_466 = arith.constant 16 : i32
          %add3A_467 = arith.addi %add3A_466, %mul3A_465 : i32
          %get3A_468 = arith.constant 0 : i32
          %get3A_469 = tpu.memref_slice %arg6[%sub3A_69, %get3A_468] : memref<2x3216xi32, #tpu.memory_space<vmem>> -> memref<1x3216xi32, #tpu.memory_space<vmem>>
          %get3A_470 = tpu.memref_squeeze %get3A_469 : memref<1x3216xi32, #tpu.memory_space<vmem>> -> memref<3216xi32, #tpu.memory_space<vmem>>
          %get3A_471 = arith.index_cast %add3A_467 : i32 to index
          %get3A_472 = tpu.vector_load %get3A_470[%get3A_471] {strides = array<i32>} : memref<3216xi32, #tpu.memory_space<vmem>>, vector<16xi32>,
          %get3A_473 = vector.shape_cast %get3A_472 : vector<16xi32> to vector<16xi32>
          %mul3A_474 = arith.constant 16 : i32
          %mul3A_475 = arith.muli %add3A_463, %mul3A_474 : i32
          %add3A_476 = arith.constant 15 : i32
          %add3A_477 = arith.addi %add3A_476, %mul3A_475 : i32
          %get3A_478 = arith.constant 0 : i32
          %get3A_479 = tpu.memref_slice %arg6[%sub3A_69, %get3A_478] : memref<2x3216xi32, #tpu.memory_space<vmem>> -> memref<1x3216xi32, #tpu.memory_space<vmem>>
          %get3A_480 = tpu.memref_squeeze %get3A_479 : memref<1x3216xi32, #tpu.memory_space<vmem>> -> memref<3216xi32, #tpu.memory_space<vmem>>
          %get3A_481 = arith.index_cast %add3A_477 : i32 to index
          %get3A_482 = tpu.vector_load %get3A_480[%get3A_481] {strides = array<i32>} : memref<3216xi32, #tpu.memory_space<vmem>>, vector<16xi32>,
          %get3A_483 = vector.shape_cast %get3A_482 : vector<16xi32> to vector<16xi32>
          %mul3A_484 = arith.constant 16 : i32
          %mul3A_485 = arith.muli %add3A_463, %mul3A_484 : i32
          %add3A_486 = vector.broadcast %mul3A_485 : i32 to vector<16xi32>
          %add3A_487 = arith.addi %add3A_486, %iota3A : vector<16xi32>
          %rem3A_488 = arith.constant 200 : i32
          %rem3A_489 = vector.broadcast %rem3A_488 : i32 to vector<16xi32>
          %rem3A_490 = arith.remsi %add3A_487, %rem3A_489 : vector<16xi32>
          %eq3A_491 = arith.constant 0 : i32
          %eq3A_492 = vector.broadcast %eq3A_491 : i32 to vector<16xi32>
          %eq3A_493 = arith.cmpi eq, %rem3A_490, %eq3A_492 : vector<16xi32>
          %jit3A_494 = arith.constant 0 : i32
          %broadcast_in_dim3A_495 = vector.broadcast %jit3A_494 : i32 to vector<16xi32>
          %select_n3A_496 = arith.select %eq3A_493, %broadcast_in_dim3A_495, %get3A_483 : vector<16xi1>, vector<16xi32>
          %mul3A_497 = arith.constant 1696 : i32
          %mul3A_498 = vector.broadcast %mul3A_497 : i32 to vector<16xi32>
          %mul3A_499 = arith.muli %select_n3A_496, %mul3A_498 : vector<16xi32>
          %add3A_500 = arith.addi %mul3A_499, %get3A_473 : vector<16xi32>
          %and3A_501 = arith.constant 32767 : i32
          %and3A_502 = vector.broadcast %and3A_501 : i32 to vector<16xi32>
          %and3A_503 = arith.andi %add3A_500, %and3A_502 : vector<16xi32>
          %div3A_504 = arith.constant 8 : i32
          %div3A_505 = arith.divsi %add3A_463, %div3A_504 : i32
          %rem3A_506 = arith.constant 8 : i32
          %rem3A_507 = arith.remsi %add3A_463, %rem3A_506 : i32
          %mul3A_508 = arith.constant 16 : i32
          %mul3A_509 = arith.muli %rem3A_507, %mul3A_508 : i32
          %swap3A_510 = arith.constant 0 : i32
          %swap3A_511 = arith.constant 0 : i32
          %swap3A_512 = tpu.memref_slice %arg7[%sub3A_69, %swap3A_510, %swap3A_511] : memref<2x25x128xi32, #tpu.memory_space<vmem>> -> memref<1x25x128xi32, #tpu.memory_space<vmem>>
          %swap3A_513 = tpu.memref_squeeze %swap3A_512 : memref<1x25x128xi32, #tpu.memory_space<vmem>> -> memref<25x128xi32, #tpu.memory_space<vmem>>
          %swap3A_514 = arith.constant 0 : i32
          %swap3A_515 = tpu.memref_slice %swap3A_513[%div3A_505, %swap3A_514] : memref<25x128xi32, #tpu.memory_space<vmem>> -> memref<1x128xi32, #tpu.memory_space<vmem>>
          %swap3A_516 = tpu.memref_squeeze %swap3A_515 : memref<1x128xi32, #tpu.memory_space<vmem>> -> memref<128xi32, #tpu.memory_space<vmem>>
          %swap3A_517 = arith.index_cast %mul3A_509 : i32 to index
          %swap3A_518 = tpu.vector_load %swap3A_516[%swap3A_517] {strides = array<i32>} : memref<128xi32, #tpu.memory_space<vmem>>, vector<16xi32>,
          %swap3A_519 = vector.shape_cast %swap3A_518 : vector<16xi32> to vector<16xi32>
          %swap3A_520 = vector.shape_cast %get3A_473 : vector<16xi32> to vector<16xi32>
          tpu.vector_store %swap3A_516[%swap3A_517], %swap3A_520 {strides = array<i32>} : memref<128xi32, #tpu.memory_space<vmem>>, vector<16xi32>,
          %swap3A_521 = arith.constant 0 : i32
          %swap3A_522 = arith.constant 0 : i32
          %swap3A_523 = tpu.memref_slice %arg8[%sub3A_69, %swap3A_521, %swap3A_522] : memref<2x25x128xi32, #tpu.memory_space<vmem>> -> memref<1x25x128xi32, #tpu.memory_space<vmem>>
          %swap3A_524 = tpu.memref_squeeze %swap3A_523 : memref<1x25x128xi32, #tpu.memory_space<vmem>> -> memref<25x128xi32, #tpu.memory_space<vmem>>
          %swap3A_525 = arith.constant 0 : i32
          %swap3A_526 = tpu.memref_slice %swap3A_524[%div3A_505, %swap3A_525] : memref<25x128xi32, #tpu.memory_space<vmem>> -> memref<1x128xi32, #tpu.memory_space<vmem>>
          %swap3A_527 = tpu.memref_squeeze %swap3A_526 : memref<1x128xi32, #tpu.memory_space<vmem>> -> memref<128xi32, #tpu.memory_space<vmem>>
          %swap3A_528 = arith.index_cast %mul3A_509 : i32 to index
          %swap3A_529 = tpu.vector_load %swap3A_527[%swap3A_528] {strides = array<i32>} : memref<128xi32, #tpu.memory_space<vmem>>, vector<16xi32>,
          %swap3A_530 = vector.shape_cast %swap3A_529 : vector<16xi32> to vector<16xi32>
          %swap3A_531 = vector.shape_cast %and3A_503 : vector<16xi32> to vector<16xi32>
          tpu.vector_store %swap3A_527[%swap3A_528], %swap3A_531 {strides = array<i32>} : memref<128xi32, #tpu.memory_space<vmem>>, vector<16xi32>,
          %mul3A_532 = arith.constant 8 : i32
          %mul3A_533 = arith.muli %while3A_151, %mul3A_532 : i32
          %add3A_534 = arith.constant 4 : i32
          %add3A_535 = arith.addi %mul3A_533, %add3A_534 : i32
          %mul3A_536 = arith.constant 16 : i32
          %mul3A_537 = arith.muli %add3A_535, %mul3A_536 : i32
          %add3A_538 = arith.constant 16 : i32
          %add3A_539 = arith.addi %add3A_538, %mul3A_537 : i32
          %get3A_540 = arith.constant 0 : i32
          %get3A_541 = tpu.memref_slice %arg6[%sub3A_69, %get3A_540] : memref<2x3216xi32, #tpu.memory_space<vmem>> -> memref<1x3216xi32, #tpu.memory_space<vmem>>
          %get3A_542 = tpu.memref_squeeze %get3A_541 : memref<1x3216xi32, #tpu.memory_space<vmem>> -> memref<3216xi32, #tpu.memory_space<vmem>>
          %get3A_543 = arith.index_cast %add3A_539 : i32 to index
          %get3A_544 = tpu.vector_load %get3A_542[%get3A_543] {strides = array<i32>} : memref<3216xi32, #tpu.memory_space<vmem>>, vector<16xi32>,
          %get3A_545 = vector.shape_cast %get3A_544 : vector<16xi32> to vector<16xi32>
          %mul3A_546 = arith.constant 16 : i32
          %mul3A_547 = arith.muli %add3A_535, %mul3A_546 : i32
          %add3A_548 = arith.constant 15 : i32
          %add3A_549 = arith.addi %add3A_548, %mul3A_547 : i32
          %get3A_550 = arith.constant 0 : i32
          %get3A_551 = tpu.memref_slice %arg6[%sub3A_69, %get3A_550] : memref<2x3216xi32, #tpu.memory_space<vmem>> -> memref<1x3216xi32, #tpu.memory_space<vmem>>
          %get3A_552 = tpu.memref_squeeze %get3A_551 : memref<1x3216xi32, #tpu.memory_space<vmem>> -> memref<3216xi32, #tpu.memory_space<vmem>>
          %get3A_553 = arith.index_cast %add3A_549 : i32 to index
          %get3A_554 = tpu.vector_load %get3A_552[%get3A_553] {strides = array<i32>} : memref<3216xi32, #tpu.memory_space<vmem>>, vector<16xi32>,
          %get3A_555 = vector.shape_cast %get3A_554 : vector<16xi32> to vector<16xi32>
          %mul3A_556 = arith.constant 16 : i32
          %mul3A_557 = arith.muli %add3A_535, %mul3A_556 : i32
          %add3A_558 = vector.broadcast %mul3A_557 : i32 to vector<16xi32>
          %add3A_559 = arith.addi %add3A_558, %iota3A : vector<16xi32>
          %rem3A_560 = arith.constant 200 : i32
          %rem3A_561 = vector.broadcast %rem3A_560 : i32 to vector<16xi32>
          %rem3A_562 = arith.remsi %add3A_559, %rem3A_561 : vector<16xi32>
          %eq3A_563 = arith.constant 0 : i32
          %eq3A_564 = vector.broadcast %eq3A_563 : i32 to vector<16xi32>
          %eq3A_565 = arith.cmpi eq, %rem3A_562, %eq3A_564 : vector<16xi32>
          %jit3A_566 = arith.constant 0 : i32
          %broadcast_in_dim3A_567 = vector.broadcast %jit3A_566 : i32 to vector<16xi32>
          %select_n3A_568 = arith.select %eq3A_565, %broadcast_in_dim3A_567, %get3A_555 : vector<16xi1>, vector<16xi32>
          %mul3A_569 = arith.constant 1696 : i32
          %mul3A_570 = vector.broadcast %mul3A_569 : i32 to vector<16xi32>
          %mul3A_571 = arith.muli %select_n3A_568, %mul3A_570 : vector<16xi32>
          %add3A_572 = arith.addi %mul3A_571, %get3A_545 : vector<16xi32>
          %and3A_573 = arith.constant 32767 : i32
          %and3A_574 = vector.broadcast %and3A_573 : i32 to vector<16xi32>
          %and3A_575 = arith.andi %add3A_572, %and3A_574 : vector<16xi32>
          %div3A_576 = arith.constant 8 : i32
          %div3A_577 = arith.divsi %add3A_535, %div3A_576 : i32
          %rem3A_578 = arith.constant 8 : i32
          %rem3A_579 = arith.remsi %add3A_535, %rem3A_578 : i32
          %mul3A_580 = arith.constant 16 : i32
          %mul3A_581 = arith.muli %rem3A_579, %mul3A_580 : i32
          %swap3A_582 = arith.constant 0 : i32
          %swap3A_583 = arith.constant 0 : i32
          %swap3A_584 = tpu.memref_slice %arg7[%sub3A_69, %swap3A_582, %swap3A_583] : memref<2x25x128xi32, #tpu.memory_space<vmem>> -> memref<1x25x128xi32, #tpu.memory_space<vmem>>
          %swap3A_585 = tpu.memref_squeeze %swap3A_584 : memref<1x25x128xi32, #tpu.memory_space<vmem>> -> memref<25x128xi32, #tpu.memory_space<vmem>>
          %swap3A_586 = arith.constant 0 : i32
          %swap3A_587 = tpu.memref_slice %swap3A_585[%div3A_577, %swap3A_586] : memref<25x128xi32, #tpu.memory_space<vmem>> -> memref<1x128xi32, #tpu.memory_space<vmem>>
          %swap3A_588 = tpu.memref_squeeze %swap3A_587 : memref<1x128xi32, #tpu.memory_space<vmem>> -> memref<128xi32, #tpu.memory_space<vmem>>
          %swap3A_589 = arith.index_cast %mul3A_581 : i32 to index
          %swap3A_590 = tpu.vector_load %swap3A_588[%swap3A_589] {strides = array<i32>} : memref<128xi32, #tpu.memory_space<vmem>>, vector<16xi32>,
          %swap3A_591 = vector.shape_cast %swap3A_590 : vector<16xi32> to vector<16xi32>
          %swap3A_592 = vector.shape_cast %get3A_545 : vector<16xi32> to vector<16xi32>
          tpu.vector_store %swap3A_588[%swap3A_589], %swap3A_592 {strides = array<i32>} : memref<128xi32, #tpu.memory_space<vmem>>, vector<16xi32>,
          %swap3A_593 = arith.constant 0 : i32
          %swap3A_594 = arith.constant 0 : i32
          %swap3A_595 = tpu.memref_slice %arg8[%sub3A_69, %swap3A_593, %swap3A_594] : memref<2x25x128xi32, #tpu.memory_space<vmem>> -> memref<1x25x128xi32, #tpu.memory_space<vmem>>
          %swap3A_596 = tpu.memref_squeeze %swap3A_595 : memref<1x25x128xi32, #tpu.memory_space<vmem>> -> memref<25x128xi32, #tpu.memory_space<vmem>>
          %swap3A_597 = arith.constant 0 : i32
          %swap3A_598 = tpu.memref_slice %swap3A_596[%div3A_577, %swap3A_597] : memref<25x128xi32, #tpu.memory_space<vmem>> -> memref<1x128xi32, #tpu.memory_space<vmem>>
          %swap3A_599 = tpu.memref_squeeze %swap3A_598 : memref<1x128xi32, #tpu.memory_space<vmem>> -> memref<128xi32, #tpu.memory_space<vmem>>
          %swap3A_600 = arith.index_cast %mul3A_581 : i32 to index
          %swap3A_601 = tpu.vector_load %swap3A_599[%swap3A_600] {strides = array<i32>} : memref<128xi32, #tpu.memory_space<vmem>>, vector<16xi32>,
          %swap3A_602 = vector.shape_cast %swap3A_601 : vector<16xi32> to vector<16xi32>
          %swap3A_603 = vector.shape_cast %and3A_575 : vector<16xi32> to vector<16xi32>
          tpu.vector_store %swap3A_599[%swap3A_600], %swap3A_603 {strides = array<i32>} : memref<128xi32, #tpu.memory_space<vmem>>, vector<16xi32>,
          %mul3A_604 = arith.constant 8 : i32
          %mul3A_605 = arith.muli %while3A_151, %mul3A_604 : i32
          %add3A_606 = arith.constant 5 : i32
          %add3A_607 = arith.addi %mul3A_605, %add3A_606 : i32
          %mul3A_608 = arith.constant 16 : i32
          %mul3A_609 = arith.muli %add3A_607, %mul3A_608 : i32
          %add3A_610 = arith.constant 16 : i32
          %add3A_611 = arith.addi %add3A_610, %mul3A_609 : i32
          %get3A_612 = arith.constant 0 : i32
          %get3A_613 = tpu.memref_slice %arg6[%sub3A_69, %get3A_612] : memref<2x3216xi32, #tpu.memory_space<vmem>> -> memref<1x3216xi32, #tpu.memory_space<vmem>>
          %get3A_614 = tpu.memref_squeeze %get3A_613 : memref<1x3216xi32, #tpu.memory_space<vmem>> -> memref<3216xi32, #tpu.memory_space<vmem>>
          %get3A_615 = arith.index_cast %add3A_611 : i32 to index
          %get3A_616 = tpu.vector_load %get3A_614[%get3A_615] {strides = array<i32>} : memref<3216xi32, #tpu.memory_space<vmem>>, vector<16xi32>,
          %get3A_617 = vector.shape_cast %get3A_616 : vector<16xi32> to vector<16xi32>
          %mul3A_618 = arith.constant 16 : i32
          %mul3A_619 = arith.muli %add3A_607, %mul3A_618 : i32
          %add3A_620 = arith.constant 15 : i32
          %add3A_621 = arith.addi %add3A_620, %mul3A_619 : i32
          %get3A_622 = arith.constant 0 : i32
          %get3A_623 = tpu.memref_slice %arg6[%sub3A_69, %get3A_622] : memref<2x3216xi32, #tpu.memory_space<vmem>> -> memref<1x3216xi32, #tpu.memory_space<vmem>>
          %get3A_624 = tpu.memref_squeeze %get3A_623 : memref<1x3216xi32, #tpu.memory_space<vmem>> -> memref<3216xi32, #tpu.memory_space<vmem>>
          %get3A_625 = arith.index_cast %add3A_621 : i32 to index
          %get3A_626 = tpu.vector_load %get3A_624[%get3A_625] {strides = array<i32>} : memref<3216xi32, #tpu.memory_space<vmem>>, vector<16xi32>,
          %get3A_627 = vector.shape_cast %get3A_626 : vector<16xi32> to vector<16xi32>
          %mul3A_628 = arith.constant 16 : i32
          %mul3A_629 = arith.muli %add3A_607, %mul3A_628 : i32
          %add3A_630 = vector.broadcast %mul3A_629 : i32 to vector<16xi32>
          %add3A_631 = arith.addi %add3A_630, %iota3A : vector<16xi32>
          %rem3A_632 = arith.constant 200 : i32
          %rem3A_633 = vector.broadcast %rem3A_632 : i32 to vector<16xi32>
          %rem3A_634 = arith.remsi %add3A_631, %rem3A_633 : vector<16xi32>
          %eq3A_635 = arith.constant 0 : i32
          %eq3A_636 = vector.broadcast %eq3A_635 : i32 to vector<16xi32>
          %eq3A_637 = arith.cmpi eq, %rem3A_634, %eq3A_636 : vector<16xi32>
          %jit3A_638 = arith.constant 0 : i32
          %broadcast_in_dim3A_639 = vector.broadcast %jit3A_638 : i32 to vector<16xi32>
          %select_n3A_640 = arith.select %eq3A_637, %broadcast_in_dim3A_639, %get3A_627 : vector<16xi1>, vector<16xi32>
          %mul3A_641 = arith.constant 1696 : i32
          %mul3A_642 = vector.broadcast %mul3A_641 : i32 to vector<16xi32>
          %mul3A_643 = arith.muli %select_n3A_640, %mul3A_642 : vector<16xi32>
          %add3A_644 = arith.addi %mul3A_643, %get3A_617 : vector<16xi32>
          %and3A_645 = arith.constant 32767 : i32
          %and3A_646 = vector.broadcast %and3A_645 : i32 to vector<16xi32>
          %and3A_647 = arith.andi %add3A_644, %and3A_646 : vector<16xi32>
          %div3A_648 = arith.constant 8 : i32
          %div3A_649 = arith.divsi %add3A_607, %div3A_648 : i32
          %rem3A_650 = arith.constant 8 : i32
          %rem3A_651 = arith.remsi %add3A_607, %rem3A_650 : i32
          %mul3A_652 = arith.constant 16 : i32
          %mul3A_653 = arith.muli %rem3A_651, %mul3A_652 : i32
          %swap3A_654 = arith.constant 0 : i32
          %swap3A_655 = arith.constant 0 : i32
          %swap3A_656 = tpu.memref_slice %arg7[%sub3A_69, %swap3A_654, %swap3A_655] : memref<2x25x128xi32, #tpu.memory_space<vmem>> -> memref<1x25x128xi32, #tpu.memory_space<vmem>>
          %swap3A_657 = tpu.memref_squeeze %swap3A_656 : memref<1x25x128xi32, #tpu.memory_space<vmem>> -> memref<25x128xi32, #tpu.memory_space<vmem>>
          %swap3A_658 = arith.constant 0 : i32
          %swap3A_659 = tpu.memref_slice %swap3A_657[%div3A_649, %swap3A_658] : memref<25x128xi32, #tpu.memory_space<vmem>> -> memref<1x128xi32, #tpu.memory_space<vmem>>
          %swap3A_660 = tpu.memref_squeeze %swap3A_659 : memref<1x128xi32, #tpu.memory_space<vmem>> -> memref<128xi32, #tpu.memory_space<vmem>>
          %swap3A_661 = arith.index_cast %mul3A_653 : i32 to index
          %swap3A_662 = tpu.vector_load %swap3A_660[%swap3A_661] {strides = array<i32>} : memref<128xi32, #tpu.memory_space<vmem>>, vector<16xi32>,
          %swap3A_663 = vector.shape_cast %swap3A_662 : vector<16xi32> to vector<16xi32>
          %swap3A_664 = vector.shape_cast %get3A_617 : vector<16xi32> to vector<16xi32>
          tpu.vector_store %swap3A_660[%swap3A_661], %swap3A_664 {strides = array<i32>} : memref<128xi32, #tpu.memory_space<vmem>>, vector<16xi32>,
          %swap3A_665 = arith.constant 0 : i32
          %swap3A_666 = arith.constant 0 : i32
          %swap3A_667 = tpu.memref_slice %arg8[%sub3A_69, %swap3A_665, %swap3A_666] : memref<2x25x128xi32, #tpu.memory_space<vmem>> -> memref<1x25x128xi32, #tpu.memory_space<vmem>>
          %swap3A_668 = tpu.memref_squeeze %swap3A_667 : memref<1x25x128xi32, #tpu.memory_space<vmem>> -> memref<25x128xi32, #tpu.memory_space<vmem>>
          %swap3A_669 = arith.constant 0 : i32
          %swap3A_670 = tpu.memref_slice %swap3A_668[%div3A_649, %swap3A_669] : memref<25x128xi32, #tpu.memory_space<vmem>> -> memref<1x128xi32, #tpu.memory_space<vmem>>
          %swap3A_671 = tpu.memref_squeeze %swap3A_670 : memref<1x128xi32, #tpu.memory_space<vmem>> -> memref<128xi32, #tpu.memory_space<vmem>>
          %swap3A_672 = arith.index_cast %mul3A_653 : i32 to index
          %swap3A_673 = tpu.vector_load %swap3A_671[%swap3A_672] {strides = array<i32>} : memref<128xi32, #tpu.memory_space<vmem>>, vector<16xi32>,
          %swap3A_674 = vector.shape_cast %swap3A_673 : vector<16xi32> to vector<16xi32>
          %swap3A_675 = vector.shape_cast %and3A_647 : vector<16xi32> to vector<16xi32>
          tpu.vector_store %swap3A_671[%swap3A_672], %swap3A_675 {strides = array<i32>} : memref<128xi32, #tpu.memory_space<vmem>>, vector<16xi32>,
          %mul3A_676 = arith.constant 8 : i32
          %mul3A_677 = arith.muli %while3A_151, %mul3A_676 : i32
          %add3A_678 = arith.constant 6 : i32
          %add3A_679 = arith.addi %mul3A_677, %add3A_678 : i32
          %mul3A_680 = arith.constant 16 : i32
          %mul3A_681 = arith.muli %add3A_679, %mul3A_680 : i32
          %add3A_682 = arith.constant 16 : i32
          %add3A_683 = arith.addi %add3A_682, %mul3A_681 : i32
          %get3A_684 = arith.constant 0 : i32
          %get3A_685 = tpu.memref_slice %arg6[%sub3A_69, %get3A_684] : memref<2x3216xi32, #tpu.memory_space<vmem>> -> memref<1x3216xi32, #tpu.memory_space<vmem>>
          %get3A_686 = tpu.memref_squeeze %get3A_685 : memref<1x3216xi32, #tpu.memory_space<vmem>> -> memref<3216xi32, #tpu.memory_space<vmem>>
          %get3A_687 = arith.index_cast %add3A_683 : i32 to index
          %get3A_688 = tpu.vector_load %get3A_686[%get3A_687] {strides = array<i32>} : memref<3216xi32, #tpu.memory_space<vmem>>, vector<16xi32>,
          %get3A_689 = vector.shape_cast %get3A_688 : vector<16xi32> to vector<16xi32>
          %mul3A_690 = arith.constant 16 : i32
          %mul3A_691 = arith.muli %add3A_679, %mul3A_690 : i32
          %add3A_692 = arith.constant 15 : i32
          %add3A_693 = arith.addi %add3A_692, %mul3A_691 : i32
          %get3A_694 = arith.constant 0 : i32
          %get3A_695 = tpu.memref_slice %arg6[%sub3A_69, %get3A_694] : memref<2x3216xi32, #tpu.memory_space<vmem>> -> memref<1x3216xi32, #tpu.memory_space<vmem>>
          %get3A_696 = tpu.memref_squeeze %get3A_695 : memref<1x3216xi32, #tpu.memory_space<vmem>> -> memref<3216xi32, #tpu.memory_space<vmem>>
          %get3A_697 = arith.index_cast %add3A_693 : i32 to index
          %get3A_698 = tpu.vector_load %get3A_696[%get3A_697] {strides = array<i32>} : memref<3216xi32, #tpu.memory_space<vmem>>, vector<16xi32>,
          %get3A_699 = vector.shape_cast %get3A_698 : vector<16xi32> to vector<16xi32>
          %mul3A_700 = arith.constant 16 : i32
          %mul3A_701 = arith.muli %add3A_679, %mul3A_700 : i32
          %add3A_702 = vector.broadcast %mul3A_701 : i32 to vector<16xi32>
          %add3A_703 = arith.addi %add3A_702, %iota3A : vector<16xi32>
          %rem3A_704 = arith.constant 200 : i32
          %rem3A_705 = vector.broadcast %rem3A_704 : i32 to vector<16xi32>
          %rem3A_706 = arith.remsi %add3A_703, %rem3A_705 : vector<16xi32>
          %eq3A_707 = arith.constant 0 : i32
          %eq3A_708 = vector.broadcast %eq3A_707 : i32 to vector<16xi32>
          %eq3A_709 = arith.cmpi eq, %rem3A_706, %eq3A_708 : vector<16xi32>
          %jit3A_710 = arith.constant 0 : i32
          %broadcast_in_dim3A_711 = vector.broadcast %jit3A_710 : i32 to vector<16xi32>
          %select_n3A_712 = arith.select %eq3A_709, %broadcast_in_dim3A_711, %get3A_699 : vector<16xi1>, vector<16xi32>
          %mul3A_713 = arith.constant 1696 : i32
          %mul3A_714 = vector.broadcast %mul3A_713 : i32 to vector<16xi32>
          %mul3A_715 = arith.muli %select_n3A_712, %mul3A_714 : vector<16xi32>
          %add3A_716 = arith.addi %mul3A_715, %get3A_689 : vector<16xi32>
          %and3A_717 = arith.constant 32767 : i32
          %and3A_718 = vector.broadcast %and3A_717 : i32 to vector<16xi32>
          %and3A_719 = arith.andi %add3A_716, %and3A_718 : vector<16xi32>
          %div3A_720 = arith.constant 8 : i32
          %div3A_721 = arith.divsi %add3A_679, %div3A_720 : i32
          %rem3A_722 = arith.constant 8 : i32
          %rem3A_723 = arith.remsi %add3A_679, %rem3A_722 : i32
          %mul3A_724 = arith.constant 16 : i32
          %mul3A_725 = arith.muli %rem3A_723, %mul3A_724 : i32
          %swap3A_726 = arith.constant 0 : i32
          %swap3A_727 = arith.constant 0 : i32
          %swap3A_728 = tpu.memref_slice %arg7[%sub3A_69, %swap3A_726, %swap3A_727] : memref<2x25x128xi32, #tpu.memory_space<vmem>> -> memref<1x25x128xi32, #tpu.memory_space<vmem>>
          %swap3A_729 = tpu.memref_squeeze %swap3A_728 : memref<1x25x128xi32, #tpu.memory_space<vmem>> -> memref<25x128xi32, #tpu.memory_space<vmem>>
          %swap3A_730 = arith.constant 0 : i32
          %swap3A_731 = tpu.memref_slice %swap3A_729[%div3A_721, %swap3A_730] : memref<25x128xi32, #tpu.memory_space<vmem>> -> memref<1x128xi32, #tpu.memory_space<vmem>>
          %swap3A_732 = tpu.memref_squeeze %swap3A_731 : memref<1x128xi32, #tpu.memory_space<vmem>> -> memref<128xi32, #tpu.memory_space<vmem>>
          %swap3A_733 = arith.index_cast %mul3A_725 : i32 to index
          %swap3A_734 = tpu.vector_load %swap3A_732[%swap3A_733] {strides = array<i32>} : memref<128xi32, #tpu.memory_space<vmem>>, vector<16xi32>,
          %swap3A_735 = vector.shape_cast %swap3A_734 : vector<16xi32> to vector<16xi32>
          %swap3A_736 = vector.shape_cast %get3A_689 : vector<16xi32> to vector<16xi32>
          tpu.vector_store %swap3A_732[%swap3A_733], %swap3A_736 {strides = array<i32>} : memref<128xi32, #tpu.memory_space<vmem>>, vector<16xi32>,
          %swap3A_737 = arith.constant 0 : i32
          %swap3A_738 = arith.constant 0 : i32
          %swap3A_739 = tpu.memref_slice %arg8[%sub3A_69, %swap3A_737, %swap3A_738] : memref<2x25x128xi32, #tpu.memory_space<vmem>> -> memref<1x25x128xi32, #tpu.memory_space<vmem>>
          %swap3A_740 = tpu.memref_squeeze %swap3A_739 : memref<1x25x128xi32, #tpu.memory_space<vmem>> -> memref<25x128xi32, #tpu.memory_space<vmem>>
          %swap3A_741 = arith.constant 0 : i32
          %swap3A_742 = tpu.memref_slice %swap3A_740[%div3A_721, %swap3A_741] : memref<25x128xi32, #tpu.memory_space<vmem>> -> memref<1x128xi32, #tpu.memory_space<vmem>>
          %swap3A_743 = tpu.memref_squeeze %swap3A_742 : memref<1x128xi32, #tpu.memory_space<vmem>> -> memref<128xi32, #tpu.memory_space<vmem>>
          %swap3A_744 = arith.index_cast %mul3A_725 : i32 to index
          %swap3A_745 = tpu.vector_load %swap3A_743[%swap3A_744] {strides = array<i32>} : memref<128xi32, #tpu.memory_space<vmem>>, vector<16xi32>,
          %swap3A_746 = vector.shape_cast %swap3A_745 : vector<16xi32> to vector<16xi32>
          %swap3A_747 = vector.shape_cast %and3A_719 : vector<16xi32> to vector<16xi32>
          tpu.vector_store %swap3A_743[%swap3A_744], %swap3A_747 {strides = array<i32>} : memref<128xi32, #tpu.memory_space<vmem>>, vector<16xi32>,
          %mul3A_748 = arith.constant 8 : i32
          %mul3A_749 = arith.muli %while3A_151, %mul3A_748 : i32
          %add3A_750 = arith.constant 7 : i32
          %add3A_751 = arith.addi %mul3A_749, %add3A_750 : i32
          %mul3A_752 = arith.constant 16 : i32
          %mul3A_753 = arith.muli %add3A_751, %mul3A_752 : i32
          %add3A_754 = arith.constant 16 : i32
          %add3A_755 = arith.addi %add3A_754, %mul3A_753 : i32
          %get3A_756 = arith.constant 0 : i32
          %get3A_757 = tpu.memref_slice %arg6[%sub3A_69, %get3A_756] : memref<2x3216xi32, #tpu.memory_space<vmem>> -> memref<1x3216xi32, #tpu.memory_space<vmem>>
          %get3A_758 = tpu.memref_squeeze %get3A_757 : memref<1x3216xi32, #tpu.memory_space<vmem>> -> memref<3216xi32, #tpu.memory_space<vmem>>
          %get3A_759 = arith.index_cast %add3A_755 : i32 to index
          %get3A_760 = tpu.vector_load %get3A_758[%get3A_759] {strides = array<i32>} : memref<3216xi32, #tpu.memory_space<vmem>>, vector<16xi32>,
          %get3A_761 = vector.shape_cast %get3A_760 : vector<16xi32> to vector<16xi32>
          %mul3A_762 = arith.constant 16 : i32
          %mul3A_763 = arith.muli %add3A_751, %mul3A_762 : i32
          %add3A_764 = arith.constant 15 : i32
          %add3A_765 = arith.addi %add3A_764, %mul3A_763 : i32
          %get3A_766 = arith.constant 0 : i32
          %get3A_767 = tpu.memref_slice %arg6[%sub3A_69, %get3A_766] : memref<2x3216xi32, #tpu.memory_space<vmem>> -> memref<1x3216xi32, #tpu.memory_space<vmem>>
          %get3A_768 = tpu.memref_squeeze %get3A_767 : memref<1x3216xi32, #tpu.memory_space<vmem>> -> memref<3216xi32, #tpu.memory_space<vmem>>
          %get3A_769 = arith.index_cast %add3A_765 : i32 to index
          %get3A_770 = tpu.vector_load %get3A_768[%get3A_769] {strides = array<i32>} : memref<3216xi32, #tpu.memory_space<vmem>>, vector<16xi32>,
          %get3A_771 = vector.shape_cast %get3A_770 : vector<16xi32> to vector<16xi32>
          %mul3A_772 = arith.constant 16 : i32
          %mul3A_773 = arith.muli %add3A_751, %mul3A_772 : i32
          %add3A_774 = vector.broadcast %mul3A_773 : i32 to vector<16xi32>
          %add3A_775 = arith.addi %add3A_774, %iota3A : vector<16xi32>
          %rem3A_776 = arith.constant 200 : i32
          %rem3A_777 = vector.broadcast %rem3A_776 : i32 to vector<16xi32>
          %rem3A_778 = arith.remsi %add3A_775, %rem3A_777 : vector<16xi32>
          %eq3A_779 = arith.constant 0 : i32
          %eq3A_780 = vector.broadcast %eq3A_779 : i32 to vector<16xi32>
          %eq3A_781 = arith.cmpi eq, %rem3A_778, %eq3A_780 : vector<16xi32>
          %jit3A_782 = arith.constant 0 : i32
          %broadcast_in_dim3A_783 = vector.broadcast %jit3A_782 : i32 to vector<16xi32>
          %select_n3A_784 = arith.select %eq3A_781, %broadcast_in_dim3A_783, %get3A_771 : vector<16xi1>, vector<16xi32>
          %mul3A_785 = arith.constant 1696 : i32
          %mul3A_786 = vector.broadcast %mul3A_785 : i32 to vector<16xi32>
          %mul3A_787 = arith.muli %select_n3A_784, %mul3A_786 : vector<16xi32>
          %add3A_788 = arith.addi %mul3A_787, %get3A_761 : vector<16xi32>
          %and3A_789 = arith.constant 32767 : i32
          %and3A_790 = vector.broadcast %and3A_789 : i32 to vector<16xi32>
          %and3A_791 = arith.andi %add3A_788, %and3A_790 : vector<16xi32>
          %div3A_792 = arith.constant 8 : i32
          %div3A_793 = arith.divsi %add3A_751, %div3A_792 : i32
          %rem3A_794 = arith.constant 8 : i32
          %rem3A_795 = arith.remsi %add3A_751, %rem3A_794 : i32
          %mul3A_796 = arith.constant 16 : i32
          %mul3A_797 = arith.muli %rem3A_795, %mul3A_796 : i32
          %swap3A_798 = arith.constant 0 : i32
          %swap3A_799 = arith.constant 0 : i32
          %swap3A_800 = tpu.memref_slice %arg7[%sub3A_69, %swap3A_798, %swap3A_799] : memref<2x25x128xi32, #tpu.memory_space<vmem>> -> memref<1x25x128xi32, #tpu.memory_space<vmem>>
          %swap3A_801 = tpu.memref_squeeze %swap3A_800 : memref<1x25x128xi32, #tpu.memory_space<vmem>> -> memref<25x128xi32, #tpu.memory_space<vmem>>
          %swap3A_802 = arith.constant 0 : i32
          %swap3A_803 = tpu.memref_slice %swap3A_801[%div3A_793, %swap3A_802] : memref<25x128xi32, #tpu.memory_space<vmem>> -> memref<1x128xi32, #tpu.memory_space<vmem>>
          %swap3A_804 = tpu.memref_squeeze %swap3A_803 : memref<1x128xi32, #tpu.memory_space<vmem>> -> memref<128xi32, #tpu.memory_space<vmem>>
          %swap3A_805 = arith.index_cast %mul3A_797 : i32 to index
          %swap3A_806 = tpu.vector_load %swap3A_804[%swap3A_805] {strides = array<i32>} : memref<128xi32, #tpu.memory_space<vmem>>, vector<16xi32>,
          %swap3A_807 = vector.shape_cast %swap3A_806 : vector<16xi32> to vector<16xi32>
          %swap3A_808 = vector.shape_cast %get3A_761 : vector<16xi32> to vector<16xi32>
          tpu.vector_store %swap3A_804[%swap3A_805], %swap3A_808 {strides = array<i32>} : memref<128xi32, #tpu.memory_space<vmem>>, vector<16xi32>,
          %swap3A_809 = arith.constant 0 : i32
          %swap3A_810 = arith.constant 0 : i32
          %swap3A_811 = tpu.memref_slice %arg8[%sub3A_69, %swap3A_809, %swap3A_810] : memref<2x25x128xi32, #tpu.memory_space<vmem>> -> memref<1x25x128xi32, #tpu.memory_space<vmem>>
          %swap3A_812 = tpu.memref_squeeze %swap3A_811 : memref<1x25x128xi32, #tpu.memory_space<vmem>> -> memref<25x128xi32, #tpu.memory_space<vmem>>
          %swap3A_813 = arith.constant 0 : i32
          %swap3A_814 = tpu.memref_slice %swap3A_812[%div3A_793, %swap3A_813] : memref<25x128xi32, #tpu.memory_space<vmem>> -> memref<1x128xi32, #tpu.memory_space<vmem>>
          %swap3A_815 = tpu.memref_squeeze %swap3A_814 : memref<1x128xi32, #tpu.memory_space<vmem>> -> memref<128xi32, #tpu.memory_space<vmem>>
          %swap3A_816 = arith.index_cast %mul3A_797 : i32 to index
          %swap3A_817 = tpu.vector_load %swap3A_815[%swap3A_816] {strides = array<i32>} : memref<128xi32, #tpu.memory_space<vmem>>, vector<16xi32>,
          %swap3A_818 = vector.shape_cast %swap3A_817 : vector<16xi32> to vector<16xi32>
          %swap3A_819 = vector.shape_cast %and3A_791 : vector<16xi32> to vector<16xi32>
          tpu.vector_store %swap3A_815[%swap3A_816], %swap3A_819 {strides = array<i32>} : memref<128xi32, #tpu.memory_space<vmem>>, vector<16xi32>,
        } else {
        }
        %while3A_246 = arith.constant 0 : i32
        scf.yield %while3A_246 : i32
      }
      %while3A_101 = arith.constant 1 : i32
      %while3A_102 = scf.for %while3A_151 = %while3A_98 to %while3A_94 step %while3A_101 iter_args(%while3A_152 = %while3A_100) -> (i32)  : i32 {
        %rem3A_153 = arith.constant 4 : i32
        %rem3A_154 = arith.remsi %while3A_151, %rem3A_153 : i32
        %dma_wait3A_155 = arith.constant 0 : i32
        %dma_wait3A_156 = arith.constant 0 : i32
        %dma_wait3A_157 = tpu.memref_slice %arg9[%rem3A_154, %dma_wait3A_155, %dma_wait3A_156] : memref<4x128x64xf32, #tpu.memory_space<vmem>> -> memref<1x128x64xf32, #tpu.memory_space<vmem>>
        %dma_wait3A_158 = tpu.memref_squeeze %dma_wait3A_157 : memref<1x128x64xf32, #tpu.memory_space<vmem>> -> memref<128x64xf32, #tpu.memory_space<vmem>>
        %dma_wait3A_159 = arith.constant 0 : i32
        %dma_wait3A_160 = arith.constant 0 : i32
        %dma_wait3A_161 = tpu.memref_slice %arg7[%rem3A_68, %dma_wait3A_159, %dma_wait3A_160] : memref<2x25x128xi32, #tpu.memory_space<vmem>> -> memref<1x25x128xi32, #tpu.memory_space<vmem>>
        %dma_wait3A_162 = tpu.memref_squeeze %dma_wait3A_161 : memref<1x25x128xi32, #tpu.memory_space<vmem>> -> memref<25x128xi32, #tpu.memory_space<vmem>>
        %dma_wait3A_163 = arith.constant 0 : i32
        %dma_wait3A_164 = tpu.memref_slice %dma_wait3A_162[%while3A_151, %dma_wait3A_163] : memref<25x128xi32, #tpu.memory_space<vmem>> -> memref<1x128xi32, #tpu.memory_space<vmem>>
        %dma_wait3A_165 = tpu.memref_squeeze %dma_wait3A_164 : memref<1x128xi32, #tpu.memory_space<vmem>> -> memref<128xi32, #tpu.memory_space<vmem>>
        %dma_wait3A_166 = arith.constant 0 : i32
        %dma_wait3A_167 = arith.constant 0 : i32
        %dma_wait3A_168 = tpu.memref_slice %arg3[%dma_wait3A_166, %dma_wait3A_167] : memref<100000x64xf32, #tpu.memory_space<hbm>> -> memref<100000x64xf32, #tpu.memory_space<hbm>>
        %dma_wait3A_169 = tpu.memref_slice %arg11[%rem3A_154] : memref<4x!tpu.dma_semaphore, #tpu.memory_space<semaphore_mem>> -> memref<1x!tpu.dma_semaphore, #tpu.memory_space<semaphore_mem>>
        %dma_wait3A_170 = tpu.memref_squeeze %dma_wait3A_169 : memref<1x!tpu.dma_semaphore, #tpu.memory_space<semaphore_mem>> -> memref<!tpu.dma_semaphore, #tpu.memory_space<semaphore_mem>>
        tpu.wait_indirect_dma semaphore(%dma_wait3A_170 : memref<!tpu.dma_semaphore, #tpu.memory_space<semaphore_mem>>) src(%dma_wait3A_168 : memref<100000x64xf32, #tpu.memory_space<hbm>>) dst(%dma_wait3A_158 : memref<128x64xf32, #tpu.memory_space<vmem>>)
        %dma_wait3A_171 = arith.constant 0 : i32
        %dma_wait3A_172 = arith.constant 0 : i32
        %dma_wait3A_173 = tpu.memref_slice %arg10[%rem3A_154, %dma_wait3A_171, %dma_wait3A_172] : memref<4x128x64xf32, #tpu.memory_space<vmem>> -> memref<1x128x64xf32, #tpu.memory_space<vmem>>
        %dma_wait3A_174 = tpu.memref_squeeze %dma_wait3A_173 : memref<1x128x64xf32, #tpu.memory_space<vmem>> -> memref<128x64xf32, #tpu.memory_space<vmem>>
        %dma_wait3A_175 = arith.constant 0 : i32
        %dma_wait3A_176 = arith.constant 0 : i32
        %dma_wait3A_177 = tpu.memref_slice %arg8[%rem3A_68, %dma_wait3A_175, %dma_wait3A_176] : memref<2x25x128xi32, #tpu.memory_space<vmem>> -> memref<1x25x128xi32, #tpu.memory_space<vmem>>
        %dma_wait3A_178 = tpu.memref_squeeze %dma_wait3A_177 : memref<1x25x128xi32, #tpu.memory_space<vmem>> -> memref<25x128xi32, #tpu.memory_space<vmem>>
        %dma_wait3A_179 = arith.constant 0 : i32
        %dma_wait3A_180 = tpu.memref_slice %dma_wait3A_178[%while3A_151, %dma_wait3A_179] : memref<25x128xi32, #tpu.memory_space<vmem>> -> memref<1x128xi32, #tpu.memory_space<vmem>>
        %dma_wait3A_181 = tpu.memref_squeeze %dma_wait3A_180 : memref<1x128xi32, #tpu.memory_space<vmem>> -> memref<128xi32, #tpu.memory_space<vmem>>
        %dma_wait3A_182 = arith.constant 0 : i32
        %dma_wait3A_183 = arith.constant 0 : i32
        %dma_wait3A_184 = tpu.memref_slice %arg4[%dma_wait3A_182, %dma_wait3A_183] : memref<32768x64xf32, #tpu.memory_space<hbm>> -> memref<32768x64xf32, #tpu.memory_space<hbm>>
        %dma_wait3A_185 = tpu.memref_slice %arg11[%rem3A_154] : memref<4x!tpu.dma_semaphore, #tpu.memory_space<semaphore_mem>> -> memref<1x!tpu.dma_semaphore, #tpu.memory_space<semaphore_mem>>
        %dma_wait3A_186 = tpu.memref_squeeze %dma_wait3A_185 : memref<1x!tpu.dma_semaphore, #tpu.memory_space<semaphore_mem>> -> memref<!tpu.dma_semaphore, #tpu.memory_space<semaphore_mem>>
        tpu.wait_indirect_dma semaphore(%dma_wait3A_186 : memref<!tpu.dma_semaphore, #tpu.memory_space<semaphore_mem>>) src(%dma_wait3A_184 : memref<32768x64xf32, #tpu.memory_space<hbm>>) dst(%dma_wait3A_174 : memref<128x64xf32, #tpu.memory_space<vmem>>)
        %gt3A = arith.constant 0 : i32
        %gt3A_187 = arith.cmpi sgt, %while3A_151, %gt3A : i32
        %convert_element_type3A_188 = arith.extui %gt3A_187 : i1 to i32
        %cond3A_189 = arith.constant 0 : i32
        %cond3A_190 = arith.cmpi ne, %convert_element_type3A_188, %cond3A_189 : i32
        scf.if %cond3A_190 {
          %sub3A_247 = arith.constant 1 : i32
          %sub3A_248 = arith.subi %while3A_151, %sub3A_247 : i32
          %rem3A_249 = arith.constant 4 : i32
          %rem3A_250 = arith.remsi %sub3A_248, %rem3A_249 : i32
          %mul3A_251 = arith.constant 128 : i32
          %mul3A_252 = arith.muli %sub3A_248, %mul3A_251 : i32
          %add3A_253 = arith.addi %add3A_72, %mul3A_252 : i32
          %dma_wait3A_254 = arith.constant 0 : i32
          %dma_wait3A_255 = arith.constant 0 : i32
          %dma_wait3A_256 = tpu.memref_slice %arg9[%rem3A_250, %dma_wait3A_254, %dma_wait3A_255] : memref<4x128x64xf32, #tpu.memory_space<vmem>> -> memref<1x128x64xf32, #tpu.memory_space<vmem>>
          %dma_wait3A_257 = tpu.memref_squeeze %dma_wait3A_256 : memref<1x128x64xf32, #tpu.memory_space<vmem>> -> memref<128x64xf32, #tpu.memory_space<vmem>>
          %dma_wait3A_258 = arith.constant 0 : i32
          %dma_wait3A_259 = tpu.memref_slice %arg5[%add3A_253, %dma_wait3A_258] : memref<819200x128xf32, #tpu.memory_space<hbm>> -> memref<128x128xf32, #tpu.memory_space<hbm>>
          %dma_wait3A_260 = arith.constant 0 : i32
          %dma_wait3A_261 = arith.constant 0 : i32
          %dma_wait3A_262 = tpu.memref_slice %dma_wait3A_259[%dma_wait3A_260, %dma_wait3A_261] : memref<128x128xf32, #tpu.memory_space<hbm>> -> memref<128x64xf32, #tpu.memory_space<hbm>>
          %dma_wait3A_263 = tpu.memref_slice %arg12[%rem3A_250] : memref<4x!tpu.dma_semaphore, #tpu.memory_space<semaphore_mem>> -> memref<1x!tpu.dma_semaphore, #tpu.memory_space<semaphore_mem>>
          %dma_wait3A_264 = tpu.memref_squeeze %dma_wait3A_263 : memref<1x!tpu.dma_semaphore, #tpu.memory_space<semaphore_mem>> -> memref<!tpu.dma_semaphore, #tpu.memory_space<semaphore_mem>>
          %dma_wait3A_265 = arith.constant 0 : i32
          %dma_wait3A_266 = tpu.memref_slice %arg5[%add3A_253, %dma_wait3A_265] : memref<819200x128xf32, #tpu.memory_space<hbm>> -> memref<128x128xf32, #tpu.memory_space<hbm>>
          %dma_wait3A_267 = arith.constant 0 : i32
          %dma_wait3A_268 = arith.constant 0 : i32
          %dma_wait3A_269 = tpu.memref_slice %dma_wait3A_266[%dma_wait3A_267, %dma_wait3A_268] : memref<128x128xf32, #tpu.memory_space<hbm>> -> memref<128x64xf32, #tpu.memory_space<hbm>>
          %dma_wait3A_270 = arith.constant 0 : i32
          %dma_wait3A_271 = arith.constant 0 : i32
          %dma_wait3A_272 = tpu.memref_slice %arg9[%rem3A_250, %dma_wait3A_270, %dma_wait3A_271] : memref<4x128x64xf32, #tpu.memory_space<vmem>> -> memref<1x128x64xf32, #tpu.memory_space<vmem>>
          %dma_wait3A_273 = tpu.memref_squeeze %dma_wait3A_272 : memref<1x128x64xf32, #tpu.memory_space<vmem>> -> memref<128x64xf32, #tpu.memory_space<vmem>>
          tpu.wait_dma2 semaphore(%dma_wait3A_264 : memref<!tpu.dma_semaphore, #tpu.memory_space<semaphore_mem>>) src(%dma_wait3A_273 : memref<128x64xf32, #tpu.memory_space<vmem>>) dst(%dma_wait3A_269 : memref<128x64xf32, #tpu.memory_space<hbm>>)
          %dma_wait3A_274 = arith.constant 0 : i32
          %dma_wait3A_275 = arith.constant 0 : i32
          %dma_wait3A_276 = tpu.memref_slice %arg10[%rem3A_250, %dma_wait3A_274, %dma_wait3A_275] : memref<4x128x64xf32, #tpu.memory_space<vmem>> -> memref<1x128x64xf32, #tpu.memory_space<vmem>>
          %dma_wait3A_277 = tpu.memref_squeeze %dma_wait3A_276 : memref<1x128x64xf32, #tpu.memory_space<vmem>> -> memref<128x64xf32, #tpu.memory_space<vmem>>
          %dma_wait3A_278 = arith.constant 0 : i32
          %dma_wait3A_279 = tpu.memref_slice %arg5[%add3A_253, %dma_wait3A_278] : memref<819200x128xf32, #tpu.memory_space<hbm>> -> memref<128x128xf32, #tpu.memory_space<hbm>>
          %dma_wait3A_280 = arith.constant 0 : i32
          %dma_wait3A_281 = arith.constant 64 : i32
          %dma_wait3A_282 = tpu.memref_slice %dma_wait3A_279[%dma_wait3A_280, %dma_wait3A_281] : memref<128x128xf32, #tpu.memory_space<hbm>> -> memref<128x64xf32, #tpu.memory_space<hbm>>
          %dma_wait3A_283 = tpu.memref_slice %arg12[%rem3A_250] : memref<4x!tpu.dma_semaphore, #tpu.memory_space<semaphore_mem>> -> memref<1x!tpu.dma_semaphore, #tpu.memory_space<semaphore_mem>>
          %dma_wait3A_284 = tpu.memref_squeeze %dma_wait3A_283 : memref<1x!tpu.dma_semaphore, #tpu.memory_space<semaphore_mem>> -> memref<!tpu.dma_semaphore, #tpu.memory_space<semaphore_mem>>
          %dma_wait3A_285 = arith.constant 0 : i32
          %dma_wait3A_286 = tpu.memref_slice %arg5[%add3A_253, %dma_wait3A_285] : memref<819200x128xf32, #tpu.memory_space<hbm>> -> memref<128x128xf32, #tpu.memory_space<hbm>>
          %dma_wait3A_287 = arith.constant 0 : i32
          %dma_wait3A_288 = arith.constant 64 : i32
          %dma_wait3A_289 = tpu.memref_slice %dma_wait3A_286[%dma_wait3A_287, %dma_wait3A_288] : memref<128x128xf32, #tpu.memory_space<hbm>> -> memref<128x64xf32, #tpu.memory_space<hbm>>
          %dma_wait3A_290 = arith.constant 0 : i32
          %dma_wait3A_291 = arith.constant 0 : i32
          %dma_wait3A_292 = tpu.memref_slice %arg10[%rem3A_250, %dma_wait3A_290, %dma_wait3A_291] : memref<4x128x64xf32, #tpu.memory_space<vmem>> -> memref<1x128x64xf32, #tpu.memory_space<vmem>>
          %dma_wait3A_293 = tpu.memref_squeeze %dma_wait3A_292 : memref<1x128x64xf32, #tpu.memory_space<vmem>> -> memref<128x64xf32, #tpu.memory_space<vmem>>
          tpu.wait_dma2 semaphore(%dma_wait3A_284 : memref<!tpu.dma_semaphore, #tpu.memory_space<semaphore_mem>>) src(%dma_wait3A_293 : memref<128x64xf32, #tpu.memory_space<vmem>>) dst(%dma_wait3A_289 : memref<128x64xf32, #tpu.memory_space<hbm>>)
        } else {
        }
        %add3A_191 = arith.constant 3 : i32
        %add3A_192 = arith.addi %while3A_151, %add3A_191 : i32
        %lt3A_193 = arith.constant 25 : i32
        %lt3A_194 = arith.cmpi slt, %add3A_192, %lt3A_193 : i32
        %convert_element_type3A_195 = arith.extui %lt3A_194 : i1 to i32
        %cond3A_196 = arith.constant 0 : i32
        %cond3A_197 = arith.cmpi ne, %convert_element_type3A_195, %cond3A_196 : i32
        scf.if %cond3A_197 {
          %add3A_247 = arith.constant 3 : i32
          %add3A_248 = arith.addi %while3A_151, %add3A_247 : i32
          %rem3A_249 = arith.constant 4 : i32
          %rem3A_250 = arith.remsi %add3A_248, %rem3A_249 : i32
          %dma_start3A_251 = arith.constant 0 : i32
          %dma_start3A_252 = arith.constant 0 : i32
          %dma_start3A_253 = tpu.memref_slice %arg9[%rem3A_250, %dma_start3A_251, %dma_start3A_252] : memref<4x128x64xf32, #tpu.memory_space<vmem>> -> memref<1x128x64xf32, #tpu.memory_space<vmem>>
          %dma_start3A_254 = tpu.memref_squeeze %dma_start3A_253 : memref<1x128x64xf32, #tpu.memory_space<vmem>> -> memref<128x64xf32, #tpu.memory_space<vmem>>
          %dma_start3A_255 = arith.constant 0 : i32
          %dma_start3A_256 = arith.constant 0 : i32
          %dma_start3A_257 = tpu.memref_slice %arg7[%rem3A_68, %dma_start3A_255, %dma_start3A_256] : memref<2x25x128xi32, #tpu.memory_space<vmem>> -> memref<1x25x128xi32, #tpu.memory_space<vmem>>
          %dma_start3A_258 = tpu.memref_squeeze %dma_start3A_257 : memref<1x25x128xi32, #tpu.memory_space<vmem>> -> memref<25x128xi32, #tpu.memory_space<vmem>>
          %dma_start3A_259 = arith.constant 0 : i32
          %dma_start3A_260 = tpu.memref_slice %dma_start3A_258[%add3A_248, %dma_start3A_259] : memref<25x128xi32, #tpu.memory_space<vmem>> -> memref<1x128xi32, #tpu.memory_space<vmem>>
          %dma_start3A_261 = tpu.memref_squeeze %dma_start3A_260 : memref<1x128xi32, #tpu.memory_space<vmem>> -> memref<128xi32, #tpu.memory_space<vmem>>
          %dma_start3A_262 = arith.constant 0 : i32
          %dma_start3A_263 = arith.constant 0 : i32
          %dma_start3A_264 = tpu.memref_slice %arg3[%dma_start3A_262, %dma_start3A_263] : memref<100000x64xf32, #tpu.memory_space<hbm>> -> memref<100000x64xf32, #tpu.memory_space<hbm>>
          %dma_start3A_265 = tpu.memref_slice %arg11[%rem3A_250] : memref<4x!tpu.dma_semaphore, #tpu.memory_space<semaphore_mem>> -> memref<1x!tpu.dma_semaphore, #tpu.memory_space<semaphore_mem>>
          %dma_start3A_266 = tpu.memref_squeeze %dma_start3A_265 : memref<1x!tpu.dma_semaphore, #tpu.memory_space<semaphore_mem>> -> memref<!tpu.dma_semaphore, #tpu.memory_space<semaphore_mem>>
          tpu.enqueue_indirect_dma source(%dma_start3A_264 : memref<100000x64xf32, #tpu.memory_space<hbm>>) target(%dma_start3A_254 : memref<128x64xf32, #tpu.memory_space<vmem>>) offsets(%dma_start3A_261 : memref<128xi32, #tpu.memory_space<vmem>>) semaphore(%dma_start3A_266 : memref<!tpu.dma_semaphore, #tpu.memory_space<semaphore_mem>>)
          %dma_start3A_267 = arith.constant 0 : i32
          %dma_start3A_268 = arith.constant 0 : i32
          %dma_start3A_269 = tpu.memref_slice %arg10[%rem3A_250, %dma_start3A_267, %dma_start3A_268] : memref<4x128x64xf32, #tpu.memory_space<vmem>> -> memref<1x128x64xf32, #tpu.memory_space<vmem>>
          %dma_start3A_270 = tpu.memref_squeeze %dma_start3A_269 : memref<1x128x64xf32, #tpu.memory_space<vmem>> -> memref<128x64xf32, #tpu.memory_space<vmem>>
          %dma_start3A_271 = arith.constant 0 : i32
          %dma_start3A_272 = arith.constant 0 : i32
          %dma_start3A_273 = tpu.memref_slice %arg8[%rem3A_68, %dma_start3A_271, %dma_start3A_272] : memref<2x25x128xi32, #tpu.memory_space<vmem>> -> memref<1x25x128xi32, #tpu.memory_space<vmem>>
          %dma_start3A_274 = tpu.memref_squeeze %dma_start3A_273 : memref<1x25x128xi32, #tpu.memory_space<vmem>> -> memref<25x128xi32, #tpu.memory_space<vmem>>
          %dma_start3A_275 = arith.constant 0 : i32
          %dma_start3A_276 = tpu.memref_slice %dma_start3A_274[%add3A_248, %dma_start3A_275] : memref<25x128xi32, #tpu.memory_space<vmem>> -> memref<1x128xi32, #tpu.memory_space<vmem>>
          %dma_start3A_277 = tpu.memref_squeeze %dma_start3A_276 : memref<1x128xi32, #tpu.memory_space<vmem>> -> memref<128xi32, #tpu.memory_space<vmem>>
          %dma_start3A_278 = arith.constant 0 : i32
          %dma_start3A_279 = arith.constant 0 : i32
          %dma_start3A_280 = tpu.memref_slice %arg4[%dma_start3A_278, %dma_start3A_279] : memref<32768x64xf32, #tpu.memory_space<hbm>> -> memref<32768x64xf32, #tpu.memory_space<hbm>>
          %dma_start3A_281 = tpu.memref_slice %arg11[%rem3A_250] : memref<4x!tpu.dma_semaphore, #tpu.memory_space<semaphore_mem>> -> memref<1x!tpu.dma_semaphore, #tpu.memory_space<semaphore_mem>>
          %dma_start3A_282 = tpu.memref_squeeze %dma_start3A_281 : memref<1x!tpu.dma_semaphore, #tpu.memory_space<semaphore_mem>> -> memref<!tpu.dma_semaphore, #tpu.memory_space<semaphore_mem>>
          tpu.enqueue_indirect_dma source(%dma_start3A_280 : memref<32768x64xf32, #tpu.memory_space<hbm>>) target(%dma_start3A_270 : memref<128x64xf32, #tpu.memory_space<vmem>>) offsets(%dma_start3A_277 : memref<128xi32, #tpu.memory_space<vmem>>) semaphore(%dma_start3A_282 : memref<!tpu.dma_semaphore, #tpu.memory_space<semaphore_mem>>)
        } else {
        }
        %rem3A_198 = arith.constant 4 : i32
        %rem3A_199 = arith.remsi %while3A_151, %rem3A_198 : i32
        %mul3A_200 = arith.constant 128 : i32
        %mul3A_201 = arith.muli %while3A_151, %mul3A_200 : i32
        %add3A_202 = arith.addi %add3A_72, %mul3A_201 : i32
        %dma_start3A_203 = arith.constant 0 : i32
        %dma_start3A_204 = arith.constant 0 : i32
        %dma_start3A_205 = tpu.memref_slice %arg9[%rem3A_199, %dma_start3A_203, %dma_start3A_204] : memref<4x128x64xf32, #tpu.memory_space<vmem>> -> memref<1x128x64xf32, #tpu.memory_space<vmem>>
        %dma_start3A_206 = tpu.memref_squeeze %dma_start3A_205 : memref<1x128x64xf32, #tpu.memory_space<vmem>> -> memref<128x64xf32, #tpu.memory_space<vmem>>
        %dma_start3A_207 = arith.constant 0 : i32
        %dma_start3A_208 = tpu.memref_slice %arg5[%add3A_202, %dma_start3A_207] : memref<819200x128xf32, #tpu.memory_space<hbm>> -> memref<128x128xf32, #tpu.memory_space<hbm>>
        %dma_start3A_209 = arith.constant 0 : i32
        %dma_start3A_210 = arith.constant 0 : i32
        %dma_start3A_211 = tpu.memref_slice %dma_start3A_208[%dma_start3A_209, %dma_start3A_210] : memref<128x128xf32, #tpu.memory_space<hbm>> -> memref<128x64xf32, #tpu.memory_space<hbm>>
        %dma_start3A_212 = tpu.memref_slice %arg12[%rem3A_199] : memref<4x!tpu.dma_semaphore, #tpu.memory_space<semaphore_mem>> -> memref<1x!tpu.dma_semaphore, #tpu.memory_space<semaphore_mem>>
        %dma_start3A_213 = tpu.memref_squeeze %dma_start3A_212 : memref<1x!tpu.dma_semaphore, #tpu.memory_space<semaphore_mem>> -> memref<!tpu.dma_semaphore, #tpu.memory_space<semaphore_mem>>
        %dma_start3A_214 = arith.constant 0 : i32
        %dma_start3A_215 = tpu.memref_slice %arg5[%add3A_202, %dma_start3A_214] : memref<819200x128xf32, #tpu.memory_space<hbm>> -> memref<128x128xf32, #tpu.memory_space<hbm>>
        %dma_start3A_216 = arith.constant 0 : i32
        %dma_start3A_217 = arith.constant 0 : i32
        %dma_start3A_218 = tpu.memref_slice %dma_start3A_215[%dma_start3A_216, %dma_start3A_217] : memref<128x128xf32, #tpu.memory_space<hbm>> -> memref<128x64xf32, #tpu.memory_space<hbm>>
        %dma_start3A_219 = arith.constant 0 : i32
        %dma_start3A_220 = arith.constant 0 : i32
        %dma_start3A_221 = tpu.memref_slice %arg9[%rem3A_199, %dma_start3A_219, %dma_start3A_220] : memref<4x128x64xf32, #tpu.memory_space<vmem>> -> memref<1x128x64xf32, #tpu.memory_space<vmem>>
        %dma_start3A_222 = tpu.memref_squeeze %dma_start3A_221 : memref<1x128x64xf32, #tpu.memory_space<vmem>> -> memref<128x64xf32, #tpu.memory_space<vmem>>
        tpu.enqueue_dma source(%dma_start3A_222 : memref<128x64xf32, #tpu.memory_space<vmem>>) target(%dma_start3A_218 : memref<128x64xf32, #tpu.memory_space<hbm>>) target_semaphore(%dma_start3A_213 : memref<!tpu.dma_semaphore, #tpu.memory_space<semaphore_mem>>)
        %dma_start3A_223 = arith.constant 0 : i32
        %dma_start3A_224 = arith.constant 0 : i32
        %dma_start3A_225 = tpu.memref_slice %arg10[%rem3A_199, %dma_start3A_223, %dma_start3A_224] : memref<4x128x64xf32, #tpu.memory_space<vmem>> -> memref<1x128x64xf32, #tpu.memory_space<vmem>>
        %dma_start3A_226 = tpu.memref_squeeze %dma_start3A_225 : memref<1x128x64xf32, #tpu.memory_space<vmem>> -> memref<128x64xf32, #tpu.memory_space<vmem>>
        %dma_start3A_227 = arith.constant 0 : i32
        %dma_start3A_228 = tpu.memref_slice %arg5[%add3A_202, %dma_start3A_227] : memref<819200x128xf32, #tpu.memory_space<hbm>> -> memref<128x128xf32, #tpu.memory_space<hbm>>
        %dma_start3A_229 = arith.constant 0 : i32
        %dma_start3A_230 = arith.constant 64 : i32
        %dma_start3A_231 = tpu.memref_slice %dma_start3A_228[%dma_start3A_229, %dma_start3A_230] : memref<128x128xf32, #tpu.memory_space<hbm>> -> memref<128x64xf32, #tpu.memory_space<hbm>>
        %dma_start3A_232 = tpu.memref_slice %arg12[%rem3A_199] : memref<4x!tpu.dma_semaphore, #tpu.memory_space<semaphore_mem>> -> memref<1x!tpu.dma_semaphore, #tpu.memory_space<semaphore_mem>>
        %dma_start3A_233 = tpu.memref_squeeze %dma_start3A_232 : memref<1x!tpu.dma_semaphore, #tpu.memory_space<semaphore_mem>> -> memref<!tpu.dma_semaphore, #tpu.memory_space<semaphore_mem>>
        %dma_start3A_234 = arith.constant 0 : i32
        %dma_start3A_235 = tpu.memref_slice %arg5[%add3A_202, %dma_start3A_234] : memref<819200x128xf32, #tpu.memory_space<hbm>> -> memref<128x128xf32, #tpu.memory_space<hbm>>
        %dma_start3A_236 = arith.constant 0 : i32
        %dma_start3A_237 = arith.constant 64 : i32
        %dma_start3A_238 = tpu.memref_slice %dma_start3A_235[%dma_start3A_236, %dma_start3A_237] : memref<128x128xf32, #tpu.memory_space<hbm>> -> memref<128x64xf32, #tpu.memory_space<hbm>>
        %dma_start3A_239 = arith.constant 0 : i32
        %dma_start3A_240 = arith.constant 0 : i32
        %dma_start3A_241 = tpu.memref_slice %arg10[%rem3A_199, %dma_start3A_239, %dma_start3A_240] : memref<4x128x64xf32, #tpu.memory_space<vmem>> -> memref<1x128x64xf32, #tpu.memory_space<vmem>>
        %dma_start3A_242 = tpu.memref_squeeze %dma_start3A_241 : memref<1x128x64xf32, #tpu.memory_space<vmem>> -> memref<128x64xf32, #tpu.memory_space<vmem>>
        tpu.enqueue_dma source(%dma_start3A_242 : memref<128x64xf32, #tpu.memory_space<vmem>>) target(%dma_start3A_238 : memref<128x64xf32, #tpu.memory_space<hbm>>) target_semaphore(%dma_start3A_233 : memref<!tpu.dma_semaphore, #tpu.memory_space<semaphore_mem>>)
        %convert_element_type3A_243 = arith.extui %lt3A_75 : i1 to i32
        %cond3A_244 = arith.constant 0 : i32
        %cond3A_245 = arith.cmpi ne, %convert_element_type3A_243, %cond3A_244 : i32
        scf.if %cond3A_245 {
          %eq3A = arith.constant 0 : i32
          %eq3A_247 = arith.cmpi eq, %while3A_151, %eq3A : i32
          %convert_element_type3A_248 = arith.extui %eq3A_247 : i1 to i32
          %cond3A_249 = arith.constant 0 : i32
          %cond3A_250 = arith.cmpi ne, %convert_element_type3A_248, %cond3A_249 : i32
          scf.if %cond3A_250 {
            %add3A_820 = arith.constant 1 : i32
            %add3A_821 = arith.addi %while3A_66, %add3A_820 : i32
            %mul3A_822 = arith.constant 3200 : i32
            %mul3A_823 = arith.muli %add3A_821, %mul3A_822 : i32
            %add3A_824 = arith.addi %mul3A_2, %mul3A_823 : i32
            %dma_wait3A_825 = arith.constant 0 : i32
            %dma_wait3A_826 = tpu.memref_slice %arg6[%sub3A_69, %dma_wait3A_825] : memref<2x3216xi32, #tpu.memory_space<vmem>> -> memref<1x3216xi32, #tpu.memory_space<vmem>>
            %dma_wait3A_827 = tpu.memref_squeeze %dma_wait3A_826 : memref<1x3216xi32, #tpu.memory_space<vmem>> -> memref<3216xi32, #tpu.memory_space<vmem>>
            %dma_wait3A_828 = arith.constant 16 : i32
            %dma_wait3A_829 = tpu.memref_slice %dma_wait3A_827[%dma_wait3A_828] : memref<3216xi32, #tpu.memory_space<vmem>> -> memref<3200xi32, #tpu.memory_space<vmem>>
            %dma_wait3A_830 = tpu.memref_slice %arg2[%add3A_824] : memref<819200xi32, #tpu.memory_space<hbm>> -> memref<3200xi32, #tpu.memory_space<hbm>>
            %dma_wait3A_831 = tpu.memref_slice %arg13[%sub3A_69] : memref<2x!tpu.dma_semaphore, #tpu.memory_space<semaphore_mem>> -> memref<1x!tpu.dma_semaphore, #tpu.memory_space<semaphore_mem>>
            %dma_wait3A_832 = tpu.memref_squeeze %dma_wait3A_831 : memref<1x!tpu.dma_semaphore, #tpu.memory_space<semaphore_mem>> -> memref<!tpu.dma_semaphore, #tpu.memory_space<semaphore_mem>>
            %dma_wait3A_833 = arith.constant 0 : i32
            %dma_wait3A_834 = tpu.memref_slice %arg6[%sub3A_69, %dma_wait3A_833] : memref<2x3216xi32, #tpu.memory_space<vmem>> -> memref<1x3216xi32, #tpu.memory_space<vmem>>
            %dma_wait3A_835 = tpu.memref_squeeze %dma_wait3A_834 : memref<1x3216xi32, #tpu.memory_space<vmem>> -> memref<3216xi32, #tpu.memory_space<vmem>>
            %dma_wait3A_836 = arith.constant 16 : i32
            %dma_wait3A_837 = tpu.memref_slice %dma_wait3A_835[%dma_wait3A_836] : memref<3216xi32, #tpu.memory_space<vmem>> -> memref<3200xi32, #tpu.memory_space<vmem>>
            %dma_wait3A_838 = tpu.memref_slice %arg2[%add3A_824] : memref<819200xi32, #tpu.memory_space<hbm>> -> memref<3200xi32, #tpu.memory_space<hbm>>
            tpu.wait_dma2 semaphore(%dma_wait3A_832 : memref<!tpu.dma_semaphore, #tpu.memory_space<semaphore_mem>>) src(%dma_wait3A_838 : memref<3200xi32, #tpu.memory_space<hbm>>) dst(%dma_wait3A_837 : memref<3200xi32, #tpu.memory_space<vmem>>)
          } else {
          }
          %mul3A_251 = arith.constant 8 : i32
          %mul3A_252 = arith.muli %while3A_151, %mul3A_251 : i32
          %add3A_253 = arith.constant 0 : i32
          %add3A_254 = arith.addi %mul3A_252, %add3A_253 : i32
          %mul3A_255 = arith.constant 16 : i32
          %mul3A_256 = arith.muli %add3A_254, %mul3A_255 : i32
          %add3A_257 = arith.constant 16 : i32
          %add3A_258 = arith.addi %add3A_257, %mul3A_256 : i32
          %get3A = arith.constant 0 : i32
          %get3A_259 = tpu.memref_slice %arg6[%sub3A_69, %get3A] : memref<2x3216xi32, #tpu.memory_space<vmem>> -> memref<1x3216xi32, #tpu.memory_space<vmem>>
          %get3A_260 = tpu.memref_squeeze %get3A_259 : memref<1x3216xi32, #tpu.memory_space<vmem>> -> memref<3216xi32, #tpu.memory_space<vmem>>
          %get3A_261 = arith.index_cast %add3A_258 : i32 to index
          %get3A_262 = tpu.vector_load %get3A_260[%get3A_261] {strides = array<i32>} : memref<3216xi32, #tpu.memory_space<vmem>>, vector<16xi32>,
          %get3A_263 = vector.shape_cast %get3A_262 : vector<16xi32> to vector<16xi32>
          %mul3A_264 = arith.constant 16 : i32
          %mul3A_265 = arith.muli %add3A_254, %mul3A_264 : i32
          %add3A_266 = arith.constant 15 : i32
          %add3A_267 = arith.addi %add3A_266, %mul3A_265 : i32
          %get3A_268 = arith.constant 0 : i32
          %get3A_269 = tpu.memref_slice %arg6[%sub3A_69, %get3A_268] : memref<2x3216xi32, #tpu.memory_space<vmem>> -> memref<1x3216xi32, #tpu.memory_space<vmem>>
          %get3A_270 = tpu.memref_squeeze %get3A_269 : memref<1x3216xi32, #tpu.memory_space<vmem>> -> memref<3216xi32, #tpu.memory_space<vmem>>
          %get3A_271 = arith.index_cast %add3A_267 : i32 to index
          %get3A_272 = tpu.vector_load %get3A_270[%get3A_271] {strides = array<i32>} : memref<3216xi32, #tpu.memory_space<vmem>>, vector<16xi32>,
          %get3A_273 = vector.shape_cast %get3A_272 : vector<16xi32> to vector<16xi32>
          %mul3A_274 = arith.constant 16 : i32
          %mul3A_275 = arith.muli %add3A_254, %mul3A_274 : i32
          %add3A_276 = vector.broadcast %mul3A_275 : i32 to vector<16xi32>
          %add3A_277 = arith.addi %add3A_276, %iota3A : vector<16xi32>
          %rem3A_278 = arith.constant 200 : i32
          %rem3A_279 = vector.broadcast %rem3A_278 : i32 to vector<16xi32>
          %rem3A_280 = arith.remsi %add3A_277, %rem3A_279 : vector<16xi32>
          %eq3A_281 = arith.constant 0 : i32
          %eq3A_282 = vector.broadcast %eq3A_281 : i32 to vector<16xi32>
          %eq3A_283 = arith.cmpi eq, %rem3A_280, %eq3A_282 : vector<16xi32>
          %jit3A = arith.constant 0 : i32
          %broadcast_in_dim3A = vector.broadcast %jit3A : i32 to vector<16xi32>
          %select_n3A = arith.select %eq3A_283, %broadcast_in_dim3A, %get3A_273 : vector<16xi1>, vector<16xi32>
          %mul3A_284 = arith.constant 1696 : i32
          %mul3A_285 = vector.broadcast %mul3A_284 : i32 to vector<16xi32>
          %mul3A_286 = arith.muli %select_n3A, %mul3A_285 : vector<16xi32>
          %add3A_287 = arith.addi %mul3A_286, %get3A_263 : vector<16xi32>
          %and3A = arith.constant 32767 : i32
          %and3A_288 = vector.broadcast %and3A : i32 to vector<16xi32>
          %and3A_289 = arith.andi %add3A_287, %and3A_288 : vector<16xi32>
          %div3A = arith.constant 8 : i32
          %div3A_290 = arith.divsi %add3A_254, %div3A : i32
          %rem3A_291 = arith.constant 8 : i32
          %rem3A_292 = arith.remsi %add3A_254, %rem3A_291 : i32
          %mul3A_293 = arith.constant 16 : i32
          %mul3A_294 = arith.muli %rem3A_292, %mul3A_293 : i32
          %swap3A = arith.constant 0 : i32
          %swap3A_295 = arith.constant 0 : i32
          %swap3A_296 = tpu.memref_slice %arg7[%sub3A_69, %swap3A, %swap3A_295] : memref<2x25x128xi32, #tpu.memory_space<vmem>> -> memref<1x25x128xi32, #tpu.memory_space<vmem>>
          %swap3A_297 = tpu.memref_squeeze %swap3A_296 : memref<1x25x128xi32, #tpu.memory_space<vmem>> -> memref<25x128xi32, #tpu.memory_space<vmem>>
          %swap3A_298 = arith.constant 0 : i32
          %swap3A_299 = tpu.memref_slice %swap3A_297[%div3A_290, %swap3A_298] : memref<25x128xi32, #tpu.memory_space<vmem>> -> memref<1x128xi32, #tpu.memory_space<vmem>>
          %swap3A_300 = tpu.memref_squeeze %swap3A_299 : memref<1x128xi32, #tpu.memory_space<vmem>> -> memref<128xi32, #tpu.memory_space<vmem>>
          %swap3A_301 = arith.index_cast %mul3A_294 : i32 to index
          %swap3A_302 = tpu.vector_load %swap3A_300[%swap3A_301] {strides = array<i32>} : memref<128xi32, #tpu.memory_space<vmem>>, vector<16xi32>,
          %swap3A_303 = vector.shape_cast %swap3A_302 : vector<16xi32> to vector<16xi32>
          %swap3A_304 = vector.shape_cast %get3A_263 : vector<16xi32> to vector<16xi32>
          tpu.vector_store %swap3A_300[%swap3A_301], %swap3A_304 {strides = array<i32>} : memref<128xi32, #tpu.memory_space<vmem>>, vector<16xi32>,
          %swap3A_305 = arith.constant 0 : i32
          %swap3A_306 = arith.constant 0 : i32
          %swap3A_307 = tpu.memref_slice %arg8[%sub3A_69, %swap3A_305, %swap3A_306] : memref<2x25x128xi32, #tpu.memory_space<vmem>> -> memref<1x25x128xi32, #tpu.memory_space<vmem>>
          %swap3A_308 = tpu.memref_squeeze %swap3A_307 : memref<1x25x128xi32, #tpu.memory_space<vmem>> -> memref<25x128xi32, #tpu.memory_space<vmem>>
          %swap3A_309 = arith.constant 0 : i32
          %swap3A_310 = tpu.memref_slice %swap3A_308[%div3A_290, %swap3A_309] : memref<25x128xi32, #tpu.memory_space<vmem>> -> memref<1x128xi32, #tpu.memory_space<vmem>>
          %swap3A_311 = tpu.memref_squeeze %swap3A_310 : memref<1x128xi32, #tpu.memory_space<vmem>> -> memref<128xi32, #tpu.memory_space<vmem>>
          %swap3A_312 = arith.index_cast %mul3A_294 : i32 to index
          %swap3A_313 = tpu.vector_load %swap3A_311[%swap3A_312] {strides = array<i32>} : memref<128xi32, #tpu.memory_space<vmem>>, vector<16xi32>,
          %swap3A_314 = vector.shape_cast %swap3A_313 : vector<16xi32> to vector<16xi32>
          %swap3A_315 = vector.shape_cast %and3A_289 : vector<16xi32> to vector<16xi32>
          tpu.vector_store %swap3A_311[%swap3A_312], %swap3A_315 {strides = array<i32>} : memref<128xi32, #tpu.memory_space<vmem>>, vector<16xi32>,
          %mul3A_316 = arith.constant 8 : i32
          %mul3A_317 = arith.muli %while3A_151, %mul3A_316 : i32
          %add3A_318 = arith.constant 1 : i32
          %add3A_319 = arith.addi %mul3A_317, %add3A_318 : i32
          %mul3A_320 = arith.constant 16 : i32
          %mul3A_321 = arith.muli %add3A_319, %mul3A_320 : i32
          %add3A_322 = arith.constant 16 : i32
          %add3A_323 = arith.addi %add3A_322, %mul3A_321 : i32
          %get3A_324 = arith.constant 0 : i32
          %get3A_325 = tpu.memref_slice %arg6[%sub3A_69, %get3A_324] : memref<2x3216xi32, #tpu.memory_space<vmem>> -> memref<1x3216xi32, #tpu.memory_space<vmem>>
          %get3A_326 = tpu.memref_squeeze %get3A_325 : memref<1x3216xi32, #tpu.memory_space<vmem>> -> memref<3216xi32, #tpu.memory_space<vmem>>
          %get3A_327 = arith.index_cast %add3A_323 : i32 to index
          %get3A_328 = tpu.vector_load %get3A_326[%get3A_327] {strides = array<i32>} : memref<3216xi32, #tpu.memory_space<vmem>>, vector<16xi32>,
          %get3A_329 = vector.shape_cast %get3A_328 : vector<16xi32> to vector<16xi32>
          %mul3A_330 = arith.constant 16 : i32
          %mul3A_331 = arith.muli %add3A_319, %mul3A_330 : i32
          %add3A_332 = arith.constant 15 : i32
          %add3A_333 = arith.addi %add3A_332, %mul3A_331 : i32
          %get3A_334 = arith.constant 0 : i32
          %get3A_335 = tpu.memref_slice %arg6[%sub3A_69, %get3A_334] : memref<2x3216xi32, #tpu.memory_space<vmem>> -> memref<1x3216xi32, #tpu.memory_space<vmem>>
          %get3A_336 = tpu.memref_squeeze %get3A_335 : memref<1x3216xi32, #tpu.memory_space<vmem>> -> memref<3216xi32, #tpu.memory_space<vmem>>
          %get3A_337 = arith.index_cast %add3A_333 : i32 to index
          %get3A_338 = tpu.vector_load %get3A_336[%get3A_337] {strides = array<i32>} : memref<3216xi32, #tpu.memory_space<vmem>>, vector<16xi32>,
          %get3A_339 = vector.shape_cast %get3A_338 : vector<16xi32> to vector<16xi32>
          %mul3A_340 = arith.constant 16 : i32
          %mul3A_341 = arith.muli %add3A_319, %mul3A_340 : i32
          %add3A_342 = vector.broadcast %mul3A_341 : i32 to vector<16xi32>
          %add3A_343 = arith.addi %add3A_342, %iota3A : vector<16xi32>
          %rem3A_344 = arith.constant 200 : i32
          %rem3A_345 = vector.broadcast %rem3A_344 : i32 to vector<16xi32>
          %rem3A_346 = arith.remsi %add3A_343, %rem3A_345 : vector<16xi32>
          %eq3A_347 = arith.constant 0 : i32
          %eq3A_348 = vector.broadcast %eq3A_347 : i32 to vector<16xi32>
          %eq3A_349 = arith.cmpi eq, %rem3A_346, %eq3A_348 : vector<16xi32>
          %jit3A_350 = arith.constant 0 : i32
          %broadcast_in_dim3A_351 = vector.broadcast %jit3A_350 : i32 to vector<16xi32>
          %select_n3A_352 = arith.select %eq3A_349, %broadcast_in_dim3A_351, %get3A_339 : vector<16xi1>, vector<16xi32>
          %mul3A_353 = arith.constant 1696 : i32
          %mul3A_354 = vector.broadcast %mul3A_353 : i32 to vector<16xi32>
          %mul3A_355 = arith.muli %select_n3A_352, %mul3A_354 : vector<16xi32>
          %add3A_356 = arith.addi %mul3A_355, %get3A_329 : vector<16xi32>
          %and3A_357 = arith.constant 32767 : i32
          %and3A_358 = vector.broadcast %and3A_357 : i32 to vector<16xi32>
          %and3A_359 = arith.andi %add3A_356, %and3A_358 : vector<16xi32>
          %div3A_360 = arith.constant 8 : i32
          %div3A_361 = arith.divsi %add3A_319, %div3A_360 : i32
          %rem3A_362 = arith.constant 8 : i32
          %rem3A_363 = arith.remsi %add3A_319, %rem3A_362 : i32
          %mul3A_364 = arith.constant 16 : i32
          %mul3A_365 = arith.muli %rem3A_363, %mul3A_364 : i32
          %swap3A_366 = arith.constant 0 : i32
          %swap3A_367 = arith.constant 0 : i32
          %swap3A_368 = tpu.memref_slice %arg7[%sub3A_69, %swap3A_366, %swap3A_367] : memref<2x25x128xi32, #tpu.memory_space<vmem>> -> memref<1x25x128xi32, #tpu.memory_space<vmem>>
          %swap3A_369 = tpu.memref_squeeze %swap3A_368 : memref<1x25x128xi32, #tpu.memory_space<vmem>> -> memref<25x128xi32, #tpu.memory_space<vmem>>
          %swap3A_370 = arith.constant 0 : i32
          %swap3A_371 = tpu.memref_slice %swap3A_369[%div3A_361, %swap3A_370] : memref<25x128xi32, #tpu.memory_space<vmem>> -> memref<1x128xi32, #tpu.memory_space<vmem>>
          %swap3A_372 = tpu.memref_squeeze %swap3A_371 : memref<1x128xi32, #tpu.memory_space<vmem>> -> memref<128xi32, #tpu.memory_space<vmem>>
          %swap3A_373 = arith.index_cast %mul3A_365 : i32 to index
          %swap3A_374 = tpu.vector_load %swap3A_372[%swap3A_373] {strides = array<i32>} : memref<128xi32, #tpu.memory_space<vmem>>, vector<16xi32>,
          %swap3A_375 = vector.shape_cast %swap3A_374 : vector<16xi32> to vector<16xi32>
          %swap3A_376 = vector.shape_cast %get3A_329 : vector<16xi32> to vector<16xi32>
          tpu.vector_store %swap3A_372[%swap3A_373], %swap3A_376 {strides = array<i32>} : memref<128xi32, #tpu.memory_space<vmem>>, vector<16xi32>,
          %swap3A_377 = arith.constant 0 : i32
          %swap3A_378 = arith.constant 0 : i32
          %swap3A_379 = tpu.memref_slice %arg8[%sub3A_69, %swap3A_377, %swap3A_378] : memref<2x25x128xi32, #tpu.memory_space<vmem>> -> memref<1x25x128xi32, #tpu.memory_space<vmem>>
          %swap3A_380 = tpu.memref_squeeze %swap3A_379 : memref<1x25x128xi32, #tpu.memory_space<vmem>> -> memref<25x128xi32, #tpu.memory_space<vmem>>
          %swap3A_381 = arith.constant 0 : i32
          %swap3A_382 = tpu.memref_slice %swap3A_380[%div3A_361, %swap3A_381] : memref<25x128xi32, #tpu.memory_space<vmem>> -> memref<1x128xi32, #tpu.memory_space<vmem>>
          %swap3A_383 = tpu.memref_squeeze %swap3A_382 : memref<1x128xi32, #tpu.memory_space<vmem>> -> memref<128xi32, #tpu.memory_space<vmem>>
          %swap3A_384 = arith.index_cast %mul3A_365 : i32 to index
          %swap3A_385 = tpu.vector_load %swap3A_383[%swap3A_384] {strides = array<i32>} : memref<128xi32, #tpu.memory_space<vmem>>, vector<16xi32>,
          %swap3A_386 = vector.shape_cast %swap3A_385 : vector<16xi32> to vector<16xi32>
          %swap3A_387 = vector.shape_cast %and3A_359 : vector<16xi32> to vector<16xi32>
          tpu.vector_store %swap3A_383[%swap3A_384], %swap3A_387 {strides = array<i32>} : memref<128xi32, #tpu.memory_space<vmem>>, vector<16xi32>,
          %mul3A_388 = arith.constant 8 : i32
          %mul3A_389 = arith.muli %while3A_151, %mul3A_388 : i32
          %add3A_390 = arith.constant 2 : i32
          %add3A_391 = arith.addi %mul3A_389, %add3A_390 : i32
          %mul3A_392 = arith.constant 16 : i32
          %mul3A_393 = arith.muli %add3A_391, %mul3A_392 : i32
          %add3A_394 = arith.constant 16 : i32
          %add3A_395 = arith.addi %add3A_394, %mul3A_393 : i32
          %get3A_396 = arith.constant 0 : i32
          %get3A_397 = tpu.memref_slice %arg6[%sub3A_69, %get3A_396] : memref<2x3216xi32, #tpu.memory_space<vmem>> -> memref<1x3216xi32, #tpu.memory_space<vmem>>
          %get3A_398 = tpu.memref_squeeze %get3A_397 : memref<1x3216xi32, #tpu.memory_space<vmem>> -> memref<3216xi32, #tpu.memory_space<vmem>>
          %get3A_399 = arith.index_cast %add3A_395 : i32 to index
          %get3A_400 = tpu.vector_load %get3A_398[%get3A_399] {strides = array<i32>} : memref<3216xi32, #tpu.memory_space<vmem>>, vector<16xi32>,
          %get3A_401 = vector.shape_cast %get3A_400 : vector<16xi32> to vector<16xi32>
          %mul3A_402 = arith.constant 16 : i32
          %mul3A_403 = arith.muli %add3A_391, %mul3A_402 : i32
          %add3A_404 = arith.constant 15 : i32
          %add3A_405 = arith.addi %add3A_404, %mul3A_403 : i32
          %get3A_406 = arith.constant 0 : i32
          %get3A_407 = tpu.memref_slice %arg6[%sub3A_69, %get3A_406] : memref<2x3216xi32, #tpu.memory_space<vmem>> -> memref<1x3216xi32, #tpu.memory_space<vmem>>
          %get3A_408 = tpu.memref_squeeze %get3A_407 : memref<1x3216xi32, #tpu.memory_space<vmem>> -> memref<3216xi32, #tpu.memory_space<vmem>>
          %get3A_409 = arith.index_cast %add3A_405 : i32 to index
          %get3A_410 = tpu.vector_load %get3A_408[%get3A_409] {strides = array<i32>} : memref<3216xi32, #tpu.memory_space<vmem>>, vector<16xi32>,
          %get3A_411 = vector.shape_cast %get3A_410 : vector<16xi32> to vector<16xi32>
          %mul3A_412 = arith.constant 16 : i32
          %mul3A_413 = arith.muli %add3A_391, %mul3A_412 : i32
          %add3A_414 = vector.broadcast %mul3A_413 : i32 to vector<16xi32>
          %add3A_415 = arith.addi %add3A_414, %iota3A : vector<16xi32>
          %rem3A_416 = arith.constant 200 : i32
          %rem3A_417 = vector.broadcast %rem3A_416 : i32 to vector<16xi32>
          %rem3A_418 = arith.remsi %add3A_415, %rem3A_417 : vector<16xi32>
          %eq3A_419 = arith.constant 0 : i32
          %eq3A_420 = vector.broadcast %eq3A_419 : i32 to vector<16xi32>
          %eq3A_421 = arith.cmpi eq, %rem3A_418, %eq3A_420 : vector<16xi32>
          %jit3A_422 = arith.constant 0 : i32
          %broadcast_in_dim3A_423 = vector.broadcast %jit3A_422 : i32 to vector<16xi32>
          %select_n3A_424 = arith.select %eq3A_421, %broadcast_in_dim3A_423, %get3A_411 : vector<16xi1>, vector<16xi32>
          %mul3A_425 = arith.constant 1696 : i32
          %mul3A_426 = vector.broadcast %mul3A_425 : i32 to vector<16xi32>
          %mul3A_427 = arith.muli %select_n3A_424, %mul3A_426 : vector<16xi32>
          %add3A_428 = arith.addi %mul3A_427, %get3A_401 : vector<16xi32>
          %and3A_429 = arith.constant 32767 : i32
          %and3A_430 = vector.broadcast %and3A_429 : i32 to vector<16xi32>
          %and3A_431 = arith.andi %add3A_428, %and3A_430 : vector<16xi32>
          %div3A_432 = arith.constant 8 : i32
          %div3A_433 = arith.divsi %add3A_391, %div3A_432 : i32
          %rem3A_434 = arith.constant 8 : i32
          %rem3A_435 = arith.remsi %add3A_391, %rem3A_434 : i32
          %mul3A_436 = arith.constant 16 : i32
          %mul3A_437 = arith.muli %rem3A_435, %mul3A_436 : i32
          %swap3A_438 = arith.constant 0 : i32
          %swap3A_439 = arith.constant 0 : i32
          %swap3A_440 = tpu.memref_slice %arg7[%sub3A_69, %swap3A_438, %swap3A_439] : memref<2x25x128xi32, #tpu.memory_space<vmem>> -> memref<1x25x128xi32, #tpu.memory_space<vmem>>
          %swap3A_441 = tpu.memref_squeeze %swap3A_440 : memref<1x25x128xi32, #tpu.memory_space<vmem>> -> memref<25x128xi32, #tpu.memory_space<vmem>>
          %swap3A_442 = arith.constant 0 : i32
          %swap3A_443 = tpu.memref_slice %swap3A_441[%div3A_433, %swap3A_442] : memref<25x128xi32, #tpu.memory_space<vmem>> -> memref<1x128xi32, #tpu.memory_space<vmem>>
          %swap3A_444 = tpu.memref_squeeze %swap3A_443 : memref<1x128xi32, #tpu.memory_space<vmem>> -> memref<128xi32, #tpu.memory_space<vmem>>
          %swap3A_445 = arith.index_cast %mul3A_437 : i32 to index
          %swap3A_446 = tpu.vector_load %swap3A_444[%swap3A_445] {strides = array<i32>} : memref<128xi32, #tpu.memory_space<vmem>>, vector<16xi32>,
          %swap3A_447 = vector.shape_cast %swap3A_446 : vector<16xi32> to vector<16xi32>
          %swap3A_448 = vector.shape_cast %get3A_401 : vector<16xi32> to vector<16xi32>
          tpu.vector_store %swap3A_444[%swap3A_445], %swap3A_448 {strides = array<i32>} : memref<128xi32, #tpu.memory_space<vmem>>, vector<16xi32>,
          %swap3A_449 = arith.constant 0 : i32
          %swap3A_450 = arith.constant 0 : i32
          %swap3A_451 = tpu.memref_slice %arg8[%sub3A_69, %swap3A_449, %swap3A_450] : memref<2x25x128xi32, #tpu.memory_space<vmem>> -> memref<1x25x128xi32, #tpu.memory_space<vmem>>
          %swap3A_452 = tpu.memref_squeeze %swap3A_451 : memref<1x25x128xi32, #tpu.memory_space<vmem>> -> memref<25x128xi32, #tpu.memory_space<vmem>>
          %swap3A_453 = arith.constant 0 : i32
          %swap3A_454 = tpu.memref_slice %swap3A_452[%div3A_433, %swap3A_453] : memref<25x128xi32, #tpu.memory_space<vmem>> -> memref<1x128xi32, #tpu.memory_space<vmem>>
          %swap3A_455 = tpu.memref_squeeze %swap3A_454 : memref<1x128xi32, #tpu.memory_space<vmem>> -> memref<128xi32, #tpu.memory_space<vmem>>
          %swap3A_456 = arith.index_cast %mul3A_437 : i32 to index
          %swap3A_457 = tpu.vector_load %swap3A_455[%swap3A_456] {strides = array<i32>} : memref<128xi32, #tpu.memory_space<vmem>>, vector<16xi32>,
          %swap3A_458 = vector.shape_cast %swap3A_457 : vector<16xi32> to vector<16xi32>
          %swap3A_459 = vector.shape_cast %and3A_431 : vector<16xi32> to vector<16xi32>
          tpu.vector_store %swap3A_455[%swap3A_456], %swap3A_459 {strides = array<i32>} : memref<128xi32, #tpu.memory_space<vmem>>, vector<16xi32>,
          %mul3A_460 = arith.constant 8 : i32
          %mul3A_461 = arith.muli %while3A_151, %mul3A_460 : i32
          %add3A_462 = arith.constant 3 : i32
          %add3A_463 = arith.addi %mul3A_461, %add3A_462 : i32
          %mul3A_464 = arith.constant 16 : i32
          %mul3A_465 = arith.muli %add3A_463, %mul3A_464 : i32
          %add3A_466 = arith.constant 16 : i32
          %add3A_467 = arith.addi %add3A_466, %mul3A_465 : i32
          %get3A_468 = arith.constant 0 : i32
          %get3A_469 = tpu.memref_slice %arg6[%sub3A_69, %get3A_468] : memref<2x3216xi32, #tpu.memory_space<vmem>> -> memref<1x3216xi32, #tpu.memory_space<vmem>>
          %get3A_470 = tpu.memref_squeeze %get3A_469 : memref<1x3216xi32, #tpu.memory_space<vmem>> -> memref<3216xi32, #tpu.memory_space<vmem>>
          %get3A_471 = arith.index_cast %add3A_467 : i32 to index
          %get3A_472 = tpu.vector_load %get3A_470[%get3A_471] {strides = array<i32>} : memref<3216xi32, #tpu.memory_space<vmem>>, vector<16xi32>,
          %get3A_473 = vector.shape_cast %get3A_472 : vector<16xi32> to vector<16xi32>
          %mul3A_474 = arith.constant 16 : i32
          %mul3A_475 = arith.muli %add3A_463, %mul3A_474 : i32
          %add3A_476 = arith.constant 15 : i32
          %add3A_477 = arith.addi %add3A_476, %mul3A_475 : i32
          %get3A_478 = arith.constant 0 : i32
          %get3A_479 = tpu.memref_slice %arg6[%sub3A_69, %get3A_478] : memref<2x3216xi32, #tpu.memory_space<vmem>> -> memref<1x3216xi32, #tpu.memory_space<vmem>>
          %get3A_480 = tpu.memref_squeeze %get3A_479 : memref<1x3216xi32, #tpu.memory_space<vmem>> -> memref<3216xi32, #tpu.memory_space<vmem>>
          %get3A_481 = arith.index_cast %add3A_477 : i32 to index
          %get3A_482 = tpu.vector_load %get3A_480[%get3A_481] {strides = array<i32>} : memref<3216xi32, #tpu.memory_space<vmem>>, vector<16xi32>,
          %get3A_483 = vector.shape_cast %get3A_482 : vector<16xi32> to vector<16xi32>
          %mul3A_484 = arith.constant 16 : i32
          %mul3A_485 = arith.muli %add3A_463, %mul3A_484 : i32
          %add3A_486 = vector.broadcast %mul3A_485 : i32 to vector<16xi32>
          %add3A_487 = arith.addi %add3A_486, %iota3A : vector<16xi32>
          %rem3A_488 = arith.constant 200 : i32
          %rem3A_489 = vector.broadcast %rem3A_488 : i32 to vector<16xi32>
          %rem3A_490 = arith.remsi %add3A_487, %rem3A_489 : vector<16xi32>
          %eq3A_491 = arith.constant 0 : i32
          %eq3A_492 = vector.broadcast %eq3A_491 : i32 to vector<16xi32>
          %eq3A_493 = arith.cmpi eq, %rem3A_490, %eq3A_492 : vector<16xi32>
          %jit3A_494 = arith.constant 0 : i32
          %broadcast_in_dim3A_495 = vector.broadcast %jit3A_494 : i32 to vector<16xi32>
          %select_n3A_496 = arith.select %eq3A_493, %broadcast_in_dim3A_495, %get3A_483 : vector<16xi1>, vector<16xi32>
          %mul3A_497 = arith.constant 1696 : i32
          %mul3A_498 = vector.broadcast %mul3A_497 : i32 to vector<16xi32>
          %mul3A_499 = arith.muli %select_n3A_496, %mul3A_498 : vector<16xi32>
          %add3A_500 = arith.addi %mul3A_499, %get3A_473 : vector<16xi32>
          %and3A_501 = arith.constant 32767 : i32
          %and3A_502 = vector.broadcast %and3A_501 : i32 to vector<16xi32>
          %and3A_503 = arith.andi %add3A_500, %and3A_502 : vector<16xi32>
          %div3A_504 = arith.constant 8 : i32
          %div3A_505 = arith.divsi %add3A_463, %div3A_504 : i32
          %rem3A_506 = arith.constant 8 : i32
          %rem3A_507 = arith.remsi %add3A_463, %rem3A_506 : i32
          %mul3A_508 = arith.constant 16 : i32
          %mul3A_509 = arith.muli %rem3A_507, %mul3A_508 : i32
          %swap3A_510 = arith.constant 0 : i32
          %swap3A_511 = arith.constant 0 : i32
          %swap3A_512 = tpu.memref_slice %arg7[%sub3A_69, %swap3A_510, %swap3A_511] : memref<2x25x128xi32, #tpu.memory_space<vmem>> -> memref<1x25x128xi32, #tpu.memory_space<vmem>>
          %swap3A_513 = tpu.memref_squeeze %swap3A_512 : memref<1x25x128xi32, #tpu.memory_space<vmem>> -> memref<25x128xi32, #tpu.memory_space<vmem>>
          %swap3A_514 = arith.constant 0 : i32
          %swap3A_515 = tpu.memref_slice %swap3A_513[%div3A_505, %swap3A_514] : memref<25x128xi32, #tpu.memory_space<vmem>> -> memref<1x128xi32, #tpu.memory_space<vmem>>
          %swap3A_516 = tpu.memref_squeeze %swap3A_515 : memref<1x128xi32, #tpu.memory_space<vmem>> -> memref<128xi32, #tpu.memory_space<vmem>>
          %swap3A_517 = arith.index_cast %mul3A_509 : i32 to index
          %swap3A_518 = tpu.vector_load %swap3A_516[%swap3A_517] {strides = array<i32>} : memref<128xi32, #tpu.memory_space<vmem>>, vector<16xi32>,
          %swap3A_519 = vector.shape_cast %swap3A_518 : vector<16xi32> to vector<16xi32>
          %swap3A_520 = vector.shape_cast %get3A_473 : vector<16xi32> to vector<16xi32>
          tpu.vector_store %swap3A_516[%swap3A_517], %swap3A_520 {strides = array<i32>} : memref<128xi32, #tpu.memory_space<vmem>>, vector<16xi32>,
          %swap3A_521 = arith.constant 0 : i32
          %swap3A_522 = arith.constant 0 : i32
          %swap3A_523 = tpu.memref_slice %arg8[%sub3A_69, %swap3A_521, %swap3A_522] : memref<2x25x128xi32, #tpu.memory_space<vmem>> -> memref<1x25x128xi32, #tpu.memory_space<vmem>>
          %swap3A_524 = tpu.memref_squeeze %swap3A_523 : memref<1x25x128xi32, #tpu.memory_space<vmem>> -> memref<25x128xi32, #tpu.memory_space<vmem>>
          %swap3A_525 = arith.constant 0 : i32
          %swap3A_526 = tpu.memref_slice %swap3A_524[%div3A_505, %swap3A_525] : memref<25x128xi32, #tpu.memory_space<vmem>> -> memref<1x128xi32, #tpu.memory_space<vmem>>
          %swap3A_527 = tpu.memref_squeeze %swap3A_526 : memref<1x128xi32, #tpu.memory_space<vmem>> -> memref<128xi32, #tpu.memory_space<vmem>>
          %swap3A_528 = arith.index_cast %mul3A_509 : i32 to index
          %swap3A_529 = tpu.vector_load %swap3A_527[%swap3A_528] {strides = array<i32>} : memref<128xi32, #tpu.memory_space<vmem>>, vector<16xi32>,
          %swap3A_530 = vector.shape_cast %swap3A_529 : vector<16xi32> to vector<16xi32>
          %swap3A_531 = vector.shape_cast %and3A_503 : vector<16xi32> to vector<16xi32>
          tpu.vector_store %swap3A_527[%swap3A_528], %swap3A_531 {strides = array<i32>} : memref<128xi32, #tpu.memory_space<vmem>>, vector<16xi32>,
          %mul3A_532 = arith.constant 8 : i32
          %mul3A_533 = arith.muli %while3A_151, %mul3A_532 : i32
          %add3A_534 = arith.constant 4 : i32
          %add3A_535 = arith.addi %mul3A_533, %add3A_534 : i32
          %mul3A_536 = arith.constant 16 : i32
          %mul3A_537 = arith.muli %add3A_535, %mul3A_536 : i32
          %add3A_538 = arith.constant 16 : i32
          %add3A_539 = arith.addi %add3A_538, %mul3A_537 : i32
          %get3A_540 = arith.constant 0 : i32
          %get3A_541 = tpu.memref_slice %arg6[%sub3A_69, %get3A_540] : memref<2x3216xi32, #tpu.memory_space<vmem>> -> memref<1x3216xi32, #tpu.memory_space<vmem>>
          %get3A_542 = tpu.memref_squeeze %get3A_541 : memref<1x3216xi32, #tpu.memory_space<vmem>> -> memref<3216xi32, #tpu.memory_space<vmem>>
          %get3A_543 = arith.index_cast %add3A_539 : i32 to index
          %get3A_544 = tpu.vector_load %get3A_542[%get3A_543] {strides = array<i32>} : memref<3216xi32, #tpu.memory_space<vmem>>, vector<16xi32>,
          %get3A_545 = vector.shape_cast %get3A_544 : vector<16xi32> to vector<16xi32>
          %mul3A_546 = arith.constant 16 : i32
          %mul3A_547 = arith.muli %add3A_535, %mul3A_546 : i32
          %add3A_548 = arith.constant 15 : i32
          %add3A_549 = arith.addi %add3A_548, %mul3A_547 : i32
          %get3A_550 = arith.constant 0 : i32
          %get3A_551 = tpu.memref_slice %arg6[%sub3A_69, %get3A_550] : memref<2x3216xi32, #tpu.memory_space<vmem>> -> memref<1x3216xi32, #tpu.memory_space<vmem>>
          %get3A_552 = tpu.memref_squeeze %get3A_551 : memref<1x3216xi32, #tpu.memory_space<vmem>> -> memref<3216xi32, #tpu.memory_space<vmem>>
          %get3A_553 = arith.index_cast %add3A_549 : i32 to index
          %get3A_554 = tpu.vector_load %get3A_552[%get3A_553] {strides = array<i32>} : memref<3216xi32, #tpu.memory_space<vmem>>, vector<16xi32>,
          %get3A_555 = vector.shape_cast %get3A_554 : vector<16xi32> to vector<16xi32>
          %mul3A_556 = arith.constant 16 : i32
          %mul3A_557 = arith.muli %add3A_535, %mul3A_556 : i32
          %add3A_558 = vector.broadcast %mul3A_557 : i32 to vector<16xi32>
          %add3A_559 = arith.addi %add3A_558, %iota3A : vector<16xi32>
          %rem3A_560 = arith.constant 200 : i32
          %rem3A_561 = vector.broadcast %rem3A_560 : i32 to vector<16xi32>
          %rem3A_562 = arith.remsi %add3A_559, %rem3A_561 : vector<16xi32>
          %eq3A_563 = arith.constant 0 : i32
          %eq3A_564 = vector.broadcast %eq3A_563 : i32 to vector<16xi32>
          %eq3A_565 = arith.cmpi eq, %rem3A_562, %eq3A_564 : vector<16xi32>
          %jit3A_566 = arith.constant 0 : i32
          %broadcast_in_dim3A_567 = vector.broadcast %jit3A_566 : i32 to vector<16xi32>
          %select_n3A_568 = arith.select %eq3A_565, %broadcast_in_dim3A_567, %get3A_555 : vector<16xi1>, vector<16xi32>
          %mul3A_569 = arith.constant 1696 : i32
          %mul3A_570 = vector.broadcast %mul3A_569 : i32 to vector<16xi32>
          %mul3A_571 = arith.muli %select_n3A_568, %mul3A_570 : vector<16xi32>
          %add3A_572 = arith.addi %mul3A_571, %get3A_545 : vector<16xi32>
          %and3A_573 = arith.constant 32767 : i32
          %and3A_574 = vector.broadcast %and3A_573 : i32 to vector<16xi32>
          %and3A_575 = arith.andi %add3A_572, %and3A_574 : vector<16xi32>
          %div3A_576 = arith.constant 8 : i32
          %div3A_577 = arith.divsi %add3A_535, %div3A_576 : i32
          %rem3A_578 = arith.constant 8 : i32
          %rem3A_579 = arith.remsi %add3A_535, %rem3A_578 : i32
          %mul3A_580 = arith.constant 16 : i32
          %mul3A_581 = arith.muli %rem3A_579, %mul3A_580 : i32
          %swap3A_582 = arith.constant 0 : i32
          %swap3A_583 = arith.constant 0 : i32
          %swap3A_584 = tpu.memref_slice %arg7[%sub3A_69, %swap3A_582, %swap3A_583] : memref<2x25x128xi32, #tpu.memory_space<vmem>> -> memref<1x25x128xi32, #tpu.memory_space<vmem>>
          %swap3A_585 = tpu.memref_squeeze %swap3A_584 : memref<1x25x128xi32, #tpu.memory_space<vmem>> -> memref<25x128xi32, #tpu.memory_space<vmem>>
          %swap3A_586 = arith.constant 0 : i32
          %swap3A_587 = tpu.memref_slice %swap3A_585[%div3A_577, %swap3A_586] : memref<25x128xi32, #tpu.memory_space<vmem>> -> memref<1x128xi32, #tpu.memory_space<vmem>>
          %swap3A_588 = tpu.memref_squeeze %swap3A_587 : memref<1x128xi32, #tpu.memory_space<vmem>> -> memref<128xi32, #tpu.memory_space<vmem>>
          %swap3A_589 = arith.index_cast %mul3A_581 : i32 to index
          %swap3A_590 = tpu.vector_load %swap3A_588[%swap3A_589] {strides = array<i32>} : memref<128xi32, #tpu.memory_space<vmem>>, vector<16xi32>,
          %swap3A_591 = vector.shape_cast %swap3A_590 : vector<16xi32> to vector<16xi32>
          %swap3A_592 = vector.shape_cast %get3A_545 : vector<16xi32> to vector<16xi32>
          tpu.vector_store %swap3A_588[%swap3A_589], %swap3A_592 {strides = array<i32>} : memref<128xi32, #tpu.memory_space<vmem>>, vector<16xi32>,
          %swap3A_593 = arith.constant 0 : i32
          %swap3A_594 = arith.constant 0 : i32
          %swap3A_595 = tpu.memref_slice %arg8[%sub3A_69, %swap3A_593, %swap3A_594] : memref<2x25x128xi32, #tpu.memory_space<vmem>> -> memref<1x25x128xi32, #tpu.memory_space<vmem>>
          %swap3A_596 = tpu.memref_squeeze %swap3A_595 : memref<1x25x128xi32, #tpu.memory_space<vmem>> -> memref<25x128xi32, #tpu.memory_space<vmem>>
          %swap3A_597 = arith.constant 0 : i32
          %swap3A_598 = tpu.memref_slice %swap3A_596[%div3A_577, %swap3A_597] : memref<25x128xi32, #tpu.memory_space<vmem>> -> memref<1x128xi32, #tpu.memory_space<vmem>>
          %swap3A_599 = tpu.memref_squeeze %swap3A_598 : memref<1x128xi32, #tpu.memory_space<vmem>> -> memref<128xi32, #tpu.memory_space<vmem>>
          %swap3A_600 = arith.index_cast %mul3A_581 : i32 to index
          %swap3A_601 = tpu.vector_load %swap3A_599[%swap3A_600] {strides = array<i32>} : memref<128xi32, #tpu.memory_space<vmem>>, vector<16xi32>,
          %swap3A_602 = vector.shape_cast %swap3A_601 : vector<16xi32> to vector<16xi32>
          %swap3A_603 = vector.shape_cast %and3A_575 : vector<16xi32> to vector<16xi32>
          tpu.vector_store %swap3A_599[%swap3A_600], %swap3A_603 {strides = array<i32>} : memref<128xi32, #tpu.memory_space<vmem>>, vector<16xi32>,
          %mul3A_604 = arith.constant 8 : i32
          %mul3A_605 = arith.muli %while3A_151, %mul3A_604 : i32
          %add3A_606 = arith.constant 5 : i32
          %add3A_607 = arith.addi %mul3A_605, %add3A_606 : i32
          %mul3A_608 = arith.constant 16 : i32
          %mul3A_609 = arith.muli %add3A_607, %mul3A_608 : i32
          %add3A_610 = arith.constant 16 : i32
          %add3A_611 = arith.addi %add3A_610, %mul3A_609 : i32
          %get3A_612 = arith.constant 0 : i32
          %get3A_613 = tpu.memref_slice %arg6[%sub3A_69, %get3A_612] : memref<2x3216xi32, #tpu.memory_space<vmem>> -> memref<1x3216xi32, #tpu.memory_space<vmem>>
          %get3A_614 = tpu.memref_squeeze %get3A_613 : memref<1x3216xi32, #tpu.memory_space<vmem>> -> memref<3216xi32, #tpu.memory_space<vmem>>
          %get3A_615 = arith.index_cast %add3A_611 : i32 to index
          %get3A_616 = tpu.vector_load %get3A_614[%get3A_615] {strides = array<i32>} : memref<3216xi32, #tpu.memory_space<vmem>>, vector<16xi32>,
          %get3A_617 = vector.shape_cast %get3A_616 : vector<16xi32> to vector<16xi32>
          %mul3A_618 = arith.constant 16 : i32
          %mul3A_619 = arith.muli %add3A_607, %mul3A_618 : i32
          %add3A_620 = arith.constant 15 : i32
          %add3A_621 = arith.addi %add3A_620, %mul3A_619 : i32
          %get3A_622 = arith.constant 0 : i32
          %get3A_623 = tpu.memref_slice %arg6[%sub3A_69, %get3A_622] : memref<2x3216xi32, #tpu.memory_space<vmem>> -> memref<1x3216xi32, #tpu.memory_space<vmem>>
          %get3A_624 = tpu.memref_squeeze %get3A_623 : memref<1x3216xi32, #tpu.memory_space<vmem>> -> memref<3216xi32, #tpu.memory_space<vmem>>
          %get3A_625 = arith.index_cast %add3A_621 : i32 to index
          %get3A_626 = tpu.vector_load %get3A_624[%get3A_625] {strides = array<i32>} : memref<3216xi32, #tpu.memory_space<vmem>>, vector<16xi32>,
          %get3A_627 = vector.shape_cast %get3A_626 : vector<16xi32> to vector<16xi32>
          %mul3A_628 = arith.constant 16 : i32
          %mul3A_629 = arith.muli %add3A_607, %mul3A_628 : i32
          %add3A_630 = vector.broadcast %mul3A_629 : i32 to vector<16xi32>
          %add3A_631 = arith.addi %add3A_630, %iota3A : vector<16xi32>
          %rem3A_632 = arith.constant 200 : i32
          %rem3A_633 = vector.broadcast %rem3A_632 : i32 to vector<16xi32>
          %rem3A_634 = arith.remsi %add3A_631, %rem3A_633 : vector<16xi32>
          %eq3A_635 = arith.constant 0 : i32
          %eq3A_636 = vector.broadcast %eq3A_635 : i32 to vector<16xi32>
          %eq3A_637 = arith.cmpi eq, %rem3A_634, %eq3A_636 : vector<16xi32>
          %jit3A_638 = arith.constant 0 : i32
          %broadcast_in_dim3A_639 = vector.broadcast %jit3A_638 : i32 to vector<16xi32>
          %select_n3A_640 = arith.select %eq3A_637, %broadcast_in_dim3A_639, %get3A_627 : vector<16xi1>, vector<16xi32>
          %mul3A_641 = arith.constant 1696 : i32
          %mul3A_642 = vector.broadcast %mul3A_641 : i32 to vector<16xi32>
          %mul3A_643 = arith.muli %select_n3A_640, %mul3A_642 : vector<16xi32>
          %add3A_644 = arith.addi %mul3A_643, %get3A_617 : vector<16xi32>
          %and3A_645 = arith.constant 32767 : i32
          %and3A_646 = vector.broadcast %and3A_645 : i32 to vector<16xi32>
          %and3A_647 = arith.andi %add3A_644, %and3A_646 : vector<16xi32>
          %div3A_648 = arith.constant 8 : i32
          %div3A_649 = arith.divsi %add3A_607, %div3A_648 : i32
          %rem3A_650 = arith.constant 8 : i32
          %rem3A_651 = arith.remsi %add3A_607, %rem3A_650 : i32
          %mul3A_652 = arith.constant 16 : i32
          %mul3A_653 = arith.muli %rem3A_651, %mul3A_652 : i32
          %swap3A_654 = arith.constant 0 : i32
          %swap3A_655 = arith.constant 0 : i32
          %swap3A_656 = tpu.memref_slice %arg7[%sub3A_69, %swap3A_654, %swap3A_655] : memref<2x25x128xi32, #tpu.memory_space<vmem>> -> memref<1x25x128xi32, #tpu.memory_space<vmem>>
          %swap3A_657 = tpu.memref_squeeze %swap3A_656 : memref<1x25x128xi32, #tpu.memory_space<vmem>> -> memref<25x128xi32, #tpu.memory_space<vmem>>
          %swap3A_658 = arith.constant 0 : i32
          %swap3A_659 = tpu.memref_slice %swap3A_657[%div3A_649, %swap3A_658] : memref<25x128xi32, #tpu.memory_space<vmem>> -> memref<1x128xi32, #tpu.memory_space<vmem>>
          %swap3A_660 = tpu.memref_squeeze %swap3A_659 : memref<1x128xi32, #tpu.memory_space<vmem>> -> memref<128xi32, #tpu.memory_space<vmem>>
          %swap3A_661 = arith.index_cast %mul3A_653 : i32 to index
          %swap3A_662 = tpu.vector_load %swap3A_660[%swap3A_661] {strides = array<i32>} : memref<128xi32, #tpu.memory_space<vmem>>, vector<16xi32>,
          %swap3A_663 = vector.shape_cast %swap3A_662 : vector<16xi32> to vector<16xi32>
          %swap3A_664 = vector.shape_cast %get3A_617 : vector<16xi32> to vector<16xi32>
          tpu.vector_store %swap3A_660[%swap3A_661], %swap3A_664 {strides = array<i32>} : memref<128xi32, #tpu.memory_space<vmem>>, vector<16xi32>,
          %swap3A_665 = arith.constant 0 : i32
          %swap3A_666 = arith.constant 0 : i32
          %swap3A_667 = tpu.memref_slice %arg8[%sub3A_69, %swap3A_665, %swap3A_666] : memref<2x25x128xi32, #tpu.memory_space<vmem>> -> memref<1x25x128xi32, #tpu.memory_space<vmem>>
          %swap3A_668 = tpu.memref_squeeze %swap3A_667 : memref<1x25x128xi32, #tpu.memory_space<vmem>> -> memref<25x128xi32, #tpu.memory_space<vmem>>
          %swap3A_669 = arith.constant 0 : i32
          %swap3A_670 = tpu.memref_slice %swap3A_668[%div3A_649, %swap3A_669] : memref<25x128xi32, #tpu.memory_space<vmem>> -> memref<1x128xi32, #tpu.memory_space<vmem>>
          %swap3A_671 = tpu.memref_squeeze %swap3A_670 : memref<1x128xi32, #tpu.memory_space<vmem>> -> memref<128xi32, #tpu.memory_space<vmem>>
          %swap3A_672 = arith.index_cast %mul3A_653 : i32 to index
          %swap3A_673 = tpu.vector_load %swap3A_671[%swap3A_672] {strides = array<i32>} : memref<128xi32, #tpu.memory_space<vmem>>, vector<16xi32>,
          %swap3A_674 = vector.shape_cast %swap3A_673 : vector<16xi32> to vector<16xi32>
          %swap3A_675 = vector.shape_cast %and3A_647 : vector<16xi32> to vector<16xi32>
          tpu.vector_store %swap3A_671[%swap3A_672], %swap3A_675 {strides = array<i32>} : memref<128xi32, #tpu.memory_space<vmem>>, vector<16xi32>,
          %mul3A_676 = arith.constant 8 : i32
          %mul3A_677 = arith.muli %while3A_151, %mul3A_676 : i32
          %add3A_678 = arith.constant 6 : i32
          %add3A_679 = arith.addi %mul3A_677, %add3A_678 : i32
          %mul3A_680 = arith.constant 16 : i32
          %mul3A_681 = arith.muli %add3A_679, %mul3A_680 : i32
          %add3A_682 = arith.constant 16 : i32
          %add3A_683 = arith.addi %add3A_682, %mul3A_681 : i32
          %get3A_684 = arith.constant 0 : i32
          %get3A_685 = tpu.memref_slice %arg6[%sub3A_69, %get3A_684] : memref<2x3216xi32, #tpu.memory_space<vmem>> -> memref<1x3216xi32, #tpu.memory_space<vmem>>
          %get3A_686 = tpu.memref_squeeze %get3A_685 : memref<1x3216xi32, #tpu.memory_space<vmem>> -> memref<3216xi32, #tpu.memory_space<vmem>>
          %get3A_687 = arith.index_cast %add3A_683 : i32 to index
          %get3A_688 = tpu.vector_load %get3A_686[%get3A_687] {strides = array<i32>} : memref<3216xi32, #tpu.memory_space<vmem>>, vector<16xi32>,
          %get3A_689 = vector.shape_cast %get3A_688 : vector<16xi32> to vector<16xi32>
          %mul3A_690 = arith.constant 16 : i32
          %mul3A_691 = arith.muli %add3A_679, %mul3A_690 : i32
          %add3A_692 = arith.constant 15 : i32
          %add3A_693 = arith.addi %add3A_692, %mul3A_691 : i32
          %get3A_694 = arith.constant 0 : i32
          %get3A_695 = tpu.memref_slice %arg6[%sub3A_69, %get3A_694] : memref<2x3216xi32, #tpu.memory_space<vmem>> -> memref<1x3216xi32, #tpu.memory_space<vmem>>
          %get3A_696 = tpu.memref_squeeze %get3A_695 : memref<1x3216xi32, #tpu.memory_space<vmem>> -> memref<3216xi32, #tpu.memory_space<vmem>>
          %get3A_697 = arith.index_cast %add3A_693 : i32 to index
          %get3A_698 = tpu.vector_load %get3A_696[%get3A_697] {strides = array<i32>} : memref<3216xi32, #tpu.memory_space<vmem>>, vector<16xi32>,
          %get3A_699 = vector.shape_cast %get3A_698 : vector<16xi32> to vector<16xi32>
          %mul3A_700 = arith.constant 16 : i32
          %mul3A_701 = arith.muli %add3A_679, %mul3A_700 : i32
          %add3A_702 = vector.broadcast %mul3A_701 : i32 to vector<16xi32>
          %add3A_703 = arith.addi %add3A_702, %iota3A : vector<16xi32>
          %rem3A_704 = arith.constant 200 : i32
          %rem3A_705 = vector.broadcast %rem3A_704 : i32 to vector<16xi32>
          %rem3A_706 = arith.remsi %add3A_703, %rem3A_705 : vector<16xi32>
          %eq3A_707 = arith.constant 0 : i32
          %eq3A_708 = vector.broadcast %eq3A_707 : i32 to vector<16xi32>
          %eq3A_709 = arith.cmpi eq, %rem3A_706, %eq3A_708 : vector<16xi32>
          %jit3A_710 = arith.constant 0 : i32
          %broadcast_in_dim3A_711 = vector.broadcast %jit3A_710 : i32 to vector<16xi32>
          %select_n3A_712 = arith.select %eq3A_709, %broadcast_in_dim3A_711, %get3A_699 : vector<16xi1>, vector<16xi32>
          %mul3A_713 = arith.constant 1696 : i32
          %mul3A_714 = vector.broadcast %mul3A_713 : i32 to vector<16xi32>
          %mul3A_715 = arith.muli %select_n3A_712, %mul3A_714 : vector<16xi32>
          %add3A_716 = arith.addi %mul3A_715, %get3A_689 : vector<16xi32>
          %and3A_717 = arith.constant 32767 : i32
          %and3A_718 = vector.broadcast %and3A_717 : i32 to vector<16xi32>
          %and3A_719 = arith.andi %add3A_716, %and3A_718 : vector<16xi32>
          %div3A_720 = arith.constant 8 : i32
          %div3A_721 = arith.divsi %add3A_679, %div3A_720 : i32
          %rem3A_722 = arith.constant 8 : i32
          %rem3A_723 = arith.remsi %add3A_679, %rem3A_722 : i32
          %mul3A_724 = arith.constant 16 : i32
          %mul3A_725 = arith.muli %rem3A_723, %mul3A_724 : i32
          %swap3A_726 = arith.constant 0 : i32
          %swap3A_727 = arith.constant 0 : i32
          %swap3A_728 = tpu.memref_slice %arg7[%sub3A_69, %swap3A_726, %swap3A_727] : memref<2x25x128xi32, #tpu.memory_space<vmem>> -> memref<1x25x128xi32, #tpu.memory_space<vmem>>
          %swap3A_729 = tpu.memref_squeeze %swap3A_728 : memref<1x25x128xi32, #tpu.memory_space<vmem>> -> memref<25x128xi32, #tpu.memory_space<vmem>>
          %swap3A_730 = arith.constant 0 : i32
          %swap3A_731 = tpu.memref_slice %swap3A_729[%div3A_721, %swap3A_730] : memref<25x128xi32, #tpu.memory_space<vmem>> -> memref<1x128xi32, #tpu.memory_space<vmem>>
          %swap3A_732 = tpu.memref_squeeze %swap3A_731 : memref<1x128xi32, #tpu.memory_space<vmem>> -> memref<128xi32, #tpu.memory_space<vmem>>
          %swap3A_733 = arith.index_cast %mul3A_725 : i32 to index
          %swap3A_734 = tpu.vector_load %swap3A_732[%swap3A_733] {strides = array<i32>} : memref<128xi32, #tpu.memory_space<vmem>>, vector<16xi32>,
          %swap3A_735 = vector.shape_cast %swap3A_734 : vector<16xi32> to vector<16xi32>
          %swap3A_736 = vector.shape_cast %get3A_689 : vector<16xi32> to vector<16xi32>
          tpu.vector_store %swap3A_732[%swap3A_733], %swap3A_736 {strides = array<i32>} : memref<128xi32, #tpu.memory_space<vmem>>, vector<16xi32>,
          %swap3A_737 = arith.constant 0 : i32
          %swap3A_738 = arith.constant 0 : i32
          %swap3A_739 = tpu.memref_slice %arg8[%sub3A_69, %swap3A_737, %swap3A_738] : memref<2x25x128xi32, #tpu.memory_space<vmem>> -> memref<1x25x128xi32, #tpu.memory_space<vmem>>
          %swap3A_740 = tpu.memref_squeeze %swap3A_739 : memref<1x25x128xi32, #tpu.memory_space<vmem>> -> memref<25x128xi32, #tpu.memory_space<vmem>>
          %swap3A_741 = arith.constant 0 : i32
          %swap3A_742 = tpu.memref_slice %swap3A_740[%div3A_721, %swap3A_741] : memref<25x128xi32, #tpu.memory_space<vmem>> -> memref<1x128xi32, #tpu.memory_space<vmem>>
          %swap3A_743 = tpu.memref_squeeze %swap3A_742 : memref<1x128xi32, #tpu.memory_space<vmem>> -> memref<128xi32, #tpu.memory_space<vmem>>
          %swap3A_744 = arith.index_cast %mul3A_725 : i32 to index
          %swap3A_745 = tpu.vector_load %swap3A_743[%swap3A_744] {strides = array<i32>} : memref<128xi32, #tpu.memory_space<vmem>>, vector<16xi32>,
          %swap3A_746 = vector.shape_cast %swap3A_745 : vector<16xi32> to vector<16xi32>
          %swap3A_747 = vector.shape_cast %and3A_719 : vector<16xi32> to vector<16xi32>
          tpu.vector_store %swap3A_743[%swap3A_744], %swap3A_747 {strides = array<i32>} : memref<128xi32, #tpu.memory_space<vmem>>, vector<16xi32>,
          %mul3A_748 = arith.constant 8 : i32
          %mul3A_749 = arith.muli %while3A_151, %mul3A_748 : i32
          %add3A_750 = arith.constant 7 : i32
          %add3A_751 = arith.addi %mul3A_749, %add3A_750 : i32
          %mul3A_752 = arith.constant 16 : i32
          %mul3A_753 = arith.muli %add3A_751, %mul3A_752 : i32
          %add3A_754 = arith.constant 16 : i32
          %add3A_755 = arith.addi %add3A_754, %mul3A_753 : i32
          %get3A_756 = arith.constant 0 : i32
          %get3A_757 = tpu.memref_slice %arg6[%sub3A_69, %get3A_756] : memref<2x3216xi32, #tpu.memory_space<vmem>> -> memref<1x3216xi32, #tpu.memory_space<vmem>>
          %get3A_758 = tpu.memref_squeeze %get3A_757 : memref<1x3216xi32, #tpu.memory_space<vmem>> -> memref<3216xi32, #tpu.memory_space<vmem>>
          %get3A_759 = arith.index_cast %add3A_755 : i32 to index
          %get3A_760 = tpu.vector_load %get3A_758[%get3A_759] {strides = array<i32>} : memref<3216xi32, #tpu.memory_space<vmem>>, vector<16xi32>,
          %get3A_761 = vector.shape_cast %get3A_760 : vector<16xi32> to vector<16xi32>
          %mul3A_762 = arith.constant 16 : i32
          %mul3A_763 = arith.muli %add3A_751, %mul3A_762 : i32
          %add3A_764 = arith.constant 15 : i32
          %add3A_765 = arith.addi %add3A_764, %mul3A_763 : i32
          %get3A_766 = arith.constant 0 : i32
          %get3A_767 = tpu.memref_slice %arg6[%sub3A_69, %get3A_766] : memref<2x3216xi32, #tpu.memory_space<vmem>> -> memref<1x3216xi32, #tpu.memory_space<vmem>>
          %get3A_768 = tpu.memref_squeeze %get3A_767 : memref<1x3216xi32, #tpu.memory_space<vmem>> -> memref<3216xi32, #tpu.memory_space<vmem>>
          %get3A_769 = arith.index_cast %add3A_765 : i32 to index
          %get3A_770 = tpu.vector_load %get3A_768[%get3A_769] {strides = array<i32>} : memref<3216xi32, #tpu.memory_space<vmem>>, vector<16xi32>,
          %get3A_771 = vector.shape_cast %get3A_770 : vector<16xi32> to vector<16xi32>
          %mul3A_772 = arith.constant 16 : i32
          %mul3A_773 = arith.muli %add3A_751, %mul3A_772 : i32
          %add3A_774 = vector.broadcast %mul3A_773 : i32 to vector<16xi32>
          %add3A_775 = arith.addi %add3A_774, %iota3A : vector<16xi32>
          %rem3A_776 = arith.constant 200 : i32
          %rem3A_777 = vector.broadcast %rem3A_776 : i32 to vector<16xi32>
          %rem3A_778 = arith.remsi %add3A_775, %rem3A_777 : vector<16xi32>
          %eq3A_779 = arith.constant 0 : i32
          %eq3A_780 = vector.broadcast %eq3A_779 : i32 to vector<16xi32>
          %eq3A_781 = arith.cmpi eq, %rem3A_778, %eq3A_780 : vector<16xi32>
          %jit3A_782 = arith.constant 0 : i32
          %broadcast_in_dim3A_783 = vector.broadcast %jit3A_782 : i32 to vector<16xi32>
          %select_n3A_784 = arith.select %eq3A_781, %broadcast_in_dim3A_783, %get3A_771 : vector<16xi1>, vector<16xi32>
          %mul3A_785 = arith.constant 1696 : i32
          %mul3A_786 = vector.broadcast %mul3A_785 : i32 to vector<16xi32>
          %mul3A_787 = arith.muli %select_n3A_784, %mul3A_786 : vector<16xi32>
          %add3A_788 = arith.addi %mul3A_787, %get3A_761 : vector<16xi32>
          %and3A_789 = arith.constant 32767 : i32
          %and3A_790 = vector.broadcast %and3A_789 : i32 to vector<16xi32>
          %and3A_791 = arith.andi %add3A_788, %and3A_790 : vector<16xi32>
          %div3A_792 = arith.constant 8 : i32
          %div3A_793 = arith.divsi %add3A_751, %div3A_792 : i32
          %rem3A_794 = arith.constant 8 : i32
          %rem3A_795 = arith.remsi %add3A_751, %rem3A_794 : i32
          %mul3A_796 = arith.constant 16 : i32
          %mul3A_797 = arith.muli %rem3A_795, %mul3A_796 : i32
          %swap3A_798 = arith.constant 0 : i32
          %swap3A_799 = arith.constant 0 : i32
          %swap3A_800 = tpu.memref_slice %arg7[%sub3A_69, %swap3A_798, %swap3A_799] : memref<2x25x128xi32, #tpu.memory_space<vmem>> -> memref<1x25x128xi32, #tpu.memory_space<vmem>>
          %swap3A_801 = tpu.memref_squeeze %swap3A_800 : memref<1x25x128xi32, #tpu.memory_space<vmem>> -> memref<25x128xi32, #tpu.memory_space<vmem>>
          %swap3A_802 = arith.constant 0 : i32
          %swap3A_803 = tpu.memref_slice %swap3A_801[%div3A_793, %swap3A_802] : memref<25x128xi32, #tpu.memory_space<vmem>> -> memref<1x128xi32, #tpu.memory_space<vmem>>
          %swap3A_804 = tpu.memref_squeeze %swap3A_803 : memref<1x128xi32, #tpu.memory_space<vmem>> -> memref<128xi32, #tpu.memory_space<vmem>>
          %swap3A_805 = arith.index_cast %mul3A_797 : i32 to index
          %swap3A_806 = tpu.vector_load %swap3A_804[%swap3A_805] {strides = array<i32>} : memref<128xi32, #tpu.memory_space<vmem>>, vector<16xi32>,
          %swap3A_807 = vector.shape_cast %swap3A_806 : vector<16xi32> to vector<16xi32>
          %swap3A_808 = vector.shape_cast %get3A_761 : vector<16xi32> to vector<16xi32>
          tpu.vector_store %swap3A_804[%swap3A_805], %swap3A_808 {strides = array<i32>} : memref<128xi32, #tpu.memory_space<vmem>>, vector<16xi32>,
          %swap3A_809 = arith.constant 0 : i32
          %swap3A_810 = arith.constant 0 : i32
          %swap3A_811 = tpu.memref_slice %arg8[%sub3A_69, %swap3A_809, %swap3A_810] : memref<2x25x128xi32, #tpu.memory_space<vmem>> -> memref<1x25x128xi32, #tpu.memory_space<vmem>>
          %swap3A_812 = tpu.memref_squeeze %swap3A_811 : memref<1x25x128xi32, #tpu.memory_space<vmem>> -> memref<25x128xi32, #tpu.memory_space<vmem>>
          %swap3A_813 = arith.constant 0 : i32
          %swap3A_814 = tpu.memref_slice %swap3A_812[%div3A_793, %swap3A_813] : memref<25x128xi32, #tpu.memory_space<vmem>> -> memref<1x128xi32, #tpu.memory_space<vmem>>
          %swap3A_815 = tpu.memref_squeeze %swap3A_814 : memref<1x128xi32, #tpu.memory_space<vmem>> -> memref<128xi32, #tpu.memory_space<vmem>>
          %swap3A_816 = arith.index_cast %mul3A_797 : i32 to index
          %swap3A_817 = tpu.vector_load %swap3A_815[%swap3A_816] {strides = array<i32>} : memref<128xi32, #tpu.memory_space<vmem>>, vector<16xi32>,
          %swap3A_818 = vector.shape_cast %swap3A_817 : vector<16xi32> to vector<16xi32>
          %swap3A_819 = vector.shape_cast %and3A_791 : vector<16xi32> to vector<16xi32>
          tpu.vector_store %swap3A_815[%swap3A_816], %swap3A_819 {strides = array<i32>} : memref<128xi32, #tpu.memory_space<vmem>>, vector<16xi32>,
        } else {
        }
        %while3A_246 = arith.constant 0 : i32
        scf.yield %while3A_246 : i32
      }
      %rem3A_103 = arith.constant 24 : i32
      %rem3A_104 = arith.constant 4 : i32
      %rem3A_105 = arith.remsi %rem3A_103, %rem3A_104 : i32
      %mul3A_106 = arith.constant 24 : i32
      %mul3A_107 = arith.constant 128 : i32
      %mul3A_108 = arith.muli %mul3A_106, %mul3A_107 : i32
      %add3A_109 = arith.addi %add3A_72, %mul3A_108 : i32
      %dma_wait3A_110 = arith.constant 0 : i32
      %dma_wait3A_111 = arith.constant 0 : i32
      %dma_wait3A_112 = tpu.memref_slice %arg9[%rem3A_105, %dma_wait3A_110, %dma_wait3A_111] : memref<4x128x64xf32, #tpu.memory_space<vmem>> -> memref<1x128x64xf32, #tpu.memory_space<vmem>>
      %dma_wait3A_113 = tpu.memref_squeeze %dma_wait3A_112 : memref<1x128x64xf32, #tpu.memory_space<vmem>> -> memref<128x64xf32, #tpu.memory_space<vmem>>
      %dma_wait3A_114 = arith.constant 0 : i32
      %dma_wait3A_115 = tpu.memref_slice %arg5[%add3A_109, %dma_wait3A_114] : memref<819200x128xf32, #tpu.memory_space<hbm>> -> memref<128x128xf32, #tpu.memory_space<hbm>>
      %dma_wait3A_116 = arith.constant 0 : i32
      %dma_wait3A_117 = arith.constant 0 : i32
      %dma_wait3A_118 = tpu.memref_slice %dma_wait3A_115[%dma_wait3A_116, %dma_wait3A_117] : memref<128x128xf32, #tpu.memory_space<hbm>> -> memref<128x64xf32, #tpu.memory_space<hbm>>
      %dma_wait3A_119 = tpu.memref_slice %arg12[%rem3A_105] : memref<4x!tpu.dma_semaphore, #tpu.memory_space<semaphore_mem>> -> memref<1x!tpu.dma_semaphore, #tpu.memory_space<semaphore_mem>>
      %dma_wait3A_120 = tpu.memref_squeeze %dma_wait3A_119 : memref<1x!tpu.dma_semaphore, #tpu.memory_space<semaphore_mem>> -> memref<!tpu.dma_semaphore, #tpu.memory_space<semaphore_mem>>
      %dma_wait3A_121 = arith.constant 0 : i32
      %dma_wait3A_122 = tpu.memref_slice %arg5[%add3A_109, %dma_wait3A_121] : memref<819200x128xf32, #tpu.memory_space<hbm>> -> memref<128x128xf32, #tpu.memory_space<hbm>>
      %dma_wait3A_123 = arith.constant 0 : i32
      %dma_wait3A_124 = arith.constant 0 : i32
      %dma_wait3A_125 = tpu.memref_slice %dma_wait3A_122[%dma_wait3A_123, %dma_wait3A_124] : memref<128x128xf32, #tpu.memory_space<hbm>> -> memref<128x64xf32, #tpu.memory_space<hbm>>
      %dma_wait3A_126 = arith.constant 0 : i32
      %dma_wait3A_127 = arith.constant 0 : i32
      %dma_wait3A_128 = tpu.memref_slice %arg9[%rem3A_105, %dma_wait3A_126, %dma_wait3A_127] : memref<4x128x64xf32, #tpu.memory_space<vmem>> -> memref<1x128x64xf32, #tpu.memory_space<vmem>>
      %dma_wait3A_129 = tpu.memref_squeeze %dma_wait3A_128 : memref<1x128x64xf32, #tpu.memory_space<vmem>> -> memref<128x64xf32, #tpu.memory_space<vmem>>
      tpu.wait_dma2 semaphore(%dma_wait3A_120 : memref<!tpu.dma_semaphore, #tpu.memory_space<semaphore_mem>>) src(%dma_wait3A_129 : memref<128x64xf32, #tpu.memory_space<vmem>>) dst(%dma_wait3A_125 : memref<128x64xf32, #tpu.memory_space<hbm>>)
      %dma_wait3A_130 = arith.constant 0 : i32
      %dma_wait3A_131 = arith.constant 0 : i32
      %dma_wait3A_132 = tpu.memref_slice %arg10[%rem3A_105, %dma_wait3A_130, %dma_wait3A_131] : memref<4x128x64xf32, #tpu.memory_space<vmem>> -> memref<1x128x64xf32, #tpu.memory_space<vmem>>
      %dma_wait3A_133 = tpu.memref_squeeze %dma_wait3A_132 : memref<1x128x64xf32, #tpu.memory_space<vmem>> -> memref<128x64xf32, #tpu.memory_space<vmem>>
      %dma_wait3A_134 = arith.constant 0 : i32
      %dma_wait3A_135 = tpu.memref_slice %arg5[%add3A_109, %dma_wait3A_134] : memref<819200x128xf32, #tpu.memory_space<hbm>> -> memref<128x128xf32, #tpu.memory_space<hbm>>
      %dma_wait3A_136 = arith.constant 0 : i32
      %dma_wait3A_137 = arith.constant 64 : i32
      %dma_wait3A_138 = tpu.memref_slice %dma_wait3A_135[%dma_wait3A_136, %dma_wait3A_137] : memref<128x128xf32, #tpu.memory_space<hbm>> -> memref<128x64xf32, #tpu.memory_space<hbm>>
      %dma_wait3A_139 = tpu.memref_slice %arg12[%rem3A_105] : memref<4x!tpu.dma_semaphore, #tpu.memory_space<semaphore_mem>> -> memref<1x!tpu.dma_semaphore, #tpu.memory_space<semaphore_mem>>
      %dma_wait3A_140 = tpu.memref_squeeze %dma_wait3A_139 : memref<1x!tpu.dma_semaphore, #tpu.memory_space<semaphore_mem>> -> memref<!tpu.dma_semaphore, #tpu.memory_space<semaphore_mem>>
      %dma_wait3A_141 = arith.constant 0 : i32
      %dma_wait3A_142 = tpu.memref_slice %arg5[%add3A_109, %dma_wait3A_141] : memref<819200x128xf32, #tpu.memory_space<hbm>> -> memref<128x128xf32, #tpu.memory_space<hbm>>
      %dma_wait3A_143 = arith.constant 0 : i32
      %dma_wait3A_144 = arith.constant 64 : i32
      %dma_wait3A_145 = tpu.memref_slice %dma_wait3A_142[%dma_wait3A_143, %dma_wait3A_144] : memref<128x128xf32, #tpu.memory_space<hbm>> -> memref<128x64xf32, #tpu.memory_space<hbm>>
      %dma_wait3A_146 = arith.constant 0 : i32
      %dma_wait3A_147 = arith.constant 0 : i32
      %dma_wait3A_148 = tpu.memref_slice %arg10[%rem3A_105, %dma_wait3A_146, %dma_wait3A_147] : memref<4x128x64xf32, #tpu.memory_space<vmem>> -> memref<1x128x64xf32, #tpu.memory_space<vmem>>
      %dma_wait3A_149 = tpu.memref_squeeze %dma_wait3A_148 : memref<1x128x64xf32, #tpu.memory_space<vmem>> -> memref<128x64xf32, #tpu.memory_space<vmem>>
      tpu.wait_dma2 semaphore(%dma_wait3A_140 : memref<!tpu.dma_semaphore, #tpu.memory_space<semaphore_mem>>) src(%dma_wait3A_149 : memref<128x64xf32, #tpu.memory_space<vmem>>) dst(%dma_wait3A_145 : memref<128x64xf32, #tpu.memory_space<hbm>>)
      %while3A_150 = arith.constant 0 : i32
      scf.yield %while3A_150 : i32
    }
    %while3A_64 = arith.constant 1 : i32
    %while3A_65 = scf.for %while3A_66 = %while3A_61 to %while3A_57 step %while3A_64 iter_args(%while3A_67 = %while3A_63) -> (i32)  : i32 {
      %rem3A = arith.constant 2 : i32
      %rem3A_68 = arith.remsi %while3A_66, %rem3A : i32
      %sub3A = arith.constant 1 : i32
      %sub3A_69 = arith.subi %sub3A, %rem3A_68 : i32
      %mul3A_70 = arith.constant 3200 : i32
      %mul3A_71 = arith.muli %while3A_66, %mul3A_70 : i32
      %add3A_72 = arith.addi %mul3A_2, %mul3A_71 : i32
      %add3A_73 = arith.constant 1 : i32
      %add3A_74 = arith.addi %while3A_66, %add3A_73 : i32
      %lt3A = arith.constant 8 : i32
      %lt3A_75 = arith.cmpi slt, %add3A_74, %lt3A : i32
      %convert_element_type3A = arith.extui %lt3A_75 : i1 to i32
      %cond3A = arith.constant 0 : i32
      %cond3A_76 = arith.cmpi ne, %convert_element_type3A, %cond3A : i32
      scf.if %cond3A_76 {
        %add3A_151 = arith.constant 1 : i32
        %add3A_152 = arith.addi %while3A_66, %add3A_151 : i32
        %mul3A_153 = arith.constant 3200 : i32
        %mul3A_154 = arith.muli %add3A_152, %mul3A_153 : i32
        %add3A_155 = arith.addi %mul3A_2, %mul3A_154 : i32
        %dma_start3A_156 = arith.constant 0 : i32
        %dma_start3A_157 = tpu.memref_slice %arg6[%sub3A_69, %dma_start3A_156] : memref<2x3216xi32, #tpu.memory_space<vmem>> -> memref<1x3216xi32, #tpu.memory_space<vmem>>
        %dma_start3A_158 = tpu.memref_squeeze %dma_start3A_157 : memref<1x3216xi32, #tpu.memory_space<vmem>> -> memref<3216xi32, #tpu.memory_space<vmem>>
        %dma_start3A_159 = arith.constant 16 : i32
        %dma_start3A_160 = tpu.memref_slice %dma_start3A_158[%dma_start3A_159] : memref<3216xi32, #tpu.memory_space<vmem>> -> memref<3200xi32, #tpu.memory_space<vmem>>
        %dma_start3A_161 = tpu.memref_slice %arg2[%add3A_155] : memref<819200xi32, #tpu.memory_space<hbm>> -> memref<3200xi32, #tpu.memory_space<hbm>>
        %dma_start3A_162 = tpu.memref_slice %arg13[%sub3A_69] : memref<2x!tpu.dma_semaphore, #tpu.memory_space<semaphore_mem>> -> memref<1x!tpu.dma_semaphore, #tpu.memory_space<semaphore_mem>>
        %dma_start3A_163 = tpu.memref_squeeze %dma_start3A_162 : memref<1x!tpu.dma_semaphore, #tpu.memory_space<semaphore_mem>> -> memref<!tpu.dma_semaphore, #tpu.memory_space<semaphore_mem>>
        %dma_start3A_164 = arith.constant 0 : i32
        %dma_start3A_165 = tpu.memref_slice %arg6[%sub3A_69, %dma_start3A_164] : memref<2x3216xi32, #tpu.memory_space<vmem>> -> memref<1x3216xi32, #tpu.memory_space<vmem>>
        %dma_start3A_166 = tpu.memref_squeeze %dma_start3A_165 : memref<1x3216xi32, #tpu.memory_space<vmem>> -> memref<3216xi32, #tpu.memory_space<vmem>>
        %dma_start3A_167 = arith.constant 16 : i32
        %dma_start3A_168 = tpu.memref_slice %dma_start3A_166[%dma_start3A_167] : memref<3216xi32, #tpu.memory_space<vmem>> -> memref<3200xi32, #tpu.memory_space<vmem>>
        %dma_start3A_169 = tpu.memref_slice %arg2[%add3A_155] : memref<819200xi32, #tpu.memory_space<hbm>> -> memref<3200xi32, #tpu.memory_space<hbm>>
        tpu.enqueue_dma source(%dma_start3A_169 : memref<3200xi32, #tpu.memory_space<hbm>>) target(%dma_start3A_168 : memref<3200xi32, #tpu.memory_space<vmem>>) target_semaphore(%dma_start3A_163 : memref<!tpu.dma_semaphore, #tpu.memory_space<semaphore_mem>>)
      } else {
      }
      %while3A_77 = arith.constant 0 : i32
      %while3A_78 = arith.constant 3 : i32
      %while3A_79 = arith.constant 0 : i32
      %while3A_80 = arith.subi %while3A_78, %while3A_77 : i32
      %while3A_81 = arith.addi %while3A_77, %while3A_80 : i32
      %while3A_82 = arith.constant 1 : i32
      %while3A_83 = arith.divsi %while3A_80, %while3A_82 : i32
      %while3A_84 = arith.muli %while3A_83, %while3A_82 : i32
      %while3A_85 = arith.addi %while3A_77, %while3A_84 : i32
      %while3A_86 = arith.constant 1 : i32
      %while3A_87 = scf.for %while3A_151 = %while3A_77 to %while3A_85 step %while3A_86 iter_args(%while3A_152 = %while3A_79) -> (i32)  : i32 {
        %rem3A_153 = arith.constant 4 : i32
        %rem3A_154 = arith.remsi %while3A_151, %rem3A_153 : i32
        %dma_start3A_155 = arith.constant 0 : i32
        %dma_start3A_156 = arith.constant 0 : i32
        %dma_start3A_157 = tpu.memref_slice %arg9[%rem3A_154, %dma_start3A_155, %dma_start3A_156] : memref<4x128x64xf32, #tpu.memory_space<vmem>> -> memref<1x128x64xf32, #tpu.memory_space<vmem>>
        %dma_start3A_158 = tpu.memref_squeeze %dma_start3A_157 : memref<1x128x64xf32, #tpu.memory_space<vmem>> -> memref<128x64xf32, #tpu.memory_space<vmem>>
        %dma_start3A_159 = arith.constant 0 : i32
        %dma_start3A_160 = arith.constant 0 : i32
        %dma_start3A_161 = tpu.memref_slice %arg7[%rem3A_68, %dma_start3A_159, %dma_start3A_160] : memref<2x25x128xi32, #tpu.memory_space<vmem>> -> memref<1x25x128xi32, #tpu.memory_space<vmem>>
        %dma_start3A_162 = tpu.memref_squeeze %dma_start3A_161 : memref<1x25x128xi32, #tpu.memory_space<vmem>> -> memref<25x128xi32, #tpu.memory_space<vmem>>
        %dma_start3A_163 = arith.constant 0 : i32
        %dma_start3A_164 = tpu.memref_slice %dma_start3A_162[%while3A_151, %dma_start3A_163] : memref<25x128xi32, #tpu.memory_space<vmem>> -> memref<1x128xi32, #tpu.memory_space<vmem>>
        %dma_start3A_165 = tpu.memref_squeeze %dma_start3A_164 : memref<1x128xi32, #tpu.memory_space<vmem>> -> memref<128xi32, #tpu.memory_space<vmem>>
        %dma_start3A_166 = arith.constant 0 : i32
        %dma_start3A_167 = arith.constant 0 : i32
        %dma_start3A_168 = tpu.memref_slice %arg3[%dma_start3A_166, %dma_start3A_167] : memref<100000x64xf32, #tpu.memory_space<hbm>> -> memref<100000x64xf32, #tpu.memory_space<hbm>>
        %dma_start3A_169 = tpu.memref_slice %arg11[%rem3A_154] : memref<4x!tpu.dma_semaphore, #tpu.memory_space<semaphore_mem>> -> memref<1x!tpu.dma_semaphore, #tpu.memory_space<semaphore_mem>>
        %dma_start3A_170 = tpu.memref_squeeze %dma_start3A_169 : memref<1x!tpu.dma_semaphore, #tpu.memory_space<semaphore_mem>> -> memref<!tpu.dma_semaphore, #tpu.memory_space<semaphore_mem>>
        tpu.enqueue_indirect_dma source(%dma_start3A_168 : memref<100000x64xf32, #tpu.memory_space<hbm>>) target(%dma_start3A_158 : memref<128x64xf32, #tpu.memory_space<vmem>>) offsets(%dma_start3A_165 : memref<128xi32, #tpu.memory_space<vmem>>) semaphore(%dma_start3A_170 : memref<!tpu.dma_semaphore, #tpu.memory_space<semaphore_mem>>)
        %dma_start3A_171 = arith.constant 0 : i32
        %dma_start3A_172 = arith.constant 0 : i32
        %dma_start3A_173 = tpu.memref_slice %arg10[%rem3A_154, %dma_start3A_171, %dma_start3A_172] : memref<4x128x64xf32, #tpu.memory_space<vmem>> -> memref<1x128x64xf32, #tpu.memory_space<vmem>>
        %dma_start3A_174 = tpu.memref_squeeze %dma_start3A_173 : memref<1x128x64xf32, #tpu.memory_space<vmem>> -> memref<128x64xf32, #tpu.memory_space<vmem>>
        %dma_start3A_175 = arith.constant 0 : i32
        %dma_start3A_176 = arith.constant 0 : i32
        %dma_start3A_177 = tpu.memref_slice %arg8[%rem3A_68, %dma_start3A_175, %dma_start3A_176] : memref<2x25x128xi32, #tpu.memory_space<vmem>> -> memref<1x25x128xi32, #tpu.memory_space<vmem>>
        %dma_start3A_178 = tpu.memref_squeeze %dma_start3A_177 : memref<1x25x128xi32, #tpu.memory_space<vmem>> -> memref<25x128xi32, #tpu.memory_space<vmem>>
        %dma_start3A_179 = arith.constant 0 : i32
        %dma_start3A_180 = tpu.memref_slice %dma_start3A_178[%while3A_151, %dma_start3A_179] : memref<25x128xi32, #tpu.memory_space<vmem>> -> memref<1x128xi32, #tpu.memory_space<vmem>>
        %dma_start3A_181 = tpu.memref_squeeze %dma_start3A_180 : memref<1x128xi32, #tpu.memory_space<vmem>> -> memref<128xi32, #tpu.memory_space<vmem>>
        %dma_start3A_182 = arith.constant 0 : i32
        %dma_start3A_183 = arith.constant 0 : i32
        %dma_start3A_184 = tpu.memref_slice %arg4[%dma_start3A_182, %dma_start3A_183] : memref<32768x64xf32, #tpu.memory_space<hbm>> -> memref<32768x64xf32, #tpu.memory_space<hbm>>
        %dma_start3A_185 = tpu.memref_slice %arg11[%rem3A_154] : memref<4x!tpu.dma_semaphore, #tpu.memory_space<semaphore_mem>> -> memref<1x!tpu.dma_semaphore, #tpu.memory_space<semaphore_mem>>
        %dma_start3A_186 = tpu.memref_squeeze %dma_start3A_185 : memref<1x!tpu.dma_semaphore, #tpu.memory_space<semaphore_mem>> -> memref<!tpu.dma_semaphore, #tpu.memory_space<semaphore_mem>>
        tpu.enqueue_indirect_dma source(%dma_start3A_184 : memref<32768x64xf32, #tpu.memory_space<hbm>>) target(%dma_start3A_174 : memref<128x64xf32, #tpu.memory_space<vmem>>) offsets(%dma_start3A_181 : memref<128xi32, #tpu.memory_space<vmem>>) semaphore(%dma_start3A_186 : memref<!tpu.dma_semaphore, #tpu.memory_space<semaphore_mem>>)
        %while3A_187 = arith.constant 0 : i32
        scf.yield %while3A_187 : i32
      }
      %while3A_88 = arith.constant 1 : i32
      %while3A_89 = scf.for %while3A_151 = %while3A_85 to %while3A_81 step %while3A_88 iter_args(%while3A_152 = %while3A_87) -> (i32)  : i32 {
        %rem3A_153 = arith.constant 4 : i32
        %rem3A_154 = arith.remsi %while3A_151, %rem3A_153 : i32
        %dma_start3A_155 = arith.constant 0 : i32
        %dma_start3A_156 = arith.constant 0 : i32
        %dma_start3A_157 = tpu.memref_slice %arg9[%rem3A_154, %dma_start3A_155, %dma_start3A_156] : memref<4x128x64xf32, #tpu.memory_space<vmem>> -> memref<1x128x64xf32, #tpu.memory_space<vmem>>
        %dma_start3A_158 = tpu.memref_squeeze %dma_start3A_157 : memref<1x128x64xf32, #tpu.memory_space<vmem>> -> memref<128x64xf32, #tpu.memory_space<vmem>>
        %dma_start3A_159 = arith.constant 0 : i32
        %dma_start3A_160 = arith.constant 0 : i32
        %dma_start3A_161 = tpu.memref_slice %arg7[%rem3A_68, %dma_start3A_159, %dma_start3A_160] : memref<2x25x128xi32, #tpu.memory_space<vmem>> -> memref<1x25x128xi32, #tpu.memory_space<vmem>>
        %dma_start3A_162 = tpu.memref_squeeze %dma_start3A_161 : memref<1x25x128xi32, #tpu.memory_space<vmem>> -> memref<25x128xi32, #tpu.memory_space<vmem>>
        %dma_start3A_163 = arith.constant 0 : i32
        %dma_start3A_164 = tpu.memref_slice %dma_start3A_162[%while3A_151, %dma_start3A_163] : memref<25x128xi32, #tpu.memory_space<vmem>> -> memref<1x128xi32, #tpu.memory_space<vmem>>
        %dma_start3A_165 = tpu.memref_squeeze %dma_start3A_164 : memref<1x128xi32, #tpu.memory_space<vmem>> -> memref<128xi32, #tpu.memory_space<vmem>>
        %dma_start3A_166 = arith.constant 0 : i32
        %dma_start3A_167 = arith.constant 0 : i32
        %dma_start3A_168 = tpu.memref_slice %arg3[%dma_start3A_166, %dma_start3A_167] : memref<100000x64xf32, #tpu.memory_space<hbm>> -> memref<100000x64xf32, #tpu.memory_space<hbm>>
        %dma_start3A_169 = tpu.memref_slice %arg11[%rem3A_154] : memref<4x!tpu.dma_semaphore, #tpu.memory_space<semaphore_mem>> -> memref<1x!tpu.dma_semaphore, #tpu.memory_space<semaphore_mem>>
        %dma_start3A_170 = tpu.memref_squeeze %dma_start3A_169 : memref<1x!tpu.dma_semaphore, #tpu.memory_space<semaphore_mem>> -> memref<!tpu.dma_semaphore, #tpu.memory_space<semaphore_mem>>
        tpu.enqueue_indirect_dma source(%dma_start3A_168 : memref<100000x64xf32, #tpu.memory_space<hbm>>) target(%dma_start3A_158 : memref<128x64xf32, #tpu.memory_space<vmem>>) offsets(%dma_start3A_165 : memref<128xi32, #tpu.memory_space<vmem>>) semaphore(%dma_start3A_170 : memref<!tpu.dma_semaphore, #tpu.memory_space<semaphore_mem>>)
        %dma_start3A_171 = arith.constant 0 : i32
        %dma_start3A_172 = arith.constant 0 : i32
        %dma_start3A_173 = tpu.memref_slice %arg10[%rem3A_154, %dma_start3A_171, %dma_start3A_172] : memref<4x128x64xf32, #tpu.memory_space<vmem>> -> memref<1x128x64xf32, #tpu.memory_space<vmem>>
        %dma_start3A_174 = tpu.memref_squeeze %dma_start3A_173 : memref<1x128x64xf32, #tpu.memory_space<vmem>> -> memref<128x64xf32, #tpu.memory_space<vmem>>
        %dma_start3A_175 = arith.constant 0 : i32
        %dma_start3A_176 = arith.constant 0 : i32
        %dma_start3A_177 = tpu.memref_slice %arg8[%rem3A_68, %dma_start3A_175, %dma_start3A_176] : memref<2x25x128xi32, #tpu.memory_space<vmem>> -> memref<1x25x128xi32, #tpu.memory_space<vmem>>
        %dma_start3A_178 = tpu.memref_squeeze %dma_start3A_177 : memref<1x25x128xi32, #tpu.memory_space<vmem>> -> memref<25x128xi32, #tpu.memory_space<vmem>>
        %dma_start3A_179 = arith.constant 0 : i32
        %dma_start3A_180 = tpu.memref_slice %dma_start3A_178[%while3A_151, %dma_start3A_179] : memref<25x128xi32, #tpu.memory_space<vmem>> -> memref<1x128xi32, #tpu.memory_space<vmem>>
        %dma_start3A_181 = tpu.memref_squeeze %dma_start3A_180 : memref<1x128xi32, #tpu.memory_space<vmem>> -> memref<128xi32, #tpu.memory_space<vmem>>
        %dma_start3A_182 = arith.constant 0 : i32
        %dma_start3A_183 = arith.constant 0 : i32
        %dma_start3A_184 = tpu.memref_slice %arg4[%dma_start3A_182, %dma_start3A_183] : memref<32768x64xf32, #tpu.memory_space<hbm>> -> memref<32768x64xf32, #tpu.memory_space<hbm>>
        %dma_start3A_185 = tpu.memref_slice %arg11[%rem3A_154] : memref<4x!tpu.dma_semaphore, #tpu.memory_space<semaphore_mem>> -> memref<1x!tpu.dma_semaphore, #tpu.memory_space<semaphore_mem>>
        %dma_start3A_186 = tpu.memref_squeeze %dma_start3A_185 : memref<1x!tpu.dma_semaphore, #tpu.memory_space<semaphore_mem>> -> memref<!tpu.dma_semaphore, #tpu.memory_space<semaphore_mem>>
        tpu.enqueue_indirect_dma source(%dma_start3A_184 : memref<32768x64xf32, #tpu.memory_space<hbm>>) target(%dma_start3A_174 : memref<128x64xf32, #tpu.memory_space<vmem>>) offsets(%dma_start3A_181 : memref<128xi32, #tpu.memory_space<vmem>>) semaphore(%dma_start3A_186 : memref<!tpu.dma_semaphore, #tpu.memory_space<semaphore_mem>>)
        %while3A_187 = arith.constant 0 : i32
        scf.yield %while3A_187 : i32
      }
      %while3A_90 = arith.constant 0 : i32
      %while3A_91 = arith.constant 25 : i32
      %while3A_92 = arith.constant 0 : i32
      %while3A_93 = arith.subi %while3A_91, %while3A_90 : i32
      %while3A_94 = arith.addi %while3A_90, %while3A_93 : i32
      %while3A_95 = arith.constant 1 : i32
      %while3A_96 = arith.divsi %while3A_93, %while3A_95 : i32
      %while3A_97 = arith.muli %while3A_96, %while3A_95 : i32
      %while3A_98 = arith.addi %while3A_90, %while3A_97 : i32
      %while3A_99 = arith.constant 1 : i32
      %while3A_100 = scf.for %while3A_151 = %while3A_90 to %while3A_98 step %while3A_99 iter_args(%while3A_152 = %while3A_92) -> (i32)  : i32 {
        %rem3A_153 = arith.constant 4 : i32
        %rem3A_154 = arith.remsi %while3A_151, %rem3A_153 : i32
        %dma_wait3A_155 = arith.constant 0 : i32
        %dma_wait3A_156 = arith.constant 0 : i32
        %dma_wait3A_157 = tpu.memref_slice %arg9[%rem3A_154, %dma_wait3A_155, %dma_wait3A_156] : memref<4x128x64xf32, #tpu.memory_space<vmem>> -> memref<1x128x64xf32, #tpu.memory_space<vmem>>
        %dma_wait3A_158 = tpu.memref_squeeze %dma_wait3A_157 : memref<1x128x64xf32, #tpu.memory_space<vmem>> -> memref<128x64xf32, #tpu.memory_space<vmem>>
        %dma_wait3A_159 = arith.constant 0 : i32
        %dma_wait3A_160 = arith.constant 0 : i32
        %dma_wait3A_161 = tpu.memref_slice %arg7[%rem3A_68, %dma_wait3A_159, %dma_wait3A_160] : memref<2x25x128xi32, #tpu.memory_space<vmem>> -> memref<1x25x128xi32, #tpu.memory_space<vmem>>
        %dma_wait3A_162 = tpu.memref_squeeze %dma_wait3A_161 : memref<1x25x128xi32, #tpu.memory_space<vmem>> -> memref<25x128xi32, #tpu.memory_space<vmem>>
        %dma_wait3A_163 = arith.constant 0 : i32
        %dma_wait3A_164 = tpu.memref_slice %dma_wait3A_162[%while3A_151, %dma_wait3A_163] : memref<25x128xi32, #tpu.memory_space<vmem>> -> memref<1x128xi32, #tpu.memory_space<vmem>>
        %dma_wait3A_165 = tpu.memref_squeeze %dma_wait3A_164 : memref<1x128xi32, #tpu.memory_space<vmem>> -> memref<128xi32, #tpu.memory_space<vmem>>
        %dma_wait3A_166 = arith.constant 0 : i32
        %dma_wait3A_167 = arith.constant 0 : i32
        %dma_wait3A_168 = tpu.memref_slice %arg3[%dma_wait3A_166, %dma_wait3A_167] : memref<100000x64xf32, #tpu.memory_space<hbm>> -> memref<100000x64xf32, #tpu.memory_space<hbm>>
        %dma_wait3A_169 = tpu.memref_slice %arg11[%rem3A_154] : memref<4x!tpu.dma_semaphore, #tpu.memory_space<semaphore_mem>> -> memref<1x!tpu.dma_semaphore, #tpu.memory_space<semaphore_mem>>
        %dma_wait3A_170 = tpu.memref_squeeze %dma_wait3A_169 : memref<1x!tpu.dma_semaphore, #tpu.memory_space<semaphore_mem>> -> memref<!tpu.dma_semaphore, #tpu.memory_space<semaphore_mem>>
        tpu.wait_indirect_dma semaphore(%dma_wait3A_170 : memref<!tpu.dma_semaphore, #tpu.memory_space<semaphore_mem>>) src(%dma_wait3A_168 : memref<100000x64xf32, #tpu.memory_space<hbm>>) dst(%dma_wait3A_158 : memref<128x64xf32, #tpu.memory_space<vmem>>)
        %dma_wait3A_171 = arith.constant 0 : i32
        %dma_wait3A_172 = arith.constant 0 : i32
        %dma_wait3A_173 = tpu.memref_slice %arg10[%rem3A_154, %dma_wait3A_171, %dma_wait3A_172] : memref<4x128x64xf32, #tpu.memory_space<vmem>> -> memref<1x128x64xf32, #tpu.memory_space<vmem>>
        %dma_wait3A_174 = tpu.memref_squeeze %dma_wait3A_173 : memref<1x128x64xf32, #tpu.memory_space<vmem>> -> memref<128x64xf32, #tpu.memory_space<vmem>>
        %dma_wait3A_175 = arith.constant 0 : i32
        %dma_wait3A_176 = arith.constant 0 : i32
        %dma_wait3A_177 = tpu.memref_slice %arg8[%rem3A_68, %dma_wait3A_175, %dma_wait3A_176] : memref<2x25x128xi32, #tpu.memory_space<vmem>> -> memref<1x25x128xi32, #tpu.memory_space<vmem>>
        %dma_wait3A_178 = tpu.memref_squeeze %dma_wait3A_177 : memref<1x25x128xi32, #tpu.memory_space<vmem>> -> memref<25x128xi32, #tpu.memory_space<vmem>>
        %dma_wait3A_179 = arith.constant 0 : i32
        %dma_wait3A_180 = tpu.memref_slice %dma_wait3A_178[%while3A_151, %dma_wait3A_179] : memref<25x128xi32, #tpu.memory_space<vmem>> -> memref<1x128xi32, #tpu.memory_space<vmem>>
        %dma_wait3A_181 = tpu.memref_squeeze %dma_wait3A_180 : memref<1x128xi32, #tpu.memory_space<vmem>> -> memref<128xi32, #tpu.memory_space<vmem>>
        %dma_wait3A_182 = arith.constant 0 : i32
        %dma_wait3A_183 = arith.constant 0 : i32
        %dma_wait3A_184 = tpu.memref_slice %arg4[%dma_wait3A_182, %dma_wait3A_183] : memref<32768x64xf32, #tpu.memory_space<hbm>> -> memref<32768x64xf32, #tpu.memory_space<hbm>>
        %dma_wait3A_185 = tpu.memref_slice %arg11[%rem3A_154] : memref<4x!tpu.dma_semaphore, #tpu.memory_space<semaphore_mem>> -> memref<1x!tpu.dma_semaphore, #tpu.memory_space<semaphore_mem>>
        %dma_wait3A_186 = tpu.memref_squeeze %dma_wait3A_185 : memref<1x!tpu.dma_semaphore, #tpu.memory_space<semaphore_mem>> -> memref<!tpu.dma_semaphore, #tpu.memory_space<semaphore_mem>>
        tpu.wait_indirect_dma semaphore(%dma_wait3A_186 : memref<!tpu.dma_semaphore, #tpu.memory_space<semaphore_mem>>) src(%dma_wait3A_184 : memref<32768x64xf32, #tpu.memory_space<hbm>>) dst(%dma_wait3A_174 : memref<128x64xf32, #tpu.memory_space<vmem>>)
        %gt3A = arith.constant 0 : i32
        %gt3A_187 = arith.cmpi sgt, %while3A_151, %gt3A : i32
        %convert_element_type3A_188 = arith.extui %gt3A_187 : i1 to i32
        %cond3A_189 = arith.constant 0 : i32
        %cond3A_190 = arith.cmpi ne, %convert_element_type3A_188, %cond3A_189 : i32
        scf.if %cond3A_190 {
          %sub3A_247 = arith.constant 1 : i32
          %sub3A_248 = arith.subi %while3A_151, %sub3A_247 : i32
          %rem3A_249 = arith.constant 4 : i32
          %rem3A_250 = arith.remsi %sub3A_248, %rem3A_249 : i32
          %mul3A_251 = arith.constant 128 : i32
          %mul3A_252 = arith.muli %sub3A_248, %mul3A_251 : i32
          %add3A_253 = arith.addi %add3A_72, %mul3A_252 : i32
          %dma_wait3A_254 = arith.constant 0 : i32
          %dma_wait3A_255 = arith.constant 0 : i32
          %dma_wait3A_256 = tpu.memref_slice %arg9[%rem3A_250, %dma_wait3A_254, %dma_wait3A_255] : memref<4x128x64xf32, #tpu.memory_space<vmem>> -> memref<1x128x64xf32, #tpu.memory_space<vmem>>
          %dma_wait3A_257 = tpu.memref_squeeze %dma_wait3A_256 : memref<1x128x64xf32, #tpu.memory_space<vmem>> -> memref<128x64xf32, #tpu.memory_space<vmem>>
          %dma_wait3A_258 = arith.constant 0 : i32
          %dma_wait3A_259 = tpu.memref_slice %arg5[%add3A_253, %dma_wait3A_258] : memref<819200x128xf32, #tpu.memory_space<hbm>> -> memref<128x128xf32, #tpu.memory_space<hbm>>
          %dma_wait3A_260 = arith.constant 0 : i32
          %dma_wait3A_261 = arith.constant 0 : i32
          %dma_wait3A_262 = tpu.memref_slice %dma_wait3A_259[%dma_wait3A_260, %dma_wait3A_261] : memref<128x128xf32, #tpu.memory_space<hbm>> -> memref<128x64xf32, #tpu.memory_space<hbm>>
          %dma_wait3A_263 = tpu.memref_slice %arg12[%rem3A_250] : memref<4x!tpu.dma_semaphore, #tpu.memory_space<semaphore_mem>> -> memref<1x!tpu.dma_semaphore, #tpu.memory_space<semaphore_mem>>
          %dma_wait3A_264 = tpu.memref_squeeze %dma_wait3A_263 : memref<1x!tpu.dma_semaphore, #tpu.memory_space<semaphore_mem>> -> memref<!tpu.dma_semaphore, #tpu.memory_space<semaphore_mem>>
          %dma_wait3A_265 = arith.constant 0 : i32
          %dma_wait3A_266 = tpu.memref_slice %arg5[%add3A_253, %dma_wait3A_265] : memref<819200x128xf32, #tpu.memory_space<hbm>> -> memref<128x128xf32, #tpu.memory_space<hbm>>
          %dma_wait3A_267 = arith.constant 0 : i32
          %dma_wait3A_268 = arith.constant 0 : i32
          %dma_wait3A_269 = tpu.memref_slice %dma_wait3A_266[%dma_wait3A_267, %dma_wait3A_268] : memref<128x128xf32, #tpu.memory_space<hbm>> -> memref<128x64xf32, #tpu.memory_space<hbm>>
          %dma_wait3A_270 = arith.constant 0 : i32
          %dma_wait3A_271 = arith.constant 0 : i32
          %dma_wait3A_272 = tpu.memref_slice %arg9[%rem3A_250, %dma_wait3A_270, %dma_wait3A_271] : memref<4x128x64xf32, #tpu.memory_space<vmem>> -> memref<1x128x64xf32, #tpu.memory_space<vmem>>
          %dma_wait3A_273 = tpu.memref_squeeze %dma_wait3A_272 : memref<1x128x64xf32, #tpu.memory_space<vmem>> -> memref<128x64xf32, #tpu.memory_space<vmem>>
          tpu.wait_dma2 semaphore(%dma_wait3A_264 : memref<!tpu.dma_semaphore, #tpu.memory_space<semaphore_mem>>) src(%dma_wait3A_273 : memref<128x64xf32, #tpu.memory_space<vmem>>) dst(%dma_wait3A_269 : memref<128x64xf32, #tpu.memory_space<hbm>>)
          %dma_wait3A_274 = arith.constant 0 : i32
          %dma_wait3A_275 = arith.constant 0 : i32
          %dma_wait3A_276 = tpu.memref_slice %arg10[%rem3A_250, %dma_wait3A_274, %dma_wait3A_275] : memref<4x128x64xf32, #tpu.memory_space<vmem>> -> memref<1x128x64xf32, #tpu.memory_space<vmem>>
          %dma_wait3A_277 = tpu.memref_squeeze %dma_wait3A_276 : memref<1x128x64xf32, #tpu.memory_space<vmem>> -> memref<128x64xf32, #tpu.memory_space<vmem>>
          %dma_wait3A_278 = arith.constant 0 : i32
          %dma_wait3A_279 = tpu.memref_slice %arg5[%add3A_253, %dma_wait3A_278] : memref<819200x128xf32, #tpu.memory_space<hbm>> -> memref<128x128xf32, #tpu.memory_space<hbm>>
          %dma_wait3A_280 = arith.constant 0 : i32
          %dma_wait3A_281 = arith.constant 64 : i32
          %dma_wait3A_282 = tpu.memref_slice %dma_wait3A_279[%dma_wait3A_280, %dma_wait3A_281] : memref<128x128xf32, #tpu.memory_space<hbm>> -> memref<128x64xf32, #tpu.memory_space<hbm>>
          %dma_wait3A_283 = tpu.memref_slice %arg12[%rem3A_250] : memref<4x!tpu.dma_semaphore, #tpu.memory_space<semaphore_mem>> -> memref<1x!tpu.dma_semaphore, #tpu.memory_space<semaphore_mem>>
          %dma_wait3A_284 = tpu.memref_squeeze %dma_wait3A_283 : memref<1x!tpu.dma_semaphore, #tpu.memory_space<semaphore_mem>> -> memref<!tpu.dma_semaphore, #tpu.memory_space<semaphore_mem>>
          %dma_wait3A_285 = arith.constant 0 : i32
          %dma_wait3A_286 = tpu.memref_slice %arg5[%add3A_253, %dma_wait3A_285] : memref<819200x128xf32, #tpu.memory_space<hbm>> -> memref<128x128xf32, #tpu.memory_space<hbm>>
          %dma_wait3A_287 = arith.constant 0 : i32
          %dma_wait3A_288 = arith.constant 64 : i32
          %dma_wait3A_289 = tpu.memref_slice %dma_wait3A_286[%dma_wait3A_287, %dma_wait3A_288] : memref<128x128xf32, #tpu.memory_space<hbm>> -> memref<128x64xf32, #tpu.memory_space<hbm>>
          %dma_wait3A_290 = arith.constant 0 : i32
          %dma_wait3A_291 = arith.constant 0 : i32
          %dma_wait3A_292 = tpu.memref_slice %arg10[%rem3A_250, %dma_wait3A_290, %dma_wait3A_291] : memref<4x128x64xf32, #tpu.memory_space<vmem>> -> memref<1x128x64xf32, #tpu.memory_space<vmem>>
          %dma_wait3A_293 = tpu.memref_squeeze %dma_wait3A_292 : memref<1x128x64xf32, #tpu.memory_space<vmem>> -> memref<128x64xf32, #tpu.memory_space<vmem>>
          tpu.wait_dma2 semaphore(%dma_wait3A_284 : memref<!tpu.dma_semaphore, #tpu.memory_space<semaphore_mem>>) src(%dma_wait3A_293 : memref<128x64xf32, #tpu.memory_space<vmem>>) dst(%dma_wait3A_289 : memref<128x64xf32, #tpu.memory_space<hbm>>)
        } else {
        }
        %add3A_191 = arith.constant 3 : i32
        %add3A_192 = arith.addi %while3A_151, %add3A_191 : i32
        %lt3A_193 = arith.constant 25 : i32
        %lt3A_194 = arith.cmpi slt, %add3A_192, %lt3A_193 : i32
        %convert_element_type3A_195 = arith.extui %lt3A_194 : i1 to i32
        %cond3A_196 = arith.constant 0 : i32
        %cond3A_197 = arith.cmpi ne, %convert_element_type3A_195, %cond3A_196 : i32
        scf.if %cond3A_197 {
          %add3A_247 = arith.constant 3 : i32
          %add3A_248 = arith.addi %while3A_151, %add3A_247 : i32
          %rem3A_249 = arith.constant 4 : i32
          %rem3A_250 = arith.remsi %add3A_248, %rem3A_249 : i32
          %dma_start3A_251 = arith.constant 0 : i32
          %dma_start3A_252 = arith.constant 0 : i32
          %dma_start3A_253 = tpu.memref_slice %arg9[%rem3A_250, %dma_start3A_251, %dma_start3A_252] : memref<4x128x64xf32, #tpu.memory_space<vmem>> -> memref<1x128x64xf32, #tpu.memory_space<vmem>>
          %dma_start3A_254 = tpu.memref_squeeze %dma_start3A_253 : memref<1x128x64xf32, #tpu.memory_space<vmem>> -> memref<128x64xf32, #tpu.memory_space<vmem>>
          %dma_start3A_255 = arith.constant 0 : i32
          %dma_start3A_256 = arith.constant 0 : i32
          %dma_start3A_257 = tpu.memref_slice %arg7[%rem3A_68, %dma_start3A_255, %dma_start3A_256] : memref<2x25x128xi32, #tpu.memory_space<vmem>> -> memref<1x25x128xi32, #tpu.memory_space<vmem>>
          %dma_start3A_258 = tpu.memref_squeeze %dma_start3A_257 : memref<1x25x128xi32, #tpu.memory_space<vmem>> -> memref<25x128xi32, #tpu.memory_space<vmem>>
          %dma_start3A_259 = arith.constant 0 : i32
          %dma_start3A_260 = tpu.memref_slice %dma_start3A_258[%add3A_248, %dma_start3A_259] : memref<25x128xi32, #tpu.memory_space<vmem>> -> memref<1x128xi32, #tpu.memory_space<vmem>>
          %dma_start3A_261 = tpu.memref_squeeze %dma_start3A_260 : memref<1x128xi32, #tpu.memory_space<vmem>> -> memref<128xi32, #tpu.memory_space<vmem>>
          %dma_start3A_262 = arith.constant 0 : i32
          %dma_start3A_263 = arith.constant 0 : i32
          %dma_start3A_264 = tpu.memref_slice %arg3[%dma_start3A_262, %dma_start3A_263] : memref<100000x64xf32, #tpu.memory_space<hbm>> -> memref<100000x64xf32, #tpu.memory_space<hbm>>
          %dma_start3A_265 = tpu.memref_slice %arg11[%rem3A_250] : memref<4x!tpu.dma_semaphore, #tpu.memory_space<semaphore_mem>> -> memref<1x!tpu.dma_semaphore, #tpu.memory_space<semaphore_mem>>
          %dma_start3A_266 = tpu.memref_squeeze %dma_start3A_265 : memref<1x!tpu.dma_semaphore, #tpu.memory_space<semaphore_mem>> -> memref<!tpu.dma_semaphore, #tpu.memory_space<semaphore_mem>>
          tpu.enqueue_indirect_dma source(%dma_start3A_264 : memref<100000x64xf32, #tpu.memory_space<hbm>>) target(%dma_start3A_254 : memref<128x64xf32, #tpu.memory_space<vmem>>) offsets(%dma_start3A_261 : memref<128xi32, #tpu.memory_space<vmem>>) semaphore(%dma_start3A_266 : memref<!tpu.dma_semaphore, #tpu.memory_space<semaphore_mem>>)
          %dma_start3A_267 = arith.constant 0 : i32
          %dma_start3A_268 = arith.constant 0 : i32
          %dma_start3A_269 = tpu.memref_slice %arg10[%rem3A_250, %dma_start3A_267, %dma_start3A_268] : memref<4x128x64xf32, #tpu.memory_space<vmem>> -> memref<1x128x64xf32, #tpu.memory_space<vmem>>
          %dma_start3A_270 = tpu.memref_squeeze %dma_start3A_269 : memref<1x128x64xf32, #tpu.memory_space<vmem>> -> memref<128x64xf32, #tpu.memory_space<vmem>>
          %dma_start3A_271 = arith.constant 0 : i32
          %dma_start3A_272 = arith.constant 0 : i32
          %dma_start3A_273 = tpu.memref_slice %arg8[%rem3A_68, %dma_start3A_271, %dma_start3A_272] : memref<2x25x128xi32, #tpu.memory_space<vmem>> -> memref<1x25x128xi32, #tpu.memory_space<vmem>>
          %dma_start3A_274 = tpu.memref_squeeze %dma_start3A_273 : memref<1x25x128xi32, #tpu.memory_space<vmem>> -> memref<25x128xi32, #tpu.memory_space<vmem>>
          %dma_start3A_275 = arith.constant 0 : i32
          %dma_start3A_276 = tpu.memref_slice %dma_start3A_274[%add3A_248, %dma_start3A_275] : memref<25x128xi32, #tpu.memory_space<vmem>> -> memref<1x128xi32, #tpu.memory_space<vmem>>
          %dma_start3A_277 = tpu.memref_squeeze %dma_start3A_276 : memref<1x128xi32, #tpu.memory_space<vmem>> -> memref<128xi32, #tpu.memory_space<vmem>>
          %dma_start3A_278 = arith.constant 0 : i32
          %dma_start3A_279 = arith.constant 0 : i32
          %dma_start3A_280 = tpu.memref_slice %arg4[%dma_start3A_278, %dma_start3A_279] : memref<32768x64xf32, #tpu.memory_space<hbm>> -> memref<32768x64xf32, #tpu.memory_space<hbm>>
          %dma_start3A_281 = tpu.memref_slice %arg11[%rem3A_250] : memref<4x!tpu.dma_semaphore, #tpu.memory_space<semaphore_mem>> -> memref<1x!tpu.dma_semaphore, #tpu.memory_space<semaphore_mem>>
          %dma_start3A_282 = tpu.memref_squeeze %dma_start3A_281 : memref<1x!tpu.dma_semaphore, #tpu.memory_space<semaphore_mem>> -> memref<!tpu.dma_semaphore, #tpu.memory_space<semaphore_mem>>
          tpu.enqueue_indirect_dma source(%dma_start3A_280 : memref<32768x64xf32, #tpu.memory_space<hbm>>) target(%dma_start3A_270 : memref<128x64xf32, #tpu.memory_space<vmem>>) offsets(%dma_start3A_277 : memref<128xi32, #tpu.memory_space<vmem>>) semaphore(%dma_start3A_282 : memref<!tpu.dma_semaphore, #tpu.memory_space<semaphore_mem>>)
        } else {
        }
        %rem3A_198 = arith.constant 4 : i32
        %rem3A_199 = arith.remsi %while3A_151, %rem3A_198 : i32
        %mul3A_200 = arith.constant 128 : i32
        %mul3A_201 = arith.muli %while3A_151, %mul3A_200 : i32
        %add3A_202 = arith.addi %add3A_72, %mul3A_201 : i32
        %dma_start3A_203 = arith.constant 0 : i32
        %dma_start3A_204 = arith.constant 0 : i32
        %dma_start3A_205 = tpu.memref_slice %arg9[%rem3A_199, %dma_start3A_203, %dma_start3A_204] : memref<4x128x64xf32, #tpu.memory_space<vmem>> -> memref<1x128x64xf32, #tpu.memory_space<vmem>>
        %dma_start3A_206 = tpu.memref_squeeze %dma_start3A_205 : memref<1x128x64xf32, #tpu.memory_space<vmem>> -> memref<128x64xf32, #tpu.memory_space<vmem>>
        %dma_start3A_207 = arith.constant 0 : i32
        %dma_start3A_208 = tpu.memref_slice %arg5[%add3A_202, %dma_start3A_207] : memref<819200x128xf32, #tpu.memory_space<hbm>> -> memref<128x128xf32, #tpu.memory_space<hbm>>
        %dma_start3A_209 = arith.constant 0 : i32
        %dma_start3A_210 = arith.constant 0 : i32
        %dma_start3A_211 = tpu.memref_slice %dma_start3A_208[%dma_start3A_209, %dma_start3A_210] : memref<128x128xf32, #tpu.memory_space<hbm>> -> memref<128x64xf32, #tpu.memory_space<hbm>>
        %dma_start3A_212 = tpu.memref_slice %arg12[%rem3A_199] : memref<4x!tpu.dma_semaphore, #tpu.memory_space<semaphore_mem>> -> memref<1x!tpu.dma_semaphore, #tpu.memory_space<semaphore_mem>>
        %dma_start3A_213 = tpu.memref_squeeze %dma_start3A_212 : memref<1x!tpu.dma_semaphore, #tpu.memory_space<semaphore_mem>> -> memref<!tpu.dma_semaphore, #tpu.memory_space<semaphore_mem>>
        %dma_start3A_214 = arith.constant 0 : i32
        %dma_start3A_215 = tpu.memref_slice %arg5[%add3A_202, %dma_start3A_214] : memref<819200x128xf32, #tpu.memory_space<hbm>> -> memref<128x128xf32, #tpu.memory_space<hbm>>
        %dma_start3A_216 = arith.constant 0 : i32
        %dma_start3A_217 = arith.constant 0 : i32
        %dma_start3A_218 = tpu.memref_slice %dma_start3A_215[%dma_start3A_216, %dma_start3A_217] : memref<128x128xf32, #tpu.memory_space<hbm>> -> memref<128x64xf32, #tpu.memory_space<hbm>>
        %dma_start3A_219 = arith.constant 0 : i32
        %dma_start3A_220 = arith.constant 0 : i32
        %dma_start3A_221 = tpu.memref_slice %arg9[%rem3A_199, %dma_start3A_219, %dma_start3A_220] : memref<4x128x64xf32, #tpu.memory_space<vmem>> -> memref<1x128x64xf32, #tpu.memory_space<vmem>>
        %dma_start3A_222 = tpu.memref_squeeze %dma_start3A_221 : memref<1x128x64xf32, #tpu.memory_space<vmem>> -> memref<128x64xf32, #tpu.memory_space<vmem>>
        tpu.enqueue_dma source(%dma_start3A_222 : memref<128x64xf32, #tpu.memory_space<vmem>>) target(%dma_start3A_218 : memref<128x64xf32, #tpu.memory_space<hbm>>) target_semaphore(%dma_start3A_213 : memref<!tpu.dma_semaphore, #tpu.memory_space<semaphore_mem>>)
        %dma_start3A_223 = arith.constant 0 : i32
        %dma_start3A_224 = arith.constant 0 : i32
        %dma_start3A_225 = tpu.memref_slice %arg10[%rem3A_199, %dma_start3A_223, %dma_start3A_224] : memref<4x128x64xf32, #tpu.memory_space<vmem>> -> memref<1x128x64xf32, #tpu.memory_space<vmem>>
        %dma_start3A_226 = tpu.memref_squeeze %dma_start3A_225 : memref<1x128x64xf32, #tpu.memory_space<vmem>> -> memref<128x64xf32, #tpu.memory_space<vmem>>
        %dma_start3A_227 = arith.constant 0 : i32
        %dma_start3A_228 = tpu.memref_slice %arg5[%add3A_202, %dma_start3A_227] : memref<819200x128xf32, #tpu.memory_space<hbm>> -> memref<128x128xf32, #tpu.memory_space<hbm>>
        %dma_start3A_229 = arith.constant 0 : i32
        %dma_start3A_230 = arith.constant 64 : i32
        %dma_start3A_231 = tpu.memref_slice %dma_start3A_228[%dma_start3A_229, %dma_start3A_230] : memref<128x128xf32, #tpu.memory_space<hbm>> -> memref<128x64xf32, #tpu.memory_space<hbm>>
        %dma_start3A_232 = tpu.memref_slice %arg12[%rem3A_199] : memref<4x!tpu.dma_semaphore, #tpu.memory_space<semaphore_mem>> -> memref<1x!tpu.dma_semaphore, #tpu.memory_space<semaphore_mem>>
        %dma_start3A_233 = tpu.memref_squeeze %dma_start3A_232 : memref<1x!tpu.dma_semaphore, #tpu.memory_space<semaphore_mem>> -> memref<!tpu.dma_semaphore, #tpu.memory_space<semaphore_mem>>
        %dma_start3A_234 = arith.constant 0 : i32
        %dma_start3A_235 = tpu.memref_slice %arg5[%add3A_202, %dma_start3A_234] : memref<819200x128xf32, #tpu.memory_space<hbm>> -> memref<128x128xf32, #tpu.memory_space<hbm>>
        %dma_start3A_236 = arith.constant 0 : i32
        %dma_start3A_237 = arith.constant 64 : i32
        %dma_start3A_238 = tpu.memref_slice %dma_start3A_235[%dma_start3A_236, %dma_start3A_237] : memref<128x128xf32, #tpu.memory_space<hbm>> -> memref<128x64xf32, #tpu.memory_space<hbm>>
        %dma_start3A_239 = arith.constant 0 : i32
        %dma_start3A_240 = arith.constant 0 : i32
        %dma_start3A_241 = tpu.memref_slice %arg10[%rem3A_199, %dma_start3A_239, %dma_start3A_240] : memref<4x128x64xf32, #tpu.memory_space<vmem>> -> memref<1x128x64xf32, #tpu.memory_space<vmem>>
        %dma_start3A_242 = tpu.memref_squeeze %dma_start3A_241 : memref<1x128x64xf32, #tpu.memory_space<vmem>> -> memref<128x64xf32, #tpu.memory_space<vmem>>
        tpu.enqueue_dma source(%dma_start3A_242 : memref<128x64xf32, #tpu.memory_space<vmem>>) target(%dma_start3A_238 : memref<128x64xf32, #tpu.memory_space<hbm>>) target_semaphore(%dma_start3A_233 : memref<!tpu.dma_semaphore, #tpu.memory_space<semaphore_mem>>)
        %convert_element_type3A_243 = arith.extui %lt3A_75 : i1 to i32
        %cond3A_244 = arith.constant 0 : i32
        %cond3A_245 = arith.cmpi ne, %convert_element_type3A_243, %cond3A_244 : i32
        scf.if %cond3A_245 {
          %eq3A = arith.constant 0 : i32
          %eq3A_247 = arith.cmpi eq, %while3A_151, %eq3A : i32
          %convert_element_type3A_248 = arith.extui %eq3A_247 : i1 to i32
          %cond3A_249 = arith.constant 0 : i32
          %cond3A_250 = arith.cmpi ne, %convert_element_type3A_248, %cond3A_249 : i32
          scf.if %cond3A_250 {
            %add3A_820 = arith.constant 1 : i32
            %add3A_821 = arith.addi %while3A_66, %add3A_820 : i32
            %mul3A_822 = arith.constant 3200 : i32
            %mul3A_823 = arith.muli %add3A_821, %mul3A_822 : i32
            %add3A_824 = arith.addi %mul3A_2, %mul3A_823 : i32
            %dma_wait3A_825 = arith.constant 0 : i32
            %dma_wait3A_826 = tpu.memref_slice %arg6[%sub3A_69, %dma_wait3A_825] : memref<2x3216xi32, #tpu.memory_space<vmem>> -> memref<1x3216xi32, #tpu.memory_space<vmem>>
            %dma_wait3A_827 = tpu.memref_squeeze %dma_wait3A_826 : memref<1x3216xi32, #tpu.memory_space<vmem>> -> memref<3216xi32, #tpu.memory_space<vmem>>
            %dma_wait3A_828 = arith.constant 16 : i32
            %dma_wait3A_829 = tpu.memref_slice %dma_wait3A_827[%dma_wait3A_828] : memref<3216xi32, #tpu.memory_space<vmem>> -> memref<3200xi32, #tpu.memory_space<vmem>>
            %dma_wait3A_830 = tpu.memref_slice %arg2[%add3A_824] : memref<819200xi32, #tpu.memory_space<hbm>> -> memref<3200xi32, #tpu.memory_space<hbm>>
            %dma_wait3A_831 = tpu.memref_slice %arg13[%sub3A_69] : memref<2x!tpu.dma_semaphore, #tpu.memory_space<semaphore_mem>> -> memref<1x!tpu.dma_semaphore, #tpu.memory_space<semaphore_mem>>
            %dma_wait3A_832 = tpu.memref_squeeze %dma_wait3A_831 : memref<1x!tpu.dma_semaphore, #tpu.memory_space<semaphore_mem>> -> memref<!tpu.dma_semaphore, #tpu.memory_space<semaphore_mem>>
            %dma_wait3A_833 = arith.constant 0 : i32
            %dma_wait3A_834 = tpu.memref_slice %arg6[%sub3A_69, %dma_wait3A_833] : memref<2x3216xi32, #tpu.memory_space<vmem>> -> memref<1x3216xi32, #tpu.memory_space<vmem>>
            %dma_wait3A_835 = tpu.memref_squeeze %dma_wait3A_834 : memref<1x3216xi32, #tpu.memory_space<vmem>> -> memref<3216xi32, #tpu.memory_space<vmem>>
            %dma_wait3A_836 = arith.constant 16 : i32
            %dma_wait3A_837 = tpu.memref_slice %dma_wait3A_835[%dma_wait3A_836] : memref<3216xi32, #tpu.memory_space<vmem>> -> memref<3200xi32, #tpu.memory_space<vmem>>
            %dma_wait3A_838 = tpu.memref_slice %arg2[%add3A_824] : memref<819200xi32, #tpu.memory_space<hbm>> -> memref<3200xi32, #tpu.memory_space<hbm>>
            tpu.wait_dma2 semaphore(%dma_wait3A_832 : memref<!tpu.dma_semaphore, #tpu.memory_space<semaphore_mem>>) src(%dma_wait3A_838 : memref<3200xi32, #tpu.memory_space<hbm>>) dst(%dma_wait3A_837 : memref<3200xi32, #tpu.memory_space<vmem>>)
          } else {
          }
          %mul3A_251 = arith.constant 8 : i32
          %mul3A_252 = arith.muli %while3A_151, %mul3A_251 : i32
          %add3A_253 = arith.constant 0 : i32
          %add3A_254 = arith.addi %mul3A_252, %add3A_253 : i32
          %mul3A_255 = arith.constant 16 : i32
          %mul3A_256 = arith.muli %add3A_254, %mul3A_255 : i32
          %add3A_257 = arith.constant 16 : i32
          %add3A_258 = arith.addi %add3A_257, %mul3A_256 : i32
          %get3A = arith.constant 0 : i32
          %get3A_259 = tpu.memref_slice %arg6[%sub3A_69, %get3A] : memref<2x3216xi32, #tpu.memory_space<vmem>> -> memref<1x3216xi32, #tpu.memory_space<vmem>>
          %get3A_260 = tpu.memref_squeeze %get3A_259 : memref<1x3216xi32, #tpu.memory_space<vmem>> -> memref<3216xi32, #tpu.memory_space<vmem>>
          %get3A_261 = arith.index_cast %add3A_258 : i32 to index
          %get3A_262 = tpu.vector_load %get3A_260[%get3A_261] {strides = array<i32>} : memref<3216xi32, #tpu.memory_space<vmem>>, vector<16xi32>,
          %get3A_263 = vector.shape_cast %get3A_262 : vector<16xi32> to vector<16xi32>
          %mul3A_264 = arith.constant 16 : i32
          %mul3A_265 = arith.muli %add3A_254, %mul3A_264 : i32
          %add3A_266 = arith.constant 15 : i32
          %add3A_267 = arith.addi %add3A_266, %mul3A_265 : i32
          %get3A_268 = arith.constant 0 : i32
          %get3A_269 = tpu.memref_slice %arg6[%sub3A_69, %get3A_268] : memref<2x3216xi32, #tpu.memory_space<vmem>> -> memref<1x3216xi32, #tpu.memory_space<vmem>>
          %get3A_270 = tpu.memref_squeeze %get3A_269 : memref<1x3216xi32, #tpu.memory_space<vmem>> -> memref<3216xi32, #tpu.memory_space<vmem>>
          %get3A_271 = arith.index_cast %add3A_267 : i32 to index
          %get3A_272 = tpu.vector_load %get3A_270[%get3A_271] {strides = array<i32>} : memref<3216xi32, #tpu.memory_space<vmem>>, vector<16xi32>,
          %get3A_273 = vector.shape_cast %get3A_272 : vector<16xi32> to vector<16xi32>
          %mul3A_274 = arith.constant 16 : i32
          %mul3A_275 = arith.muli %add3A_254, %mul3A_274 : i32
          %add3A_276 = vector.broadcast %mul3A_275 : i32 to vector<16xi32>
          %add3A_277 = arith.addi %add3A_276, %iota3A : vector<16xi32>
          %rem3A_278 = arith.constant 200 : i32
          %rem3A_279 = vector.broadcast %rem3A_278 : i32 to vector<16xi32>
          %rem3A_280 = arith.remsi %add3A_277, %rem3A_279 : vector<16xi32>
          %eq3A_281 = arith.constant 0 : i32
          %eq3A_282 = vector.broadcast %eq3A_281 : i32 to vector<16xi32>
          %eq3A_283 = arith.cmpi eq, %rem3A_280, %eq3A_282 : vector<16xi32>
          %jit3A = arith.constant 0 : i32
          %broadcast_in_dim3A = vector.broadcast %jit3A : i32 to vector<16xi32>
          %select_n3A = arith.select %eq3A_283, %broadcast_in_dim3A, %get3A_273 : vector<16xi1>, vector<16xi32>
          %mul3A_284 = arith.constant 1696 : i32
          %mul3A_285 = vector.broadcast %mul3A_284 : i32 to vector<16xi32>
          %mul3A_286 = arith.muli %select_n3A, %mul3A_285 : vector<16xi32>
          %add3A_287 = arith.addi %mul3A_286, %get3A_263 : vector<16xi32>
          %and3A = arith.constant 32767 : i32
          %and3A_288 = vector.broadcast %and3A : i32 to vector<16xi32>
          %and3A_289 = arith.andi %add3A_287, %and3A_288 : vector<16xi32>
          %div3A = arith.constant 8 : i32
          %div3A_290 = arith.divsi %add3A_254, %div3A : i32
          %rem3A_291 = arith.constant 8 : i32
          %rem3A_292 = arith.remsi %add3A_254, %rem3A_291 : i32
          %mul3A_293 = arith.constant 16 : i32
          %mul3A_294 = arith.muli %rem3A_292, %mul3A_293 : i32
          %swap3A = arith.constant 0 : i32
          %swap3A_295 = arith.constant 0 : i32
          %swap3A_296 = tpu.memref_slice %arg7[%sub3A_69, %swap3A, %swap3A_295] : memref<2x25x128xi32, #tpu.memory_space<vmem>> -> memref<1x25x128xi32, #tpu.memory_space<vmem>>
          %swap3A_297 = tpu.memref_squeeze %swap3A_296 : memref<1x25x128xi32, #tpu.memory_space<vmem>> -> memref<25x128xi32, #tpu.memory_space<vmem>>
          %swap3A_298 = arith.constant 0 : i32
          %swap3A_299 = tpu.memref_slice %swap3A_297[%div3A_290, %swap3A_298] : memref<25x128xi32, #tpu.memory_space<vmem>> -> memref<1x128xi32, #tpu.memory_space<vmem>>
          %swap3A_300 = tpu.memref_squeeze %swap3A_299 : memref<1x128xi32, #tpu.memory_space<vmem>> -> memref<128xi32, #tpu.memory_space<vmem>>
          %swap3A_301 = arith.index_cast %mul3A_294 : i32 to index
          %swap3A_302 = tpu.vector_load %swap3A_300[%swap3A_301] {strides = array<i32>} : memref<128xi32, #tpu.memory_space<vmem>>, vector<16xi32>,
          %swap3A_303 = vector.shape_cast %swap3A_302 : vector<16xi32> to vector<16xi32>
          %swap3A_304 = vector.shape_cast %get3A_263 : vector<16xi32> to vector<16xi32>
          tpu.vector_store %swap3A_300[%swap3A_301], %swap3A_304 {strides = array<i32>} : memref<128xi32, #tpu.memory_space<vmem>>, vector<16xi32>,
          %swap3A_305 = arith.constant 0 : i32
          %swap3A_306 = arith.constant 0 : i32
          %swap3A_307 = tpu.memref_slice %arg8[%sub3A_69, %swap3A_305, %swap3A_306] : memref<2x25x128xi32, #tpu.memory_space<vmem>> -> memref<1x25x128xi32, #tpu.memory_space<vmem>>
          %swap3A_308 = tpu.memref_squeeze %swap3A_307 : memref<1x25x128xi32, #tpu.memory_space<vmem>> -> memref<25x128xi32, #tpu.memory_space<vmem>>
          %swap3A_309 = arith.constant 0 : i32
          %swap3A_310 = tpu.memref_slice %swap3A_308[%div3A_290, %swap3A_309] : memref<25x128xi32, #tpu.memory_space<vmem>> -> memref<1x128xi32, #tpu.memory_space<vmem>>
          %swap3A_311 = tpu.memref_squeeze %swap3A_310 : memref<1x128xi32, #tpu.memory_space<vmem>> -> memref<128xi32, #tpu.memory_space<vmem>>
          %swap3A_312 = arith.index_cast %mul3A_294 : i32 to index
          %swap3A_313 = tpu.vector_load %swap3A_311[%swap3A_312] {strides = array<i32>} : memref<128xi32, #tpu.memory_space<vmem>>, vector<16xi32>,
          %swap3A_314 = vector.shape_cast %swap3A_313 : vector<16xi32> to vector<16xi32>
          %swap3A_315 = vector.shape_cast %and3A_289 : vector<16xi32> to vector<16xi32>
          tpu.vector_store %swap3A_311[%swap3A_312], %swap3A_315 {strides = array<i32>} : memref<128xi32, #tpu.memory_space<vmem>>, vector<16xi32>,
          %mul3A_316 = arith.constant 8 : i32
          %mul3A_317 = arith.muli %while3A_151, %mul3A_316 : i32
          %add3A_318 = arith.constant 1 : i32
          %add3A_319 = arith.addi %mul3A_317, %add3A_318 : i32
          %mul3A_320 = arith.constant 16 : i32
          %mul3A_321 = arith.muli %add3A_319, %mul3A_320 : i32
          %add3A_322 = arith.constant 16 : i32
          %add3A_323 = arith.addi %add3A_322, %mul3A_321 : i32
          %get3A_324 = arith.constant 0 : i32
          %get3A_325 = tpu.memref_slice %arg6[%sub3A_69, %get3A_324] : memref<2x3216xi32, #tpu.memory_space<vmem>> -> memref<1x3216xi32, #tpu.memory_space<vmem>>
          %get3A_326 = tpu.memref_squeeze %get3A_325 : memref<1x3216xi32, #tpu.memory_space<vmem>> -> memref<3216xi32, #tpu.memory_space<vmem>>
          %get3A_327 = arith.index_cast %add3A_323 : i32 to index
          %get3A_328 = tpu.vector_load %get3A_326[%get3A_327] {strides = array<i32>} : memref<3216xi32, #tpu.memory_space<vmem>>, vector<16xi32>,
          %get3A_329 = vector.shape_cast %get3A_328 : vector<16xi32> to vector<16xi32>
          %mul3A_330 = arith.constant 16 : i32
          %mul3A_331 = arith.muli %add3A_319, %mul3A_330 : i32
          %add3A_332 = arith.constant 15 : i32
          %add3A_333 = arith.addi %add3A_332, %mul3A_331 : i32
          %get3A_334 = arith.constant 0 : i32
          %get3A_335 = tpu.memref_slice %arg6[%sub3A_69, %get3A_334] : memref<2x3216xi32, #tpu.memory_space<vmem>> -> memref<1x3216xi32, #tpu.memory_space<vmem>>
          %get3A_336 = tpu.memref_squeeze %get3A_335 : memref<1x3216xi32, #tpu.memory_space<vmem>> -> memref<3216xi32, #tpu.memory_space<vmem>>
          %get3A_337 = arith.index_cast %add3A_333 : i32 to index
          %get3A_338 = tpu.vector_load %get3A_336[%get3A_337] {strides = array<i32>} : memref<3216xi32, #tpu.memory_space<vmem>>, vector<16xi32>,
          %get3A_339 = vector.shape_cast %get3A_338 : vector<16xi32> to vector<16xi32>
          %mul3A_340 = arith.constant 16 : i32
          %mul3A_341 = arith.muli %add3A_319, %mul3A_340 : i32
          %add3A_342 = vector.broadcast %mul3A_341 : i32 to vector<16xi32>
          %add3A_343 = arith.addi %add3A_342, %iota3A : vector<16xi32>
          %rem3A_344 = arith.constant 200 : i32
          %rem3A_345 = vector.broadcast %rem3A_344 : i32 to vector<16xi32>
          %rem3A_346 = arith.remsi %add3A_343, %rem3A_345 : vector<16xi32>
          %eq3A_347 = arith.constant 0 : i32
          %eq3A_348 = vector.broadcast %eq3A_347 : i32 to vector<16xi32>
          %eq3A_349 = arith.cmpi eq, %rem3A_346, %eq3A_348 : vector<16xi32>
          %jit3A_350 = arith.constant 0 : i32
          %broadcast_in_dim3A_351 = vector.broadcast %jit3A_350 : i32 to vector<16xi32>
          %select_n3A_352 = arith.select %eq3A_349, %broadcast_in_dim3A_351, %get3A_339 : vector<16xi1>, vector<16xi32>
          %mul3A_353 = arith.constant 1696 : i32
          %mul3A_354 = vector.broadcast %mul3A_353 : i32 to vector<16xi32>
          %mul3A_355 = arith.muli %select_n3A_352, %mul3A_354 : vector<16xi32>
          %add3A_356 = arith.addi %mul3A_355, %get3A_329 : vector<16xi32>
          %and3A_357 = arith.constant 32767 : i32
          %and3A_358 = vector.broadcast %and3A_357 : i32 to vector<16xi32>
          %and3A_359 = arith.andi %add3A_356, %and3A_358 : vector<16xi32>
          %div3A_360 = arith.constant 8 : i32
          %div3A_361 = arith.divsi %add3A_319, %div3A_360 : i32
          %rem3A_362 = arith.constant 8 : i32
          %rem3A_363 = arith.remsi %add3A_319, %rem3A_362 : i32
          %mul3A_364 = arith.constant 16 : i32
          %mul3A_365 = arith.muli %rem3A_363, %mul3A_364 : i32
          %swap3A_366 = arith.constant 0 : i32
          %swap3A_367 = arith.constant 0 : i32
          %swap3A_368 = tpu.memref_slice %arg7[%sub3A_69, %swap3A_366, %swap3A_367] : memref<2x25x128xi32, #tpu.memory_space<vmem>> -> memref<1x25x128xi32, #tpu.memory_space<vmem>>
          %swap3A_369 = tpu.memref_squeeze %swap3A_368 : memref<1x25x128xi32, #tpu.memory_space<vmem>> -> memref<25x128xi32, #tpu.memory_space<vmem>>
          %swap3A_370 = arith.constant 0 : i32
          %swap3A_371 = tpu.memref_slice %swap3A_369[%div3A_361, %swap3A_370] : memref<25x128xi32, #tpu.memory_space<vmem>> -> memref<1x128xi32, #tpu.memory_space<vmem>>
          %swap3A_372 = tpu.memref_squeeze %swap3A_371 : memref<1x128xi32, #tpu.memory_space<vmem>> -> memref<128xi32, #tpu.memory_space<vmem>>
          %swap3A_373 = arith.index_cast %mul3A_365 : i32 to index
          %swap3A_374 = tpu.vector_load %swap3A_372[%swap3A_373] {strides = array<i32>} : memref<128xi32, #tpu.memory_space<vmem>>, vector<16xi32>,
          %swap3A_375 = vector.shape_cast %swap3A_374 : vector<16xi32> to vector<16xi32>
          %swap3A_376 = vector.shape_cast %get3A_329 : vector<16xi32> to vector<16xi32>
          tpu.vector_store %swap3A_372[%swap3A_373], %swap3A_376 {strides = array<i32>} : memref<128xi32, #tpu.memory_space<vmem>>, vector<16xi32>,
          %swap3A_377 = arith.constant 0 : i32
          %swap3A_378 = arith.constant 0 : i32
          %swap3A_379 = tpu.memref_slice %arg8[%sub3A_69, %swap3A_377, %swap3A_378] : memref<2x25x128xi32, #tpu.memory_space<vmem>> -> memref<1x25x128xi32, #tpu.memory_space<vmem>>
          %swap3A_380 = tpu.memref_squeeze %swap3A_379 : memref<1x25x128xi32, #tpu.memory_space<vmem>> -> memref<25x128xi32, #tpu.memory_space<vmem>>
          %swap3A_381 = arith.constant 0 : i32
          %swap3A_382 = tpu.memref_slice %swap3A_380[%div3A_361, %swap3A_381] : memref<25x128xi32, #tpu.memory_space<vmem>> -> memref<1x128xi32, #tpu.memory_space<vmem>>
          %swap3A_383 = tpu.memref_squeeze %swap3A_382 : memref<1x128xi32, #tpu.memory_space<vmem>> -> memref<128xi32, #tpu.memory_space<vmem>>
          %swap3A_384 = arith.index_cast %mul3A_365 : i32 to index
          %swap3A_385 = tpu.vector_load %swap3A_383[%swap3A_384] {strides = array<i32>} : memref<128xi32, #tpu.memory_space<vmem>>, vector<16xi32>,
          %swap3A_386 = vector.shape_cast %swap3A_385 : vector<16xi32> to vector<16xi32>
          %swap3A_387 = vector.shape_cast %and3A_359 : vector<16xi32> to vector<16xi32>
          tpu.vector_store %swap3A_383[%swap3A_384], %swap3A_387 {strides = array<i32>} : memref<128xi32, #tpu.memory_space<vmem>>, vector<16xi32>,
          %mul3A_388 = arith.constant 8 : i32
          %mul3A_389 = arith.muli %while3A_151, %mul3A_388 : i32
          %add3A_390 = arith.constant 2 : i32
          %add3A_391 = arith.addi %mul3A_389, %add3A_390 : i32
          %mul3A_392 = arith.constant 16 : i32
          %mul3A_393 = arith.muli %add3A_391, %mul3A_392 : i32
          %add3A_394 = arith.constant 16 : i32
          %add3A_395 = arith.addi %add3A_394, %mul3A_393 : i32
          %get3A_396 = arith.constant 0 : i32
          %get3A_397 = tpu.memref_slice %arg6[%sub3A_69, %get3A_396] : memref<2x3216xi32, #tpu.memory_space<vmem>> -> memref<1x3216xi32, #tpu.memory_space<vmem>>
          %get3A_398 = tpu.memref_squeeze %get3A_397 : memref<1x3216xi32, #tpu.memory_space<vmem>> -> memref<3216xi32, #tpu.memory_space<vmem>>
          %get3A_399 = arith.index_cast %add3A_395 : i32 to index
          %get3A_400 = tpu.vector_load %get3A_398[%get3A_399] {strides = array<i32>} : memref<3216xi32, #tpu.memory_space<vmem>>, vector<16xi32>,
          %get3A_401 = vector.shape_cast %get3A_400 : vector<16xi32> to vector<16xi32>
          %mul3A_402 = arith.constant 16 : i32
          %mul3A_403 = arith.muli %add3A_391, %mul3A_402 : i32
          %add3A_404 = arith.constant 15 : i32
          %add3A_405 = arith.addi %add3A_404, %mul3A_403 : i32
          %get3A_406 = arith.constant 0 : i32
          %get3A_407 = tpu.memref_slice %arg6[%sub3A_69, %get3A_406] : memref<2x3216xi32, #tpu.memory_space<vmem>> -> memref<1x3216xi32, #tpu.memory_space<vmem>>
          %get3A_408 = tpu.memref_squeeze %get3A_407 : memref<1x3216xi32, #tpu.memory_space<vmem>> -> memref<3216xi32, #tpu.memory_space<vmem>>
          %get3A_409 = arith.index_cast %add3A_405 : i32 to index
          %get3A_410 = tpu.vector_load %get3A_408[%get3A_409] {strides = array<i32>} : memref<3216xi32, #tpu.memory_space<vmem>>, vector<16xi32>,
          %get3A_411 = vector.shape_cast %get3A_410 : vector<16xi32> to vector<16xi32>
          %mul3A_412 = arith.constant 16 : i32
          %mul3A_413 = arith.muli %add3A_391, %mul3A_412 : i32
          %add3A_414 = vector.broadcast %mul3A_413 : i32 to vector<16xi32>
          %add3A_415 = arith.addi %add3A_414, %iota3A : vector<16xi32>
          %rem3A_416 = arith.constant 200 : i32
          %rem3A_417 = vector.broadcast %rem3A_416 : i32 to vector<16xi32>
          %rem3A_418 = arith.remsi %add3A_415, %rem3A_417 : vector<16xi32>
          %eq3A_419 = arith.constant 0 : i32
          %eq3A_420 = vector.broadcast %eq3A_419 : i32 to vector<16xi32>
          %eq3A_421 = arith.cmpi eq, %rem3A_418, %eq3A_420 : vector<16xi32>
          %jit3A_422 = arith.constant 0 : i32
          %broadcast_in_dim3A_423 = vector.broadcast %jit3A_422 : i32 to vector<16xi32>
          %select_n3A_424 = arith.select %eq3A_421, %broadcast_in_dim3A_423, %get3A_411 : vector<16xi1>, vector<16xi32>
          %mul3A_425 = arith.constant 1696 : i32
          %mul3A_426 = vector.broadcast %mul3A_425 : i32 to vector<16xi32>
          %mul3A_427 = arith.muli %select_n3A_424, %mul3A_426 : vector<16xi32>
          %add3A_428 = arith.addi %mul3A_427, %get3A_401 : vector<16xi32>
          %and3A_429 = arith.constant 32767 : i32
          %and3A_430 = vector.broadcast %and3A_429 : i32 to vector<16xi32>
          %and3A_431 = arith.andi %add3A_428, %and3A_430 : vector<16xi32>
          %div3A_432 = arith.constant 8 : i32
          %div3A_433 = arith.divsi %add3A_391, %div3A_432 : i32
          %rem3A_434 = arith.constant 8 : i32
          %rem3A_435 = arith.remsi %add3A_391, %rem3A_434 : i32
          %mul3A_436 = arith.constant 16 : i32
          %mul3A_437 = arith.muli %rem3A_435, %mul3A_436 : i32
          %swap3A_438 = arith.constant 0 : i32
          %swap3A_439 = arith.constant 0 : i32
          %swap3A_440 = tpu.memref_slice %arg7[%sub3A_69, %swap3A_438, %swap3A_439] : memref<2x25x128xi32, #tpu.memory_space<vmem>> -> memref<1x25x128xi32, #tpu.memory_space<vmem>>
          %swap3A_441 = tpu.memref_squeeze %swap3A_440 : memref<1x25x128xi32, #tpu.memory_space<vmem>> -> memref<25x128xi32, #tpu.memory_space<vmem>>
          %swap3A_442 = arith.constant 0 : i32
          %swap3A_443 = tpu.memref_slice %swap3A_441[%div3A_433, %swap3A_442] : memref<25x128xi32, #tpu.memory_space<vmem>> -> memref<1x128xi32, #tpu.memory_space<vmem>>
          %swap3A_444 = tpu.memref_squeeze %swap3A_443 : memref<1x128xi32, #tpu.memory_space<vmem>> -> memref<128xi32, #tpu.memory_space<vmem>>
          %swap3A_445 = arith.index_cast %mul3A_437 : i32 to index
          %swap3A_446 = tpu.vector_load %swap3A_444[%swap3A_445] {strides = array<i32>} : memref<128xi32, #tpu.memory_space<vmem>>, vector<16xi32>,
          %swap3A_447 = vector.shape_cast %swap3A_446 : vector<16xi32> to vector<16xi32>
          %swap3A_448 = vector.shape_cast %get3A_401 : vector<16xi32> to vector<16xi32>
          tpu.vector_store %swap3A_444[%swap3A_445], %swap3A_448 {strides = array<i32>} : memref<128xi32, #tpu.memory_space<vmem>>, vector<16xi32>,
          %swap3A_449 = arith.constant 0 : i32
          %swap3A_450 = arith.constant 0 : i32
          %swap3A_451 = tpu.memref_slice %arg8[%sub3A_69, %swap3A_449, %swap3A_450] : memref<2x25x128xi32, #tpu.memory_space<vmem>> -> memref<1x25x128xi32, #tpu.memory_space<vmem>>
          %swap3A_452 = tpu.memref_squeeze %swap3A_451 : memref<1x25x128xi32, #tpu.memory_space<vmem>> -> memref<25x128xi32, #tpu.memory_space<vmem>>
          %swap3A_453 = arith.constant 0 : i32
          %swap3A_454 = tpu.memref_slice %swap3A_452[%div3A_433, %swap3A_453] : memref<25x128xi32, #tpu.memory_space<vmem>> -> memref<1x128xi32, #tpu.memory_space<vmem>>
          %swap3A_455 = tpu.memref_squeeze %swap3A_454 : memref<1x128xi32, #tpu.memory_space<vmem>> -> memref<128xi32, #tpu.memory_space<vmem>>
          %swap3A_456 = arith.index_cast %mul3A_437 : i32 to index
          %swap3A_457 = tpu.vector_load %swap3A_455[%swap3A_456] {strides = array<i32>} : memref<128xi32, #tpu.memory_space<vmem>>, vector<16xi32>,
          %swap3A_458 = vector.shape_cast %swap3A_457 : vector<16xi32> to vector<16xi32>
          %swap3A_459 = vector.shape_cast %and3A_431 : vector<16xi32> to vector<16xi32>
          tpu.vector_store %swap3A_455[%swap3A_456], %swap3A_459 {strides = array<i32>} : memref<128xi32, #tpu.memory_space<vmem>>, vector<16xi32>,
          %mul3A_460 = arith.constant 8 : i32
          %mul3A_461 = arith.muli %while3A_151, %mul3A_460 : i32
          %add3A_462 = arith.constant 3 : i32
          %add3A_463 = arith.addi %mul3A_461, %add3A_462 : i32
          %mul3A_464 = arith.constant 16 : i32
          %mul3A_465 = arith.muli %add3A_463, %mul3A_464 : i32
          %add3A_466 = arith.constant 16 : i32
          %add3A_467 = arith.addi %add3A_466, %mul3A_465 : i32
          %get3A_468 = arith.constant 0 : i32
          %get3A_469 = tpu.memref_slice %arg6[%sub3A_69, %get3A_468] : memref<2x3216xi32, #tpu.memory_space<vmem>> -> memref<1x3216xi32, #tpu.memory_space<vmem>>
          %get3A_470 = tpu.memref_squeeze %get3A_469 : memref<1x3216xi32, #tpu.memory_space<vmem>> -> memref<3216xi32, #tpu.memory_space<vmem>>
          %get3A_471 = arith.index_cast %add3A_467 : i32 to index
          %get3A_472 = tpu.vector_load %get3A_470[%get3A_471] {strides = array<i32>} : memref<3216xi32, #tpu.memory_space<vmem>>, vector<16xi32>,
          %get3A_473 = vector.shape_cast %get3A_472 : vector<16xi32> to vector<16xi32>
          %mul3A_474 = arith.constant 16 : i32
          %mul3A_475 = arith.muli %add3A_463, %mul3A_474 : i32
          %add3A_476 = arith.constant 15 : i32
          %add3A_477 = arith.addi %add3A_476, %mul3A_475 : i32
          %get3A_478 = arith.constant 0 : i32
          %get3A_479 = tpu.memref_slice %arg6[%sub3A_69, %get3A_478] : memref<2x3216xi32, #tpu.memory_space<vmem>> -> memref<1x3216xi32, #tpu.memory_space<vmem>>
          %get3A_480 = tpu.memref_squeeze %get3A_479 : memref<1x3216xi32, #tpu.memory_space<vmem>> -> memref<3216xi32, #tpu.memory_space<vmem>>
          %get3A_481 = arith.index_cast %add3A_477 : i32 to index
          %get3A_482 = tpu.vector_load %get3A_480[%get3A_481] {strides = array<i32>} : memref<3216xi32, #tpu.memory_space<vmem>>, vector<16xi32>,
          %get3A_483 = vector.shape_cast %get3A_482 : vector<16xi32> to vector<16xi32>
          %mul3A_484 = arith.constant 16 : i32
          %mul3A_485 = arith.muli %add3A_463, %mul3A_484 : i32
          %add3A_486 = vector.broadcast %mul3A_485 : i32 to vector<16xi32>
          %add3A_487 = arith.addi %add3A_486, %iota3A : vector<16xi32>
          %rem3A_488 = arith.constant 200 : i32
          %rem3A_489 = vector.broadcast %rem3A_488 : i32 to vector<16xi32>
          %rem3A_490 = arith.remsi %add3A_487, %rem3A_489 : vector<16xi32>
          %eq3A_491 = arith.constant 0 : i32
          %eq3A_492 = vector.broadcast %eq3A_491 : i32 to vector<16xi32>
          %eq3A_493 = arith.cmpi eq, %rem3A_490, %eq3A_492 : vector<16xi32>
          %jit3A_494 = arith.constant 0 : i32
          %broadcast_in_dim3A_495 = vector.broadcast %jit3A_494 : i32 to vector<16xi32>
          %select_n3A_496 = arith.select %eq3A_493, %broadcast_in_dim3A_495, %get3A_483 : vector<16xi1>, vector<16xi32>
          %mul3A_497 = arith.constant 1696 : i32
          %mul3A_498 = vector.broadcast %mul3A_497 : i32 to vector<16xi32>
          %mul3A_499 = arith.muli %select_n3A_496, %mul3A_498 : vector<16xi32>
          %add3A_500 = arith.addi %mul3A_499, %get3A_473 : vector<16xi32>
          %and3A_501 = arith.constant 32767 : i32
          %and3A_502 = vector.broadcast %and3A_501 : i32 to vector<16xi32>
          %and3A_503 = arith.andi %add3A_500, %and3A_502 : vector<16xi32>
          %div3A_504 = arith.constant 8 : i32
          %div3A_505 = arith.divsi %add3A_463, %div3A_504 : i32
          %rem3A_506 = arith.constant 8 : i32
          %rem3A_507 = arith.remsi %add3A_463, %rem3A_506 : i32
          %mul3A_508 = arith.constant 16 : i32
          %mul3A_509 = arith.muli %rem3A_507, %mul3A_508 : i32
          %swap3A_510 = arith.constant 0 : i32
          %swap3A_511 = arith.constant 0 : i32
          %swap3A_512 = tpu.memref_slice %arg7[%sub3A_69, %swap3A_510, %swap3A_511] : memref<2x25x128xi32, #tpu.memory_space<vmem>> -> memref<1x25x128xi32, #tpu.memory_space<vmem>>
          %swap3A_513 = tpu.memref_squeeze %swap3A_512 : memref<1x25x128xi32, #tpu.memory_space<vmem>> -> memref<25x128xi32, #tpu.memory_space<vmem>>
          %swap3A_514 = arith.constant 0 : i32
          %swap3A_515 = tpu.memref_slice %swap3A_513[%div3A_505, %swap3A_514] : memref<25x128xi32, #tpu.memory_space<vmem>> -> memref<1x128xi32, #tpu.memory_space<vmem>>
          %swap3A_516 = tpu.memref_squeeze %swap3A_515 : memref<1x128xi32, #tpu.memory_space<vmem>> -> memref<128xi32, #tpu.memory_space<vmem>>
          %swap3A_517 = arith.index_cast %mul3A_509 : i32 to index
          %swap3A_518 = tpu.vector_load %swap3A_516[%swap3A_517] {strides = array<i32>} : memref<128xi32, #tpu.memory_space<vmem>>, vector<16xi32>,
          %swap3A_519 = vector.shape_cast %swap3A_518 : vector<16xi32> to vector<16xi32>
          %swap3A_520 = vector.shape_cast %get3A_473 : vector<16xi32> to vector<16xi32>
          tpu.vector_store %swap3A_516[%swap3A_517], %swap3A_520 {strides = array<i32>} : memref<128xi32, #tpu.memory_space<vmem>>, vector<16xi32>,
          %swap3A_521 = arith.constant 0 : i32
          %swap3A_522 = arith.constant 0 : i32
          %swap3A_523 = tpu.memref_slice %arg8[%sub3A_69, %swap3A_521, %swap3A_522] : memref<2x25x128xi32, #tpu.memory_space<vmem>> -> memref<1x25x128xi32, #tpu.memory_space<vmem>>
          %swap3A_524 = tpu.memref_squeeze %swap3A_523 : memref<1x25x128xi32, #tpu.memory_space<vmem>> -> memref<25x128xi32, #tpu.memory_space<vmem>>
          %swap3A_525 = arith.constant 0 : i32
          %swap3A_526 = tpu.memref_slice %swap3A_524[%div3A_505, %swap3A_525] : memref<25x128xi32, #tpu.memory_space<vmem>> -> memref<1x128xi32, #tpu.memory_space<vmem>>
          %swap3A_527 = tpu.memref_squeeze %swap3A_526 : memref<1x128xi32, #tpu.memory_space<vmem>> -> memref<128xi32, #tpu.memory_space<vmem>>
          %swap3A_528 = arith.index_cast %mul3A_509 : i32 to index
          %swap3A_529 = tpu.vector_load %swap3A_527[%swap3A_528] {strides = array<i32>} : memref<128xi32, #tpu.memory_space<vmem>>, vector<16xi32>,
          %swap3A_530 = vector.shape_cast %swap3A_529 : vector<16xi32> to vector<16xi32>
          %swap3A_531 = vector.shape_cast %and3A_503 : vector<16xi32> to vector<16xi32>
          tpu.vector_store %swap3A_527[%swap3A_528], %swap3A_531 {strides = array<i32>} : memref<128xi32, #tpu.memory_space<vmem>>, vector<16xi32>,
          %mul3A_532 = arith.constant 8 : i32
          %mul3A_533 = arith.muli %while3A_151, %mul3A_532 : i32
          %add3A_534 = arith.constant 4 : i32
          %add3A_535 = arith.addi %mul3A_533, %add3A_534 : i32
          %mul3A_536 = arith.constant 16 : i32
          %mul3A_537 = arith.muli %add3A_535, %mul3A_536 : i32
          %add3A_538 = arith.constant 16 : i32
          %add3A_539 = arith.addi %add3A_538, %mul3A_537 : i32
          %get3A_540 = arith.constant 0 : i32
          %get3A_541 = tpu.memref_slice %arg6[%sub3A_69, %get3A_540] : memref<2x3216xi32, #tpu.memory_space<vmem>> -> memref<1x3216xi32, #tpu.memory_space<vmem>>
          %get3A_542 = tpu.memref_squeeze %get3A_541 : memref<1x3216xi32, #tpu.memory_space<vmem>> -> memref<3216xi32, #tpu.memory_space<vmem>>
          %get3A_543 = arith.index_cast %add3A_539 : i32 to index
          %get3A_544 = tpu.vector_load %get3A_542[%get3A_543] {strides = array<i32>} : memref<3216xi32, #tpu.memory_space<vmem>>, vector<16xi32>,
          %get3A_545 = vector.shape_cast %get3A_544 : vector<16xi32> to vector<16xi32>
          %mul3A_546 = arith.constant 16 : i32
          %mul3A_547 = arith.muli %add3A_535, %mul3A_546 : i32
          %add3A_548 = arith.constant 15 : i32
          %add3A_549 = arith.addi %add3A_548, %mul3A_547 : i32
          %get3A_550 = arith.constant 0 : i32
          %get3A_551 = tpu.memref_slice %arg6[%sub3A_69, %get3A_550] : memref<2x3216xi32, #tpu.memory_space<vmem>> -> memref<1x3216xi32, #tpu.memory_space<vmem>>
          %get3A_552 = tpu.memref_squeeze %get3A_551 : memref<1x3216xi32, #tpu.memory_space<vmem>> -> memref<3216xi32, #tpu.memory_space<vmem>>
          %get3A_553 = arith.index_cast %add3A_549 : i32 to index
          %get3A_554 = tpu.vector_load %get3A_552[%get3A_553] {strides = array<i32>} : memref<3216xi32, #tpu.memory_space<vmem>>, vector<16xi32>,
          %get3A_555 = vector.shape_cast %get3A_554 : vector<16xi32> to vector<16xi32>
          %mul3A_556 = arith.constant 16 : i32
          %mul3A_557 = arith.muli %add3A_535, %mul3A_556 : i32
          %add3A_558 = vector.broadcast %mul3A_557 : i32 to vector<16xi32>
          %add3A_559 = arith.addi %add3A_558, %iota3A : vector<16xi32>
          %rem3A_560 = arith.constant 200 : i32
          %rem3A_561 = vector.broadcast %rem3A_560 : i32 to vector<16xi32>
          %rem3A_562 = arith.remsi %add3A_559, %rem3A_561 : vector<16xi32>
          %eq3A_563 = arith.constant 0 : i32
          %eq3A_564 = vector.broadcast %eq3A_563 : i32 to vector<16xi32>
          %eq3A_565 = arith.cmpi eq, %rem3A_562, %eq3A_564 : vector<16xi32>
          %jit3A_566 = arith.constant 0 : i32
          %broadcast_in_dim3A_567 = vector.broadcast %jit3A_566 : i32 to vector<16xi32>
          %select_n3A_568 = arith.select %eq3A_565, %broadcast_in_dim3A_567, %get3A_555 : vector<16xi1>, vector<16xi32>
          %mul3A_569 = arith.constant 1696 : i32
          %mul3A_570 = vector.broadcast %mul3A_569 : i32 to vector<16xi32>
          %mul3A_571 = arith.muli %select_n3A_568, %mul3A_570 : vector<16xi32>
          %add3A_572 = arith.addi %mul3A_571, %get3A_545 : vector<16xi32>
          %and3A_573 = arith.constant 32767 : i32
          %and3A_574 = vector.broadcast %and3A_573 : i32 to vector<16xi32>
          %and3A_575 = arith.andi %add3A_572, %and3A_574 : vector<16xi32>
          %div3A_576 = arith.constant 8 : i32
          %div3A_577 = arith.divsi %add3A_535, %div3A_576 : i32
          %rem3A_578 = arith.constant 8 : i32
          %rem3A_579 = arith.remsi %add3A_535, %rem3A_578 : i32
          %mul3A_580 = arith.constant 16 : i32
          %mul3A_581 = arith.muli %rem3A_579, %mul3A_580 : i32
          %swap3A_582 = arith.constant 0 : i32
          %swap3A_583 = arith.constant 0 : i32
          %swap3A_584 = tpu.memref_slice %arg7[%sub3A_69, %swap3A_582, %swap3A_583] : memref<2x25x128xi32, #tpu.memory_space<vmem>> -> memref<1x25x128xi32, #tpu.memory_space<vmem>>
          %swap3A_585 = tpu.memref_squeeze %swap3A_584 : memref<1x25x128xi32, #tpu.memory_space<vmem>> -> memref<25x128xi32, #tpu.memory_space<vmem>>
          %swap3A_586 = arith.constant 0 : i32
          %swap3A_587 = tpu.memref_slice %swap3A_585[%div3A_577, %swap3A_586] : memref<25x128xi32, #tpu.memory_space<vmem>> -> memref<1x128xi32, #tpu.memory_space<vmem>>
          %swap3A_588 = tpu.memref_squeeze %swap3A_587 : memref<1x128xi32, #tpu.memory_space<vmem>> -> memref<128xi32, #tpu.memory_space<vmem>>
          %swap3A_589 = arith.index_cast %mul3A_581 : i32 to index
          %swap3A_590 = tpu.vector_load %swap3A_588[%swap3A_589] {strides = array<i32>} : memref<128xi32, #tpu.memory_space<vmem>>, vector<16xi32>,
          %swap3A_591 = vector.shape_cast %swap3A_590 : vector<16xi32> to vector<16xi32>
          %swap3A_592 = vector.shape_cast %get3A_545 : vector<16xi32> to vector<16xi32>
          tpu.vector_store %swap3A_588[%swap3A_589], %swap3A_592 {strides = array<i32>} : memref<128xi32, #tpu.memory_space<vmem>>, vector<16xi32>,
          %swap3A_593 = arith.constant 0 : i32
          %swap3A_594 = arith.constant 0 : i32
          %swap3A_595 = tpu.memref_slice %arg8[%sub3A_69, %swap3A_593, %swap3A_594] : memref<2x25x128xi32, #tpu.memory_space<vmem>> -> memref<1x25x128xi32, #tpu.memory_space<vmem>>
          %swap3A_596 = tpu.memref_squeeze %swap3A_595 : memref<1x25x128xi32, #tpu.memory_space<vmem>> -> memref<25x128xi32, #tpu.memory_space<vmem>>
          %swap3A_597 = arith.constant 0 : i32
          %swap3A_598 = tpu.memref_slice %swap3A_596[%div3A_577, %swap3A_597] : memref<25x128xi32, #tpu.memory_space<vmem>> -> memref<1x128xi32, #tpu.memory_space<vmem>>
          %swap3A_599 = tpu.memref_squeeze %swap3A_598 : memref<1x128xi32, #tpu.memory_space<vmem>> -> memref<128xi32, #tpu.memory_space<vmem>>
          %swap3A_600 = arith.index_cast %mul3A_581 : i32 to index
          %swap3A_601 = tpu.vector_load %swap3A_599[%swap3A_600] {strides = array<i32>} : memref<128xi32, #tpu.memory_space<vmem>>, vector<16xi32>,
          %swap3A_602 = vector.shape_cast %swap3A_601 : vector<16xi32> to vector<16xi32>
          %swap3A_603 = vector.shape_cast %and3A_575 : vector<16xi32> to vector<16xi32>
          tpu.vector_store %swap3A_599[%swap3A_600], %swap3A_603 {strides = array<i32>} : memref<128xi32, #tpu.memory_space<vmem>>, vector<16xi32>,
          %mul3A_604 = arith.constant 8 : i32
          %mul3A_605 = arith.muli %while3A_151, %mul3A_604 : i32
          %add3A_606 = arith.constant 5 : i32
          %add3A_607 = arith.addi %mul3A_605, %add3A_606 : i32
          %mul3A_608 = arith.constant 16 : i32
          %mul3A_609 = arith.muli %add3A_607, %mul3A_608 : i32
          %add3A_610 = arith.constant 16 : i32
          %add3A_611 = arith.addi %add3A_610, %mul3A_609 : i32
          %get3A_612 = arith.constant 0 : i32
          %get3A_613 = tpu.memref_slice %arg6[%sub3A_69, %get3A_612] : memref<2x3216xi32, #tpu.memory_space<vmem>> -> memref<1x3216xi32, #tpu.memory_space<vmem>>
          %get3A_614 = tpu.memref_squeeze %get3A_613 : memref<1x3216xi32, #tpu.memory_space<vmem>> -> memref<3216xi32, #tpu.memory_space<vmem>>
          %get3A_615 = arith.index_cast %add3A_611 : i32 to index
          %get3A_616 = tpu.vector_load %get3A_614[%get3A_615] {strides = array<i32>} : memref<3216xi32, #tpu.memory_space<vmem>>, vector<16xi32>,
          %get3A_617 = vector.shape_cast %get3A_616 : vector<16xi32> to vector<16xi32>
          %mul3A_618 = arith.constant 16 : i32
          %mul3A_619 = arith.muli %add3A_607, %mul3A_618 : i32
          %add3A_620 = arith.constant 15 : i32
          %add3A_621 = arith.addi %add3A_620, %mul3A_619 : i32
          %get3A_622 = arith.constant 0 : i32
          %get3A_623 = tpu.memref_slice %arg6[%sub3A_69, %get3A_622] : memref<2x3216xi32, #tpu.memory_space<vmem>> -> memref<1x3216xi32, #tpu.memory_space<vmem>>
          %get3A_624 = tpu.memref_squeeze %get3A_623 : memref<1x3216xi32, #tpu.memory_space<vmem>> -> memref<3216xi32, #tpu.memory_space<vmem>>
          %get3A_625 = arith.index_cast %add3A_621 : i32 to index
          %get3A_626 = tpu.vector_load %get3A_624[%get3A_625] {strides = array<i32>} : memref<3216xi32, #tpu.memory_space<vmem>>, vector<16xi32>,
          %get3A_627 = vector.shape_cast %get3A_626 : vector<16xi32> to vector<16xi32>
          %mul3A_628 = arith.constant 16 : i32
          %mul3A_629 = arith.muli %add3A_607, %mul3A_628 : i32
          %add3A_630 = vector.broadcast %mul3A_629 : i32 to vector<16xi32>
          %add3A_631 = arith.addi %add3A_630, %iota3A : vector<16xi32>
          %rem3A_632 = arith.constant 200 : i32
          %rem3A_633 = vector.broadcast %rem3A_632 : i32 to vector<16xi32>
          %rem3A_634 = arith.remsi %add3A_631, %rem3A_633 : vector<16xi32>
          %eq3A_635 = arith.constant 0 : i32
          %eq3A_636 = vector.broadcast %eq3A_635 : i32 to vector<16xi32>
          %eq3A_637 = arith.cmpi eq, %rem3A_634, %eq3A_636 : vector<16xi32>
          %jit3A_638 = arith.constant 0 : i32
          %broadcast_in_dim3A_639 = vector.broadcast %jit3A_638 : i32 to vector<16xi32>
          %select_n3A_640 = arith.select %eq3A_637, %broadcast_in_dim3A_639, %get3A_627 : vector<16xi1>, vector<16xi32>
          %mul3A_641 = arith.constant 1696 : i32
          %mul3A_642 = vector.broadcast %mul3A_641 : i32 to vector<16xi32>
          %mul3A_643 = arith.muli %select_n3A_640, %mul3A_642 : vector<16xi32>
          %add3A_644 = arith.addi %mul3A_643, %get3A_617 : vector<16xi32>
          %and3A_645 = arith.constant 32767 : i32
          %and3A_646 = vector.broadcast %and3A_645 : i32 to vector<16xi32>
          %and3A_647 = arith.andi %add3A_644, %and3A_646 : vector<16xi32>
          %div3A_648 = arith.constant 8 : i32
          %div3A_649 = arith.divsi %add3A_607, %div3A_648 : i32
          %rem3A_650 = arith.constant 8 : i32
          %rem3A_651 = arith.remsi %add3A_607, %rem3A_650 : i32
          %mul3A_652 = arith.constant 16 : i32
          %mul3A_653 = arith.muli %rem3A_651, %mul3A_652 : i32
          %swap3A_654 = arith.constant 0 : i32
          %swap3A_655 = arith.constant 0 : i32
          %swap3A_656 = tpu.memref_slice %arg7[%sub3A_69, %swap3A_654, %swap3A_655] : memref<2x25x128xi32, #tpu.memory_space<vmem>> -> memref<1x25x128xi32, #tpu.memory_space<vmem>>
          %swap3A_657 = tpu.memref_squeeze %swap3A_656 : memref<1x25x128xi32, #tpu.memory_space<vmem>> -> memref<25x128xi32, #tpu.memory_space<vmem>>
          %swap3A_658 = arith.constant 0 : i32
          %swap3A_659 = tpu.memref_slice %swap3A_657[%div3A_649, %swap3A_658] : memref<25x128xi32, #tpu.memory_space<vmem>> -> memref<1x128xi32, #tpu.memory_space<vmem>>
          %swap3A_660 = tpu.memref_squeeze %swap3A_659 : memref<1x128xi32, #tpu.memory_space<vmem>> -> memref<128xi32, #tpu.memory_space<vmem>>
          %swap3A_661 = arith.index_cast %mul3A_653 : i32 to index
          %swap3A_662 = tpu.vector_load %swap3A_660[%swap3A_661] {strides = array<i32>} : memref<128xi32, #tpu.memory_space<vmem>>, vector<16xi32>,
          %swap3A_663 = vector.shape_cast %swap3A_662 : vector<16xi32> to vector<16xi32>
          %swap3A_664 = vector.shape_cast %get3A_617 : vector<16xi32> to vector<16xi32>
          tpu.vector_store %swap3A_660[%swap3A_661], %swap3A_664 {strides = array<i32>} : memref<128xi32, #tpu.memory_space<vmem>>, vector<16xi32>,
          %swap3A_665 = arith.constant 0 : i32
          %swap3A_666 = arith.constant 0 : i32
          %swap3A_667 = tpu.memref_slice %arg8[%sub3A_69, %swap3A_665, %swap3A_666] : memref<2x25x128xi32, #tpu.memory_space<vmem>> -> memref<1x25x128xi32, #tpu.memory_space<vmem>>
          %swap3A_668 = tpu.memref_squeeze %swap3A_667 : memref<1x25x128xi32, #tpu.memory_space<vmem>> -> memref<25x128xi32, #tpu.memory_space<vmem>>
          %swap3A_669 = arith.constant 0 : i32
          %swap3A_670 = tpu.memref_slice %swap3A_668[%div3A_649, %swap3A_669] : memref<25x128xi32, #tpu.memory_space<vmem>> -> memref<1x128xi32, #tpu.memory_space<vmem>>
          %swap3A_671 = tpu.memref_squeeze %swap3A_670 : memref<1x128xi32, #tpu.memory_space<vmem>> -> memref<128xi32, #tpu.memory_space<vmem>>
          %swap3A_672 = arith.index_cast %mul3A_653 : i32 to index
          %swap3A_673 = tpu.vector_load %swap3A_671[%swap3A_672] {strides = array<i32>} : memref<128xi32, #tpu.memory_space<vmem>>, vector<16xi32>,
          %swap3A_674 = vector.shape_cast %swap3A_673 : vector<16xi32> to vector<16xi32>
          %swap3A_675 = vector.shape_cast %and3A_647 : vector<16xi32> to vector<16xi32>
          tpu.vector_store %swap3A_671[%swap3A_672], %swap3A_675 {strides = array<i32>} : memref<128xi32, #tpu.memory_space<vmem>>, vector<16xi32>,
          %mul3A_676 = arith.constant 8 : i32
          %mul3A_677 = arith.muli %while3A_151, %mul3A_676 : i32
          %add3A_678 = arith.constant 6 : i32
          %add3A_679 = arith.addi %mul3A_677, %add3A_678 : i32
          %mul3A_680 = arith.constant 16 : i32
          %mul3A_681 = arith.muli %add3A_679, %mul3A_680 : i32
          %add3A_682 = arith.constant 16 : i32
          %add3A_683 = arith.addi %add3A_682, %mul3A_681 : i32
          %get3A_684 = arith.constant 0 : i32
          %get3A_685 = tpu.memref_slice %arg6[%sub3A_69, %get3A_684] : memref<2x3216xi32, #tpu.memory_space<vmem>> -> memref<1x3216xi32, #tpu.memory_space<vmem>>
          %get3A_686 = tpu.memref_squeeze %get3A_685 : memref<1x3216xi32, #tpu.memory_space<vmem>> -> memref<3216xi32, #tpu.memory_space<vmem>>
          %get3A_687 = arith.index_cast %add3A_683 : i32 to index
          %get3A_688 = tpu.vector_load %get3A_686[%get3A_687] {strides = array<i32>} : memref<3216xi32, #tpu.memory_space<vmem>>, vector<16xi32>,
          %get3A_689 = vector.shape_cast %get3A_688 : vector<16xi32> to vector<16xi32>
          %mul3A_690 = arith.constant 16 : i32
          %mul3A_691 = arith.muli %add3A_679, %mul3A_690 : i32
          %add3A_692 = arith.constant 15 : i32
          %add3A_693 = arith.addi %add3A_692, %mul3A_691 : i32
          %get3A_694 = arith.constant 0 : i32
          %get3A_695 = tpu.memref_slice %arg6[%sub3A_69, %get3A_694] : memref<2x3216xi32, #tpu.memory_space<vmem>> -> memref<1x3216xi32, #tpu.memory_space<vmem>>
          %get3A_696 = tpu.memref_squeeze %get3A_695 : memref<1x3216xi32, #tpu.memory_space<vmem>> -> memref<3216xi32, #tpu.memory_space<vmem>>
          %get3A_697 = arith.index_cast %add3A_693 : i32 to index
          %get3A_698 = tpu.vector_load %get3A_696[%get3A_697] {strides = array<i32>} : memref<3216xi32, #tpu.memory_space<vmem>>, vector<16xi32>,
          %get3A_699 = vector.shape_cast %get3A_698 : vector<16xi32> to vector<16xi32>
          %mul3A_700 = arith.constant 16 : i32
          %mul3A_701 = arith.muli %add3A_679, %mul3A_700 : i32
          %add3A_702 = vector.broadcast %mul3A_701 : i32 to vector<16xi32>
          %add3A_703 = arith.addi %add3A_702, %iota3A : vector<16xi32>
          %rem3A_704 = arith.constant 200 : i32
          %rem3A_705 = vector.broadcast %rem3A_704 : i32 to vector<16xi32>
          %rem3A_706 = arith.remsi %add3A_703, %rem3A_705 : vector<16xi32>
          %eq3A_707 = arith.constant 0 : i32
          %eq3A_708 = vector.broadcast %eq3A_707 : i32 to vector<16xi32>
          %eq3A_709 = arith.cmpi eq, %rem3A_706, %eq3A_708 : vector<16xi32>
          %jit3A_710 = arith.constant 0 : i32
          %broadcast_in_dim3A_711 = vector.broadcast %jit3A_710 : i32 to vector<16xi32>
          %select_n3A_712 = arith.select %eq3A_709, %broadcast_in_dim3A_711, %get3A_699 : vector<16xi1>, vector<16xi32>
          %mul3A_713 = arith.constant 1696 : i32
          %mul3A_714 = vector.broadcast %mul3A_713 : i32 to vector<16xi32>
          %mul3A_715 = arith.muli %select_n3A_712, %mul3A_714 : vector<16xi32>
          %add3A_716 = arith.addi %mul3A_715, %get3A_689 : vector<16xi32>
          %and3A_717 = arith.constant 32767 : i32
          %and3A_718 = vector.broadcast %and3A_717 : i32 to vector<16xi32>
          %and3A_719 = arith.andi %add3A_716, %and3A_718 : vector<16xi32>
          %div3A_720 = arith.constant 8 : i32
          %div3A_721 = arith.divsi %add3A_679, %div3A_720 : i32
          %rem3A_722 = arith.constant 8 : i32
          %rem3A_723 = arith.remsi %add3A_679, %rem3A_722 : i32
          %mul3A_724 = arith.constant 16 : i32
          %mul3A_725 = arith.muli %rem3A_723, %mul3A_724 : i32
          %swap3A_726 = arith.constant 0 : i32
          %swap3A_727 = arith.constant 0 : i32
          %swap3A_728 = tpu.memref_slice %arg7[%sub3A_69, %swap3A_726, %swap3A_727] : memref<2x25x128xi32, #tpu.memory_space<vmem>> -> memref<1x25x128xi32, #tpu.memory_space<vmem>>
          %swap3A_729 = tpu.memref_squeeze %swap3A_728 : memref<1x25x128xi32, #tpu.memory_space<vmem>> -> memref<25x128xi32, #tpu.memory_space<vmem>>
          %swap3A_730 = arith.constant 0 : i32
          %swap3A_731 = tpu.memref_slice %swap3A_729[%div3A_721, %swap3A_730] : memref<25x128xi32, #tpu.memory_space<vmem>> -> memref<1x128xi32, #tpu.memory_space<vmem>>
          %swap3A_732 = tpu.memref_squeeze %swap3A_731 : memref<1x128xi32, #tpu.memory_space<vmem>> -> memref<128xi32, #tpu.memory_space<vmem>>
          %swap3A_733 = arith.index_cast %mul3A_725 : i32 to index
          %swap3A_734 = tpu.vector_load %swap3A_732[%swap3A_733] {strides = array<i32>} : memref<128xi32, #tpu.memory_space<vmem>>, vector<16xi32>,
          %swap3A_735 = vector.shape_cast %swap3A_734 : vector<16xi32> to vector<16xi32>
          %swap3A_736 = vector.shape_cast %get3A_689 : vector<16xi32> to vector<16xi32>
          tpu.vector_store %swap3A_732[%swap3A_733], %swap3A_736 {strides = array<i32>} : memref<128xi32, #tpu.memory_space<vmem>>, vector<16xi32>,
          %swap3A_737 = arith.constant 0 : i32
          %swap3A_738 = arith.constant 0 : i32
          %swap3A_739 = tpu.memref_slice %arg8[%sub3A_69, %swap3A_737, %swap3A_738] : memref<2x25x128xi32, #tpu.memory_space<vmem>> -> memref<1x25x128xi32, #tpu.memory_space<vmem>>
          %swap3A_740 = tpu.memref_squeeze %swap3A_739 : memref<1x25x128xi32, #tpu.memory_space<vmem>> -> memref<25x128xi32, #tpu.memory_space<vmem>>
          %swap3A_741 = arith.constant 0 : i32
          %swap3A_742 = tpu.memref_slice %swap3A_740[%div3A_721, %swap3A_741] : memref<25x128xi32, #tpu.memory_space<vmem>> -> memref<1x128xi32, #tpu.memory_space<vmem>>
          %swap3A_743 = tpu.memref_squeeze %swap3A_742 : memref<1x128xi32, #tpu.memory_space<vmem>> -> memref<128xi32, #tpu.memory_space<vmem>>
          %swap3A_744 = arith.index_cast %mul3A_725 : i32 to index
          %swap3A_745 = tpu.vector_load %swap3A_743[%swap3A_744] {strides = array<i32>} : memref<128xi32, #tpu.memory_space<vmem>>, vector<16xi32>,
          %swap3A_746 = vector.shape_cast %swap3A_745 : vector<16xi32> to vector<16xi32>
          %swap3A_747 = vector.shape_cast %and3A_719 : vector<16xi32> to vector<16xi32>
          tpu.vector_store %swap3A_743[%swap3A_744], %swap3A_747 {strides = array<i32>} : memref<128xi32, #tpu.memory_space<vmem>>, vector<16xi32>,
          %mul3A_748 = arith.constant 8 : i32
          %mul3A_749 = arith.muli %while3A_151, %mul3A_748 : i32
          %add3A_750 = arith.constant 7 : i32
          %add3A_751 = arith.addi %mul3A_749, %add3A_750 : i32
          %mul3A_752 = arith.constant 16 : i32
          %mul3A_753 = arith.muli %add3A_751, %mul3A_752 : i32
          %add3A_754 = arith.constant 16 : i32
          %add3A_755 = arith.addi %add3A_754, %mul3A_753 : i32
          %get3A_756 = arith.constant 0 : i32
          %get3A_757 = tpu.memref_slice %arg6[%sub3A_69, %get3A_756] : memref<2x3216xi32, #tpu.memory_space<vmem>> -> memref<1x3216xi32, #tpu.memory_space<vmem>>
          %get3A_758 = tpu.memref_squeeze %get3A_757 : memref<1x3216xi32, #tpu.memory_space<vmem>> -> memref<3216xi32, #tpu.memory_space<vmem>>
          %get3A_759 = arith.index_cast %add3A_755 : i32 to index
          %get3A_760 = tpu.vector_load %get3A_758[%get3A_759] {strides = array<i32>} : memref<3216xi32, #tpu.memory_space<vmem>>, vector<16xi32>,
          %get3A_761 = vector.shape_cast %get3A_760 : vector<16xi32> to vector<16xi32>
          %mul3A_762 = arith.constant 16 : i32
          %mul3A_763 = arith.muli %add3A_751, %mul3A_762 : i32
          %add3A_764 = arith.constant 15 : i32
          %add3A_765 = arith.addi %add3A_764, %mul3A_763 : i32
          %get3A_766 = arith.constant 0 : i32
          %get3A_767 = tpu.memref_slice %arg6[%sub3A_69, %get3A_766] : memref<2x3216xi32, #tpu.memory_space<vmem>> -> memref<1x3216xi32, #tpu.memory_space<vmem>>
          %get3A_768 = tpu.memref_squeeze %get3A_767 : memref<1x3216xi32, #tpu.memory_space<vmem>> -> memref<3216xi32, #tpu.memory_space<vmem>>
          %get3A_769 = arith.index_cast %add3A_765 : i32 to index
          %get3A_770 = tpu.vector_load %get3A_768[%get3A_769] {strides = array<i32>} : memref<3216xi32, #tpu.memory_space<vmem>>, vector<16xi32>,
          %get3A_771 = vector.shape_cast %get3A_770 : vector<16xi32> to vector<16xi32>
          %mul3A_772 = arith.constant 16 : i32
          %mul3A_773 = arith.muli %add3A_751, %mul3A_772 : i32
          %add3A_774 = vector.broadcast %mul3A_773 : i32 to vector<16xi32>
          %add3A_775 = arith.addi %add3A_774, %iota3A : vector<16xi32>
          %rem3A_776 = arith.constant 200 : i32
          %rem3A_777 = vector.broadcast %rem3A_776 : i32 to vector<16xi32>
          %rem3A_778 = arith.remsi %add3A_775, %rem3A_777 : vector<16xi32>
          %eq3A_779 = arith.constant 0 : i32
          %eq3A_780 = vector.broadcast %eq3A_779 : i32 to vector<16xi32>
          %eq3A_781 = arith.cmpi eq, %rem3A_778, %eq3A_780 : vector<16xi32>
          %jit3A_782 = arith.constant 0 : i32
          %broadcast_in_dim3A_783 = vector.broadcast %jit3A_782 : i32 to vector<16xi32>
          %select_n3A_784 = arith.select %eq3A_781, %broadcast_in_dim3A_783, %get3A_771 : vector<16xi1>, vector<16xi32>
          %mul3A_785 = arith.constant 1696 : i32
          %mul3A_786 = vector.broadcast %mul3A_785 : i32 to vector<16xi32>
          %mul3A_787 = arith.muli %select_n3A_784, %mul3A_786 : vector<16xi32>
          %add3A_788 = arith.addi %mul3A_787, %get3A_761 : vector<16xi32>
          %and3A_789 = arith.constant 32767 : i32
          %and3A_790 = vector.broadcast %and3A_789 : i32 to vector<16xi32>
          %and3A_791 = arith.andi %add3A_788, %and3A_790 : vector<16xi32>
          %div3A_792 = arith.constant 8 : i32
          %div3A_793 = arith.divsi %add3A_751, %div3A_792 : i32
          %rem3A_794 = arith.constant 8 : i32
          %rem3A_795 = arith.remsi %add3A_751, %rem3A_794 : i32
          %mul3A_796 = arith.constant 16 : i32
          %mul3A_797 = arith.muli %rem3A_795, %mul3A_796 : i32
          %swap3A_798 = arith.constant 0 : i32
          %swap3A_799 = arith.constant 0 : i32
          %swap3A_800 = tpu.memref_slice %arg7[%sub3A_69, %swap3A_798, %swap3A_799] : memref<2x25x128xi32, #tpu.memory_space<vmem>> -> memref<1x25x128xi32, #tpu.memory_space<vmem>>
          %swap3A_801 = tpu.memref_squeeze %swap3A_800 : memref<1x25x128xi32, #tpu.memory_space<vmem>> -> memref<25x128xi32, #tpu.memory_space<vmem>>
          %swap3A_802 = arith.constant 0 : i32
          %swap3A_803 = tpu.memref_slice %swap3A_801[%div3A_793, %swap3A_802] : memref<25x128xi32, #tpu.memory_space<vmem>> -> memref<1x128xi32, #tpu.memory_space<vmem>>
          %swap3A_804 = tpu.memref_squeeze %swap3A_803 : memref<1x128xi32, #tpu.memory_space<vmem>> -> memref<128xi32, #tpu.memory_space<vmem>>
          %swap3A_805 = arith.index_cast %mul3A_797 : i32 to index
          %swap3A_806 = tpu.vector_load %swap3A_804[%swap3A_805] {strides = array<i32>} : memref<128xi32, #tpu.memory_space<vmem>>, vector<16xi32>,
          %swap3A_807 = vector.shape_cast %swap3A_806 : vector<16xi32> to vector<16xi32>
          %swap3A_808 = vector.shape_cast %get3A_761 : vector<16xi32> to vector<16xi32>
          tpu.vector_store %swap3A_804[%swap3A_805], %swap3A_808 {strides = array<i32>} : memref<128xi32, #tpu.memory_space<vmem>>, vector<16xi32>,
          %swap3A_809 = arith.constant 0 : i32
          %swap3A_810 = arith.constant 0 : i32
          %swap3A_811 = tpu.memref_slice %arg8[%sub3A_69, %swap3A_809, %swap3A_810] : memref<2x25x128xi32, #tpu.memory_space<vmem>> -> memref<1x25x128xi32, #tpu.memory_space<vmem>>
          %swap3A_812 = tpu.memref_squeeze %swap3A_811 : memref<1x25x128xi32, #tpu.memory_space<vmem>> -> memref<25x128xi32, #tpu.memory_space<vmem>>
          %swap3A_813 = arith.constant 0 : i32
          %swap3A_814 = tpu.memref_slice %swap3A_812[%div3A_793, %swap3A_813] : memref<25x128xi32, #tpu.memory_space<vmem>> -> memref<1x128xi32, #tpu.memory_space<vmem>>
          %swap3A_815 = tpu.memref_squeeze %swap3A_814 : memref<1x128xi32, #tpu.memory_space<vmem>> -> memref<128xi32, #tpu.memory_space<vmem>>
          %swap3A_816 = arith.index_cast %mul3A_797 : i32 to index
          %swap3A_817 = tpu.vector_load %swap3A_815[%swap3A_816] {strides = array<i32>} : memref<128xi32, #tpu.memory_space<vmem>>, vector<16xi32>,
          %swap3A_818 = vector.shape_cast %swap3A_817 : vector<16xi32> to vector<16xi32>
          %swap3A_819 = vector.shape_cast %and3A_791 : vector<16xi32> to vector<16xi32>
          tpu.vector_store %swap3A_815[%swap3A_816], %swap3A_819 {strides = array<i32>} : memref<128xi32, #tpu.memory_space<vmem>>, vector<16xi32>,
        } else {
        }
        %while3A_246 = arith.constant 0 : i32
        scf.yield %while3A_246 : i32
      }
      %while3A_101 = arith.constant 1 : i32
      %while3A_102 = scf.for %while3A_151 = %while3A_98 to %while3A_94 step %while3A_101 iter_args(%while3A_152 = %while3A_100) -> (i32)  : i32 {
        %rem3A_153 = arith.constant 4 : i32
        %rem3A_154 = arith.remsi %while3A_151, %rem3A_153 : i32
        %dma_wait3A_155 = arith.constant 0 : i32
        %dma_wait3A_156 = arith.constant 0 : i32
        %dma_wait3A_157 = tpu.memref_slice %arg9[%rem3A_154, %dma_wait3A_155, %dma_wait3A_156] : memref<4x128x64xf32, #tpu.memory_space<vmem>> -> memref<1x128x64xf32, #tpu.memory_space<vmem>>
        %dma_wait3A_158 = tpu.memref_squeeze %dma_wait3A_157 : memref<1x128x64xf32, #tpu.memory_space<vmem>> -> memref<128x64xf32, #tpu.memory_space<vmem>>
        %dma_wait3A_159 = arith.constant 0 : i32
        %dma_wait3A_160 = arith.constant 0 : i32
        %dma_wait3A_161 = tpu.memref_slice %arg7[%rem3A_68, %dma_wait3A_159, %dma_wait3A_160] : memref<2x25x128xi32, #tpu.memory_space<vmem>> -> memref<1x25x128xi32, #tpu.memory_space<vmem>>
        %dma_wait3A_162 = tpu.memref_squeeze %dma_wait3A_161 : memref<1x25x128xi32, #tpu.memory_space<vmem>> -> memref<25x128xi32, #tpu.memory_space<vmem>>
        %dma_wait3A_163 = arith.constant 0 : i32
        %dma_wait3A_164 = tpu.memref_slice %dma_wait3A_162[%while3A_151, %dma_wait3A_163] : memref<25x128xi32, #tpu.memory_space<vmem>> -> memref<1x128xi32, #tpu.memory_space<vmem>>
        %dma_wait3A_165 = tpu.memref_squeeze %dma_wait3A_164 : memref<1x128xi32, #tpu.memory_space<vmem>> -> memref<128xi32, #tpu.memory_space<vmem>>
        %dma_wait3A_166 = arith.constant 0 : i32
        %dma_wait3A_167 = arith.constant 0 : i32
        %dma_wait3A_168 = tpu.memref_slice %arg3[%dma_wait3A_166, %dma_wait3A_167] : memref<100000x64xf32, #tpu.memory_space<hbm>> -> memref<100000x64xf32, #tpu.memory_space<hbm>>
        %dma_wait3A_169 = tpu.memref_slice %arg11[%rem3A_154] : memref<4x!tpu.dma_semaphore, #tpu.memory_space<semaphore_mem>> -> memref<1x!tpu.dma_semaphore, #tpu.memory_space<semaphore_mem>>
        %dma_wait3A_170 = tpu.memref_squeeze %dma_wait3A_169 : memref<1x!tpu.dma_semaphore, #tpu.memory_space<semaphore_mem>> -> memref<!tpu.dma_semaphore, #tpu.memory_space<semaphore_mem>>
        tpu.wait_indirect_dma semaphore(%dma_wait3A_170 : memref<!tpu.dma_semaphore, #tpu.memory_space<semaphore_mem>>) src(%dma_wait3A_168 : memref<100000x64xf32, #tpu.memory_space<hbm>>) dst(%dma_wait3A_158 : memref<128x64xf32, #tpu.memory_space<vmem>>)
        %dma_wait3A_171 = arith.constant 0 : i32
        %dma_wait3A_172 = arith.constant 0 : i32
        %dma_wait3A_173 = tpu.memref_slice %arg10[%rem3A_154, %dma_wait3A_171, %dma_wait3A_172] : memref<4x128x64xf32, #tpu.memory_space<vmem>> -> memref<1x128x64xf32, #tpu.memory_space<vmem>>
        %dma_wait3A_174 = tpu.memref_squeeze %dma_wait3A_173 : memref<1x128x64xf32, #tpu.memory_space<vmem>> -> memref<128x64xf32, #tpu.memory_space<vmem>>
        %dma_wait3A_175 = arith.constant 0 : i32
        %dma_wait3A_176 = arith.constant 0 : i32
        %dma_wait3A_177 = tpu.memref_slice %arg8[%rem3A_68, %dma_wait3A_175, %dma_wait3A_176] : memref<2x25x128xi32, #tpu.memory_space<vmem>> -> memref<1x25x128xi32, #tpu.memory_space<vmem>>
        %dma_wait3A_178 = tpu.memref_squeeze %dma_wait3A_177 : memref<1x25x128xi32, #tpu.memory_space<vmem>> -> memref<25x128xi32, #tpu.memory_space<vmem>>
        %dma_wait3A_179 = arith.constant 0 : i32
        %dma_wait3A_180 = tpu.memref_slice %dma_wait3A_178[%while3A_151, %dma_wait3A_179] : memref<25x128xi32, #tpu.memory_space<vmem>> -> memref<1x128xi32, #tpu.memory_space<vmem>>
        %dma_wait3A_181 = tpu.memref_squeeze %dma_wait3A_180 : memref<1x128xi32, #tpu.memory_space<vmem>> -> memref<128xi32, #tpu.memory_space<vmem>>
        %dma_wait3A_182 = arith.constant 0 : i32
        %dma_wait3A_183 = arith.constant 0 : i32
        %dma_wait3A_184 = tpu.memref_slice %arg4[%dma_wait3A_182, %dma_wait3A_183] : memref<32768x64xf32, #tpu.memory_space<hbm>> -> memref<32768x64xf32, #tpu.memory_space<hbm>>
        %dma_wait3A_185 = tpu.memref_slice %arg11[%rem3A_154] : memref<4x!tpu.dma_semaphore, #tpu.memory_space<semaphore_mem>> -> memref<1x!tpu.dma_semaphore, #tpu.memory_space<semaphore_mem>>
        %dma_wait3A_186 = tpu.memref_squeeze %dma_wait3A_185 : memref<1x!tpu.dma_semaphore, #tpu.memory_space<semaphore_mem>> -> memref<!tpu.dma_semaphore, #tpu.memory_space<semaphore_mem>>
        tpu.wait_indirect_dma semaphore(%dma_wait3A_186 : memref<!tpu.dma_semaphore, #tpu.memory_space<semaphore_mem>>) src(%dma_wait3A_184 : memref<32768x64xf32, #tpu.memory_space<hbm>>) dst(%dma_wait3A_174 : memref<128x64xf32, #tpu.memory_space<vmem>>)
        %gt3A = arith.constant 0 : i32
        %gt3A_187 = arith.cmpi sgt, %while3A_151, %gt3A : i32
        %convert_element_type3A_188 = arith.extui %gt3A_187 : i1 to i32
        %cond3A_189 = arith.constant 0 : i32
        %cond3A_190 = arith.cmpi ne, %convert_element_type3A_188, %cond3A_189 : i32
        scf.if %cond3A_190 {
          %sub3A_247 = arith.constant 1 : i32
          %sub3A_248 = arith.subi %while3A_151, %sub3A_247 : i32
          %rem3A_249 = arith.constant 4 : i32
          %rem3A_250 = arith.remsi %sub3A_248, %rem3A_249 : i32
          %mul3A_251 = arith.constant 128 : i32
          %mul3A_252 = arith.muli %sub3A_248, %mul3A_251 : i32
          %add3A_253 = arith.addi %add3A_72, %mul3A_252 : i32
          %dma_wait3A_254 = arith.constant 0 : i32
          %dma_wait3A_255 = arith.constant 0 : i32
          %dma_wait3A_256 = tpu.memref_slice %arg9[%rem3A_250, %dma_wait3A_254, %dma_wait3A_255] : memref<4x128x64xf32, #tpu.memory_space<vmem>> -> memref<1x128x64xf32, #tpu.memory_space<vmem>>
          %dma_wait3A_257 = tpu.memref_squeeze %dma_wait3A_256 : memref<1x128x64xf32, #tpu.memory_space<vmem>> -> memref<128x64xf32, #tpu.memory_space<vmem>>
          %dma_wait3A_258 = arith.constant 0 : i32
          %dma_wait3A_259 = tpu.memref_slice %arg5[%add3A_253, %dma_wait3A_258] : memref<819200x128xf32, #tpu.memory_space<hbm>> -> memref<128x128xf32, #tpu.memory_space<hbm>>
          %dma_wait3A_260 = arith.constant 0 : i32
          %dma_wait3A_261 = arith.constant 0 : i32
          %dma_wait3A_262 = tpu.memref_slice %dma_wait3A_259[%dma_wait3A_260, %dma_wait3A_261] : memref<128x128xf32, #tpu.memory_space<hbm>> -> memref<128x64xf32, #tpu.memory_space<hbm>>
          %dma_wait3A_263 = tpu.memref_slice %arg12[%rem3A_250] : memref<4x!tpu.dma_semaphore, #tpu.memory_space<semaphore_mem>> -> memref<1x!tpu.dma_semaphore, #tpu.memory_space<semaphore_mem>>
          %dma_wait3A_264 = tpu.memref_squeeze %dma_wait3A_263 : memref<1x!tpu.dma_semaphore, #tpu.memory_space<semaphore_mem>> -> memref<!tpu.dma_semaphore, #tpu.memory_space<semaphore_mem>>
          %dma_wait3A_265 = arith.constant 0 : i32
          %dma_wait3A_266 = tpu.memref_slice %arg5[%add3A_253, %dma_wait3A_265] : memref<819200x128xf32, #tpu.memory_space<hbm>> -> memref<128x128xf32, #tpu.memory_space<hbm>>
          %dma_wait3A_267 = arith.constant 0 : i32
          %dma_wait3A_268 = arith.constant 0 : i32
          %dma_wait3A_269 = tpu.memref_slice %dma_wait3A_266[%dma_wait3A_267, %dma_wait3A_268] : memref<128x128xf32, #tpu.memory_space<hbm>> -> memref<128x64xf32, #tpu.memory_space<hbm>>
          %dma_wait3A_270 = arith.constant 0 : i32
          %dma_wait3A_271 = arith.constant 0 : i32
          %dma_wait3A_272 = tpu.memref_slice %arg9[%rem3A_250, %dma_wait3A_270, %dma_wait3A_271] : memref<4x128x64xf32, #tpu.memory_space<vmem>> -> memref<1x128x64xf32, #tpu.memory_space<vmem>>
          %dma_wait3A_273 = tpu.memref_squeeze %dma_wait3A_272 : memref<1x128x64xf32, #tpu.memory_space<vmem>> -> memref<128x64xf32, #tpu.memory_space<vmem>>
          tpu.wait_dma2 semaphore(%dma_wait3A_264 : memref<!tpu.dma_semaphore, #tpu.memory_space<semaphore_mem>>) src(%dma_wait3A_273 : memref<128x64xf32, #tpu.memory_space<vmem>>) dst(%dma_wait3A_269 : memref<128x64xf32, #tpu.memory_space<hbm>>)
          %dma_wait3A_274 = arith.constant 0 : i32
          %dma_wait3A_275 = arith.constant 0 : i32
          %dma_wait3A_276 = tpu.memref_slice %arg10[%rem3A_250, %dma_wait3A_274, %dma_wait3A_275] : memref<4x128x64xf32, #tpu.memory_space<vmem>> -> memref<1x128x64xf32, #tpu.memory_space<vmem>>
          %dma_wait3A_277 = tpu.memref_squeeze %dma_wait3A_276 : memref<1x128x64xf32, #tpu.memory_space<vmem>> -> memref<128x64xf32, #tpu.memory_space<vmem>>
          %dma_wait3A_278 = arith.constant 0 : i32
          %dma_wait3A_279 = tpu.memref_slice %arg5[%add3A_253, %dma_wait3A_278] : memref<819200x128xf32, #tpu.memory_space<hbm>> -> memref<128x128xf32, #tpu.memory_space<hbm>>
          %dma_wait3A_280 = arith.constant 0 : i32
          %dma_wait3A_281 = arith.constant 64 : i32
          %dma_wait3A_282 = tpu.memref_slice %dma_wait3A_279[%dma_wait3A_280, %dma_wait3A_281] : memref<128x128xf32, #tpu.memory_space<hbm>> -> memref<128x64xf32, #tpu.memory_space<hbm>>
          %dma_wait3A_283 = tpu.memref_slice %arg12[%rem3A_250] : memref<4x!tpu.dma_semaphore, #tpu.memory_space<semaphore_mem>> -> memref<1x!tpu.dma_semaphore, #tpu.memory_space<semaphore_mem>>
          %dma_wait3A_284 = tpu.memref_squeeze %dma_wait3A_283 : memref<1x!tpu.dma_semaphore, #tpu.memory_space<semaphore_mem>> -> memref<!tpu.dma_semaphore, #tpu.memory_space<semaphore_mem>>
          %dma_wait3A_285 = arith.constant 0 : i32
          %dma_wait3A_286 = tpu.memref_slice %arg5[%add3A_253, %dma_wait3A_285] : memref<819200x128xf32, #tpu.memory_space<hbm>> -> memref<128x128xf32, #tpu.memory_space<hbm>>
          %dma_wait3A_287 = arith.constant 0 : i32
          %dma_wait3A_288 = arith.constant 64 : i32
          %dma_wait3A_289 = tpu.memref_slice %dma_wait3A_286[%dma_wait3A_287, %dma_wait3A_288] : memref<128x128xf32, #tpu.memory_space<hbm>> -> memref<128x64xf32, #tpu.memory_space<hbm>>
          %dma_wait3A_290 = arith.constant 0 : i32
          %dma_wait3A_291 = arith.constant 0 : i32
          %dma_wait3A_292 = tpu.memref_slice %arg10[%rem3A_250, %dma_wait3A_290, %dma_wait3A_291] : memref<4x128x64xf32, #tpu.memory_space<vmem>> -> memref<1x128x64xf32, #tpu.memory_space<vmem>>
          %dma_wait3A_293 = tpu.memref_squeeze %dma_wait3A_292 : memref<1x128x64xf32, #tpu.memory_space<vmem>> -> memref<128x64xf32, #tpu.memory_space<vmem>>
          tpu.wait_dma2 semaphore(%dma_wait3A_284 : memref<!tpu.dma_semaphore, #tpu.memory_space<semaphore_mem>>) src(%dma_wait3A_293 : memref<128x64xf32, #tpu.memory_space<vmem>>) dst(%dma_wait3A_289 : memref<128x64xf32, #tpu.memory_space<hbm>>)
        } else {
        }
        %add3A_191 = arith.constant 3 : i32
        %add3A_192 = arith.addi %while3A_151, %add3A_191 : i32
        %lt3A_193 = arith.constant 25 : i32
        %lt3A_194 = arith.cmpi slt, %add3A_192, %lt3A_193 : i32
        %convert_element_type3A_195 = arith.extui %lt3A_194 : i1 to i32
        %cond3A_196 = arith.constant 0 : i32
        %cond3A_197 = arith.cmpi ne, %convert_element_type3A_195, %cond3A_196 : i32
        scf.if %cond3A_197 {
          %add3A_247 = arith.constant 3 : i32
          %add3A_248 = arith.addi %while3A_151, %add3A_247 : i32
          %rem3A_249 = arith.constant 4 : i32
          %rem3A_250 = arith.remsi %add3A_248, %rem3A_249 : i32
          %dma_start3A_251 = arith.constant 0 : i32
          %dma_start3A_252 = arith.constant 0 : i32
          %dma_start3A_253 = tpu.memref_slice %arg9[%rem3A_250, %dma_start3A_251, %dma_start3A_252] : memref<4x128x64xf32, #tpu.memory_space<vmem>> -> memref<1x128x64xf32, #tpu.memory_space<vmem>>
          %dma_start3A_254 = tpu.memref_squeeze %dma_start3A_253 : memref<1x128x64xf32, #tpu.memory_space<vmem>> -> memref<128x64xf32, #tpu.memory_space<vmem>>
          %dma_start3A_255 = arith.constant 0 : i32
          %dma_start3A_256 = arith.constant 0 : i32
          %dma_start3A_257 = tpu.memref_slice %arg7[%rem3A_68, %dma_start3A_255, %dma_start3A_256] : memref<2x25x128xi32, #tpu.memory_space<vmem>> -> memref<1x25x128xi32, #tpu.memory_space<vmem>>
          %dma_start3A_258 = tpu.memref_squeeze %dma_start3A_257 : memref<1x25x128xi32, #tpu.memory_space<vmem>> -> memref<25x128xi32, #tpu.memory_space<vmem>>
          %dma_start3A_259 = arith.constant 0 : i32
          %dma_start3A_260 = tpu.memref_slice %dma_start3A_258[%add3A_248, %dma_start3A_259] : memref<25x128xi32, #tpu.memory_space<vmem>> -> memref<1x128xi32, #tpu.memory_space<vmem>>
          %dma_start3A_261 = tpu.memref_squeeze %dma_start3A_260 : memref<1x128xi32, #tpu.memory_space<vmem>> -> memref<128xi32, #tpu.memory_space<vmem>>
          %dma_start3A_262 = arith.constant 0 : i32
          %dma_start3A_263 = arith.constant 0 : i32
          %dma_start3A_264 = tpu.memref_slice %arg3[%dma_start3A_262, %dma_start3A_263] : memref<100000x64xf32, #tpu.memory_space<hbm>> -> memref<100000x64xf32, #tpu.memory_space<hbm>>
          %dma_start3A_265 = tpu.memref_slice %arg11[%rem3A_250] : memref<4x!tpu.dma_semaphore, #tpu.memory_space<semaphore_mem>> -> memref<1x!tpu.dma_semaphore, #tpu.memory_space<semaphore_mem>>
          %dma_start3A_266 = tpu.memref_squeeze %dma_start3A_265 : memref<1x!tpu.dma_semaphore, #tpu.memory_space<semaphore_mem>> -> memref<!tpu.dma_semaphore, #tpu.memory_space<semaphore_mem>>
          tpu.enqueue_indirect_dma source(%dma_start3A_264 : memref<100000x64xf32, #tpu.memory_space<hbm>>) target(%dma_start3A_254 : memref<128x64xf32, #tpu.memory_space<vmem>>) offsets(%dma_start3A_261 : memref<128xi32, #tpu.memory_space<vmem>>) semaphore(%dma_start3A_266 : memref<!tpu.dma_semaphore, #tpu.memory_space<semaphore_mem>>)
          %dma_start3A_267 = arith.constant 0 : i32
          %dma_start3A_268 = arith.constant 0 : i32
          %dma_start3A_269 = tpu.memref_slice %arg10[%rem3A_250, %dma_start3A_267, %dma_start3A_268] : memref<4x128x64xf32, #tpu.memory_space<vmem>> -> memref<1x128x64xf32, #tpu.memory_space<vmem>>
          %dma_start3A_270 = tpu.memref_squeeze %dma_start3A_269 : memref<1x128x64xf32, #tpu.memory_space<vmem>> -> memref<128x64xf32, #tpu.memory_space<vmem>>
          %dma_start3A_271 = arith.constant 0 : i32
          %dma_start3A_272 = arith.constant 0 : i32
          %dma_start3A_273 = tpu.memref_slice %arg8[%rem3A_68, %dma_start3A_271, %dma_start3A_272] : memref<2x25x128xi32, #tpu.memory_space<vmem>> -> memref<1x25x128xi32, #tpu.memory_space<vmem>>
          %dma_start3A_274 = tpu.memref_squeeze %dma_start3A_273 : memref<1x25x128xi32, #tpu.memory_space<vmem>> -> memref<25x128xi32, #tpu.memory_space<vmem>>
          %dma_start3A_275 = arith.constant 0 : i32
          %dma_start3A_276 = tpu.memref_slice %dma_start3A_274[%add3A_248, %dma_start3A_275] : memref<25x128xi32, #tpu.memory_space<vmem>> -> memref<1x128xi32, #tpu.memory_space<vmem>>
          %dma_start3A_277 = tpu.memref_squeeze %dma_start3A_276 : memref<1x128xi32, #tpu.memory_space<vmem>> -> memref<128xi32, #tpu.memory_space<vmem>>
          %dma_start3A_278 = arith.constant 0 : i32
          %dma_start3A_279 = arith.constant 0 : i32
          %dma_start3A_280 = tpu.memref_slice %arg4[%dma_start3A_278, %dma_start3A_279] : memref<32768x64xf32, #tpu.memory_space<hbm>> -> memref<32768x64xf32, #tpu.memory_space<hbm>>
          %dma_start3A_281 = tpu.memref_slice %arg11[%rem3A_250] : memref<4x!tpu.dma_semaphore, #tpu.memory_space<semaphore_mem>> -> memref<1x!tpu.dma_semaphore, #tpu.memory_space<semaphore_mem>>
          %dma_start3A_282 = tpu.memref_squeeze %dma_start3A_281 : memref<1x!tpu.dma_semaphore, #tpu.memory_space<semaphore_mem>> -> memref<!tpu.dma_semaphore, #tpu.memory_space<semaphore_mem>>
          tpu.enqueue_indirect_dma source(%dma_start3A_280 : memref<32768x64xf32, #tpu.memory_space<hbm>>) target(%dma_start3A_270 : memref<128x64xf32, #tpu.memory_space<vmem>>) offsets(%dma_start3A_277 : memref<128xi32, #tpu.memory_space<vmem>>) semaphore(%dma_start3A_282 : memref<!tpu.dma_semaphore, #tpu.memory_space<semaphore_mem>>)
        } else {
        }
        %rem3A_198 = arith.constant 4 : i32
        %rem3A_199 = arith.remsi %while3A_151, %rem3A_198 : i32
        %mul3A_200 = arith.constant 128 : i32
        %mul3A_201 = arith.muli %while3A_151, %mul3A_200 : i32
        %add3A_202 = arith.addi %add3A_72, %mul3A_201 : i32
        %dma_start3A_203 = arith.constant 0 : i32
        %dma_start3A_204 = arith.constant 0 : i32
        %dma_start3A_205 = tpu.memref_slice %arg9[%rem3A_199, %dma_start3A_203, %dma_start3A_204] : memref<4x128x64xf32, #tpu.memory_space<vmem>> -> memref<1x128x64xf32, #tpu.memory_space<vmem>>
        %dma_start3A_206 = tpu.memref_squeeze %dma_start3A_205 : memref<1x128x64xf32, #tpu.memory_space<vmem>> -> memref<128x64xf32, #tpu.memory_space<vmem>>
        %dma_start3A_207 = arith.constant 0 : i32
        %dma_start3A_208 = tpu.memref_slice %arg5[%add3A_202, %dma_start3A_207] : memref<819200x128xf32, #tpu.memory_space<hbm>> -> memref<128x128xf32, #tpu.memory_space<hbm>>
        %dma_start3A_209 = arith.constant 0 : i32
        %dma_start3A_210 = arith.constant 0 : i32
        %dma_start3A_211 = tpu.memref_slice %dma_start3A_208[%dma_start3A_209, %dma_start3A_210] : memref<128x128xf32, #tpu.memory_space<hbm>> -> memref<128x64xf32, #tpu.memory_space<hbm>>
        %dma_start3A_212 = tpu.memref_slice %arg12[%rem3A_199] : memref<4x!tpu.dma_semaphore, #tpu.memory_space<semaphore_mem>> -> memref<1x!tpu.dma_semaphore, #tpu.memory_space<semaphore_mem>>
        %dma_start3A_213 = tpu.memref_squeeze %dma_start3A_212 : memref<1x!tpu.dma_semaphore, #tpu.memory_space<semaphore_mem>> -> memref<!tpu.dma_semaphore, #tpu.memory_space<semaphore_mem>>
        %dma_start3A_214 = arith.constant 0 : i32
        %dma_start3A_215 = tpu.memref_slice %arg5[%add3A_202, %dma_start3A_214] : memref<819200x128xf32, #tpu.memory_space<hbm>> -> memref<128x128xf32, #tpu.memory_space<hbm>>
        %dma_start3A_216 = arith.constant 0 : i32
        %dma_start3A_217 = arith.constant 0 : i32
        %dma_start3A_218 = tpu.memref_slice %dma_start3A_215[%dma_start3A_216, %dma_start3A_217] : memref<128x128xf32, #tpu.memory_space<hbm>> -> memref<128x64xf32, #tpu.memory_space<hbm>>
        %dma_start3A_219 = arith.constant 0 : i32
        %dma_start3A_220 = arith.constant 0 : i32
        %dma_start3A_221 = tpu.memref_slice %arg9[%rem3A_199, %dma_start3A_219, %dma_start3A_220] : memref<4x128x64xf32, #tpu.memory_space<vmem>> -> memref<1x128x64xf32, #tpu.memory_space<vmem>>
        %dma_start3A_222 = tpu.memref_squeeze %dma_start3A_221 : memref<1x128x64xf32, #tpu.memory_space<vmem>> -> memref<128x64xf32, #tpu.memory_space<vmem>>
        tpu.enqueue_dma source(%dma_start3A_222 : memref<128x64xf32, #tpu.memory_space<vmem>>) target(%dma_start3A_218 : memref<128x64xf32, #tpu.memory_space<hbm>>) target_semaphore(%dma_start3A_213 : memref<!tpu.dma_semaphore, #tpu.memory_space<semaphore_mem>>)
        %dma_start3A_223 = arith.constant 0 : i32
        %dma_start3A_224 = arith.constant 0 : i32
        %dma_start3A_225 = tpu.memref_slice %arg10[%rem3A_199, %dma_start3A_223, %dma_start3A_224] : memref<4x128x64xf32, #tpu.memory_space<vmem>> -> memref<1x128x64xf32, #tpu.memory_space<vmem>>
        %dma_start3A_226 = tpu.memref_squeeze %dma_start3A_225 : memref<1x128x64xf32, #tpu.memory_space<vmem>> -> memref<128x64xf32, #tpu.memory_space<vmem>>
        %dma_start3A_227 = arith.constant 0 : i32
        %dma_start3A_228 = tpu.memref_slice %arg5[%add3A_202, %dma_start3A_227] : memref<819200x128xf32, #tpu.memory_space<hbm>> -> memref<128x128xf32, #tpu.memory_space<hbm>>
        %dma_start3A_229 = arith.constant 0 : i32
        %dma_start3A_230 = arith.constant 64 : i32
        %dma_start3A_231 = tpu.memref_slice %dma_start3A_228[%dma_start3A_229, %dma_start3A_230] : memref<128x128xf32, #tpu.memory_space<hbm>> -> memref<128x64xf32, #tpu.memory_space<hbm>>
        %dma_start3A_232 = tpu.memref_slice %arg12[%rem3A_199] : memref<4x!tpu.dma_semaphore, #tpu.memory_space<semaphore_mem>> -> memref<1x!tpu.dma_semaphore, #tpu.memory_space<semaphore_mem>>
        %dma_start3A_233 = tpu.memref_squeeze %dma_start3A_232 : memref<1x!tpu.dma_semaphore, #tpu.memory_space<semaphore_mem>> -> memref<!tpu.dma_semaphore, #tpu.memory_space<semaphore_mem>>
        %dma_start3A_234 = arith.constant 0 : i32
        %dma_start3A_235 = tpu.memref_slice %arg5[%add3A_202, %dma_start3A_234] : memref<819200x128xf32, #tpu.memory_space<hbm>> -> memref<128x128xf32, #tpu.memory_space<hbm>>
        %dma_start3A_236 = arith.constant 0 : i32
        %dma_start3A_237 = arith.constant 64 : i32
        %dma_start3A_238 = tpu.memref_slice %dma_start3A_235[%dma_start3A_236, %dma_start3A_237] : memref<128x128xf32, #tpu.memory_space<hbm>> -> memref<128x64xf32, #tpu.memory_space<hbm>>
        %dma_start3A_239 = arith.constant 0 : i32
        %dma_start3A_240 = arith.constant 0 : i32
        %dma_start3A_241 = tpu.memref_slice %arg10[%rem3A_199, %dma_start3A_239, %dma_start3A_240] : memref<4x128x64xf32, #tpu.memory_space<vmem>> -> memref<1x128x64xf32, #tpu.memory_space<vmem>>
        %dma_start3A_242 = tpu.memref_squeeze %dma_start3A_241 : memref<1x128x64xf32, #tpu.memory_space<vmem>> -> memref<128x64xf32, #tpu.memory_space<vmem>>
        tpu.enqueue_dma source(%dma_start3A_242 : memref<128x64xf32, #tpu.memory_space<vmem>>) target(%dma_start3A_238 : memref<128x64xf32, #tpu.memory_space<hbm>>) target_semaphore(%dma_start3A_233 : memref<!tpu.dma_semaphore, #tpu.memory_space<semaphore_mem>>)
        %convert_element_type3A_243 = arith.extui %lt3A_75 : i1 to i32
        %cond3A_244 = arith.constant 0 : i32
        %cond3A_245 = arith.cmpi ne, %convert_element_type3A_243, %cond3A_244 : i32
        scf.if %cond3A_245 {
          %eq3A = arith.constant 0 : i32
          %eq3A_247 = arith.cmpi eq, %while3A_151, %eq3A : i32
          %convert_element_type3A_248 = arith.extui %eq3A_247 : i1 to i32
          %cond3A_249 = arith.constant 0 : i32
          %cond3A_250 = arith.cmpi ne, %convert_element_type3A_248, %cond3A_249 : i32
          scf.if %cond3A_250 {
            %add3A_820 = arith.constant 1 : i32
            %add3A_821 = arith.addi %while3A_66, %add3A_820 : i32
            %mul3A_822 = arith.constant 3200 : i32
            %mul3A_823 = arith.muli %add3A_821, %mul3A_822 : i32
            %add3A_824 = arith.addi %mul3A_2, %mul3A_823 : i32
            %dma_wait3A_825 = arith.constant 0 : i32
            %dma_wait3A_826 = tpu.memref_slice %arg6[%sub3A_69, %dma_wait3A_825] : memref<2x3216xi32, #tpu.memory_space<vmem>> -> memref<1x3216xi32, #tpu.memory_space<vmem>>
            %dma_wait3A_827 = tpu.memref_squeeze %dma_wait3A_826 : memref<1x3216xi32, #tpu.memory_space<vmem>> -> memref<3216xi32, #tpu.memory_space<vmem>>
            %dma_wait3A_828 = arith.constant 16 : i32
            %dma_wait3A_829 = tpu.memref_slice %dma_wait3A_827[%dma_wait3A_828] : memref<3216xi32, #tpu.memory_space<vmem>> -> memref<3200xi32, #tpu.memory_space<vmem>>
            %dma_wait3A_830 = tpu.memref_slice %arg2[%add3A_824] : memref<819200xi32, #tpu.memory_space<hbm>> -> memref<3200xi32, #tpu.memory_space<hbm>>
            %dma_wait3A_831 = tpu.memref_slice %arg13[%sub3A_69] : memref<2x!tpu.dma_semaphore, #tpu.memory_space<semaphore_mem>> -> memref<1x!tpu.dma_semaphore, #tpu.memory_space<semaphore_mem>>
            %dma_wait3A_832 = tpu.memref_squeeze %dma_wait3A_831 : memref<1x!tpu.dma_semaphore, #tpu.memory_space<semaphore_mem>> -> memref<!tpu.dma_semaphore, #tpu.memory_space<semaphore_mem>>
            %dma_wait3A_833 = arith.constant 0 : i32
            %dma_wait3A_834 = tpu.memref_slice %arg6[%sub3A_69, %dma_wait3A_833] : memref<2x3216xi32, #tpu.memory_space<vmem>> -> memref<1x3216xi32, #tpu.memory_space<vmem>>
            %dma_wait3A_835 = tpu.memref_squeeze %dma_wait3A_834 : memref<1x3216xi32, #tpu.memory_space<vmem>> -> memref<3216xi32, #tpu.memory_space<vmem>>
            %dma_wait3A_836 = arith.constant 16 : i32
            %dma_wait3A_837 = tpu.memref_slice %dma_wait3A_835[%dma_wait3A_836] : memref<3216xi32, #tpu.memory_space<vmem>> -> memref<3200xi32, #tpu.memory_space<vmem>>
            %dma_wait3A_838 = tpu.memref_slice %arg2[%add3A_824] : memref<819200xi32, #tpu.memory_space<hbm>> -> memref<3200xi32, #tpu.memory_space<hbm>>
            tpu.wait_dma2 semaphore(%dma_wait3A_832 : memref<!tpu.dma_semaphore, #tpu.memory_space<semaphore_mem>>) src(%dma_wait3A_838 : memref<3200xi32, #tpu.memory_space<hbm>>) dst(%dma_wait3A_837 : memref<3200xi32, #tpu.memory_space<vmem>>)
          } else {
          }
          %mul3A_251 = arith.constant 8 : i32
          %mul3A_252 = arith.muli %while3A_151, %mul3A_251 : i32
          %add3A_253 = arith.constant 0 : i32
          %add3A_254 = arith.addi %mul3A_252, %add3A_253 : i32
          %mul3A_255 = arith.constant 16 : i32
          %mul3A_256 = arith.muli %add3A_254, %mul3A_255 : i32
          %add3A_257 = arith.constant 16 : i32
          %add3A_258 = arith.addi %add3A_257, %mul3A_256 : i32
          %get3A = arith.constant 0 : i32
          %get3A_259 = tpu.memref_slice %arg6[%sub3A_69, %get3A] : memref<2x3216xi32, #tpu.memory_space<vmem>> -> memref<1x3216xi32, #tpu.memory_space<vmem>>
          %get3A_260 = tpu.memref_squeeze %get3A_259 : memref<1x3216xi32, #tpu.memory_space<vmem>> -> memref<3216xi32, #tpu.memory_space<vmem>>
          %get3A_261 = arith.index_cast %add3A_258 : i32 to index
          %get3A_262 = tpu.vector_load %get3A_260[%get3A_261] {strides = array<i32>} : memref<3216xi32, #tpu.memory_space<vmem>>, vector<16xi32>,
          %get3A_263 = vector.shape_cast %get3A_262 : vector<16xi32> to vector<16xi32>
          %mul3A_264 = arith.constant 16 : i32
          %mul3A_265 = arith.muli %add3A_254, %mul3A_264 : i32
          %add3A_266 = arith.constant 15 : i32
          %add3A_267 = arith.addi %add3A_266, %mul3A_265 : i32
          %get3A_268 = arith.constant 0 : i32
          %get3A_269 = tpu.memref_slice %arg6[%sub3A_69, %get3A_268] : memref<2x3216xi32, #tpu.memory_space<vmem>> -> memref<1x3216xi32, #tpu.memory_space<vmem>>
          %get3A_270 = tpu.memref_squeeze %get3A_269 : memref<1x3216xi32, #tpu.memory_space<vmem>> -> memref<3216xi32, #tpu.memory_space<vmem>>
          %get3A_271 = arith.index_cast %add3A_267 : i32 to index
          %get3A_272 = tpu.vector_load %get3A_270[%get3A_271] {strides = array<i32>} : memref<3216xi32, #tpu.memory_space<vmem>>, vector<16xi32>,
          %get3A_273 = vector.shape_cast %get3A_272 : vector<16xi32> to vector<16xi32>
          %mul3A_274 = arith.constant 16 : i32
          %mul3A_275 = arith.muli %add3A_254, %mul3A_274 : i32
          %add3A_276 = vector.broadcast %mul3A_275 : i32 to vector<16xi32>
          %add3A_277 = arith.addi %add3A_276, %iota3A : vector<16xi32>
          %rem3A_278 = arith.constant 200 : i32
          %rem3A_279 = vector.broadcast %rem3A_278 : i32 to vector<16xi32>
          %rem3A_280 = arith.remsi %add3A_277, %rem3A_279 : vector<16xi32>
          %eq3A_281 = arith.constant 0 : i32
          %eq3A_282 = vector.broadcast %eq3A_281 : i32 to vector<16xi32>
          %eq3A_283 = arith.cmpi eq, %rem3A_280, %eq3A_282 : vector<16xi32>
          %jit3A = arith.constant 0 : i32
          %broadcast_in_dim3A = vector.broadcast %jit3A : i32 to vector<16xi32>
          %select_n3A = arith.select %eq3A_283, %broadcast_in_dim3A, %get3A_273 : vector<16xi1>, vector<16xi32>
          %mul3A_284 = arith.constant 1696 : i32
          %mul3A_285 = vector.broadcast %mul3A_284 : i32 to vector<16xi32>
          %mul3A_286 = arith.muli %select_n3A, %mul3A_285 : vector<16xi32>
          %add3A_287 = arith.addi %mul3A_286, %get3A_263 : vector<16xi32>
          %and3A = arith.constant 32767 : i32
          %and3A_288 = vector.broadcast %and3A : i32 to vector<16xi32>
          %and3A_289 = arith.andi %add3A_287, %and3A_288 : vector<16xi32>
          %div3A = arith.constant 8 : i32
          %div3A_290 = arith.divsi %add3A_254, %div3A : i32
          %rem3A_291 = arith.constant 8 : i32
          %rem3A_292 = arith.remsi %add3A_254, %rem3A_291 : i32
          %mul3A_293 = arith.constant 16 : i32
          %mul3A_294 = arith.muli %rem3A_292, %mul3A_293 : i32
          %swap3A = arith.constant 0 : i32
          %swap3A_295 = arith.constant 0 : i32
          %swap3A_296 = tpu.memref_slice %arg7[%sub3A_69, %swap3A, %swap3A_295] : memref<2x25x128xi32, #tpu.memory_space<vmem>> -> memref<1x25x128xi32, #tpu.memory_space<vmem>>
          %swap3A_297 = tpu.memref_squeeze %swap3A_296 : memref<1x25x128xi32, #tpu.memory_space<vmem>> -> memref<25x128xi32, #tpu.memory_space<vmem>>
          %swap3A_298 = arith.constant 0 : i32
          %swap3A_299 = tpu.memref_slice %swap3A_297[%div3A_290, %swap3A_298] : memref<25x128xi32, #tpu.memory_space<vmem>> -> memref<1x128xi32, #tpu.memory_space<vmem>>
          %swap3A_300 = tpu.memref_squeeze %swap3A_299 : memref<1x128xi32, #tpu.memory_space<vmem>> -> memref<128xi32, #tpu.memory_space<vmem>>
          %swap3A_301 = arith.index_cast %mul3A_294 : i32 to index
          %swap3A_302 = tpu.vector_load %swap3A_300[%swap3A_301] {strides = array<i32>} : memref<128xi32, #tpu.memory_space<vmem>>, vector<16xi32>,
          %swap3A_303 = vector.shape_cast %swap3A_302 : vector<16xi32> to vector<16xi32>
          %swap3A_304 = vector.shape_cast %get3A_263 : vector<16xi32> to vector<16xi32>
          tpu.vector_store %swap3A_300[%swap3A_301], %swap3A_304 {strides = array<i32>} : memref<128xi32, #tpu.memory_space<vmem>>, vector<16xi32>,
          %swap3A_305 = arith.constant 0 : i32
          %swap3A_306 = arith.constant 0 : i32
          %swap3A_307 = tpu.memref_slice %arg8[%sub3A_69, %swap3A_305, %swap3A_306] : memref<2x25x128xi32, #tpu.memory_space<vmem>> -> memref<1x25x128xi32, #tpu.memory_space<vmem>>
          %swap3A_308 = tpu.memref_squeeze %swap3A_307 : memref<1x25x128xi32, #tpu.memory_space<vmem>> -> memref<25x128xi32, #tpu.memory_space<vmem>>
          %swap3A_309 = arith.constant 0 : i32
          %swap3A_310 = tpu.memref_slice %swap3A_308[%div3A_290, %swap3A_309] : memref<25x128xi32, #tpu.memory_space<vmem>> -> memref<1x128xi32, #tpu.memory_space<vmem>>
          %swap3A_311 = tpu.memref_squeeze %swap3A_310 : memref<1x128xi32, #tpu.memory_space<vmem>> -> memref<128xi32, #tpu.memory_space<vmem>>
          %swap3A_312 = arith.index_cast %mul3A_294 : i32 to index
          %swap3A_313 = tpu.vector_load %swap3A_311[%swap3A_312] {strides = array<i32>} : memref<128xi32, #tpu.memory_space<vmem>>, vector<16xi32>,
          %swap3A_314 = vector.shape_cast %swap3A_313 : vector<16xi32> to vector<16xi32>
          %swap3A_315 = vector.shape_cast %and3A_289 : vector<16xi32> to vector<16xi32>
          tpu.vector_store %swap3A_311[%swap3A_312], %swap3A_315 {strides = array<i32>} : memref<128xi32, #tpu.memory_space<vmem>>, vector<16xi32>,
          %mul3A_316 = arith.constant 8 : i32
          %mul3A_317 = arith.muli %while3A_151, %mul3A_316 : i32
          %add3A_318 = arith.constant 1 : i32
          %add3A_319 = arith.addi %mul3A_317, %add3A_318 : i32
          %mul3A_320 = arith.constant 16 : i32
          %mul3A_321 = arith.muli %add3A_319, %mul3A_320 : i32
          %add3A_322 = arith.constant 16 : i32
          %add3A_323 = arith.addi %add3A_322, %mul3A_321 : i32
          %get3A_324 = arith.constant 0 : i32
          %get3A_325 = tpu.memref_slice %arg6[%sub3A_69, %get3A_324] : memref<2x3216xi32, #tpu.memory_space<vmem>> -> memref<1x3216xi32, #tpu.memory_space<vmem>>
          %get3A_326 = tpu.memref_squeeze %get3A_325 : memref<1x3216xi32, #tpu.memory_space<vmem>> -> memref<3216xi32, #tpu.memory_space<vmem>>
          %get3A_327 = arith.index_cast %add3A_323 : i32 to index
          %get3A_328 = tpu.vector_load %get3A_326[%get3A_327] {strides = array<i32>} : memref<3216xi32, #tpu.memory_space<vmem>>, vector<16xi32>,
          %get3A_329 = vector.shape_cast %get3A_328 : vector<16xi32> to vector<16xi32>
          %mul3A_330 = arith.constant 16 : i32
          %mul3A_331 = arith.muli %add3A_319, %mul3A_330 : i32
          %add3A_332 = arith.constant 15 : i32
          %add3A_333 = arith.addi %add3A_332, %mul3A_331 : i32
          %get3A_334 = arith.constant 0 : i32
          %get3A_335 = tpu.memref_slice %arg6[%sub3A_69, %get3A_334] : memref<2x3216xi32, #tpu.memory_space<vmem>> -> memref<1x3216xi32, #tpu.memory_space<vmem>>
          %get3A_336 = tpu.memref_squeeze %get3A_335 : memref<1x3216xi32, #tpu.memory_space<vmem>> -> memref<3216xi32, #tpu.memory_space<vmem>>
          %get3A_337 = arith.index_cast %add3A_333 : i32 to index
          %get3A_338 = tpu.vector_load %get3A_336[%get3A_337] {strides = array<i32>} : memref<3216xi32, #tpu.memory_space<vmem>>, vector<16xi32>,
          %get3A_339 = vector.shape_cast %get3A_338 : vector<16xi32> to vector<16xi32>
          %mul3A_340 = arith.constant 16 : i32
          %mul3A_341 = arith.muli %add3A_319, %mul3A_340 : i32
          %add3A_342 = vector.broadcast %mul3A_341 : i32 to vector<16xi32>
          %add3A_343 = arith.addi %add3A_342, %iota3A : vector<16xi32>
          %rem3A_344 = arith.constant 200 : i32
          %rem3A_345 = vector.broadcast %rem3A_344 : i32 to vector<16xi32>
          %rem3A_346 = arith.remsi %add3A_343, %rem3A_345 : vector<16xi32>
          %eq3A_347 = arith.constant 0 : i32
          %eq3A_348 = vector.broadcast %eq3A_347 : i32 to vector<16xi32>
          %eq3A_349 = arith.cmpi eq, %rem3A_346, %eq3A_348 : vector<16xi32>
          %jit3A_350 = arith.constant 0 : i32
          %broadcast_in_dim3A_351 = vector.broadcast %jit3A_350 : i32 to vector<16xi32>
          %select_n3A_352 = arith.select %eq3A_349, %broadcast_in_dim3A_351, %get3A_339 : vector<16xi1>, vector<16xi32>
          %mul3A_353 = arith.constant 1696 : i32
          %mul3A_354 = vector.broadcast %mul3A_353 : i32 to vector<16xi32>
          %mul3A_355 = arith.muli %select_n3A_352, %mul3A_354 : vector<16xi32>
          %add3A_356 = arith.addi %mul3A_355, %get3A_329 : vector<16xi32>
          %and3A_357 = arith.constant 32767 : i32
          %and3A_358 = vector.broadcast %and3A_357 : i32 to vector<16xi32>
          %and3A_359 = arith.andi %add3A_356, %and3A_358 : vector<16xi32>
          %div3A_360 = arith.constant 8 : i32
          %div3A_361 = arith.divsi %add3A_319, %div3A_360 : i32
          %rem3A_362 = arith.constant 8 : i32
          %rem3A_363 = arith.remsi %add3A_319, %rem3A_362 : i32
          %mul3A_364 = arith.constant 16 : i32
          %mul3A_365 = arith.muli %rem3A_363, %mul3A_364 : i32
          %swap3A_366 = arith.constant 0 : i32
          %swap3A_367 = arith.constant 0 : i32
          %swap3A_368 = tpu.memref_slice %arg7[%sub3A_69, %swap3A_366, %swap3A_367] : memref<2x25x128xi32, #tpu.memory_space<vmem>> -> memref<1x25x128xi32, #tpu.memory_space<vmem>>
          %swap3A_369 = tpu.memref_squeeze %swap3A_368 : memref<1x25x128xi32, #tpu.memory_space<vmem>> -> memref<25x128xi32, #tpu.memory_space<vmem>>
          %swap3A_370 = arith.constant 0 : i32
          %swap3A_371 = tpu.memref_slice %swap3A_369[%div3A_361, %swap3A_370] : memref<25x128xi32, #tpu.memory_space<vmem>> -> memref<1x128xi32, #tpu.memory_space<vmem>>
          %swap3A_372 = tpu.memref_squeeze %swap3A_371 : memref<1x128xi32, #tpu.memory_space<vmem>> -> memref<128xi32, #tpu.memory_space<vmem>>
          %swap3A_373 = arith.index_cast %mul3A_365 : i32 to index
          %swap3A_374 = tpu.vector_load %swap3A_372[%swap3A_373] {strides = array<i32>} : memref<128xi32, #tpu.memory_space<vmem>>, vector<16xi32>,
          %swap3A_375 = vector.shape_cast %swap3A_374 : vector<16xi32> to vector<16xi32>
          %swap3A_376 = vector.shape_cast %get3A_329 : vector<16xi32> to vector<16xi32>
          tpu.vector_store %swap3A_372[%swap3A_373], %swap3A_376 {strides = array<i32>} : memref<128xi32, #tpu.memory_space<vmem>>, vector<16xi32>,
          %swap3A_377 = arith.constant 0 : i32
          %swap3A_378 = arith.constant 0 : i32
          %swap3A_379 = tpu.memref_slice %arg8[%sub3A_69, %swap3A_377, %swap3A_378] : memref<2x25x128xi32, #tpu.memory_space<vmem>> -> memref<1x25x128xi32, #tpu.memory_space<vmem>>
          %swap3A_380 = tpu.memref_squeeze %swap3A_379 : memref<1x25x128xi32, #tpu.memory_space<vmem>> -> memref<25x128xi32, #tpu.memory_space<vmem>>
          %swap3A_381 = arith.constant 0 : i32
          %swap3A_382 = tpu.memref_slice %swap3A_380[%div3A_361, %swap3A_381] : memref<25x128xi32, #tpu.memory_space<vmem>> -> memref<1x128xi32, #tpu.memory_space<vmem>>
          %swap3A_383 = tpu.memref_squeeze %swap3A_382 : memref<1x128xi32, #tpu.memory_space<vmem>> -> memref<128xi32, #tpu.memory_space<vmem>>
          %swap3A_384 = arith.index_cast %mul3A_365 : i32 to index
          %swap3A_385 = tpu.vector_load %swap3A_383[%swap3A_384] {strides = array<i32>} : memref<128xi32, #tpu.memory_space<vmem>>, vector<16xi32>,
          %swap3A_386 = vector.shape_cast %swap3A_385 : vector<16xi32> to vector<16xi32>
          %swap3A_387 = vector.shape_cast %and3A_359 : vector<16xi32> to vector<16xi32>
          tpu.vector_store %swap3A_383[%swap3A_384], %swap3A_387 {strides = array<i32>} : memref<128xi32, #tpu.memory_space<vmem>>, vector<16xi32>,
          %mul3A_388 = arith.constant 8 : i32
          %mul3A_389 = arith.muli %while3A_151, %mul3A_388 : i32
          %add3A_390 = arith.constant 2 : i32
          %add3A_391 = arith.addi %mul3A_389, %add3A_390 : i32
          %mul3A_392 = arith.constant 16 : i32
          %mul3A_393 = arith.muli %add3A_391, %mul3A_392 : i32
          %add3A_394 = arith.constant 16 : i32
          %add3A_395 = arith.addi %add3A_394, %mul3A_393 : i32
          %get3A_396 = arith.constant 0 : i32
          %get3A_397 = tpu.memref_slice %arg6[%sub3A_69, %get3A_396] : memref<2x3216xi32, #tpu.memory_space<vmem>> -> memref<1x3216xi32, #tpu.memory_space<vmem>>
          %get3A_398 = tpu.memref_squeeze %get3A_397 : memref<1x3216xi32, #tpu.memory_space<vmem>> -> memref<3216xi32, #tpu.memory_space<vmem>>
          %get3A_399 = arith.index_cast %add3A_395 : i32 to index
          %get3A_400 = tpu.vector_load %get3A_398[%get3A_399] {strides = array<i32>} : memref<3216xi32, #tpu.memory_space<vmem>>, vector<16xi32>,
          %get3A_401 = vector.shape_cast %get3A_400 : vector<16xi32> to vector<16xi32>
          %mul3A_402 = arith.constant 16 : i32
          %mul3A_403 = arith.muli %add3A_391, %mul3A_402 : i32
          %add3A_404 = arith.constant 15 : i32
          %add3A_405 = arith.addi %add3A_404, %mul3A_403 : i32
          %get3A_406 = arith.constant 0 : i32
          %get3A_407 = tpu.memref_slice %arg6[%sub3A_69, %get3A_406] : memref<2x3216xi32, #tpu.memory_space<vmem>> -> memref<1x3216xi32, #tpu.memory_space<vmem>>
          %get3A_408 = tpu.memref_squeeze %get3A_407 : memref<1x3216xi32, #tpu.memory_space<vmem>> -> memref<3216xi32, #tpu.memory_space<vmem>>
          %get3A_409 = arith.index_cast %add3A_405 : i32 to index
          %get3A_410 = tpu.vector_load %get3A_408[%get3A_409] {strides = array<i32>} : memref<3216xi32, #tpu.memory_space<vmem>>, vector<16xi32>,
          %get3A_411 = vector.shape_cast %get3A_410 : vector<16xi32> to vector<16xi32>
          %mul3A_412 = arith.constant 16 : i32
          %mul3A_413 = arith.muli %add3A_391, %mul3A_412 : i32
          %add3A_414 = vector.broadcast %mul3A_413 : i32 to vector<16xi32>
          %add3A_415 = arith.addi %add3A_414, %iota3A : vector<16xi32>
          %rem3A_416 = arith.constant 200 : i32
          %rem3A_417 = vector.broadcast %rem3A_416 : i32 to vector<16xi32>
          %rem3A_418 = arith.remsi %add3A_415, %rem3A_417 : vector<16xi32>
          %eq3A_419 = arith.constant 0 : i32
          %eq3A_420 = vector.broadcast %eq3A_419 : i32 to vector<16xi32>
          %eq3A_421 = arith.cmpi eq, %rem3A_418, %eq3A_420 : vector<16xi32>
          %jit3A_422 = arith.constant 0 : i32
          %broadcast_in_dim3A_423 = vector.broadcast %jit3A_422 : i32 to vector<16xi32>
          %select_n3A_424 = arith.select %eq3A_421, %broadcast_in_dim3A_423, %get3A_411 : vector<16xi1>, vector<16xi32>
          %mul3A_425 = arith.constant 1696 : i32
          %mul3A_426 = vector.broadcast %mul3A_425 : i32 to vector<16xi32>
          %mul3A_427 = arith.muli %select_n3A_424, %mul3A_426 : vector<16xi32>
          %add3A_428 = arith.addi %mul3A_427, %get3A_401 : vector<16xi32>
          %and3A_429 = arith.constant 32767 : i32
          %and3A_430 = vector.broadcast %and3A_429 : i32 to vector<16xi32>
          %and3A_431 = arith.andi %add3A_428, %and3A_430 : vector<16xi32>
          %div3A_432 = arith.constant 8 : i32
          %div3A_433 = arith.divsi %add3A_391, %div3A_432 : i32
          %rem3A_434 = arith.constant 8 : i32
          %rem3A_435 = arith.remsi %add3A_391, %rem3A_434 : i32
          %mul3A_436 = arith.constant 16 : i32
          %mul3A_437 = arith.muli %rem3A_435, %mul3A_436 : i32
          %swap3A_438 = arith.constant 0 : i32
          %swap3A_439 = arith.constant 0 : i32
          %swap3A_440 = tpu.memref_slice %arg7[%sub3A_69, %swap3A_438, %swap3A_439] : memref<2x25x128xi32, #tpu.memory_space<vmem>> -> memref<1x25x128xi32, #tpu.memory_space<vmem>>
          %swap3A_441 = tpu.memref_squeeze %swap3A_440 : memref<1x25x128xi32, #tpu.memory_space<vmem>> -> memref<25x128xi32, #tpu.memory_space<vmem>>
          %swap3A_442 = arith.constant 0 : i32
          %swap3A_443 = tpu.memref_slice %swap3A_441[%div3A_433, %swap3A_442] : memref<25x128xi32, #tpu.memory_space<vmem>> -> memref<1x128xi32, #tpu.memory_space<vmem>>
          %swap3A_444 = tpu.memref_squeeze %swap3A_443 : memref<1x128xi32, #tpu.memory_space<vmem>> -> memref<128xi32, #tpu.memory_space<vmem>>
          %swap3A_445 = arith.index_cast %mul3A_437 : i32 to index
          %swap3A_446 = tpu.vector_load %swap3A_444[%swap3A_445] {strides = array<i32>} : memref<128xi32, #tpu.memory_space<vmem>>, vector<16xi32>,
          %swap3A_447 = vector.shape_cast %swap3A_446 : vector<16xi32> to vector<16xi32>
          %swap3A_448 = vector.shape_cast %get3A_401 : vector<16xi32> to vector<16xi32>
          tpu.vector_store %swap3A_444[%swap3A_445], %swap3A_448 {strides = array<i32>} : memref<128xi32, #tpu.memory_space<vmem>>, vector<16xi32>,
          %swap3A_449 = arith.constant 0 : i32
          %swap3A_450 = arith.constant 0 : i32
          %swap3A_451 = tpu.memref_slice %arg8[%sub3A_69, %swap3A_449, %swap3A_450] : memref<2x25x128xi32, #tpu.memory_space<vmem>> -> memref<1x25x128xi32, #tpu.memory_space<vmem>>
          %swap3A_452 = tpu.memref_squeeze %swap3A_451 : memref<1x25x128xi32, #tpu.memory_space<vmem>> -> memref<25x128xi32, #tpu.memory_space<vmem>>
          %swap3A_453 = arith.constant 0 : i32
          %swap3A_454 = tpu.memref_slice %swap3A_452[%div3A_433, %swap3A_453] : memref<25x128xi32, #tpu.memory_space<vmem>> -> memref<1x128xi32, #tpu.memory_space<vmem>>
          %swap3A_455 = tpu.memref_squeeze %swap3A_454 : memref<1x128xi32, #tpu.memory_space<vmem>> -> memref<128xi32, #tpu.memory_space<vmem>>
          %swap3A_456 = arith.index_cast %mul3A_437 : i32 to index
          %swap3A_457 = tpu.vector_load %swap3A_455[%swap3A_456] {strides = array<i32>} : memref<128xi32, #tpu.memory_space<vmem>>, vector<16xi32>,
          %swap3A_458 = vector.shape_cast %swap3A_457 : vector<16xi32> to vector<16xi32>
          %swap3A_459 = vector.shape_cast %and3A_431 : vector<16xi32> to vector<16xi32>
          tpu.vector_store %swap3A_455[%swap3A_456], %swap3A_459 {strides = array<i32>} : memref<128xi32, #tpu.memory_space<vmem>>, vector<16xi32>,
          %mul3A_460 = arith.constant 8 : i32
          %mul3A_461 = arith.muli %while3A_151, %mul3A_460 : i32
          %add3A_462 = arith.constant 3 : i32
          %add3A_463 = arith.addi %mul3A_461, %add3A_462 : i32
          %mul3A_464 = arith.constant 16 : i32
          %mul3A_465 = arith.muli %add3A_463, %mul3A_464 : i32
          %add3A_466 = arith.constant 16 : i32
          %add3A_467 = arith.addi %add3A_466, %mul3A_465 : i32
          %get3A_468 = arith.constant 0 : i32
          %get3A_469 = tpu.memref_slice %arg6[%sub3A_69, %get3A_468] : memref<2x3216xi32, #tpu.memory_space<vmem>> -> memref<1x3216xi32, #tpu.memory_space<vmem>>
          %get3A_470 = tpu.memref_squeeze %get3A_469 : memref<1x3216xi32, #tpu.memory_space<vmem>> -> memref<3216xi32, #tpu.memory_space<vmem>>
          %get3A_471 = arith.index_cast %add3A_467 : i32 to index
          %get3A_472 = tpu.vector_load %get3A_470[%get3A_471] {strides = array<i32>} : memref<3216xi32, #tpu.memory_space<vmem>>, vector<16xi32>,
          %get3A_473 = vector.shape_cast %get3A_472 : vector<16xi32> to vector<16xi32>
          %mul3A_474 = arith.constant 16 : i32
          %mul3A_475 = arith.muli %add3A_463, %mul3A_474 : i32
          %add3A_476 = arith.constant 15 : i32
          %add3A_477 = arith.addi %add3A_476, %mul3A_475 : i32
          %get3A_478 = arith.constant 0 : i32
          %get3A_479 = tpu.memref_slice %arg6[%sub3A_69, %get3A_478] : memref<2x3216xi32, #tpu.memory_space<vmem>> -> memref<1x3216xi32, #tpu.memory_space<vmem>>
          %get3A_480 = tpu.memref_squeeze %get3A_479 : memref<1x3216xi32, #tpu.memory_space<vmem>> -> memref<3216xi32, #tpu.memory_space<vmem>>
          %get3A_481 = arith.index_cast %add3A_477 : i32 to index
          %get3A_482 = tpu.vector_load %get3A_480[%get3A_481] {strides = array<i32>} : memref<3216xi32, #tpu.memory_space<vmem>>, vector<16xi32>,
          %get3A_483 = vector.shape_cast %get3A_482 : vector<16xi32> to vector<16xi32>
          %mul3A_484 = arith.constant 16 : i32
          %mul3A_485 = arith.muli %add3A_463, %mul3A_484 : i32
          %add3A_486 = vector.broadcast %mul3A_485 : i32 to vector<16xi32>
          %add3A_487 = arith.addi %add3A_486, %iota3A : vector<16xi32>
          %rem3A_488 = arith.constant 200 : i32
          %rem3A_489 = vector.broadcast %rem3A_488 : i32 to vector<16xi32>
          %rem3A_490 = arith.remsi %add3A_487, %rem3A_489 : vector<16xi32>
          %eq3A_491 = arith.constant 0 : i32
          %eq3A_492 = vector.broadcast %eq3A_491 : i32 to vector<16xi32>
          %eq3A_493 = arith.cmpi eq, %rem3A_490, %eq3A_492 : vector<16xi32>
          %jit3A_494 = arith.constant 0 : i32
          %broadcast_in_dim3A_495 = vector.broadcast %jit3A_494 : i32 to vector<16xi32>
          %select_n3A_496 = arith.select %eq3A_493, %broadcast_in_dim3A_495, %get3A_483 : vector<16xi1>, vector<16xi32>
          %mul3A_497 = arith.constant 1696 : i32
          %mul3A_498 = vector.broadcast %mul3A_497 : i32 to vector<16xi32>
          %mul3A_499 = arith.muli %select_n3A_496, %mul3A_498 : vector<16xi32>
          %add3A_500 = arith.addi %mul3A_499, %get3A_473 : vector<16xi32>
          %and3A_501 = arith.constant 32767 : i32
          %and3A_502 = vector.broadcast %and3A_501 : i32 to vector<16xi32>
          %and3A_503 = arith.andi %add3A_500, %and3A_502 : vector<16xi32>
          %div3A_504 = arith.constant 8 : i32
          %div3A_505 = arith.divsi %add3A_463, %div3A_504 : i32
          %rem3A_506 = arith.constant 8 : i32
          %rem3A_507 = arith.remsi %add3A_463, %rem3A_506 : i32
          %mul3A_508 = arith.constant 16 : i32
          %mul3A_509 = arith.muli %rem3A_507, %mul3A_508 : i32
          %swap3A_510 = arith.constant 0 : i32
          %swap3A_511 = arith.constant 0 : i32
          %swap3A_512 = tpu.memref_slice %arg7[%sub3A_69, %swap3A_510, %swap3A_511] : memref<2x25x128xi32, #tpu.memory_space<vmem>> -> memref<1x25x128xi32, #tpu.memory_space<vmem>>
          %swap3A_513 = tpu.memref_squeeze %swap3A_512 : memref<1x25x128xi32, #tpu.memory_space<vmem>> -> memref<25x128xi32, #tpu.memory_space<vmem>>
          %swap3A_514 = arith.constant 0 : i32
          %swap3A_515 = tpu.memref_slice %swap3A_513[%div3A_505, %swap3A_514] : memref<25x128xi32, #tpu.memory_space<vmem>> -> memref<1x128xi32, #tpu.memory_space<vmem>>
          %swap3A_516 = tpu.memref_squeeze %swap3A_515 : memref<1x128xi32, #tpu.memory_space<vmem>> -> memref<128xi32, #tpu.memory_space<vmem>>
          %swap3A_517 = arith.index_cast %mul3A_509 : i32 to index
          %swap3A_518 = tpu.vector_load %swap3A_516[%swap3A_517] {strides = array<i32>} : memref<128xi32, #tpu.memory_space<vmem>>, vector<16xi32>,
          %swap3A_519 = vector.shape_cast %swap3A_518 : vector<16xi32> to vector<16xi32>
          %swap3A_520 = vector.shape_cast %get3A_473 : vector<16xi32> to vector<16xi32>
          tpu.vector_store %swap3A_516[%swap3A_517], %swap3A_520 {strides = array<i32>} : memref<128xi32, #tpu.memory_space<vmem>>, vector<16xi32>,
          %swap3A_521 = arith.constant 0 : i32
          %swap3A_522 = arith.constant 0 : i32
          %swap3A_523 = tpu.memref_slice %arg8[%sub3A_69, %swap3A_521, %swap3A_522] : memref<2x25x128xi32, #tpu.memory_space<vmem>> -> memref<1x25x128xi32, #tpu.memory_space<vmem>>
          %swap3A_524 = tpu.memref_squeeze %swap3A_523 : memref<1x25x128xi32, #tpu.memory_space<vmem>> -> memref<25x128xi32, #tpu.memory_space<vmem>>
          %swap3A_525 = arith.constant 0 : i32
          %swap3A_526 = tpu.memref_slice %swap3A_524[%div3A_505, %swap3A_525] : memref<25x128xi32, #tpu.memory_space<vmem>> -> memref<1x128xi32, #tpu.memory_space<vmem>>
          %swap3A_527 = tpu.memref_squeeze %swap3A_526 : memref<1x128xi32, #tpu.memory_space<vmem>> -> memref<128xi32, #tpu.memory_space<vmem>>
          %swap3A_528 = arith.index_cast %mul3A_509 : i32 to index
          %swap3A_529 = tpu.vector_load %swap3A_527[%swap3A_528] {strides = array<i32>} : memref<128xi32, #tpu.memory_space<vmem>>, vector<16xi32>,
          %swap3A_530 = vector.shape_cast %swap3A_529 : vector<16xi32> to vector<16xi32>
          %swap3A_531 = vector.shape_cast %and3A_503 : vector<16xi32> to vector<16xi32>
          tpu.vector_store %swap3A_527[%swap3A_528], %swap3A_531 {strides = array<i32>} : memref<128xi32, #tpu.memory_space<vmem>>, vector<16xi32>,
          %mul3A_532 = arith.constant 8 : i32
          %mul3A_533 = arith.muli %while3A_151, %mul3A_532 : i32
          %add3A_534 = arith.constant 4 : i32
          %add3A_535 = arith.addi %mul3A_533, %add3A_534 : i32
          %mul3A_536 = arith.constant 16 : i32
          %mul3A_537 = arith.muli %add3A_535, %mul3A_536 : i32
          %add3A_538 = arith.constant 16 : i32
          %add3A_539 = arith.addi %add3A_538, %mul3A_537 : i32
          %get3A_540 = arith.constant 0 : i32
          %get3A_541 = tpu.memref_slice %arg6[%sub3A_69, %get3A_540] : memref<2x3216xi32, #tpu.memory_space<vmem>> -> memref<1x3216xi32, #tpu.memory_space<vmem>>
          %get3A_542 = tpu.memref_squeeze %get3A_541 : memref<1x3216xi32, #tpu.memory_space<vmem>> -> memref<3216xi32, #tpu.memory_space<vmem>>
          %get3A_543 = arith.index_cast %add3A_539 : i32 to index
          %get3A_544 = tpu.vector_load %get3A_542[%get3A_543] {strides = array<i32>} : memref<3216xi32, #tpu.memory_space<vmem>>, vector<16xi32>,
          %get3A_545 = vector.shape_cast %get3A_544 : vector<16xi32> to vector<16xi32>
          %mul3A_546 = arith.constant 16 : i32
          %mul3A_547 = arith.muli %add3A_535, %mul3A_546 : i32
          %add3A_548 = arith.constant 15 : i32
          %add3A_549 = arith.addi %add3A_548, %mul3A_547 : i32
          %get3A_550 = arith.constant 0 : i32
          %get3A_551 = tpu.memref_slice %arg6[%sub3A_69, %get3A_550] : memref<2x3216xi32, #tpu.memory_space<vmem>> -> memref<1x3216xi32, #tpu.memory_space<vmem>>
          %get3A_552 = tpu.memref_squeeze %get3A_551 : memref<1x3216xi32, #tpu.memory_space<vmem>> -> memref<3216xi32, #tpu.memory_space<vmem>>
          %get3A_553 = arith.index_cast %add3A_549 : i32 to index
          %get3A_554 = tpu.vector_load %get3A_552[%get3A_553] {strides = array<i32>} : memref<3216xi32, #tpu.memory_space<vmem>>, vector<16xi32>,
          %get3A_555 = vector.shape_cast %get3A_554 : vector<16xi32> to vector<16xi32>
          %mul3A_556 = arith.constant 16 : i32
          %mul3A_557 = arith.muli %add3A_535, %mul3A_556 : i32
          %add3A_558 = vector.broadcast %mul3A_557 : i32 to vector<16xi32>
          %add3A_559 = arith.addi %add3A_558, %iota3A : vector<16xi32>
          %rem3A_560 = arith.constant 200 : i32
          %rem3A_561 = vector.broadcast %rem3A_560 : i32 to vector<16xi32>
          %rem3A_562 = arith.remsi %add3A_559, %rem3A_561 : vector<16xi32>
          %eq3A_563 = arith.constant 0 : i32
          %eq3A_564 = vector.broadcast %eq3A_563 : i32 to vector<16xi32>
          %eq3A_565 = arith.cmpi eq, %rem3A_562, %eq3A_564 : vector<16xi32>
          %jit3A_566 = arith.constant 0 : i32
          %broadcast_in_dim3A_567 = vector.broadcast %jit3A_566 : i32 to vector<16xi32>
          %select_n3A_568 = arith.select %eq3A_565, %broadcast_in_dim3A_567, %get3A_555 : vector<16xi1>, vector<16xi32>
          %mul3A_569 = arith.constant 1696 : i32
          %mul3A_570 = vector.broadcast %mul3A_569 : i32 to vector<16xi32>
          %mul3A_571 = arith.muli %select_n3A_568, %mul3A_570 : vector<16xi32>
          %add3A_572 = arith.addi %mul3A_571, %get3A_545 : vector<16xi32>
          %and3A_573 = arith.constant 32767 : i32
          %and3A_574 = vector.broadcast %and3A_573 : i32 to vector<16xi32>
          %and3A_575 = arith.andi %add3A_572, %and3A_574 : vector<16xi32>
          %div3A_576 = arith.constant 8 : i32
          %div3A_577 = arith.divsi %add3A_535, %div3A_576 : i32
          %rem3A_578 = arith.constant 8 : i32
          %rem3A_579 = arith.remsi %add3A_535, %rem3A_578 : i32
          %mul3A_580 = arith.constant 16 : i32
          %mul3A_581 = arith.muli %rem3A_579, %mul3A_580 : i32
          %swap3A_582 = arith.constant 0 : i32
          %swap3A_583 = arith.constant 0 : i32
          %swap3A_584 = tpu.memref_slice %arg7[%sub3A_69, %swap3A_582, %swap3A_583] : memref<2x25x128xi32, #tpu.memory_space<vmem>> -> memref<1x25x128xi32, #tpu.memory_space<vmem>>
          %swap3A_585 = tpu.memref_squeeze %swap3A_584 : memref<1x25x128xi32, #tpu.memory_space<vmem>> -> memref<25x128xi32, #tpu.memory_space<vmem>>
          %swap3A_586 = arith.constant 0 : i32
          %swap3A_587 = tpu.memref_slice %swap3A_585[%div3A_577, %swap3A_586] : memref<25x128xi32, #tpu.memory_space<vmem>> -> memref<1x128xi32, #tpu.memory_space<vmem>>
          %swap3A_588 = tpu.memref_squeeze %swap3A_587 : memref<1x128xi32, #tpu.memory_space<vmem>> -> memref<128xi32, #tpu.memory_space<vmem>>
          %swap3A_589 = arith.index_cast %mul3A_581 : i32 to index
          %swap3A_590 = tpu.vector_load %swap3A_588[%swap3A_589] {strides = array<i32>} : memref<128xi32, #tpu.memory_space<vmem>>, vector<16xi32>,
          %swap3A_591 = vector.shape_cast %swap3A_590 : vector<16xi32> to vector<16xi32>
          %swap3A_592 = vector.shape_cast %get3A_545 : vector<16xi32> to vector<16xi32>
          tpu.vector_store %swap3A_588[%swap3A_589], %swap3A_592 {strides = array<i32>} : memref<128xi32, #tpu.memory_space<vmem>>, vector<16xi32>,
          %swap3A_593 = arith.constant 0 : i32
          %swap3A_594 = arith.constant 0 : i32
          %swap3A_595 = tpu.memref_slice %arg8[%sub3A_69, %swap3A_593, %swap3A_594] : memref<2x25x128xi32, #tpu.memory_space<vmem>> -> memref<1x25x128xi32, #tpu.memory_space<vmem>>
          %swap3A_596 = tpu.memref_squeeze %swap3A_595 : memref<1x25x128xi32, #tpu.memory_space<vmem>> -> memref<25x128xi32, #tpu.memory_space<vmem>>
          %swap3A_597 = arith.constant 0 : i32
          %swap3A_598 = tpu.memref_slice %swap3A_596[%div3A_577, %swap3A_597] : memref<25x128xi32, #tpu.memory_space<vmem>> -> memref<1x128xi32, #tpu.memory_space<vmem>>
          %swap3A_599 = tpu.memref_squeeze %swap3A_598 : memref<1x128xi32, #tpu.memory_space<vmem>> -> memref<128xi32, #tpu.memory_space<vmem>>
          %swap3A_600 = arith.index_cast %mul3A_581 : i32 to index
          %swap3A_601 = tpu.vector_load %swap3A_599[%swap3A_600] {strides = array<i32>} : memref<128xi32, #tpu.memory_space<vmem>>, vector<16xi32>,
          %swap3A_602 = vector.shape_cast %swap3A_601 : vector<16xi32> to vector<16xi32>
          %swap3A_603 = vector.shape_cast %and3A_575 : vector<16xi32> to vector<16xi32>
          tpu.vector_store %swap3A_599[%swap3A_600], %swap3A_603 {strides = array<i32>} : memref<128xi32, #tpu.memory_space<vmem>>, vector<16xi32>,
          %mul3A_604 = arith.constant 8 : i32
          %mul3A_605 = arith.muli %while3A_151, %mul3A_604 : i32
          %add3A_606 = arith.constant 5 : i32
          %add3A_607 = arith.addi %mul3A_605, %add3A_606 : i32
          %mul3A_608 = arith.constant 16 : i32
          %mul3A_609 = arith.muli %add3A_607, %mul3A_608 : i32
          %add3A_610 = arith.constant 16 : i32
          %add3A_611 = arith.addi %add3A_610, %mul3A_609 : i32
          %get3A_612 = arith.constant 0 : i32
          %get3A_613 = tpu.memref_slice %arg6[%sub3A_69, %get3A_612] : memref<2x3216xi32, #tpu.memory_space<vmem>> -> memref<1x3216xi32, #tpu.memory_space<vmem>>
          %get3A_614 = tpu.memref_squeeze %get3A_613 : memref<1x3216xi32, #tpu.memory_space<vmem>> -> memref<3216xi32, #tpu.memory_space<vmem>>
          %get3A_615 = arith.index_cast %add3A_611 : i32 to index
          %get3A_616 = tpu.vector_load %get3A_614[%get3A_615] {strides = array<i32>} : memref<3216xi32, #tpu.memory_space<vmem>>, vector<16xi32>,
          %get3A_617 = vector.shape_cast %get3A_616 : vector<16xi32> to vector<16xi32>
          %mul3A_618 = arith.constant 16 : i32
          %mul3A_619 = arith.muli %add3A_607, %mul3A_618 : i32
          %add3A_620 = arith.constant 15 : i32
          %add3A_621 = arith.addi %add3A_620, %mul3A_619 : i32
          %get3A_622 = arith.constant 0 : i32
          %get3A_623 = tpu.memref_slice %arg6[%sub3A_69, %get3A_622] : memref<2x3216xi32, #tpu.memory_space<vmem>> -> memref<1x3216xi32, #tpu.memory_space<vmem>>
          %get3A_624 = tpu.memref_squeeze %get3A_623 : memref<1x3216xi32, #tpu.memory_space<vmem>> -> memref<3216xi32, #tpu.memory_space<vmem>>
          %get3A_625 = arith.index_cast %add3A_621 : i32 to index
          %get3A_626 = tpu.vector_load %get3A_624[%get3A_625] {strides = array<i32>} : memref<3216xi32, #tpu.memory_space<vmem>>, vector<16xi32>,
          %get3A_627 = vector.shape_cast %get3A_626 : vector<16xi32> to vector<16xi32>
          %mul3A_628 = arith.constant 16 : i32
          %mul3A_629 = arith.muli %add3A_607, %mul3A_628 : i32
          %add3A_630 = vector.broadcast %mul3A_629 : i32 to vector<16xi32>
          %add3A_631 = arith.addi %add3A_630, %iota3A : vector<16xi32>
          %rem3A_632 = arith.constant 200 : i32
          %rem3A_633 = vector.broadcast %rem3A_632 : i32 to vector<16xi32>
          %rem3A_634 = arith.remsi %add3A_631, %rem3A_633 : vector<16xi32>
          %eq3A_635 = arith.constant 0 : i32
          %eq3A_636 = vector.broadcast %eq3A_635 : i32 to vector<16xi32>
          %eq3A_637 = arith.cmpi eq, %rem3A_634, %eq3A_636 : vector<16xi32>
          %jit3A_638 = arith.constant 0 : i32
          %broadcast_in_dim3A_639 = vector.broadcast %jit3A_638 : i32 to vector<16xi32>
          %select_n3A_640 = arith.select %eq3A_637, %broadcast_in_dim3A_639, %get3A_627 : vector<16xi1>, vector<16xi32>
          %mul3A_641 = arith.constant 1696 : i32
          %mul3A_642 = vector.broadcast %mul3A_641 : i32 to vector<16xi32>
          %mul3A_643 = arith.muli %select_n3A_640, %mul3A_642 : vector<16xi32>
          %add3A_644 = arith.addi %mul3A_643, %get3A_617 : vector<16xi32>
          %and3A_645 = arith.constant 32767 : i32
          %and3A_646 = vector.broadcast %and3A_645 : i32 to vector<16xi32>
          %and3A_647 = arith.andi %add3A_644, %and3A_646 : vector<16xi32>
          %div3A_648 = arith.constant 8 : i32
          %div3A_649 = arith.divsi %add3A_607, %div3A_648 : i32
          %rem3A_650 = arith.constant 8 : i32
          %rem3A_651 = arith.remsi %add3A_607, %rem3A_650 : i32
          %mul3A_652 = arith.constant 16 : i32
          %mul3A_653 = arith.muli %rem3A_651, %mul3A_652 : i32
          %swap3A_654 = arith.constant 0 : i32
          %swap3A_655 = arith.constant 0 : i32
          %swap3A_656 = tpu.memref_slice %arg7[%sub3A_69, %swap3A_654, %swap3A_655] : memref<2x25x128xi32, #tpu.memory_space<vmem>> -> memref<1x25x128xi32, #tpu.memory_space<vmem>>
          %swap3A_657 = tpu.memref_squeeze %swap3A_656 : memref<1x25x128xi32, #tpu.memory_space<vmem>> -> memref<25x128xi32, #tpu.memory_space<vmem>>
          %swap3A_658 = arith.constant 0 : i32
          %swap3A_659 = tpu.memref_slice %swap3A_657[%div3A_649, %swap3A_658] : memref<25x128xi32, #tpu.memory_space<vmem>> -> memref<1x128xi32, #tpu.memory_space<vmem>>
          %swap3A_660 = tpu.memref_squeeze %swap3A_659 : memref<1x128xi32, #tpu.memory_space<vmem>> -> memref<128xi32, #tpu.memory_space<vmem>>
          %swap3A_661 = arith.index_cast %mul3A_653 : i32 to index
          %swap3A_662 = tpu.vector_load %swap3A_660[%swap3A_661] {strides = array<i32>} : memref<128xi32, #tpu.memory_space<vmem>>, vector<16xi32>,
          %swap3A_663 = vector.shape_cast %swap3A_662 : vector<16xi32> to vector<16xi32>
          %swap3A_664 = vector.shape_cast %get3A_617 : vector<16xi32> to vector<16xi32>
          tpu.vector_store %swap3A_660[%swap3A_661], %swap3A_664 {strides = array<i32>} : memref<128xi32, #tpu.memory_space<vmem>>, vector<16xi32>,
          %swap3A_665 = arith.constant 0 : i32
          %swap3A_666 = arith.constant 0 : i32
          %swap3A_667 = tpu.memref_slice %arg8[%sub3A_69, %swap3A_665, %swap3A_666] : memref<2x25x128xi32, #tpu.memory_space<vmem>> -> memref<1x25x128xi32, #tpu.memory_space<vmem>>
          %swap3A_668 = tpu.memref_squeeze %swap3A_667 : memref<1x25x128xi32, #tpu.memory_space<vmem>> -> memref<25x128xi32, #tpu.memory_space<vmem>>
          %swap3A_669 = arith.constant 0 : i32
          %swap3A_670 = tpu.memref_slice %swap3A_668[%div3A_649, %swap3A_669] : memref<25x128xi32, #tpu.memory_space<vmem>> -> memref<1x128xi32, #tpu.memory_space<vmem>>
          %swap3A_671 = tpu.memref_squeeze %swap3A_670 : memref<1x128xi32, #tpu.memory_space<vmem>> -> memref<128xi32, #tpu.memory_space<vmem>>
          %swap3A_672 = arith.index_cast %mul3A_653 : i32 to index
          %swap3A_673 = tpu.vector_load %swap3A_671[%swap3A_672] {strides = array<i32>} : memref<128xi32, #tpu.memory_space<vmem>>, vector<16xi32>,
          %swap3A_674 = vector.shape_cast %swap3A_673 : vector<16xi32> to vector<16xi32>
          %swap3A_675 = vector.shape_cast %and3A_647 : vector<16xi32> to vector<16xi32>
          tpu.vector_store %swap3A_671[%swap3A_672], %swap3A_675 {strides = array<i32>} : memref<128xi32, #tpu.memory_space<vmem>>, vector<16xi32>,
          %mul3A_676 = arith.constant 8 : i32
          %mul3A_677 = arith.muli %while3A_151, %mul3A_676 : i32
          %add3A_678 = arith.constant 6 : i32
          %add3A_679 = arith.addi %mul3A_677, %add3A_678 : i32
          %mul3A_680 = arith.constant 16 : i32
          %mul3A_681 = arith.muli %add3A_679, %mul3A_680 : i32
          %add3A_682 = arith.constant 16 : i32
          %add3A_683 = arith.addi %add3A_682, %mul3A_681 : i32
          %get3A_684 = arith.constant 0 : i32
          %get3A_685 = tpu.memref_slice %arg6[%sub3A_69, %get3A_684] : memref<2x3216xi32, #tpu.memory_space<vmem>> -> memref<1x3216xi32, #tpu.memory_space<vmem>>
          %get3A_686 = tpu.memref_squeeze %get3A_685 : memref<1x3216xi32, #tpu.memory_space<vmem>> -> memref<3216xi32, #tpu.memory_space<vmem>>
          %get3A_687 = arith.index_cast %add3A_683 : i32 to index
          %get3A_688 = tpu.vector_load %get3A_686[%get3A_687] {strides = array<i32>} : memref<3216xi32, #tpu.memory_space<vmem>>, vector<16xi32>,
          %get3A_689 = vector.shape_cast %get3A_688 : vector<16xi32> to vector<16xi32>
          %mul3A_690 = arith.constant 16 : i32
          %mul3A_691 = arith.muli %add3A_679, %mul3A_690 : i32
          %add3A_692 = arith.constant 15 : i32
          %add3A_693 = arith.addi %add3A_692, %mul3A_691 : i32
          %get3A_694 = arith.constant 0 : i32
          %get3A_695 = tpu.memref_slice %arg6[%sub3A_69, %get3A_694] : memref<2x3216xi32, #tpu.memory_space<vmem>> -> memref<1x3216xi32, #tpu.memory_space<vmem>>
          %get3A_696 = tpu.memref_squeeze %get3A_695 : memref<1x3216xi32, #tpu.memory_space<vmem>> -> memref<3216xi32, #tpu.memory_space<vmem>>
          %get3A_697 = arith.index_cast %add3A_693 : i32 to index
          %get3A_698 = tpu.vector_load %get3A_696[%get3A_697] {strides = array<i32>} : memref<3216xi32, #tpu.memory_space<vmem>>, vector<16xi32>,
          %get3A_699 = vector.shape_cast %get3A_698 : vector<16xi32> to vector<16xi32>
          %mul3A_700 = arith.constant 16 : i32
          %mul3A_701 = arith.muli %add3A_679, %mul3A_700 : i32
          %add3A_702 = vector.broadcast %mul3A_701 : i32 to vector<16xi32>
          %add3A_703 = arith.addi %add3A_702, %iota3A : vector<16xi32>
          %rem3A_704 = arith.constant 200 : i32
          %rem3A_705 = vector.broadcast %rem3A_704 : i32 to vector<16xi32>
          %rem3A_706 = arith.remsi %add3A_703, %rem3A_705 : vector<16xi32>
          %eq3A_707 = arith.constant 0 : i32
          %eq3A_708 = vector.broadcast %eq3A_707 : i32 to vector<16xi32>
          %eq3A_709 = arith.cmpi eq, %rem3A_706, %eq3A_708 : vector<16xi32>
          %jit3A_710 = arith.constant 0 : i32
          %broadcast_in_dim3A_711 = vector.broadcast %jit3A_710 : i32 to vector<16xi32>
          %select_n3A_712 = arith.select %eq3A_709, %broadcast_in_dim3A_711, %get3A_699 : vector<16xi1>, vector<16xi32>
          %mul3A_713 = arith.constant 1696 : i32
          %mul3A_714 = vector.broadcast %mul3A_713 : i32 to vector<16xi32>
          %mul3A_715 = arith.muli %select_n3A_712, %mul3A_714 : vector<16xi32>
          %add3A_716 = arith.addi %mul3A_715, %get3A_689 : vector<16xi32>
          %and3A_717 = arith.constant 32767 : i32
          %and3A_718 = vector.broadcast %and3A_717 : i32 to vector<16xi32>
          %and3A_719 = arith.andi %add3A_716, %and3A_718 : vector<16xi32>
          %div3A_720 = arith.constant 8 : i32
          %div3A_721 = arith.divsi %add3A_679, %div3A_720 : i32
          %rem3A_722 = arith.constant 8 : i32
          %rem3A_723 = arith.remsi %add3A_679, %rem3A_722 : i32
          %mul3A_724 = arith.constant 16 : i32
          %mul3A_725 = arith.muli %rem3A_723, %mul3A_724 : i32
          %swap3A_726 = arith.constant 0 : i32
          %swap3A_727 = arith.constant 0 : i32
          %swap3A_728 = tpu.memref_slice %arg7[%sub3A_69, %swap3A_726, %swap3A_727] : memref<2x25x128xi32, #tpu.memory_space<vmem>> -> memref<1x25x128xi32, #tpu.memory_space<vmem>>
          %swap3A_729 = tpu.memref_squeeze %swap3A_728 : memref<1x25x128xi32, #tpu.memory_space<vmem>> -> memref<25x128xi32, #tpu.memory_space<vmem>>
          %swap3A_730 = arith.constant 0 : i32
          %swap3A_731 = tpu.memref_slice %swap3A_729[%div3A_721, %swap3A_730] : memref<25x128xi32, #tpu.memory_space<vmem>> -> memref<1x128xi32, #tpu.memory_space<vmem>>
          %swap3A_732 = tpu.memref_squeeze %swap3A_731 : memref<1x128xi32, #tpu.memory_space<vmem>> -> memref<128xi32, #tpu.memory_space<vmem>>
          %swap3A_733 = arith.index_cast %mul3A_725 : i32 to index
          %swap3A_734 = tpu.vector_load %swap3A_732[%swap3A_733] {strides = array<i32>} : memref<128xi32, #tpu.memory_space<vmem>>, vector<16xi32>,
          %swap3A_735 = vector.shape_cast %swap3A_734 : vector<16xi32> to vector<16xi32>
          %swap3A_736 = vector.shape_cast %get3A_689 : vector<16xi32> to vector<16xi32>
          tpu.vector_store %swap3A_732[%swap3A_733], %swap3A_736 {strides = array<i32>} : memref<128xi32, #tpu.memory_space<vmem>>, vector<16xi32>,
          %swap3A_737 = arith.constant 0 : i32
          %swap3A_738 = arith.constant 0 : i32
          %swap3A_739 = tpu.memref_slice %arg8[%sub3A_69, %swap3A_737, %swap3A_738] : memref<2x25x128xi32, #tpu.memory_space<vmem>> -> memref<1x25x128xi32, #tpu.memory_space<vmem>>
          %swap3A_740 = tpu.memref_squeeze %swap3A_739 : memref<1x25x128xi32, #tpu.memory_space<vmem>> -> memref<25x128xi32, #tpu.memory_space<vmem>>
          %swap3A_741 = arith.constant 0 : i32
          %swap3A_742 = tpu.memref_slice %swap3A_740[%div3A_721, %swap3A_741] : memref<25x128xi32, #tpu.memory_space<vmem>> -> memref<1x128xi32, #tpu.memory_space<vmem>>
          %swap3A_743 = tpu.memref_squeeze %swap3A_742 : memref<1x128xi32, #tpu.memory_space<vmem>> -> memref<128xi32, #tpu.memory_space<vmem>>
          %swap3A_744 = arith.index_cast %mul3A_725 : i32 to index
          %swap3A_745 = tpu.vector_load %swap3A_743[%swap3A_744] {strides = array<i32>} : memref<128xi32, #tpu.memory_space<vmem>>, vector<16xi32>,
          %swap3A_746 = vector.shape_cast %swap3A_745 : vector<16xi32> to vector<16xi32>
          %swap3A_747 = vector.shape_cast %and3A_719 : vector<16xi32> to vector<16xi32>
          tpu.vector_store %swap3A_743[%swap3A_744], %swap3A_747 {strides = array<i32>} : memref<128xi32, #tpu.memory_space<vmem>>, vector<16xi32>,
          %mul3A_748 = arith.constant 8 : i32
          %mul3A_749 = arith.muli %while3A_151, %mul3A_748 : i32
          %add3A_750 = arith.constant 7 : i32
          %add3A_751 = arith.addi %mul3A_749, %add3A_750 : i32
          %mul3A_752 = arith.constant 16 : i32
          %mul3A_753 = arith.muli %add3A_751, %mul3A_752 : i32
          %add3A_754 = arith.constant 16 : i32
          %add3A_755 = arith.addi %add3A_754, %mul3A_753 : i32
          %get3A_756 = arith.constant 0 : i32
          %get3A_757 = tpu.memref_slice %arg6[%sub3A_69, %get3A_756] : memref<2x3216xi32, #tpu.memory_space<vmem>> -> memref<1x3216xi32, #tpu.memory_space<vmem>>
          %get3A_758 = tpu.memref_squeeze %get3A_757 : memref<1x3216xi32, #tpu.memory_space<vmem>> -> memref<3216xi32, #tpu.memory_space<vmem>>
          %get3A_759 = arith.index_cast %add3A_755 : i32 to index
          %get3A_760 = tpu.vector_load %get3A_758[%get3A_759] {strides = array<i32>} : memref<3216xi32, #tpu.memory_space<vmem>>, vector<16xi32>,
          %get3A_761 = vector.shape_cast %get3A_760 : vector<16xi32> to vector<16xi32>
          %mul3A_762 = arith.constant 16 : i32
          %mul3A_763 = arith.muli %add3A_751, %mul3A_762 : i32
          %add3A_764 = arith.constant 15 : i32
          %add3A_765 = arith.addi %add3A_764, %mul3A_763 : i32
          %get3A_766 = arith.constant 0 : i32
          %get3A_767 = tpu.memref_slice %arg6[%sub3A_69, %get3A_766] : memref<2x3216xi32, #tpu.memory_space<vmem>> -> memref<1x3216xi32, #tpu.memory_space<vmem>>
          %get3A_768 = tpu.memref_squeeze %get3A_767 : memref<1x3216xi32, #tpu.memory_space<vmem>> -> memref<3216xi32, #tpu.memory_space<vmem>>
          %get3A_769 = arith.index_cast %add3A_765 : i32 to index
          %get3A_770 = tpu.vector_load %get3A_768[%get3A_769] {strides = array<i32>} : memref<3216xi32, #tpu.memory_space<vmem>>, vector<16xi32>,
          %get3A_771 = vector.shape_cast %get3A_770 : vector<16xi32> to vector<16xi32>
          %mul3A_772 = arith.constant 16 : i32
          %mul3A_773 = arith.muli %add3A_751, %mul3A_772 : i32
          %add3A_774 = vector.broadcast %mul3A_773 : i32 to vector<16xi32>
          %add3A_775 = arith.addi %add3A_774, %iota3A : vector<16xi32>
          %rem3A_776 = arith.constant 200 : i32
          %rem3A_777 = vector.broadcast %rem3A_776 : i32 to vector<16xi32>
          %rem3A_778 = arith.remsi %add3A_775, %rem3A_777 : vector<16xi32>
          %eq3A_779 = arith.constant 0 : i32
          %eq3A_780 = vector.broadcast %eq3A_779 : i32 to vector<16xi32>
          %eq3A_781 = arith.cmpi eq, %rem3A_778, %eq3A_780 : vector<16xi32>
          %jit3A_782 = arith.constant 0 : i32
          %broadcast_in_dim3A_783 = vector.broadcast %jit3A_782 : i32 to vector<16xi32>
          %select_n3A_784 = arith.select %eq3A_781, %broadcast_in_dim3A_783, %get3A_771 : vector<16xi1>, vector<16xi32>
          %mul3A_785 = arith.constant 1696 : i32
          %mul3A_786 = vector.broadcast %mul3A_785 : i32 to vector<16xi32>
          %mul3A_787 = arith.muli %select_n3A_784, %mul3A_786 : vector<16xi32>
          %add3A_788 = arith.addi %mul3A_787, %get3A_761 : vector<16xi32>
          %and3A_789 = arith.constant 32767 : i32
          %and3A_790 = vector.broadcast %and3A_789 : i32 to vector<16xi32>
          %and3A_791 = arith.andi %add3A_788, %and3A_790 : vector<16xi32>
          %div3A_792 = arith.constant 8 : i32
          %div3A_793 = arith.divsi %add3A_751, %div3A_792 : i32
          %rem3A_794 = arith.constant 8 : i32
          %rem3A_795 = arith.remsi %add3A_751, %rem3A_794 : i32
          %mul3A_796 = arith.constant 16 : i32
          %mul3A_797 = arith.muli %rem3A_795, %mul3A_796 : i32
          %swap3A_798 = arith.constant 0 : i32
          %swap3A_799 = arith.constant 0 : i32
          %swap3A_800 = tpu.memref_slice %arg7[%sub3A_69, %swap3A_798, %swap3A_799] : memref<2x25x128xi32, #tpu.memory_space<vmem>> -> memref<1x25x128xi32, #tpu.memory_space<vmem>>
          %swap3A_801 = tpu.memref_squeeze %swap3A_800 : memref<1x25x128xi32, #tpu.memory_space<vmem>> -> memref<25x128xi32, #tpu.memory_space<vmem>>
          %swap3A_802 = arith.constant 0 : i32
          %swap3A_803 = tpu.memref_slice %swap3A_801[%div3A_793, %swap3A_802] : memref<25x128xi32, #tpu.memory_space<vmem>> -> memref<1x128xi32, #tpu.memory_space<vmem>>
          %swap3A_804 = tpu.memref_squeeze %swap3A_803 : memref<1x128xi32, #tpu.memory_space<vmem>> -> memref<128xi32, #tpu.memory_space<vmem>>
          %swap3A_805 = arith.index_cast %mul3A_797 : i32 to index
          %swap3A_806 = tpu.vector_load %swap3A_804[%swap3A_805] {strides = array<i32>} : memref<128xi32, #tpu.memory_space<vmem>>, vector<16xi32>,
          %swap3A_807 = vector.shape_cast %swap3A_806 : vector<16xi32> to vector<16xi32>
          %swap3A_808 = vector.shape_cast %get3A_761 : vector<16xi32> to vector<16xi32>
          tpu.vector_store %swap3A_804[%swap3A_805], %swap3A_808 {strides = array<i32>} : memref<128xi32, #tpu.memory_space<vmem>>, vector<16xi32>,
          %swap3A_809 = arith.constant 0 : i32
          %swap3A_810 = arith.constant 0 : i32
          %swap3A_811 = tpu.memref_slice %arg8[%sub3A_69, %swap3A_809, %swap3A_810] : memref<2x25x128xi32, #tpu.memory_space<vmem>> -> memref<1x25x128xi32, #tpu.memory_space<vmem>>
          %swap3A_812 = tpu.memref_squeeze %swap3A_811 : memref<1x25x128xi32, #tpu.memory_space<vmem>> -> memref<25x128xi32, #tpu.memory_space<vmem>>
          %swap3A_813 = arith.constant 0 : i32
          %swap3A_814 = tpu.memref_slice %swap3A_812[%div3A_793, %swap3A_813] : memref<25x128xi32, #tpu.memory_space<vmem>> -> memref<1x128xi32, #tpu.memory_space<vmem>>
          %swap3A_815 = tpu.memref_squeeze %swap3A_814 : memref<1x128xi32, #tpu.memory_space<vmem>> -> memref<128xi32, #tpu.memory_space<vmem>>
          %swap3A_816 = arith.index_cast %mul3A_797 : i32 to index
          %swap3A_817 = tpu.vector_load %swap3A_815[%swap3A_816] {strides = array<i32>} : memref<128xi32, #tpu.memory_space<vmem>>, vector<16xi32>,
          %swap3A_818 = vector.shape_cast %swap3A_817 : vector<16xi32> to vector<16xi32>
          %swap3A_819 = vector.shape_cast %and3A_791 : vector<16xi32> to vector<16xi32>
          tpu.vector_store %swap3A_815[%swap3A_816], %swap3A_819 {strides = array<i32>} : memref<128xi32, #tpu.memory_space<vmem>>, vector<16xi32>,
        } else {
        }
        %while3A_246 = arith.constant 0 : i32
        scf.yield %while3A_246 : i32
      }
      %rem3A_103 = arith.constant 24 : i32
      %rem3A_104 = arith.constant 4 : i32
      %rem3A_105 = arith.remsi %rem3A_103, %rem3A_104 : i32
      %mul3A_106 = arith.constant 24 : i32
      %mul3A_107 = arith.constant 128 : i32
      %mul3A_108 = arith.muli %mul3A_106, %mul3A_107 : i32
      %add3A_109 = arith.addi %add3A_72, %mul3A_108 : i32
      %dma_wait3A_110 = arith.constant 0 : i32
      %dma_wait3A_111 = arith.constant 0 : i32
      %dma_wait3A_112 = tpu.memref_slice %arg9[%rem3A_105, %dma_wait3A_110, %dma_wait3A_111] : memref<4x128x64xf32, #tpu.memory_space<vmem>> -> memref<1x128x64xf32, #tpu.memory_space<vmem>>
      %dma_wait3A_113 = tpu.memref_squeeze %dma_wait3A_112 : memref<1x128x64xf32, #tpu.memory_space<vmem>> -> memref<128x64xf32, #tpu.memory_space<vmem>>
      %dma_wait3A_114 = arith.constant 0 : i32
      %dma_wait3A_115 = tpu.memref_slice %arg5[%add3A_109, %dma_wait3A_114] : memref<819200x128xf32, #tpu.memory_space<hbm>> -> memref<128x128xf32, #tpu.memory_space<hbm>>
      %dma_wait3A_116 = arith.constant 0 : i32
      %dma_wait3A_117 = arith.constant 0 : i32
      %dma_wait3A_118 = tpu.memref_slice %dma_wait3A_115[%dma_wait3A_116, %dma_wait3A_117] : memref<128x128xf32, #tpu.memory_space<hbm>> -> memref<128x64xf32, #tpu.memory_space<hbm>>
      %dma_wait3A_119 = tpu.memref_slice %arg12[%rem3A_105] : memref<4x!tpu.dma_semaphore, #tpu.memory_space<semaphore_mem>> -> memref<1x!tpu.dma_semaphore, #tpu.memory_space<semaphore_mem>>
      %dma_wait3A_120 = tpu.memref_squeeze %dma_wait3A_119 : memref<1x!tpu.dma_semaphore, #tpu.memory_space<semaphore_mem>> -> memref<!tpu.dma_semaphore, #tpu.memory_space<semaphore_mem>>
      %dma_wait3A_121 = arith.constant 0 : i32
      %dma_wait3A_122 = tpu.memref_slice %arg5[%add3A_109, %dma_wait3A_121] : memref<819200x128xf32, #tpu.memory_space<hbm>> -> memref<128x128xf32, #tpu.memory_space<hbm>>
      %dma_wait3A_123 = arith.constant 0 : i32
      %dma_wait3A_124 = arith.constant 0 : i32
      %dma_wait3A_125 = tpu.memref_slice %dma_wait3A_122[%dma_wait3A_123, %dma_wait3A_124] : memref<128x128xf32, #tpu.memory_space<hbm>> -> memref<128x64xf32, #tpu.memory_space<hbm>>
      %dma_wait3A_126 = arith.constant 0 : i32
      %dma_wait3A_127 = arith.constant 0 : i32
      %dma_wait3A_128 = tpu.memref_slice %arg9[%rem3A_105, %dma_wait3A_126, %dma_wait3A_127] : memref<4x128x64xf32, #tpu.memory_space<vmem>> -> memref<1x128x64xf32, #tpu.memory_space<vmem>>
      %dma_wait3A_129 = tpu.memref_squeeze %dma_wait3A_128 : memref<1x128x64xf32, #tpu.memory_space<vmem>> -> memref<128x64xf32, #tpu.memory_space<vmem>>
      tpu.wait_dma2 semaphore(%dma_wait3A_120 : memref<!tpu.dma_semaphore, #tpu.memory_space<semaphore_mem>>) src(%dma_wait3A_129 : memref<128x64xf32, #tpu.memory_space<vmem>>) dst(%dma_wait3A_125 : memref<128x64xf32, #tpu.memory_space<hbm>>)
      %dma_wait3A_130 = arith.constant 0 : i32
      %dma_wait3A_131 = arith.constant 0 : i32
      %dma_wait3A_132 = tpu.memref_slice %arg10[%rem3A_105, %dma_wait3A_130, %dma_wait3A_131] : memref<4x128x64xf32, #tpu.memory_space<vmem>> -> memref<1x128x64xf32, #tpu.memory_space<vmem>>
      %dma_wait3A_133 = tpu.memref_squeeze %dma_wait3A_132 : memref<1x128x64xf32, #tpu.memory_space<vmem>> -> memref<128x64xf32, #tpu.memory_space<vmem>>
      %dma_wait3A_134 = arith.constant 0 : i32
      %dma_wait3A_135 = tpu.memref_slice %arg5[%add3A_109, %dma_wait3A_134] : memref<819200x128xf32, #tpu.memory_space<hbm>> -> memref<128x128xf32, #tpu.memory_space<hbm>>
      %dma_wait3A_136 = arith.constant 0 : i32
      %dma_wait3A_137 = arith.constant 64 : i32
      %dma_wait3A_138 = tpu.memref_slice %dma_wait3A_135[%dma_wait3A_136, %dma_wait3A_137] : memref<128x128xf32, #tpu.memory_space<hbm>> -> memref<128x64xf32, #tpu.memory_space<hbm>>
      %dma_wait3A_139 = tpu.memref_slice %arg12[%rem3A_105] : memref<4x!tpu.dma_semaphore, #tpu.memory_space<semaphore_mem>> -> memref<1x!tpu.dma_semaphore, #tpu.memory_space<semaphore_mem>>
      %dma_wait3A_140 = tpu.memref_squeeze %dma_wait3A_139 : memref<1x!tpu.dma_semaphore, #tpu.memory_space<semaphore_mem>> -> memref<!tpu.dma_semaphore, #tpu.memory_space<semaphore_mem>>
      %dma_wait3A_141 = arith.constant 0 : i32
      %dma_wait3A_142 = tpu.memref_slice %arg5[%add3A_109, %dma_wait3A_141] : memref<819200x128xf32, #tpu.memory_space<hbm>> -> memref<128x128xf32, #tpu.memory_space<hbm>>
      %dma_wait3A_143 = arith.constant 0 : i32
      %dma_wait3A_144 = arith.constant 64 : i32
      %dma_wait3A_145 = tpu.memref_slice %dma_wait3A_142[%dma_wait3A_143, %dma_wait3A_144] : memref<128x128xf32, #tpu.memory_space<hbm>> -> memref<128x64xf32, #tpu.memory_space<hbm>>
      %dma_wait3A_146 = arith.constant 0 : i32
      %dma_wait3A_147 = arith.constant 0 : i32
      %dma_wait3A_148 = tpu.memref_slice %arg10[%rem3A_105, %dma_wait3A_146, %dma_wait3A_147] : memref<4x128x64xf32, #tpu.memory_space<vmem>> -> memref<1x128x64xf32, #tpu.memory_space<vmem>>
      %dma_wait3A_149 = tpu.memref_squeeze %dma_wait3A_148 : memref<1x128x64xf32, #tpu.memory_space<vmem>> -> memref<128x64xf32, #tpu.memory_space<vmem>>
      tpu.wait_dma2 semaphore(%dma_wait3A_140 : memref<!tpu.dma_semaphore, #tpu.memory_space<semaphore_mem>>) src(%dma_wait3A_149 : memref<128x64xf32, #tpu.memory_space<vmem>>) dst(%dma_wait3A_145 : memref<128x64xf32, #tpu.memory_space<hbm>>)
      %while3A_150 = arith.constant 0 : i32
      scf.yield %while3A_150 : i32
    }
    return
  }
}

</mosaic_0001>

<sc_bundles>
// kernel: _sc_call.3.cloned.1.call-start
scs
__scs_entry_jumppad:
0x0: {  	(pc) =	sbr.rel $0x88, $3  }
0x1: {  	(tag) =	ssettag $0x0;
	lr =	simm.s32 $0x1  }
0x2: {  	[smem:$0x3F9E] =	sst lr;
	_ =	strace $0xD0000000  }
0x3: {  	_ = 	snop  }
0x4: {  	_ = 	snop  }
0x5: {  	_ = 	snop  }
0x6: {  	_ = 	snop  }
0x7: {  	_ = 	snop  }
__scs_overlays_trampoline_lowered:
0x8: {  	[smem:$0x3FAD] =	sst s0  }
0x9: {  	[smem:$0x3FAE] =	sst s1  }
0xa: {  	[smem:$0x3FAF] =	sst s2  }
0xb: {  	[smem:$0x3FB0] =	sst s3  }
0xc: {  	[smem:$0x3FB1] =	sst s4  }
0xd: {  	[smem:$0x3FB2] =	sst s5  }
0xe: {  	[smem:$0x3FB3] =	sst s6  }
0xf: {  	[smem:$0x3FB4] =	sst s7  }
0x10: {  	[smem:$0x3FB5] =	sst s8  }
0x11: {  	[smem:$0x3FB6] =	sst s9;
	s0 =	simm.s32 @!p0 $0x0  }
0x12: {  	s1 =	sld [smem:$0x3F9C];
	s0 =	simm.s32 @p0 $0x1  }
0x13: {  	[smem:$0x3FB7] =	sst s0;
	s0 =	simm.s32 @!p1 $0x0  }
0x14: {  	s2 =	sld [smem:$0x3F9B];
	s0 =	simm.s32 @p1 $0x1  }
0x15: {  	[smem:$0x3FB8] =	sst s0;
	s0 =	simm.s32 @!p2 $0x0  }
0x16: {  	s3 =	sld [smem:$0x3FDB];
	s0 =	simm.s32 @p2 $0x1  }
0x17: {  	s4 =	simm.s32 $0x1BF5;
	[smem:$0x3FBA] =	sst s0  }
0x18: {  	s0 =	sld [smem:$0x3F9D];
	_ =	swait.ge [sflag:s4], $0x0  }
0x19: {  	s7 =	sld [smem:$0x3F9E]  }
0x1a: {  	s8 =	sadd.s32 $0xFFFFE003, lr  }
0x1b: {  	s9 =	sadd.s32 $0xFFFFFEF7, lr;
	s5 =	simm.s32 $0xFFFFFFFF;
	p2 =	slt.u32 s8, $0xFFFFF086  }
0x1c: {  	p1 =	slt.u32 s9, $0xF7A;
	s5 =	simm.s32 @!p2 $0x0  }
0x1d: {  	s5 =	simm.s32 @p1 $0x1;
	p0 =	seq.s32 s7, s2  }
0x1e: {  	s7 =	smul.u32 @!p0 $0xF7A, s2;
	p2 =	seq.s32 @!p0 s5, $0x0  }
0x1f: {  	s9 =	smul.u32 $0xF7A, s1;
	s8 =	simm.s32 @!p0 $0x1BF5;
	p2 =	por !p2, p0  }
0x20: {  	[sflag:s8] =	ssyncset.s32 @!p0 $0xFFFFF086;
	s6 =	sadd.s32 @!p0 s3, s7;
	s7 =	simm.s32 @!p0 $0x108  }
0x21: {  	s3 =	sadd.s32 s3, s9;
	s6 =	sadd.s32 @!p0 $0x88, s6;
	s7 =	simm.s32 @p2 $0x1082  }
0x22: {  	[simem:s7], [sflag:s8] =	dma.local @!p0 [hbm:s6], $0xF7A  }
0x23: {  	s9 =	sor.u32 $0xD0000000, s2;
	s6 =	simm.s32 $0x108;
	_ =	swait.ge @!p0 [sflag:s8], $0x0  }
0x24: {  	s3 =	sadd.s32 $0x88, s3;
	s6 =	simm.s32 @!p1 $0x1082;
	[sflag:s4] =	ssyncset.s32 $0xFFFFF086  }
0x25: {  	[simem:s6], [sflag:s4] =	dma.local [hbm:s3], $0xF7A  }
0x26: {  	[smem:$0x3F9E] =	sst s1;
	(tag) =	ssettag s2;
	_ =	strace s9  }
0x27: {  	s1 =	sld [smem:$0x3FAE]  }
0x28: {  	s2 =	sld [smem:$0x3FAF]  }
0x29: {  	s4 =	sld [smem:$0x3FB1]  }
0x2a: {  	p0 =	seq.s32 s5, $0x0;
	s5 =	sld [smem:$0x3FB2]  }
0x2b: {  	s6 =	sld [smem:$0x3FB3]  }
0x2c: {  	s7 =	sld [smem:$0x3FB4]  }
0x2d: {  	s3 =	simm.s32 $0x108;
	s8 =	sld [smem:$0x3FB5]  }
0x2e: {  	s3 =	simm.s32 @!p0 $0x1082;
	s9 =	sld [smem:$0x3FB6]  }
0x2f: {  	lr =	sadd.s32 s0, s3;
	s0 =	sld [smem:$0x3FAD]  }
0x30: {  	s3 =	sld [smem:$0x3FB0]  }
0x31: {  	[smem:$0x3FB9] =	sst s10  }
0x32: {  	s10 =	sld [smem:$0x3FB7];
	_ =	sdelay $0x3  }
0x33: {  	p0 =	seq.s32 s10, $0x1;
	s10 =	sld [smem:$0x3FB9];
	_ =	sdelay $0x3  }
0x34: {  	[smem:$0x3FB9] =	sst s10  }
0x35: {  	s10 =	sld [smem:$0x3FB8];
	_ =	sdelay $0x3  }
0x36: {  	p1 =	seq.s32 s10, $0x1;
	s10 =	sld [smem:$0x3FB9];
	_ =	sdelay $0x3  }
0x37: {  	[smem:$0x3FB9] =	sst s10  }
0x38: {  	s10 =	sld [smem:$0x3FBA]  }
0x39: {  	_ = 	snop;
	(pc) =	sbr.ind lr, $3  }
0x3a: {  	_ = 	snop  }
0x3b: {  	_ = 	snop  }
0x3c: {  	p2 =	seq.s32 s10, $0x1;
	s10 =	sld [smem:$0x3FB9]  }
0x3d: {  	_ =	shalt  }
0x3e: {  	_ =	shalt  }
0x3f: {  	_ =	shalt  }
0x40: {  	_ =	shalt  }
0x41: {  	_ =	shalt  }
0x42: {  	_ =	shalt  }
0x43: {  	_ =	shalt  }
0x44: {  	_ =	shalt  }
0x45: {  	_ =	shalt  }
0x46: {  	_ =	shalt  }
0x47: {  	_ =	shalt  }
0x48: {  	_ =	shalt  }
0x49: {  	_ =	shalt  }
0x4a: {  	_ =	shalt  }
0x4b: {  	_ =	shalt  }
0x4c: {  	_ =	shalt  }
0x4d: {  	_ =	shalt  }
0x4e: {  	_ =	shalt  }
0x4f: {  	_ =	shalt  }
0x50: {  	_ =	shalt  }
0x51: {  	_ =	shalt  }
0x52: {  	_ =	shalt  }
0x53: {  	_ =	shalt  }
0x54: {  	_ =	shalt  }
0x55: {  	_ =	shalt  }
0x56: {  	_ =	shalt  }
0x57: {  	_ =	shalt  }
0x58: {  	_ =	shalt  }
0x59: {  	_ =	shalt  }
0x5a: {  	_ =	shalt  }
0x5b: {  	_ =	shalt  }
0x5c: {  	_ =	shalt  }
0x5d: {  	_ =	shalt  }
0x5e: {  	_ =	shalt  }
0x5f: {  	_ =	shalt  }
0x60: {  	_ =	shalt  }
0x61: {  	_ =	shalt  }
0x62: {  	_ =	shalt  }
0x63: {  	_ =	shalt  }
0x64: {  	_ =	shalt  }
0x65: {  	_ =	shalt  }
0x66: {  	_ =	shalt  }
0x67: {  	_ =	shalt  }
0x68: {  	_ =	shalt  }
0x69: {  	_ =	shalt  }
0x6a: {  	_ =	shalt  }
0x6b: {  	_ =	shalt  }
0x6c: {  	_ =	shalt  }
0x6d: {  	_ =	shalt  }
0x6e: {  	_ =	shalt  }
0x6f: {  	_ =	shalt  }
0x70: {  	_ =	shalt  }
0x71: {  	_ =	shalt  }
0x72: {  	_ =	shalt  }
0x73: {  	_ =	shalt  }
0x74: {  	_ =	shalt  }
0x75: {  	_ =	shalt  }
0x76: {  	_ =	shalt  }
0x77: {  	_ =	shalt  }
0x78: {  	_ =	shalt  }
0x79: {  	_ =	shalt  }
0x7a: {  	_ =	shalt  }
0x7b: {  	_ =	shalt  }
0x7c: {  	_ =	shalt  }
0x7d: {  	_ =	shalt  }
0x7e: {  	_ =	shalt  }
0x7f: {  	_ =	shalt  }
0x80: {  	_ =	shalt  }
0x81: {  	_ =	shalt  }
0x82: {  	_ =	shalt  }
0x83: {  	_ =	shalt  }
0x84: {  	_ =	shalt  }
0x85: {  	_ =	shalt  }
0x86: {  	_ =	shalt  }
0x87: {  	_ =	shalt  }
.Lfunc_end0:
.L_simem_size_0:
called_computation_lowered:
.L_overlay_start_0:
0x88: {  	s2 =	sld [smem:$0x3FD9]  }
0x89: {  	s3 =	sld [smem:$0x3FFE];
	_ =	sdelay $0x1  }
0x8a: {  	s1 =	srdreg.scid  }
0x8b: {  	s0 =	sand.u32 $0x1, s1  }
0x8c: {  	s17 =	sshll.u32 s0, $0xA;
	s2 =	sadd.s32 s3, s2  }
0x8d: {  	s2 =	sadd.s32 s2, s17  }
0x8e: {  	[smem:$0x3FC5] =	sst s2  }
0x8f: {  	_ = 	snop  }
0x90: {  	s2 =	sld [smem:$0x3FC9]  }
0x91: {  	s18 =	sld [smem:$0x3FD0];
	(tm) =	ssettm $0x1  }
0x92: {  	s4 =	sld [smem:$0x3FFB];
	_ =	sdelay $0x3  }
0x93: {  	_ =	strace s4  }
0x94: {  	s4 =	sld [smem:$0x3FFC];
	_ =	sdelay $0x3  }
0x95: {  	_ =	strace s4  }
0x96: {  	s4 =	sld [smem:$0x3FFD];
	_ =	sdelay $0x3  }
0x97: {  	_ =	strace s4  }
0x98: {  	_ =	strace $0x8FFFFFFF  }
0x99: {  	s19 =	sld [smem:$0x3FDB];
	_ =	sdelay $0x1  }
0x9a: {  	s5 =	simm.s32 $_scs_section_size  }
0x9b: {  	s6 =	simm.s32 $_size__tile_overlayer_lowered;
	s7 =	simm.s32 $_tile_overlayer_lowered  }
0x9c: {  	s22 =	simm.s32 $0x1BFF;
	s21 =	sshll.u32 s7, $0x1;
	s4 =	sadd.s32 s5, s19  }
0x9d: {  	s8 =	simm.s32 $0x0;
	s20 =	sshll.u32 s6, $0x1;
	s6 =	sadd.s32 s21, s4  }
0x9e: {  	[timem:s8], [sflag:s22] =	dma.local [hbm:s6], s20  }
0x9f: {  	_ =	swait.ge [sflag:s22], s20  }
0xa0: {  	s5 =	ssub.s32 $0x0, s20;
	[sflag:s22] =	ssyncset.done $0x0  }
0xa1: {  	[sflag:s22] =	ssyncadd.s32 s5;
	_ =	sdelay $0x1  }
0xa2: {  	s23 =	simm.s32 $0x1B8B  }
0xa3: {  	_ =	swait.ge [sflag:s23], $0x1  }
0xa4: {  	[sflag:s23] =	ssyncset.done $0x0  }
0xa5: {  	s25 =	simm.s32 $0x1B8E;
	s24 =	sld [smem:$0x3FFE];
	[sflag:s23] =	ssyncadd.s32 $0xFFFFFFFF  }
0xa6: {  	s26 =	simm.s32 $execute0_lowered;
	[smem:$0x3FD2] =	sst s25  }
0xa7: {  	s6 =	sshll.u32 s26, $0x1;
	_ =	strace $0x80000046;
	[dreg:$0x1] =	wrdreg $0xFFFFFFFF  }
0xa8: {  	s28 =	simm.s32 $_size_execute0_lowered;
	s4 =	sadd.s32 s4, s6;
	[dreg:$0x0] =	wrdreg $0x0  }
0xa9: {  	s6 =	sshll.u32 s28, $0x1;
	[dreg:$0x2] =	wrdreg s4  }
0xaa: {  	[dreg:$0x3] =	wrdreg s6  }
0xab: {  	[dreg:$0x4] =	wrdreg $0xC0  }
0xac: {  	_ =	task [dreg:s8], $0x5FFFF  }
0xad: {  	[dreg:$0x1] =	wrdreg $0xFFFFFFFF  }
0xae: {  	[dreg:$0x0] =	wrdreg $0x60  }
0xaf: {  	[dreg:$0x2] =	wrdreg s2  }
0xb0: {  	[dreg:$0x3] =	wrdreg s24  }
0xb1: {  	[dreg:$0x4] =	wrdreg s18  }
0xb2: {  	[dreg:$0x5] =	wrdreg $0x9  }
0xb3: {  	_ =	task.clear_ibuf [dreg:s8], $0x6FFFF;
	_ =	strace $0x90000046  }
0xb4: {  	s29 =	simm.s32 $0x9;
	_ =	strace $0x80000048  }
0xb5: {  	_ =	swait.ge [sflag:s29], $0x1  }
0xb6: {  	[sflag:s29] =	ssyncadd.s32 $0xFFFFFFFF  }
0xb7: {  	_ =	strace $0x90000048  }
0xb8: {  	_ =	sfence  }
0xb9: {  	s30 =	sld [smem:$0x0];
	_ =	sdelay $0x2  }
0xba: {  	s31 =	sshll.u32 s1, $0xD;
	s1 =	sshrl.u32 s1, $0x2  }
0xbb: {  	s3 =	sand.u32 $0x4000, s31;
	s1 =	sadd.s32 s1, s30  }
0xbc: {  	s0 =	sor.u32 s3, s0;
	s1 =	sshll.u32 s1, $0x11  }
0xbd: {  	s0 =	sor.u32 s1, s0  }
0xbe: {  	s0 =	sadd.s32 $0x8F2B, s0  }
0xbf: {  	[sflag:s0] =	ssyncadd.remote.s32 $0x1  }
0xc0: {  	_ =	sfence.sel $0xFFFF  }
0xc1: {  	[dreg:$0x0] =	wrdreg $0xFFFFFFFF;
	(pc) =	sbr.abs _section_cstart, $3  }
0xc2: {  	[dreg:$0x1] =	wrdreg $0xFFFFFFFF  }
0xc3: {  	_ =	task.clear_ibuf [dreg:s8], $0x2FFFF;
	_ =	strace $0x9FFFFFFF  }
0xc4: {  	(tm) =	ssettm $0x7FFFFFFF  }
0xc5: {  	_ =	shalt  }
tec
execute0_lowered:
.L_overlay_start_1:
0x0: {  	(tag) =	ssettag $0x1  }
0x1: {  	s1 =	rddreg [dreg:$0x0]  }
0x2: {  	s0 =	rddreg [dreg:$0x1]  }
0x3: {  	s2 =	rddreg [dreg:$0x2];
	s5 =	simm.s32 $0x0;
	s4 =	srdreg.scid  }
0x4: {  	s3 =	stileid.u32;
	s11 =	simm.s32 $0x80;
	s12 =	simm.s32 $0x4B20  }
0x5: {  	s13 =	simm.s32 $0xCB20;
	s14 =	simm.s32 $0x6B20;
	s15 =	simm.s32 $0xEB20  }
0x6: {  	s16 =	simm.s32 $0x8B20;
	s17 =	simm.s32 $0x10B20;
	s18 =	simm.s32 $0x40  }
0x7: {  	s19 =	simm.s32 $0x5;
	s7 =	sand.u32 $0x1, s4;
	s25 =	sshll.u32 s3, $0x1  }
0x8: {  	s20 =	simm.s32 $0x0;
	[smem:$0x7FF] =	sst s5;
	s26 =	sor.u32 s7, s25  }
0x9: {  	s4 =	sadd.s32 $0x40400, s0;
	s8 =	ssub.s32 $0x2, s7;
	s5 =	smul.u32 $0x6400, s26  }
.Ltmp0:
0xa: {  	s6 =	sadd.s32 $0x400, s0;
	s28 =	sshrl.u32 s8, $0x1;
	(pc) =	sbr.rel .LBB2_1-.Ltmp0, $4  }
0xb: {  	s9 =	smul.u32 $0xC8000, s3;
	_ =	strace $0x80000047;
	s0 =	ssub.s32 s8, s28  }
0xc: {  	s10 =	smul.u32 $0x64000, s7;
	s29 =	sshrl.u32 s5, $0x3;
	s0 =	smax.u32 s0, $0x1  }
0xd: {  	s31 =	sadd.s32 s9, s2;
	s30 =	sadd.s32 s1, s29;
	[dreg:$0x5] =	wrdreg s0  }
0xe: {  	v0 =	vlaneseq.u32;
	s9 =	sadd.s32 s10, s31;
	s10 =	simm.s32 $0x9;
	[dreg:$0x4] =	wrdreg s30  }
.LBB2_11:
0xf: {  	s20 =	sadd.s32 $0x1, s20;
	s0 =	rddreg [dreg:$0x5]  }
0x10: {  	p0 =	sne.s32 s20, s0  }
.Ltmp1:
0x11: {  	_ = 	snop;
	(pc) =	sbr.rel @!p0 .LBB2_12-.Ltmp1, $1  }
0x12: {  	_ =	sdelay $0x3  }
.LBB2_1:
0x13: {  	s21 =	simm.s32 $0x10;
	s0 =	simm.s32 $0x0;
	s2 =	rddreg [dreg:$0x4]  }
0x14: {  	[tilespmem:s21], [sflag:$0x9] =	stream.linear.gather [hbm4b:s2+s0], $0xC80, $0x38;
	[tilespmem:$0x14B20] =	vst v63  }
0x15: {  	_ =	swait.ge [sflag:s10], $0xC80  }
0x16: {  	[sflag:s10] =	ssyncset.done $0x0  }
0x17: {  	[sflag:s10] =	ssyncadd.s32 $0xFFFFF380  }
0x18: {  	s22 =	simm.s32 $0x0;
	s0 =	simm.s32 $0x10;
	v1 =	vld [tilespmem:s21+$0xFFFFFFFF]  }
.LBB2_2:
0x19: {  	p0 =	sne.s32 s0, $0xC70;
	v2 =	vor.u32 s22, v0  }
0x1a: {  	v2 =	vmul.u32 $0xC28F5C29, v2  }
0x1b: {  	v3 =	vld [tilespmem:s21+$0x0]  }
0x1c: {  	v4 =	vshll.u32 v2, $0x1D;
	v2 =	vshrl.u32 v2, $0x3  }
0x1d: {  	v2 =	vor.u32 v4, v2;
	v1 =	vmul.u32 $0x6A0, v1  }
0x1e: {  	vm0 =	vle.u32 v2, $0x147AE14  }
.Ltmp2:
0x1f: {  	s2 =	sand.u32 $0xFF0, s22;
	s22 =	smov.u32 s0;
	v1 =	vsel vm0, $0x0, v1;
	(pc) =	sbr.rel @p0 .LBB2_2-.Ltmp2, $4  }
0x20: {  	v1 =	vadd.s32 v3, v1;
	[tilespmem:s2+$0x1920] =	vst v3  }
0x21: {  	v1 =	vand.u32 $0x7FFF, v1  }
0x22: {  	s21 =	sadd.s32 $0x10, s21;
	[tilespmem:s2+$0x3220] =	vst v1  }
0x23: {  	s0 =	sadd.s32 $0x10, s0;
	v1 =	vld [tilespmem:s21+$0xFFFFFFFF]  }
0x24: {  	v2 =	vor.u32 s22, v0  }
0x25: {  	v2 =	vmul.u32 $0xC28F5C29, v2  }
0x26: {  	v3 =	vld [tilespmem:s21+$0x0]  }
0x27: {  	v4 =	vshll.u32 v2, $0x1D;
	v2 =	vshrl.u32 v2, $0x3  }
0x28: {  	v2 =	vor.u32 v4, v2;
	v1 =	vmul.u32 $0x6A0, v1  }
.Ltmp3:
0x29: {  	vm0 =	vle.u32 v2, $0x147AE14;
	(pc) =	sbr.rel .LBB2_4-.Ltmp3, $4  }
0x2a: {  	v1 =	vsel vm0, $0x0, v1  }
0x2b: {  	s0 =	sand.u32 $0xFF0, s22;
	v1 =	vadd.s32 v3, v1  }
0x2c: {  	s22 =	simm.s32 $0x0;
	[tilespmem:s0+$0x1920] =	vst v3;
	v1 =	vand.u32 $0x7FFF, v1  }
0x2d: {  	p0 =	por $0x0, $0x0;
	p1 =	por $0x1, $0x1;
	s21 =	smov.u32 s9;
	[tilespmem:s0+$0x3220] =	vst v1  }
.LBB2_10:
0x2e: {  	_ =	swait.ge [sflag:s19], $0x2000;
	p2 =	sne.s32 s22, $0x8  }
.Ltmp4:
0x2f: {  	[sflag:s19] =	ssyncset.done $0x0;
	(pc) =	sbr.rel @!p2 .LBB2_11-.Ltmp4, $4  }
0x30: {  	[sflag:s19] =	ssyncadd.s32 $0xFFFFE000  }
0x31: {  	_ =	swait.ge [sflag:s19], $0x2000  }
0x32: {  	p0 =	por !p0, !p0;
	[sflag:s19] =	ssyncset.done $0x0  }
0x33: {  	s21 =	sadd.s32 $0xC800, s21;
	p1 =	por !p1, !p1;
	[sflag:s19] =	ssyncadd.s32 $0xFFFFE000  }
.LBB2_4:
0x34: {  	s0 =	smov.u32 s22  }
0x35: {  	s2 =	sand.u32 $0x1, s22;
	s22 =	sadd.s32 $0x1, s22;
	p2 =	seq.s32 s0, $0x7  }
0x36: {  	s25 =	sxor.u32 $0x1, s2;
	s23 =	smul.u32 @!p2 $0xC80, s22  }
0x37: {  	s24 =	simm.s32 $0x1;
	s0 =	smul.u32 $0x3240, s25  }
0x38: {  	s24 =	simm.s32 @!p0 $0x0;
	s2 =	smul.u32 $0xC80, s2;
	s23 =	sadd.s32 @!p2 s5, s23  }
0x39: {  	s26 =	sadd.s32 @!p2 $0x9, s25;
	s0 =	sshrl.u32 @!p2 s0, $0x2;
	s23 =	sshrl.u32 @!p2 s23, $0x3  }
0x3a: {  	s28 =	simm.s32 @!p2 $0x0;
	s0 =	sadd.s32 @!p2 $0x10, s0;
	s23 =	sadd.s32 @!p2 s1, s23  }
0x3b: {  	[tilespmem:s0], [sflag:s26] =	stream.linear.gather @!p2 [hbm4b:s23+s28], $0xC80, $0x38;
	[tilespmem:$0x14B20] =	vst v63  }
0x3c: {  	s31 =	sadd.s32 $0x1920, s2;
	s26 =	smul.u32 $0x3200, s24  }
0x3d: {  	[tilespmem:s12], [sflag:$0x1] =	stream.indirect.gather [hbm4b:s4+s11], $0x40, s31, s11, $0xb8;
	[tilespmem:$0x14B20] =	vst v63  }
0x3e: {  	s0 =	sshrl.u32 s26, $0x2;
	s26 =	simm.s32 $0x1  }
0x3f: {  	s30 =	simm.s32 $0x0;
	s3 =	sadd.s32 $0x3220, s2;
	s26 =	simm.s32 @!p1 $0x0  }
0x40: {  	[tilespmem:s13], [sflag:$0x1] =	stream.indirect.gather [hbm4b:s6+s11], $0x40, s3, s11, $0xb8;
	[tilespmem:$0x14B20] =	vst v63  }
0x41: {  	s25 =	sadd.s32 $0x9, s25;
	s7 =	sadd.s32 $0x19A0, s2;
	s8 =	smul.u32 $0x3200, s26  }
0x42: {  	s28 =	sadd.s32 $0x32A0, s2;
	s23 =	sadd.s32 $0x1AA0, s0;
	s26 =	smul.u32 $0x3240, s26  }
0x43: {  	[tilespmem:s14], [sflag:$0x2] =	stream.indirect.gather [hbm4b:s4+s11], $0x40, s7, s11, $0xb8;
	[tilespmem:$0x14B20] =	vst v63  }
0x44: {  	s24 =	sadd.s32 $0x33A0, s0;
	s0 =	sshrl.u32 s8, $0x2;
	s26 =	sshrl.u32 s26, $0x2  }
0x45: {  	[tilespmem:s15], [sflag:$0x2] =	stream.indirect.gather [hbm4b:s6+s11], $0x40, s28, s11, $0xb8;
	[tilespmem:$0x14B20] =	vst v63  }
.Ltmp5:
0x46: {  	s29 =	sadd.s32 $0x3290, s0;
	s0 =	sadd.s32 $0x1990, s0;
	(pc) =	sbr.rel .LBB2_5-.Ltmp5, $4  }
0x47: {  	s31 =	sadd.s32 $0x40, s26;
	s26 =	simm.s32 $0x3;
	s28 =	sadd.s32 $0x1A20, s2  }
0x48: {  	[tilespmem:s16], [sflag:$0x3] =	stream.indirect.gather [hbm4b:s4+s11], $0x40, s28, s11, $0xb8;
	[tilespmem:$0x14B20] =	vst v63  }
0x49: {  	s2 =	sadd.s32 $0x3320, s2;
	v3 =	vmov s29;
	s29 =	smov.u32 s21;
	s28 =	simm.s32 $0x70  }
0x4a: {  	v1 =	vmov s31;
	v2 =	vmov s0;
	[tilespmem:s17], [sflag:$0x3] =	stream.indirect.gather [hbm4b:s6+s11], $0x40, s2, s11, $0xb8;
	[tilespmem:$0x14B20] =	vst v63  }
.LBB2_9:
0x4b: {  	s28 =	sadd.s32 $0x80, s28  }
0x4c: {  	p3 =	sne.s32 s28, $0xCF0  }
.Ltmp6:
0x4d: {  	_ = 	snop;
	(pc) =	sbr.rel @!p3 .LBB2_10-.Ltmp6, $2  }
0x4e: {  	_ =	sdelay $0x2  }
0x4f: {  	s30 =	sadd.s32 $0x200, s30;
	s26 =	sadd.s32 $0x1, s26;
	s29 =	sadd.s32 $0x800, s29  }
.LBB2_5:
0x50: {  	s31 =	sadd.s32 $0xFFFFFFFD, s26  }
0x51: {  	s0 =	sand.u32 $0x3, s31  }
0x52: {  	s3 =	sadd.s32 $0x1, s0  }
0x53: {  	_ =	swait.ge [sflag:s3], $0x2000  }
0x54: {  	[sflag:s3] =	ssyncset.done $0x0  }
0x55: {  	[sflag:s3] =	ssyncadd.s32 $0xFFFFE000  }
0x56: {  	p3 =	seq.s32 s28, $0x70;
	_ =	swait.ge [sflag:s3], $0x2000  }
0x57: {  	s2 =	sand.u32 @!p3 $0x3, s26;
	[sflag:s3] =	ssyncset.done $0x0  }
0x58: {  	p4 =	sgt.u32 @!p3 s31, $0x15;
	[sflag:s3] =	ssyncadd.s32 $0xFFFFE000;
	s3 =	sadd.s32 @!p3 $0x5, s2  }
0x59: {  	p4 =	por p3, !p4;
	_ =	swait.ge @!p3 [sflag:s3], $0x2000  }
.Ltmp7:
0x5a: {  	[sflag:s3] =	ssyncset.done @!p3 $0x0;
	(pc) =	sbr.rel @!p4 .LBB2_7-.Ltmp7, $4  }
0x5b: {  	[sflag:s3] =	ssyncadd.s32 @!p3 $0xFFFFE000  }
0x5c: {  	_ =	swait.ge @!p3 [sflag:s3], $0x2000  }
0x5d: {  	[sflag:s3] =	ssyncset.done @!p3 $0x0  }
0x5e: {  	s31 =	sshra.s32 s30, $0x2;
	[sflag:s3] =	ssyncadd.s32 @!p3 $0xFFFFE000  }
0x5f: {  	s2 =	simm.s32 @p3 $0x3  }
0x60: {  	s3 =	sshll.u32 s2, $0xD  }
0x61: {  	s8 =	sadd.s32 s31, s23;
	s2 =	sadd.s32 $0x1, s2;
	s7 =	sadd.s32 $0x4B20, s3  }
0x62: {  	[tilespmem:s7], [sflag:s2] =	stream.indirect.gather [hbm4b:s4+s11], $0x40, s8, s11, $0xb8;
	[tilespmem:$0x14B20] =	vst v63  }
0x63: {  	s3 =	sadd.s32 $0xCB20, s3;
	s8 =	sadd.s32 s31, s24  }
0x64: {  	[tilespmem:s3], [sflag:s2] =	stream.indirect.gather [hbm4b:s6+s11], $0x40, s8, s11, $0xb8;
	[tilespmem:$0x14B20] =	vst v63  }
.LBB2_7:
.Ltmp8:
0x65: {  	s2 =	sshll.u32 s0, $0xD;
	(pc) =	sbr.rel @p2 .LBB2_9-.Ltmp8, $4  }
0x66: {  	s7 =	sadd.s32 $0x5, s0;
	s3 =	sadd.s32 $0x4B20, s2  }
0x67: {  	[hbm4b:s29+s18] =	stream.strided.scatter [tilespmem:s3], [sflag:s7], $0x2000, s11, s18, $0x38;
	[tilespmem:$0x14B20] =	vst v63  }
0x68: {  	s8 =	sadd.s32 $0x8, s29;
	s2 =	sadd.s32 $0xCB20, s2  }
0x69: {  	[hbm4b:s8+s18] =	stream.strided.scatter [tilespmem:s2], [sflag:s7], $0x2000, s11, s18, $0x38;
	[tilespmem:$0x14B20] =	vst v63  }
0x6a: {  	p3 =	sne.s32 s28, $0x70  }
0x6b: {  	_ =	swait.ge @!p3 [sflag:s25], $0xC80  }
0x6c: {  	[sflag:s25] =	ssyncset.done @!p3 $0x0  }
0x6d: {  	[sflag:s25] =	ssyncadd.s32 @!p3 $0xFFFFF380  }
0x6e: {  	s0 =	sadd.s32 $0xFFFFFF90, s28;
	v4 =	vld.idx.msk [tilespmem:v1+s31+$0xFFFFFFCF ss:$0x1], $0xffff  }
0x6f: {  	v5 =	vor.u32 s0, v0  }
0x70: {  	v5 =	vmul.u32 $0xC28F5C29, v5  }
0x71: {  	v6 =	vld.idx.msk [tilespmem:v1+s31+$0xFFFFFFD0 ss:$0x1], $0xffff  }
0x72: {  	v7 =	vshll.u32 v5, $0x1D;
	v5 =	vshrl.u32 v5, $0x3  }
0x73: {  	v5 =	vor.u32 v7, v5;
	v4 =	vmul.u32 $0x6A0, v4  }
0x74: {  	vm0 =	vle.u32 v5, $0x147AE14  }
0x75: {  	v4 =	vsel vm0, $0x0, v4  }
0x76: {  	v4 =	vadd.s32 v6, v4  }
0x77: {  	[tilespmem:v2+s31+$0xFFFFFF90 ss:$0x1] =	vst.idx.msk $0xffff, v6;
	v4 =	vand.u32 $0x7FFF, v4  }
0x78: {  	[tilespmem:v3+s31+$0xFFFFFF90 ss:$0x1] =	vst.idx.msk $0xffff, v4  }
0x79: {  	s7 =	sadd.s32 $0xFFFFFFA0, s28;
	v4 =	vld.idx.msk [tilespmem:v1+s31+$0xFFFFFFDF ss:$0x1], $0xffff  }
0x7a: {  	v5 =	vor.u32 s7, v0  }
0x7b: {  	v5 =	vmul.u32 $0xC28F5C29, v5  }
0x7c: {  	v6 =	vld.idx.msk [tilespmem:v1+s31+$0xFFFFFFE0 ss:$0x1], $0xffff  }
0x7d: {  	v57 =	vshll.u32 v5, $0x1D;
	v5 =	vshrl.u32 v5, $0x3  }
0x7e: {  	v5 =	vor.u32 v57, v5;
	v4 =	vmul.u32 $0x6A0, v4  }
0x7f: {  	vm9 =	vle.u32 v5, $0x147AE14  }
0x80: {  	v4 =	vsel vm9, $0x0, v4  }
0x81: {  	v4 =	vadd.s32 v6, v4  }
0x82: {  	[tilespmem:v2+s31+$0xFFFFFFA0 ss:$0x1] =	vst.idx.msk $0xffff, v6;
	v4 =	vand.u32 $0x7FFF, v4  }
0x83: {  	[tilespmem:v3+s31+$0xFFFFFFA0 ss:$0x1] =	vst.idx.msk $0xffff, v4  }
0x84: {  	s8 =	sadd.s32 $0xFFFFFFB0, s28;
	v4 =	vld.idx.msk [tilespmem:v1+s31+$0xFFFFFFEF ss:$0x1], $0xffff  }
0x85: {  	v5 =	vor.u32 s8, v0  }
0x86: {  	v5 =	vmul.u32 $0xC28F5C29, v5  }
0x87: {  	v6 =	vld.idx.msk [tilespmem:v1+s31+$0xFFFFFFF0 ss:$0x1], $0xffff  }
0x88: {  	v58 =	vshll.u32 v5, $0x1D;
	v5 =	vshrl.u32 v5, $0x3  }
0x89: {  	v5 =	vor.u32 v58, v5;
	v4 =	vmul.u32 $0x6A0, v4  }
0x8a: {  	vm10 =	vle.u32 v5, $0x147AE14  }
0x8b: {  	v4 =	vsel vm10, $0x0, v4  }
0x8c: {  	v4 =	vadd.s32 v6, v4  }
0x8d: {  	[tilespmem:v2+s31+$0xFFFFFFB0 ss:$0x1] =	vst.idx.msk $0xffff, v6;
	v4 =	vand.u32 $0x7FFF, v4  }
0x8e: {  	[tilespmem:v3+s31+$0xFFFFFFB0 ss:$0x1] =	vst.idx.msk $0xffff, v4  }
0x8f: {  	s2 =	sadd.s32 $0xFFFFFFC0, s28;
	v4 =	vld.idx.msk [tilespmem:v1+s31+$0xFFFFFFFF ss:$0x1], $0xffff  }
0x90: {  	v5 =	vor.u32 s2, v0  }
0x91: {  	v5 =	vmul.u32 $0xC28F5C29, v5  }
0x92: {  	v6 =	vld.idx.msk [tilespmem:v1+s31+$0x0 ss:$0x1], $0xffff  }
0x93: {  	v59 =	vshll.u32 v5, $0x1D;
	v5 =	vshrl.u32 v5, $0x3  }
0x94: {  	v5 =	vor.u32 v59, v5;
	v4 =	vmul.u32 $0x6A0, v4  }
0x95: {  	vm11 =	vle.u32 v5, $0x147AE14  }
0x96: {  	v4 =	vsel vm11, $0x0, v4  }
0x97: {  	v4 =	vadd.s32 v6, v4  }
0x98: {  	[tilespmem:v2+s31+$0xFFFFFFC0 ss:$0x1] =	vst.idx.msk $0xffff, v6;
	v4 =	vand.u32 $0x7FFF, v4  }
0x99: {  	[tilespmem:v3+s31+$0xFFFFFFC0 ss:$0x1] =	vst.idx.msk $0xffff, v4  }
0x9a: {  	s3 =	sadd.s32 $0xFFFFFFD0, s28;
	v4 =	vld.idx.msk [tilespmem:v1+s31+$0xF ss:$0x1], $0xffff  }
0x9b: {  	v5 =	vor.u32 s3, v0  }
0x9c: {  	v5 =	vmul.u32 $0xC28F5C29, v5  }
0x9d: {  	v6 =	vld.idx.msk [tilespmem:v1+s31+$0x10 ss:$0x1], $0xffff  }
0x9e: {  	v60 =	vshll.u32 v5, $0x1D;
	v5 =	vshrl.u32 v5, $0x3  }
0x9f: {  	v5 =	vor.u32 v60, v5;
	v4 =	vmul.u32 $0x6A0, v4  }
0xa0: {  	vm12 =	vle.u32 v5, $0x147AE14  }
0xa1: {  	v4 =	vsel vm12, $0x0, v4  }
0xa2: {  	v4 =	vadd.s32 v6, v4  }
0xa3: {  	[tilespmem:v2+s31+$0xFFFFFFD0 ss:$0x1] =	vst.idx.msk $0xffff, v6;
	v4 =	vand.u32 $0x7FFF, v4  }
0xa4: {  	[tilespmem:v3+s31+$0xFFFFFFD0 ss:$0x1] =	vst.idx.msk $0xffff, v4  }
0xa5: {  	s7 =	sadd.s32 $0xFFFFFFE0, s28;
	v4 =	vld.idx.msk [tilespmem:v1+s31+$0x1F ss:$0x1], $0xffff  }
0xa6: {  	v5 =	vor.u32 s7, v0  }
0xa7: {  	v5 =	vmul.u32 $0xC28F5C29, v5  }
0xa8: {  	v6 =	vld.idx.msk [tilespmem:v1+s31+$0x20 ss:$0x1], $0xffff  }
0xa9: {  	v61 =	vshll.u32 v5, $0x1D;
	v5 =	vshrl.u32 v5, $0x3  }
0xaa: {  	v5 =	vor.u32 v61, v5;
	v4 =	vmul.u32 $0x6A0, v4  }
0xab: {  	vm13 =	vle.u32 v5, $0x147AE14  }
0xac: {  	v4 =	vsel vm13, $0x0, v4  }
0xad: {  	v4 =	vadd.s32 v6, v4  }
0xae: {  	[tilespmem:v2+s31+$0xFFFFFFE0 ss:$0x1] =	vst.idx.msk $0xffff, v6;
	v4 =	vand.u32 $0x7FFF, v4  }
0xaf: {  	[tilespmem:v3+s31+$0xFFFFFFE0 ss:$0x1] =	vst.idx.msk $0xffff, v4  }
0xb0: {  	s8 =	sadd.s32 $0xFFFFFFF0, s28;
	v4 =	vld.idx.msk [tilespmem:v1+s31+$0x2F ss:$0x1], $0xffff  }
0xb1: {  	v5 =	vor.u32 s8, v0  }
0xb2: {  	v5 =	vmul.u32 $0xC28F5C29, v5  }
0xb3: {  	v6 =	vld.idx.msk [tilespmem:v1+s31+$0x30 ss:$0x1], $0xffff  }
0xb4: {  	v62 =	vshll.u32 v5, $0x1D;
	v5 =	vshrl.u32 v5, $0x3  }
0xb5: {  	v5 =	vor.u32 v62, v5;
	v4 =	vmul.u32 $0x6A0, v4  }
0xb6: {  	vm14 =	vle.u32 v5, $0x147AE14  }
0xb7: {  	v4 =	vsel vm14, $0x0, v4  }
0xb8: {  	v4 =	vadd.s32 v6, v4  }
0xb9: {  	[tilespmem:v2+s31+$0xFFFFFFF0 ss:$0x1] =	vst.idx.msk $0xffff, v6;
	v4 =	vand.u32 $0x7FFF, v4  }
0xba: {  	[tilespmem:v3+s31+$0xFFFFFFF0 ss:$0x1] =	vst.idx.msk $0xffff, v4  }
0xbb: {  	v4 =	vld.idx.msk [tilespmem:v1+s31+$0x3F ss:$0x1], $0xffff  }
0xbc: {  	v5 =	vor.u32 s28, v0  }
0xbd: {  	v5 =	vmul.u32 $0xC28F5C29, v5  }
0xbe: {  	v6 =	vld.idx.msk [tilespmem:v1+s31+$0x40 ss:$0x1], $0xffff  }
0xbf: {  	v63 =	vshll.u32 v5, $0x1D;
	v5 =	vshrl.u32 v5, $0x3  }
0xc0: {  	v5 =	vor.u32 v63, v5;
	v4 =	vmul.u32 $0x6A0, v4  }
.Ltmp9:
0xc1: {  	vm15 =	vle.u32 v5, $0x147AE14;
	(pc) =	sbr.rel .LBB2_9-.Ltmp9, $4  }
0xc2: {  	v4 =	vsel vm15, $0x0, v4  }
0xc3: {  	v4 =	vadd.s32 v6, v4  }
0xc4: {  	[tilespmem:v2+s31+$0x0 ss:$0x1] =	vst.idx.msk $0xffff, v6;
	v4 =	vand.u32 $0x7FFF, v4  }
0xc5: {  	[tilespmem:v3+s31+$0x0 ss:$0x1] =	vst.idx.msk $0xffff, v4  }
.LBB2_12:
0xc6: {  	_ =	sfence.sel $0x180000  }
0xc7: {  	[bflag:$0x0] =	sbarrier.arrive $0xFFFF  }
0xc8: {  	_ =	strace $0x90000047  }
0xc9: {  	s0 =	stileid.u32;
	[bflag:$0x2] =	sbarrier.arrive $0xFFFF  }
0xca: {  	p0 =	sne.s32 s0, $0x0;
	s0 =	rddreg [dreg:$0x3]  }
0xcb: {  	s0 =	sadd.s32 @!p0 $0x100000, s0  }
0xcc: {  	[sflag:s0] =	ssyncadd.tile.s32 @!p0 $0x1;
	_ =	shalt  }
.Lfunc_end2:
_tile_overlayer_lowered:
.L_overlay_start_2:
0xcd: {  	(tag) =	ssettag $0x2  }
0xce: {  	s0 =	rddreg [dreg:$0x0];
	s2 =	stileid.u32  }
0xcf: {  	s1 =	rddreg [dreg:$0x1];
	p0 =	sne.s32 s2, $0x0  }
0xd0: {  	s3 =	rddreg [dreg:$0x2];
	[bflag:$0x3] =	sbarrier.arrive $0xFFFF;
	s2 =	simm.s32 @!p0 $0x1C0B  }
0xd1: {  	[timem:s3], [sflag:s2] =	dma.local @!p0 [hbm:s0], s1  }
0xd2: {  	s0 =	simm.s32 @!p0 $0xB  }
0xd3: {  	_ =	swait.ge @!p0 [sflag:s0], s1  }
0xd4: {  	s1 =	ssub.s32 @!p0 $0x0, s1;
	[sflag:s0] =	ssyncset.done @!p0 $0x0  }
0xd5: {  	[sflag:s0] =	ssyncadd.s32 @!p0 s1  }
0xd6: {  	[bflag:$0x3] =	sbarrier.arrive $0xFFFF  }
0xd7: {  	_ =	shalt  }

</sc_bundles>
